<compile_context>
chip_gen: v7x
topology: tpu7x:2x2x1
jax: 0.10.2.dev20260603
libtpu: 0.0.44.dev20260713+nightly
codegen_flags: <defaults>
</compile_context>

<pallas_src>
import jax
import jax.numpy as jnp
from jax import lax
from jax.experimental import pallas as pl
from jax.experimental.pallas import tpu as pltpu
from jax.experimental.pallas import tpu_sc as plsc

N = 10000
E = 320000
D = 128
DH = 64
DOUT = 64

NC = 2
NS = 16
NW = NC * NS

W = 128
EP = 327680
TOTWIN = EP // W
NWIN = TOTWIN // NW
NACC = 10240
ZPT = NACC // NS // W
OPT = NACC // NS
NBUF = 4

_mesh = plsc.VectorSubcoreMesh(core_axis_name="c", subcore_axis_name="s")
_sc_params = pltpu.CompilerParams(use_tc_tiling_on_sc=False)


def _tile_id():
    cid = lax.axis_index("c")
    sid = lax.axis_index("s")
    wid = sid * NC + cid
    return cid, sid, wid, wid * NWIN


def _deg_body(ei_hbm, out_hbm, dstv, buf, acc):
    cid, sid, wid, w0 = _tile_id()
    pltpu.sync_copy(ei_hbm.at[2, pl.ds(w0, NWIN)], dstv)

    zero = jnp.zeros((16,), jnp.float32)
    one = jnp.full((16,), 1.0, jnp.float32)
    for c in range(W // 16):
        buf[0, pl.ds(c * 16, 16)] = zero
        buf[1, pl.ds(c * 16, 16)] = one
    for z in range(ZPT):
        pltpu.sync_copy(buf.at[0], acc.at[pl.ds((sid * ZPT + z) * W, W)])
    plsc.subcore_barrier()

    def body(g, carry):
        pltpu.sync_copy(buf.at[1], acc.at[dstv.at[g]], add=True)
        return carry

    lax.fori_loop(0, NWIN, body, 0)

    plsc.subcore_barrier()
    pltpu.sync_copy(acc.at[pl.ds(sid * OPT, OPT)],
                    out_hbm.at[cid, pl.ds(sid * OPT, OPT)])


_deg = pl.kernel(
    _deg_body,
    out_type=jax.ShapeDtypeStruct((NC, NACC), jnp.float32),
    mesh=_mesh,
    compiler_params=_sc_params,
    scratch_types=[
        pltpu.VMEM((NWIN, W), jnp.int32),
        pltpu.VMEM((2, W), jnp.float32),
        pltpu.VMEM_SHARED((NACC,), jnp.float32),
    ],
)


def _prop_body(y_hbm, ei_hbm, out_hbm, srcv, dstv, rows, acc, s0, s1, s2, s3):
    sems = (s0, s1, s2, s3)
    cid, sid, wid, w0 = _tile_id()
    pltpu.sync_copy(ei_hbm.at[2, pl.ds(w0, NWIN)], dstv)

    zero = jnp.zeros((16,), jnp.float32)

    for h in (0, 1):
        pltpu.sync_copy(ei_hbm.at[h, pl.ds(w0, NWIN)], srcv)

        def zbody(r, carry):
            for c in range(DH // 16):
                rows[0, r, pl.ds(c * 16, 16)] = zero
            return carry

        lax.fori_loop(0, W, zbody, 0)
        for z in range(ZPT):
            pltpu.sync_copy(rows.at[0], acc.at[pl.ds((sid * ZPT + z) * W, W)])
        plsc.subcore_barrier()

        for b in range(NBUF):
            pltpu.async_copy(y_hbm.at[srcv.at[b]], rows.at[b], sems[b])

        def outer(o, carry):
            for b in range(NBUF):
                g = o * NBUF + b
                pltpu.make_async_copy(y_hbm.at[srcv.at[g]], rows.at[b],
                                      sems[b]).wait()
                pltpu.sync_copy(rows.at[b], acc.at[dstv.at[g]], add=True)
                gn = g + NBUF

                @pl.when(gn < NWIN)
                def _start():
                    pltpu.async_copy(y_hbm.at[srcv.at[gn]], rows.at[b],
                                     sems[b])
            return carry

        lax.fori_loop(0, NWIN // NBUF, outer, 0)

        plsc.subcore_barrier()
        pltpu.sync_copy(acc.at[pl.ds(sid * OPT, OPT)],
                        out_hbm.at[cid, pl.ds(sid * OPT, OPT),
                                   pl.ds(h * DH, DH)])


_prop = pl.kernel(
    _prop_body,
    out_type=jax.ShapeDtypeStruct((NC, NACC, D), jnp.float32),
    mesh=_mesh,
    compiler_params=_sc_params,
    scratch_types=[
        pltpu.VMEM((NWIN, W), jnp.int32),
        pltpu.VMEM((NWIN, W), jnp.int32),
        pltpu.VMEM((NBUF, W, DH), jnp.float32),
        pltpu.VMEM_SHARED((NACC, DH), jnp.float32),
        pltpu.SemaphoreType.DMA,
        pltpu.SemaphoreType.DMA,
        pltpu.SemaphoreType.DMA,
        pltpu.SemaphoreType.DMA,
    ],
)

BR = 2000


def _tcb_body(p0_ref, p1_ref, x_ref, w_ref, y_ref, dinv_ref):
    p0 = p0_ref[...].reshape(BR, 1)
    p1 = p1_ref[...].reshape(BR, 1)
    deg = 1.0 + p0 + p1
    dinv = lax.rsqrt(deg)
    dinv_ref[...] = dinv
    y_ref[...] = jnp.dot(x_ref[...], w_ref[...],
                         preferred_element_type=jnp.float32) * dinv


_tcb = pl.pallas_call(
    _tcb_body,
    grid=(N // BR,),
    in_specs=[
        pl.BlockSpec((1, BR, 1), lambda i: (0, i, 0)),
        pl.BlockSpec((1, BR, 1), lambda i: (1, i, 0)),
        pl.BlockSpec((BR, D), lambda i: (i, 0)),
        pl.BlockSpec((D, D), lambda i: (0, 0)),
    ],
    out_specs=[
        pl.BlockSpec((BR, D), lambda i: (i, 0)),
        pl.BlockSpec((BR, 1), lambda i: (i, 0)),
    ],
    out_shape=[
        jax.ShapeDtypeStruct((N, D), jnp.float32),
        jax.ShapeDtypeStruct((N, 1), jnp.float32),
    ],
)


def _part_spec(c):
    return pl.BlockSpec((1, BR, D), lambda i, c=c: (c, i, 0))


def _tcd_body(q0_ref, q1_ref, y_ref, dinv_ref, b1_ref, w_ref, y2_ref):
    dinv = dinv_ref[...]
    q0 = q0_ref[...].reshape(BR, D)
    q1 = q1_ref[...].reshape(BR, D)
    h = dinv * (q0 + q1 + y_ref[...]) + b1_ref[...]
    h = jnp.maximum(h, 0.0)
    y2_ref[...] = jnp.dot(h, w_ref[...],
                          preferred_element_type=jnp.float32) * dinv


_tcd = pl.pallas_call(
    _tcd_body,
    grid=(N // BR,),
    in_specs=[_part_spec(0), _part_spec(1),
              pl.BlockSpec((BR, D), lambda i: (i, 0)),
              pl.BlockSpec((BR, 1), lambda i: (i, 0)),
              pl.BlockSpec((1, D), lambda i: (0, 0)),
              pl.BlockSpec((D, D), lambda i: (0, 0))],
    out_specs=pl.BlockSpec((BR, D), lambda i: (i, 0)),
    out_shape=jax.ShapeDtypeStruct((N, D), jnp.float32),
)


def _tce_body(q0_ref, q1_ref, y2_ref, dinv_ref, b_ref, out_ref):
    dinv = dinv_ref[...]
    q0 = q0_ref[...].reshape(BR, D)
    q1 = q1_ref[...].reshape(BR, D)
    out_ref[...] = dinv * (q0 + q1 + y2_ref[...]) + b_ref[...]


_tce = pl.pallas_call(
    _tce_body,
    grid=(N // BR,),
    in_specs=[_part_spec(0), _part_spec(1),
              pl.BlockSpec((BR, D), lambda i: (i, 0)),
              pl.BlockSpec((BR, 1), lambda i: (i, 0)),
              pl.BlockSpec((1, D), lambda i: (0, 0))],
    out_specs=pl.BlockSpec((BR, D), lambda i: (i, 0)),
    out_shape=jax.ShapeDtypeStruct((N, D), jnp.float32),
)


def kernel(x, edge_index, W1, b1, Wmu, bmu, Wls, bls):
    pad = EP - E
    idx = jnp.arange(pad, dtype=edge_index.dtype)
    srcp = jnp.concatenate([edge_index[0], idx % N])
    dstp = jnp.concatenate([edge_index[1], N + idx % (NACC - N)])
    ei3 = jnp.stack([2 * srcp, 2 * srcp + 1, dstp]).reshape(3, TOTWIN, W)

    degp = _deg(ei3)
    degr = degp.reshape(NC, NACC, 1)
    y1, dinv = _tcb(degr, degr, x, W1)

    part1 = _prop(y1.reshape(2 * N, DH), ei3)
    wcat = jnp.concatenate([Wmu, Wls], axis=1)
    y2 = _tcd(part1, part1, y1, dinv, b1.reshape(1, D), wcat)

    part2 = _prop(y2.reshape(2 * N, DH), ei3)
    bcat = jnp.concatenate([bmu, bls]).reshape(1, D)
    out = _tce(part2, part2, y2, dinv, bcat)
    return out[:, :DOUT], out[:, DOUT:]

# --- scband reference (transcript-rebuilt; emitter-appended) ---
"""Pipeline reference for scband-variational-gcnencoder-89635967467597 (READ-ONLY COPY).

The authoritative reference and input builder live on the scoring server;
editing this copy changes nothing except your own understanding.
"""

import jax, jax.numpy as jnp
import numpy as np

N = 10000
E = 320000
D_IN = 128
D_HID = 128  # 2 * out_channels
D_OUT = 64


def setup_inputs(seed: int = 0) -> dict:
    key = jax.random.key(seed)
    ks = jax.random.split(key, 8)
    x = jax.random.normal(ks[0], (N, D_IN), dtype=jnp.float32)
    edge_index = jax.random.randint(ks[1], (2, E), 0, N, dtype=jnp.int32)
    W1 = jax.random.normal(ks[2], (D_IN, D_HID), dtype=jnp.float32) * (1.0 / np.sqrt(D_IN))
    b1 = jnp.zeros((D_HID,), dtype=jnp.float32)
    Wmu = jax.random.normal(ks[3], (D_HID, D_OUT), dtype=jnp.float32) * (1.0 / np.sqrt(D_HID))
    bmu = jnp.zeros((D_OUT,), dtype=jnp.float32)
    Wls = jax.random.normal(ks[4], (D_HID, D_OUT), dtype=jnp.float32) * (1.0 / np.sqrt(D_HID))
    bls = jnp.zeros((D_OUT,), dtype=jnp.float32)
    return {"x": x, "edge_index": edge_index, "W1": W1, "b1": b1,
            "Wmu": Wmu, "bmu": bmu, "Wls": Wls, "bls": bls}


def _gcn_conv(x, W, b, src, dst):
    # PyG GCNConv: add self-loops, symmetric deg normalization, linear, scatter-add, bias
    n = x.shape[0]
    loop = jnp.arange(n, dtype=src.dtype)
    s = jnp.concatenate([src, loop])
    d = jnp.concatenate([dst, loop])
    deg = jnp.zeros((n,), dtype=x.dtype).at[d].add(1.0)
    dinv = jnp.where(deg > 0, jax.lax.rsqrt(deg), 0.0)
    norm = dinv[s] * dinv[d]
    xw = x @ W
    msg = xw[s] * norm[:, None]
    out = jnp.zeros((n, W.shape[1]), dtype=x.dtype).at[d].add(msg)
    return out + b


def reference(x, edge_index, W1, b1, Wmu, bmu, Wls, bls):
    src = edge_index[0]
    dst = edge_index[1]
    h = jax.nn.relu(_gcn_conv(x, W1, b1, src, dst))
    # dropout is identity in eval / deterministic reference
    mu = _gcn_conv(h, Wmu, bmu, src, dst)
    logstd = _gcn_conv(h, Wls, bls, src, dst)
    return (mu, logstd)

if __name__ == "__main__":
    import jax
    _d = setup_inputs()
    print(jax.jit(kernel)(*tuple(_d.values())))

</pallas_src>

<mosaic_0001>
#map = affine_map<(d0, d1) -> (0, 0)>
#map1 = affine_map<(d0, d1) -> (0, 0, 0)>
module attributes {stable_mosaic.version = 14 : i64} {
  func.func @_prop_body(%arg0: i32, %arg1: i32, %arg2: memref<20000x64xf32, #tpu.memory_space<hbm>>, %arg3: memref<3x2560x128xi32, #tpu.memory_space<hbm>>, %arg4: memref<2x10240x128xf32, #tpu.memory_space<hbm>>, %arg5: memref<80x128xi32, #tpu.memory_space<vmem>>, %arg6: memref<80x128xi32, #tpu.memory_space<vmem>>, %arg7: memref<4x128x64xf32, #tpu.memory_space<vmem>>, %arg8: memref<10240x64xf32, #tpu.memory_space<vmem_shared>>, %arg9: memref<!tpu.dma_semaphore, #tpu.memory_space<semaphore_mem>>, %arg10: memref<!tpu.dma_semaphore, #tpu.memory_space<semaphore_mem>>, %arg11: memref<!tpu.dma_semaphore, #tpu.memory_space<semaphore_mem>>, %arg12: memref<!tpu.dma_semaphore, #tpu.memory_space<semaphore_mem>>) attributes {dimension_semantics = [#tpu.dimension_semantics<core_parallel>, #tpu.dimension_semantics<subcore_parallel>], iteration_bounds = array<i64: 2, 16>, scalar_prefetch = 0 : i64, scratch_operands = 8 : i64, tpu.core_type = #tpu.core_type<sc_vector_subcore>, window_params = [{transform_indices = #map}, {transform_indices = #map1}, {transform_indices = #map1}]} {
    %mul3A = arith.constant 2 : i32
    %mul3A_0 = arith.muli %arg1, %mul3A : i32
    %add3A = arith.addi %mul3A_0, %arg0 : i32
    %mul3A_1 = arith.constant 80 : i32
    %mul3A_2 = arith.muli %add3A, %mul3A_1 : i32
    %run_scoped3A = arith.constant 2 : i32
    "tpu.region"() ({
      %run_scoped3A_205 = tpu.sem_alloc : memref<!tpu.dma_semaphore, #tpu.memory_space<semaphore_mem>>
      %dma_start3A_206 = arith.constant 0 : i32
      %dma_start3A_207 = tpu.memref_slice %arg3[%run_scoped3A, %mul3A_2, %dma_start3A_206] : memref<3x2560x128xi32, #tpu.memory_space<hbm>> -> memref<1x80x128xi32, #tpu.memory_space<hbm>>
      %dma_start3A_208 = tpu.memref_squeeze %dma_start3A_207 : memref<1x80x128xi32, #tpu.memory_space<hbm>> -> memref<80x128xi32, #tpu.memory_space<hbm>>
      %dma_start3A_209 = arith.constant 0 : i32
      %dma_start3A_210 = tpu.memref_slice %arg3[%run_scoped3A, %mul3A_2, %dma_start3A_209] : memref<3x2560x128xi32, #tpu.memory_space<hbm>> -> memref<1x80x128xi32, #tpu.memory_space<hbm>>
      %dma_start3A_211 = tpu.memref_squeeze %dma_start3A_210 : memref<1x80x128xi32, #tpu.memory_space<hbm>> -> memref<80x128xi32, #tpu.memory_space<hbm>>
      tpu.enqueue_dma source(%dma_start3A_211 : memref<80x128xi32, #tpu.memory_space<hbm>>) target(%arg6 : memref<80x128xi32, #tpu.memory_space<vmem>>) target_semaphore(%run_scoped3A_205 : memref<!tpu.dma_semaphore, #tpu.memory_space<semaphore_mem>>)
      %dma_wait3A = arith.constant 0 : i32
      %dma_wait3A_212 = tpu.memref_slice %arg3[%run_scoped3A, %mul3A_2, %dma_wait3A] : memref<3x2560x128xi32, #tpu.memory_space<hbm>> -> memref<1x80x128xi32, #tpu.memory_space<hbm>>
      %dma_wait3A_213 = tpu.memref_squeeze %dma_wait3A_212 : memref<1x80x128xi32, #tpu.memory_space<hbm>> -> memref<80x128xi32, #tpu.memory_space<hbm>>
      %dma_wait3A_214 = arith.constant 0 : i32
      %dma_wait3A_215 = tpu.memref_slice %arg3[%run_scoped3A, %mul3A_2, %dma_wait3A_214] : memref<3x2560x128xi32, #tpu.memory_space<hbm>> -> memref<1x80x128xi32, #tpu.memory_space<hbm>>
      %dma_wait3A_216 = tpu.memref_squeeze %dma_wait3A_215 : memref<1x80x128xi32, #tpu.memory_space<hbm>> -> memref<80x128xi32, #tpu.memory_space<hbm>>
      tpu.wait_dma2 semaphore(%run_scoped3A_205 : memref<!tpu.dma_semaphore, #tpu.memory_space<semaphore_mem>>) src(%dma_wait3A_216 : memref<80x128xi32, #tpu.memory_space<hbm>>) dst(%arg6 : memref<80x128xi32, #tpu.memory_space<vmem>>)
      tpu.yield
    }) : () -> ()
    %broadcast_in_dim3A = arith.constant 0.000000e+00 : f32
    %broadcast_in_dim3A_3 = vector.broadcast %broadcast_in_dim3A : f32 to vector<16xf32>
    %run_scoped3A_4 = arith.constant 0 : i32
    "tpu.region"() ({
      %run_scoped3A_205 = tpu.sem_alloc : memref<!tpu.dma_semaphore, #tpu.memory_space<semaphore_mem>>
      %dma_start3A_206 = arith.constant 0 : i32
      %dma_start3A_207 = tpu.memref_slice %arg3[%run_scoped3A_4, %mul3A_2, %dma_start3A_206] : memref<3x2560x128xi32, #tpu.memory_space<hbm>> -> memref<1x80x128xi32, #tpu.memory_space<hbm>>
      %dma_start3A_208 = tpu.memref_squeeze %dma_start3A_207 : memref<1x80x128xi32, #tpu.memory_space<hbm>> -> memref<80x128xi32, #tpu.memory_space<hbm>>
      %dma_start3A_209 = arith.constant 0 : i32
      %dma_start3A_210 = tpu.memref_slice %arg3[%run_scoped3A_4, %mul3A_2, %dma_start3A_209] : memref<3x2560x128xi32, #tpu.memory_space<hbm>> -> memref<1x80x128xi32, #tpu.memory_space<hbm>>
      %dma_start3A_211 = tpu.memref_squeeze %dma_start3A_210 : memref<1x80x128xi32, #tpu.memory_space<hbm>> -> memref<80x128xi32, #tpu.memory_space<hbm>>
      tpu.enqueue_dma source(%dma_start3A_211 : memref<80x128xi32, #tpu.memory_space<hbm>>) target(%arg5 : memref<80x128xi32, #tpu.memory_space<vmem>>) target_semaphore(%run_scoped3A_205 : memref<!tpu.dma_semaphore, #tpu.memory_space<semaphore_mem>>)
      %dma_wait3A = arith.constant 0 : i32
      %dma_wait3A_212 = tpu.memref_slice %arg3[%run_scoped3A_4, %mul3A_2, %dma_wait3A] : memref<3x2560x128xi32, #tpu.memory_space<hbm>> -> memref<1x80x128xi32, #tpu.memory_space<hbm>>
      %dma_wait3A_213 = tpu.memref_squeeze %dma_wait3A_212 : memref<1x80x128xi32, #tpu.memory_space<hbm>> -> memref<80x128xi32, #tpu.memory_space<hbm>>
      %dma_wait3A_214 = arith.constant 0 : i32
      %dma_wait3A_215 = tpu.memref_slice %arg3[%run_scoped3A_4, %mul3A_2, %dma_wait3A_214] : memref<3x2560x128xi32, #tpu.memory_space<hbm>> -> memref<1x80x128xi32, #tpu.memory_space<hbm>>
      %dma_wait3A_216 = tpu.memref_squeeze %dma_wait3A_215 : memref<1x80x128xi32, #tpu.memory_space<hbm>> -> memref<80x128xi32, #tpu.memory_space<hbm>>
      tpu.wait_dma2 semaphore(%run_scoped3A_205 : memref<!tpu.dma_semaphore, #tpu.memory_space<semaphore_mem>>) src(%dma_wait3A_216 : memref<80x128xi32, #tpu.memory_space<hbm>>) dst(%arg5 : memref<80x128xi32, #tpu.memory_space<vmem>>)
      tpu.yield
    }) : () -> ()
    %scan3A = arith.constant 0 : i32
    %scan3A_5 = arith.constant 0 : i32
    %scan3A_6 = arith.constant 128 : i32
    %scan3A_7 = arith.addi %scan3A_5, %scan3A_6 : i32
    %scan3A_8 = arith.constant 1 : i32
    scf.for %scan3A_205 = %scan3A_5 to %scan3A_7 step %scan3A_8  : i32 {
      %swap3A = arith.constant 0 : i32
      %swap3A_206 = arith.index_cast %swap3A : i32 to index
      %swap3A_207 = arith.index_cast %scan3A_205 : i32 to index
      %swap3A_208 = arith.constant 0 : index
      %swap3A_209 = tpu.vector_load %arg7[%swap3A_206, %swap3A_207, %swap3A_208] {strides = array<i32>} : memref<4x128x64xf32, #tpu.memory_space<vmem>>, vector<1x1x16xf32>,
      %swap3A_210 = vector.shape_cast %swap3A_209 : vector<1x1x16xf32> to vector<16xf32>
      %swap3A_211 = vector.shape_cast %broadcast_in_dim3A_3 : vector<16xf32> to vector<1x1x16xf32>
      tpu.vector_store %arg7[%swap3A_206, %swap3A_207, %swap3A_208], %swap3A_211 {strides = array<i32>} : memref<4x128x64xf32, #tpu.memory_space<vmem>>, vector<1x1x16xf32>,
      %swap3A_212 = arith.constant 0 : i32
      %swap3A_213 = arith.index_cast %swap3A_212 : i32 to index
      %swap3A_214 = arith.index_cast %scan3A_205 : i32 to index
      %swap3A_215 = arith.constant 16 : index
      %swap3A_216 = tpu.vector_load %arg7[%swap3A_213, %swap3A_214, %swap3A_215] {strides = array<i32>} : memref<4x128x64xf32, #tpu.memory_space<vmem>>, vector<1x1x16xf32>,
      %swap3A_217 = vector.shape_cast %swap3A_216 : vector<1x1x16xf32> to vector<16xf32>
      %swap3A_218 = vector.shape_cast %broadcast_in_dim3A_3 : vector<16xf32> to vector<1x1x16xf32>
      tpu.vector_store %arg7[%swap3A_213, %swap3A_214, %swap3A_215], %swap3A_218 {strides = array<i32>} : memref<4x128x64xf32, #tpu.memory_space<vmem>>, vector<1x1x16xf32>,
      %swap3A_219 = arith.constant 0 : i32
      %swap3A_220 = arith.index_cast %swap3A_219 : i32 to index
      %swap3A_221 = arith.index_cast %scan3A_205 : i32 to index
      %swap3A_222 = arith.constant 32 : index
      %swap3A_223 = tpu.vector_load %arg7[%swap3A_220, %swap3A_221, %swap3A_222] {strides = array<i32>} : memref<4x128x64xf32, #tpu.memory_space<vmem>>, vector<1x1x16xf32>,
      %swap3A_224 = vector.shape_cast %swap3A_223 : vector<1x1x16xf32> to vector<16xf32>
      %swap3A_225 = vector.shape_cast %broadcast_in_dim3A_3 : vector<16xf32> to vector<1x1x16xf32>
      tpu.vector_store %arg7[%swap3A_220, %swap3A_221, %swap3A_222], %swap3A_225 {strides = array<i32>} : memref<4x128x64xf32, #tpu.memory_space<vmem>>, vector<1x1x16xf32>,
      %swap3A_226 = arith.constant 0 : i32
      %swap3A_227 = arith.index_cast %swap3A_226 : i32 to index
      %swap3A_228 = arith.index_cast %scan3A_205 : i32 to index
      %swap3A_229 = arith.constant 48 : index
      %swap3A_230 = tpu.vector_load %arg7[%swap3A_227, %swap3A_228, %swap3A_229] {strides = array<i32>} : memref<4x128x64xf32, #tpu.memory_space<vmem>>, vector<1x1x16xf32>,
      %swap3A_231 = vector.shape_cast %swap3A_230 : vector<1x1x16xf32> to vector<16xf32>
      %swap3A_232 = vector.shape_cast %broadcast_in_dim3A_3 : vector<16xf32> to vector<1x1x16xf32>
      tpu.vector_store %arg7[%swap3A_227, %swap3A_228, %swap3A_229], %swap3A_232 {strides = array<i32>} : memref<4x128x64xf32, #tpu.memory_space<vmem>>, vector<1x1x16xf32>,
    }
    %scan3A_9 = arith.constant 128 : i32
    %mul3A_10 = arith.constant 5 : i32
    %mul3A_11 = arith.muli %arg1, %mul3A_10 : i32
    %add3A_12 = arith.constant 0 : i32
    %add3A_13 = arith.addi %mul3A_11, %add3A_12 : i32
    %mul3A_14 = arith.constant 128 : i32
    %mul3A_15 = arith.muli %add3A_13, %mul3A_14 : i32
    %run_scoped3A_16 = arith.constant 0 : i32
    "tpu.region"() ({
      %run_scoped3A_205 = tpu.sem_alloc : memref<!tpu.dma_semaphore, #tpu.memory_space<semaphore_mem>>
      %dma_start3A_206 = arith.constant 0 : i32
      %dma_start3A_207 = arith.constant 0 : i32
      %dma_start3A_208 = tpu.memref_slice %arg7[%run_scoped3A_16, %dma_start3A_206, %dma_start3A_207] : memref<4x128x64xf32, #tpu.memory_space<vmem>> -> memref<1x128x64xf32, #tpu.memory_space<vmem>>
      %dma_start3A_209 = tpu.memref_squeeze %dma_start3A_208 : memref<1x128x64xf32, #tpu.memory_space<vmem>> -> memref<128x64xf32, #tpu.memory_space<vmem>>
      %dma_start3A_210 = arith.constant 0 : i32
      %dma_start3A_211 = tpu.memref_slice %arg8[%mul3A_15, %dma_start3A_210] : memref<10240x64xf32, #tpu.memory_space<vmem_shared>> -> memref<128x64xf32, #tpu.memory_space<vmem_shared>>
      %dma_start3A_212 = arith.constant 0 : i32
      %dma_start3A_213 = tpu.memref_slice %arg8[%mul3A_15, %dma_start3A_212] : memref<10240x64xf32, #tpu.memory_space<vmem_shared>> -> memref<128x64xf32, #tpu.memory_space<vmem_shared>>
      %dma_start3A_214 = arith.constant 0 : i32
      %dma_start3A_215 = arith.constant 0 : i32
      %dma_start3A_216 = tpu.memref_slice %arg7[%run_scoped3A_16, %dma_start3A_214, %dma_start3A_215] : memref<4x128x64xf32, #tpu.memory_space<vmem>> -> memref<1x128x64xf32, #tpu.memory_space<vmem>>
      %dma_start3A_217 = tpu.memref_squeeze %dma_start3A_216 : memref<1x128x64xf32, #tpu.memory_space<vmem>> -> memref<128x64xf32, #tpu.memory_space<vmem>>
      tpu.enqueue_dma source(%dma_start3A_217 : memref<128x64xf32, #tpu.memory_space<vmem>>) target(%dma_start3A_213 : memref<128x64xf32, #tpu.memory_space<vmem_shared>>) target_semaphore(%run_scoped3A_205 : memref<!tpu.dma_semaphore, #tpu.memory_space<semaphore_mem>>)
      %dma_wait3A = arith.constant 0 : i32
      %dma_wait3A_218 = arith.constant 0 : i32
      %dma_wait3A_219 = tpu.memref_slice %arg7[%run_scoped3A_16, %dma_wait3A, %dma_wait3A_218] : memref<4x128x64xf32, #tpu.memory_space<vmem>> -> memref<1x128x64xf32, #tpu.memory_space<vmem>>
      %dma_wait3A_220 = tpu.memref_squeeze %dma_wait3A_219 : memref<1x128x64xf32, #tpu.memory_space<vmem>> -> memref<128x64xf32, #tpu.memory_space<vmem>>
      %dma_wait3A_221 = arith.constant 0 : i32
      %dma_wait3A_222 = tpu.memref_slice %arg8[%mul3A_15, %dma_wait3A_221] : memref<10240x64xf32, #tpu.memory_space<vmem_shared>> -> memref<128x64xf32, #tpu.memory_space<vmem_shared>>
      %dma_wait3A_223 = arith.constant 0 : i32
      %dma_wait3A_224 = tpu.memref_slice %arg8[%mul3A_15, %dma_wait3A_223] : memref<10240x64xf32, #tpu.memory_space<vmem_shared>> -> memref<128x64xf32, #tpu.memory_space<vmem_shared>>
      %dma_wait3A_225 = arith.constant 0 : i32
      %dma_wait3A_226 = arith.constant 0 : i32
      %dma_wait3A_227 = tpu.memref_slice %arg7[%run_scoped3A_16, %dma_wait3A_225, %dma_wait3A_226] : memref<4x128x64xf32, #tpu.memory_space<vmem>> -> memref<1x128x64xf32, #tpu.memory_space<vmem>>
      %dma_wait3A_228 = tpu.memref_squeeze %dma_wait3A_227 : memref<1x128x64xf32, #tpu.memory_space<vmem>> -> memref<128x64xf32, #tpu.memory_space<vmem>>
      tpu.wait_dma2 semaphore(%run_scoped3A_205 : memref<!tpu.dma_semaphore, #tpu.memory_space<semaphore_mem>>) src(%dma_wait3A_228 : memref<128x64xf32, #tpu.memory_space<vmem>>) dst(%dma_wait3A_224 : memref<128x64xf32, #tpu.memory_space<vmem_shared>>)
      tpu.yield
    }) : () -> ()
    %mul3A_17 = arith.constant 5 : i32
    %mul3A_18 = arith.muli %arg1, %mul3A_17 : i32
    %add3A_19 = arith.constant 1 : i32
    %add3A_20 = arith.addi %mul3A_18, %add3A_19 : i32
    %mul3A_21 = arith.constant 128 : i32
    %mul3A_22 = arith.muli %add3A_20, %mul3A_21 : i32
    %run_scoped3A_23 = arith.constant 0 : i32
    "tpu.region"() ({
      %run_scoped3A_205 = tpu.sem_alloc : memref<!tpu.dma_semaphore, #tpu.memory_space<semaphore_mem>>
      %dma_start3A_206 = arith.constant 0 : i32
      %dma_start3A_207 = arith.constant 0 : i32
      %dma_start3A_208 = tpu.memref_slice %arg7[%run_scoped3A_23, %dma_start3A_206, %dma_start3A_207] : memref<4x128x64xf32, #tpu.memory_space<vmem>> -> memref<1x128x64xf32, #tpu.memory_space<vmem>>
      %dma_start3A_209 = tpu.memref_squeeze %dma_start3A_208 : memref<1x128x64xf32, #tpu.memory_space<vmem>> -> memref<128x64xf32, #tpu.memory_space<vmem>>
      %dma_start3A_210 = arith.constant 0 : i32
      %dma_start3A_211 = tpu.memref_slice %arg8[%mul3A_22, %dma_start3A_210] : memref<10240x64xf32, #tpu.memory_space<vmem_shared>> -> memref<128x64xf32, #tpu.memory_space<vmem_shared>>
      %dma_start3A_212 = arith.constant 0 : i32
      %dma_start3A_213 = tpu.memref_slice %arg8[%mul3A_22, %dma_start3A_212] : memref<10240x64xf32, #tpu.memory_space<vmem_shared>> -> memref<128x64xf32, #tpu.memory_space<vmem_shared>>
      %dma_start3A_214 = arith.constant 0 : i32
      %dma_start3A_215 = arith.constant 0 : i32
      %dma_start3A_216 = tpu.memref_slice %arg7[%run_scoped3A_23, %dma_start3A_214, %dma_start3A_215] : memref<4x128x64xf32, #tpu.memory_space<vmem>> -> memref<1x128x64xf32, #tpu.memory_space<vmem>>
      %dma_start3A_217 = tpu.memref_squeeze %dma_start3A_216 : memref<1x128x64xf32, #tpu.memory_space<vmem>> -> memref<128x64xf32, #tpu.memory_space<vmem>>
      tpu.enqueue_dma source(%dma_start3A_217 : memref<128x64xf32, #tpu.memory_space<vmem>>) target(%dma_start3A_213 : memref<128x64xf32, #tpu.memory_space<vmem_shared>>) target_semaphore(%run_scoped3A_205 : memref<!tpu.dma_semaphore, #tpu.memory_space<semaphore_mem>>)
      %dma_wait3A = arith.constant 0 : i32
      %dma_wait3A_218 = arith.constant 0 : i32
      %dma_wait3A_219 = tpu.memref_slice %arg7[%run_scoped3A_23, %dma_wait3A, %dma_wait3A_218] : memref<4x128x64xf32, #tpu.memory_space<vmem>> -> memref<1x128x64xf32, #tpu.memory_space<vmem>>
      %dma_wait3A_220 = tpu.memref_squeeze %dma_wait3A_219 : memref<1x128x64xf32, #tpu.memory_space<vmem>> -> memref<128x64xf32, #tpu.memory_space<vmem>>
      %dma_wait3A_221 = arith.constant 0 : i32
      %dma_wait3A_222 = tpu.memref_slice %arg8[%mul3A_22, %dma_wait3A_221] : memref<10240x64xf32, #tpu.memory_space<vmem_shared>> -> memref<128x64xf32, #tpu.memory_space<vmem_shared>>
      %dma_wait3A_223 = arith.constant 0 : i32
      %dma_wait3A_224 = tpu.memref_slice %arg8[%mul3A_22, %dma_wait3A_223] : memref<10240x64xf32, #tpu.memory_space<vmem_shared>> -> memref<128x64xf32, #tpu.memory_space<vmem_shared>>
      %dma_wait3A_225 = arith.constant 0 : i32
      %dma_wait3A_226 = arith.constant 0 : i32
      %dma_wait3A_227 = tpu.memref_slice %arg7[%run_scoped3A_23, %dma_wait3A_225, %dma_wait3A_226] : memref<4x128x64xf32, #tpu.memory_space<vmem>> -> memref<1x128x64xf32, #tpu.memory_space<vmem>>
      %dma_wait3A_228 = tpu.memref_squeeze %dma_wait3A_227 : memref<1x128x64xf32, #tpu.memory_space<vmem>> -> memref<128x64xf32, #tpu.memory_space<vmem>>
      tpu.wait_dma2 semaphore(%run_scoped3A_205 : memref<!tpu.dma_semaphore, #tpu.memory_space<semaphore_mem>>) src(%dma_wait3A_228 : memref<128x64xf32, #tpu.memory_space<vmem>>) dst(%dma_wait3A_224 : memref<128x64xf32, #tpu.memory_space<vmem_shared>>)
      tpu.yield
    }) : () -> ()
    %mul3A_24 = arith.constant 5 : i32
    %mul3A_25 = arith.muli %arg1, %mul3A_24 : i32
    %add3A_26 = arith.constant 2 : i32
    %add3A_27 = arith.addi %mul3A_25, %add3A_26 : i32
    %mul3A_28 = arith.constant 128 : i32
    %mul3A_29 = arith.muli %add3A_27, %mul3A_28 : i32
    %run_scoped3A_30 = arith.constant 0 : i32
    "tpu.region"() ({
      %run_scoped3A_205 = tpu.sem_alloc : memref<!tpu.dma_semaphore, #tpu.memory_space<semaphore_mem>>
      %dma_start3A_206 = arith.constant 0 : i32
      %dma_start3A_207 = arith.constant 0 : i32
      %dma_start3A_208 = tpu.memref_slice %arg7[%run_scoped3A_30, %dma_start3A_206, %dma_start3A_207] : memref<4x128x64xf32, #tpu.memory_space<vmem>> -> memref<1x128x64xf32, #tpu.memory_space<vmem>>
      %dma_start3A_209 = tpu.memref_squeeze %dma_start3A_208 : memref<1x128x64xf32, #tpu.memory_space<vmem>> -> memref<128x64xf32, #tpu.memory_space<vmem>>
      %dma_start3A_210 = arith.constant 0 : i32
      %dma_start3A_211 = tpu.memref_slice %arg8[%mul3A_29, %dma_start3A_210] : memref<10240x64xf32, #tpu.memory_space<vmem_shared>> -> memref<128x64xf32, #tpu.memory_space<vmem_shared>>
      %dma_start3A_212 = arith.constant 0 : i32
      %dma_start3A_213 = tpu.memref_slice %arg8[%mul3A_29, %dma_start3A_212] : memref<10240x64xf32, #tpu.memory_space<vmem_shared>> -> memref<128x64xf32, #tpu.memory_space<vmem_shared>>
      %dma_start3A_214 = arith.constant 0 : i32
      %dma_start3A_215 = arith.constant 0 : i32
      %dma_start3A_216 = tpu.memref_slice %arg7[%run_scoped3A_30, %dma_start3A_214, %dma_start3A_215] : memref<4x128x64xf32, #tpu.memory_space<vmem>> -> memref<1x128x64xf32, #tpu.memory_space<vmem>>
      %dma_start3A_217 = tpu.memref_squeeze %dma_start3A_216 : memref<1x128x64xf32, #tpu.memory_space<vmem>> -> memref<128x64xf32, #tpu.memory_space<vmem>>
      tpu.enqueue_dma source(%dma_start3A_217 : memref<128x64xf32, #tpu.memory_space<vmem>>) target(%dma_start3A_213 : memref<128x64xf32, #tpu.memory_space<vmem_shared>>) target_semaphore(%run_scoped3A_205 : memref<!tpu.dma_semaphore, #tpu.memory_space<semaphore_mem>>)
      %dma_wait3A = arith.constant 0 : i32
      %dma_wait3A_218 = arith.constant 0 : i32
      %dma_wait3A_219 = tpu.memref_slice %arg7[%run_scoped3A_30, %dma_wait3A, %dma_wait3A_218] : memref<4x128x64xf32, #tpu.memory_space<vmem>> -> memref<1x128x64xf32, #tpu.memory_space<vmem>>
      %dma_wait3A_220 = tpu.memref_squeeze %dma_wait3A_219 : memref<1x128x64xf32, #tpu.memory_space<vmem>> -> memref<128x64xf32, #tpu.memory_space<vmem>>
      %dma_wait3A_221 = arith.constant 0 : i32
      %dma_wait3A_222 = tpu.memref_slice %arg8[%mul3A_29, %dma_wait3A_221] : memref<10240x64xf32, #tpu.memory_space<vmem_shared>> -> memref<128x64xf32, #tpu.memory_space<vmem_shared>>
      %dma_wait3A_223 = arith.constant 0 : i32
      %dma_wait3A_224 = tpu.memref_slice %arg8[%mul3A_29, %dma_wait3A_223] : memref<10240x64xf32, #tpu.memory_space<vmem_shared>> -> memref<128x64xf32, #tpu.memory_space<vmem_shared>>
      %dma_wait3A_225 = arith.constant 0 : i32
      %dma_wait3A_226 = arith.constant 0 : i32
      %dma_wait3A_227 = tpu.memref_slice %arg7[%run_scoped3A_30, %dma_wait3A_225, %dma_wait3A_226] : memref<4x128x64xf32, #tpu.memory_space<vmem>> -> memref<1x128x64xf32, #tpu.memory_space<vmem>>
      %dma_wait3A_228 = tpu.memref_squeeze %dma_wait3A_227 : memref<1x128x64xf32, #tpu.memory_space<vmem>> -> memref<128x64xf32, #tpu.memory_space<vmem>>
      tpu.wait_dma2 semaphore(%run_scoped3A_205 : memref<!tpu.dma_semaphore, #tpu.memory_space<semaphore_mem>>) src(%dma_wait3A_228 : memref<128x64xf32, #tpu.memory_space<vmem>>) dst(%dma_wait3A_224 : memref<128x64xf32, #tpu.memory_space<vmem_shared>>)
      tpu.yield
    }) : () -> ()
    %mul3A_31 = arith.constant 5 : i32
    %mul3A_32 = arith.muli %arg1, %mul3A_31 : i32
    %add3A_33 = arith.constant 3 : i32
    %add3A_34 = arith.addi %mul3A_32, %add3A_33 : i32
    %mul3A_35 = arith.constant 128 : i32
    %mul3A_36 = arith.muli %add3A_34, %mul3A_35 : i32
    %run_scoped3A_37 = arith.constant 0 : i32
    "tpu.region"() ({
      %run_scoped3A_205 = tpu.sem_alloc : memref<!tpu.dma_semaphore, #tpu.memory_space<semaphore_mem>>
      %dma_start3A_206 = arith.constant 0 : i32
      %dma_start3A_207 = arith.constant 0 : i32
      %dma_start3A_208 = tpu.memref_slice %arg7[%run_scoped3A_37, %dma_start3A_206, %dma_start3A_207] : memref<4x128x64xf32, #tpu.memory_space<vmem>> -> memref<1x128x64xf32, #tpu.memory_space<vmem>>
      %dma_start3A_209 = tpu.memref_squeeze %dma_start3A_208 : memref<1x128x64xf32, #tpu.memory_space<vmem>> -> memref<128x64xf32, #tpu.memory_space<vmem>>
      %dma_start3A_210 = arith.constant 0 : i32
      %dma_start3A_211 = tpu.memref_slice %arg8[%mul3A_36, %dma_start3A_210] : memref<10240x64xf32, #tpu.memory_space<vmem_shared>> -> memref<128x64xf32, #tpu.memory_space<vmem_shared>>
      %dma_start3A_212 = arith.constant 0 : i32
      %dma_start3A_213 = tpu.memref_slice %arg8[%mul3A_36, %dma_start3A_212] : memref<10240x64xf32, #tpu.memory_space<vmem_shared>> -> memref<128x64xf32, #tpu.memory_space<vmem_shared>>
      %dma_start3A_214 = arith.constant 0 : i32
      %dma_start3A_215 = arith.constant 0 : i32
      %dma_start3A_216 = tpu.memref_slice %arg7[%run_scoped3A_37, %dma_start3A_214, %dma_start3A_215] : memref<4x128x64xf32, #tpu.memory_space<vmem>> -> memref<1x128x64xf32, #tpu.memory_space<vmem>>
      %dma_start3A_217 = tpu.memref_squeeze %dma_start3A_216 : memref<1x128x64xf32, #tpu.memory_space<vmem>> -> memref<128x64xf32, #tpu.memory_space<vmem>>
      tpu.enqueue_dma source(%dma_start3A_217 : memref<128x64xf32, #tpu.memory_space<vmem>>) target(%dma_start3A_213 : memref<128x64xf32, #tpu.memory_space<vmem_shared>>) target_semaphore(%run_scoped3A_205 : memref<!tpu.dma_semaphore, #tpu.memory_space<semaphore_mem>>)
      %dma_wait3A = arith.constant 0 : i32
      %dma_wait3A_218 = arith.constant 0 : i32
      %dma_wait3A_219 = tpu.memref_slice %arg7[%run_scoped3A_37, %dma_wait3A, %dma_wait3A_218] : memref<4x128x64xf32, #tpu.memory_space<vmem>> -> memref<1x128x64xf32, #tpu.memory_space<vmem>>
      %dma_wait3A_220 = tpu.memref_squeeze %dma_wait3A_219 : memref<1x128x64xf32, #tpu.memory_space<vmem>> -> memref<128x64xf32, #tpu.memory_space<vmem>>
      %dma_wait3A_221 = arith.constant 0 : i32
      %dma_wait3A_222 = tpu.memref_slice %arg8[%mul3A_36, %dma_wait3A_221] : memref<10240x64xf32, #tpu.memory_space<vmem_shared>> -> memref<128x64xf32, #tpu.memory_space<vmem_shared>>
      %dma_wait3A_223 = arith.constant 0 : i32
      %dma_wait3A_224 = tpu.memref_slice %arg8[%mul3A_36, %dma_wait3A_223] : memref<10240x64xf32, #tpu.memory_space<vmem_shared>> -> memref<128x64xf32, #tpu.memory_space<vmem_shared>>
      %dma_wait3A_225 = arith.constant 0 : i32
      %dma_wait3A_226 = arith.constant 0 : i32
      %dma_wait3A_227 = tpu.memref_slice %arg7[%run_scoped3A_37, %dma_wait3A_225, %dma_wait3A_226] : memref<4x128x64xf32, #tpu.memory_space<vmem>> -> memref<1x128x64xf32, #tpu.memory_space<vmem>>
      %dma_wait3A_228 = tpu.memref_squeeze %dma_wait3A_227 : memref<1x128x64xf32, #tpu.memory_space<vmem>> -> memref<128x64xf32, #tpu.memory_space<vmem>>
      tpu.wait_dma2 semaphore(%run_scoped3A_205 : memref<!tpu.dma_semaphore, #tpu.memory_space<semaphore_mem>>) src(%dma_wait3A_228 : memref<128x64xf32, #tpu.memory_space<vmem>>) dst(%dma_wait3A_224 : memref<128x64xf32, #tpu.memory_space<vmem_shared>>)
      tpu.yield
    }) : () -> ()
    %mul3A_38 = arith.constant 5 : i32
    %mul3A_39 = arith.muli %arg1, %mul3A_38 : i32
    %add3A_40 = arith.constant 4 : i32
    %add3A_41 = arith.addi %mul3A_39, %add3A_40 : i32
    %mul3A_42 = arith.constant 128 : i32
    %mul3A_43 = arith.muli %add3A_41, %mul3A_42 : i32
    %run_scoped3A_44 = arith.constant 0 : i32
    "tpu.region"() ({
      %run_scoped3A_205 = tpu.sem_alloc : memref<!tpu.dma_semaphore, #tpu.memory_space<semaphore_mem>>
      %dma_start3A_206 = arith.constant 0 : i32
      %dma_start3A_207 = arith.constant 0 : i32
      %dma_start3A_208 = tpu.memref_slice %arg7[%run_scoped3A_44, %dma_start3A_206, %dma_start3A_207] : memref<4x128x64xf32, #tpu.memory_space<vmem>> -> memref<1x128x64xf32, #tpu.memory_space<vmem>>
      %dma_start3A_209 = tpu.memref_squeeze %dma_start3A_208 : memref<1x128x64xf32, #tpu.memory_space<vmem>> -> memref<128x64xf32, #tpu.memory_space<vmem>>
      %dma_start3A_210 = arith.constant 0 : i32
      %dma_start3A_211 = tpu.memref_slice %arg8[%mul3A_43, %dma_start3A_210] : memref<10240x64xf32, #tpu.memory_space<vmem_shared>> -> memref<128x64xf32, #tpu.memory_space<vmem_shared>>
      %dma_start3A_212 = arith.constant 0 : i32
      %dma_start3A_213 = tpu.memref_slice %arg8[%mul3A_43, %dma_start3A_212] : memref<10240x64xf32, #tpu.memory_space<vmem_shared>> -> memref<128x64xf32, #tpu.memory_space<vmem_shared>>
      %dma_start3A_214 = arith.constant 0 : i32
      %dma_start3A_215 = arith.constant 0 : i32
      %dma_start3A_216 = tpu.memref_slice %arg7[%run_scoped3A_44, %dma_start3A_214, %dma_start3A_215] : memref<4x128x64xf32, #tpu.memory_space<vmem>> -> memref<1x128x64xf32, #tpu.memory_space<vmem>>
      %dma_start3A_217 = tpu.memref_squeeze %dma_start3A_216 : memref<1x128x64xf32, #tpu.memory_space<vmem>> -> memref<128x64xf32, #tpu.memory_space<vmem>>
      tpu.enqueue_dma source(%dma_start3A_217 : memref<128x64xf32, #tpu.memory_space<vmem>>) target(%dma_start3A_213 : memref<128x64xf32, #tpu.memory_space<vmem_shared>>) target_semaphore(%run_scoped3A_205 : memref<!tpu.dma_semaphore, #tpu.memory_space<semaphore_mem>>)
      %dma_wait3A = arith.constant 0 : i32
      %dma_wait3A_218 = arith.constant 0 : i32
      %dma_wait3A_219 = tpu.memref_slice %arg7[%run_scoped3A_44, %dma_wait3A, %dma_wait3A_218] : memref<4x128x64xf32, #tpu.memory_space<vmem>> -> memref<1x128x64xf32, #tpu.memory_space<vmem>>
      %dma_wait3A_220 = tpu.memref_squeeze %dma_wait3A_219 : memref<1x128x64xf32, #tpu.memory_space<vmem>> -> memref<128x64xf32, #tpu.memory_space<vmem>>
      %dma_wait3A_221 = arith.constant 0 : i32
      %dma_wait3A_222 = tpu.memref_slice %arg8[%mul3A_43, %dma_wait3A_221] : memref<10240x64xf32, #tpu.memory_space<vmem_shared>> -> memref<128x64xf32, #tpu.memory_space<vmem_shared>>
      %dma_wait3A_223 = arith.constant 0 : i32
      %dma_wait3A_224 = tpu.memref_slice %arg8[%mul3A_43, %dma_wait3A_223] : memref<10240x64xf32, #tpu.memory_space<vmem_shared>> -> memref<128x64xf32, #tpu.memory_space<vmem_shared>>
      %dma_wait3A_225 = arith.constant 0 : i32
      %dma_wait3A_226 = arith.constant 0 : i32
      %dma_wait3A_227 = tpu.memref_slice %arg7[%run_scoped3A_44, %dma_wait3A_225, %dma_wait3A_226] : memref<4x128x64xf32, #tpu.memory_space<vmem>> -> memref<1x128x64xf32, #tpu.memory_space<vmem>>
      %dma_wait3A_228 = tpu.memref_squeeze %dma_wait3A_227 : memref<1x128x64xf32, #tpu.memory_space<vmem>> -> memref<128x64xf32, #tpu.memory_space<vmem>>
      tpu.wait_dma2 semaphore(%run_scoped3A_205 : memref<!tpu.dma_semaphore, #tpu.memory_space<semaphore_mem>>) src(%dma_wait3A_228 : memref<128x64xf32, #tpu.memory_space<vmem>>) dst(%dma_wait3A_224 : memref<128x64xf32, #tpu.memory_space<vmem_shared>>)
      tpu.yield
    }) : () -> ()
    %barrier3A = arith.constant 0 : index
    tpu.barrier barrier_id(%barrier3A)
    %dma_start3A = arith.constant 0 : i32
    %dma_start3A_45 = arith.constant 0 : i32
    %dma_start3A_46 = arith.constant 0 : i32
    %dma_start3A_47 = arith.constant 0 : i32
    %dma_start3A_48 = tpu.memref_slice %arg7[%dma_start3A_45, %dma_start3A_46, %dma_start3A_47] : memref<4x128x64xf32, #tpu.memory_space<vmem>> -> memref<1x128x64xf32, #tpu.memory_space<vmem>>
    %dma_start3A_49 = tpu.memref_squeeze %dma_start3A_48 : memref<1x128x64xf32, #tpu.memory_space<vmem>> -> memref<128x64xf32, #tpu.memory_space<vmem>>
    %dma_start3A_50 = arith.constant 0 : i32
    %dma_start3A_51 = tpu.memref_slice %arg5[%dma_start3A, %dma_start3A_50] : memref<80x128xi32, #tpu.memory_space<vmem>> -> memref<1x128xi32, #tpu.memory_space<vmem>>
    %dma_start3A_52 = tpu.memref_squeeze %dma_start3A_51 : memref<1x128xi32, #tpu.memory_space<vmem>> -> memref<128xi32, #tpu.memory_space<vmem>>
    %dma_start3A_53 = arith.constant 0 : i32
    %dma_start3A_54 = arith.constant 0 : i32
    %dma_start3A_55 = tpu.memref_slice %arg2[%dma_start3A_53, %dma_start3A_54] : memref<20000x64xf32, #tpu.memory_space<hbm>> -> memref<20000x64xf32, #tpu.memory_space<hbm>>
    tpu.enqueue_indirect_dma source(%dma_start3A_55 : memref<20000x64xf32, #tpu.memory_space<hbm>>) target(%dma_start3A_49 : memref<128x64xf32, #tpu.memory_space<vmem>>) offsets(%dma_start3A_52 : memref<128xi32, #tpu.memory_space<vmem>>) semaphore(%arg9 : memref<!tpu.dma_semaphore, #tpu.memory_space<semaphore_mem>>)
    %dma_start3A_56 = arith.constant 1 : i32
    %dma_start3A_57 = arith.constant 1 : i32
    %dma_start3A_58 = arith.constant 0 : i32
    %dma_start3A_59 = arith.constant 0 : i32
    %dma_start3A_60 = tpu.memref_slice %arg7[%dma_start3A_57, %dma_start3A_58, %dma_start3A_59] : memref<4x128x64xf32, #tpu.memory_space<vmem>> -> memref<1x128x64xf32, #tpu.memory_space<vmem>>
    %dma_start3A_61 = tpu.memref_squeeze %dma_start3A_60 : memref<1x128x64xf32, #tpu.memory_space<vmem>> -> memref<128x64xf32, #tpu.memory_space<vmem>>
    %dma_start3A_62 = arith.constant 0 : i32
    %dma_start3A_63 = tpu.memref_slice %arg5[%dma_start3A_56, %dma_start3A_62] : memref<80x128xi32, #tpu.memory_space<vmem>> -> memref<1x128xi32, #tpu.memory_space<vmem>>
    %dma_start3A_64 = tpu.memref_squeeze %dma_start3A_63 : memref<1x128xi32, #tpu.memory_space<vmem>> -> memref<128xi32, #tpu.memory_space<vmem>>
    %dma_start3A_65 = arith.constant 0 : i32
    %dma_start3A_66 = arith.constant 0 : i32
    %dma_start3A_67 = tpu.memref_slice %arg2[%dma_start3A_65, %dma_start3A_66] : memref<20000x64xf32, #tpu.memory_space<hbm>> -> memref<20000x64xf32, #tpu.memory_space<hbm>>
    tpu.enqueue_indirect_dma source(%dma_start3A_67 : memref<20000x64xf32, #tpu.memory_space<hbm>>) target(%dma_start3A_61 : memref<128x64xf32, #tpu.memory_space<vmem>>) offsets(%dma_start3A_64 : memref<128xi32, #tpu.memory_space<vmem>>) semaphore(%arg10 : memref<!tpu.dma_semaphore, #tpu.memory_space<semaphore_mem>>)
    %dma_start3A_68 = arith.constant 2 : i32
    %dma_start3A_69 = arith.constant 2 : i32
    %dma_start3A_70 = arith.constant 0 : i32
    %dma_start3A_71 = arith.constant 0 : i32
    %dma_start3A_72 = tpu.memref_slice %arg7[%dma_start3A_69, %dma_start3A_70, %dma_start3A_71] : memref<4x128x64xf32, #tpu.memory_space<vmem>> -> memref<1x128x64xf32, #tpu.memory_space<vmem>>
    %dma_start3A_73 = tpu.memref_squeeze %dma_start3A_72 : memref<1x128x64xf32, #tpu.memory_space<vmem>> -> memref<128x64xf32, #tpu.memory_space<vmem>>
    %dma_start3A_74 = arith.constant 0 : i32
    %dma_start3A_75 = tpu.memref_slice %arg5[%dma_start3A_68, %dma_start3A_74] : memref<80x128xi32, #tpu.memory_space<vmem>> -> memref<1x128xi32, #tpu.memory_space<vmem>>
    %dma_start3A_76 = tpu.memref_squeeze %dma_start3A_75 : memref<1x128xi32, #tpu.memory_space<vmem>> -> memref<128xi32, #tpu.memory_space<vmem>>
    %dma_start3A_77 = arith.constant 0 : i32
    %dma_start3A_78 = arith.constant 0 : i32
    %dma_start3A_79 = tpu.memref_slice %arg2[%dma_start3A_77, %dma_start3A_78] : memref<20000x64xf32, #tpu.memory_space<hbm>> -> memref<20000x64xf32, #tpu.memory_space<hbm>>
    tpu.enqueue_indirect_dma source(%dma_start3A_79 : memref<20000x64xf32, #tpu.memory_space<hbm>>) target(%dma_start3A_73 : memref<128x64xf32, #tpu.memory_space<vmem>>) offsets(%dma_start3A_76 : memref<128xi32, #tpu.memory_space<vmem>>) semaphore(%arg11 : memref<!tpu.dma_semaphore, #tpu.memory_space<semaphore_mem>>)
    %dma_start3A_80 = arith.constant 3 : i32
    %dma_start3A_81 = arith.constant 3 : i32
    %dma_start3A_82 = arith.constant 0 : i32
    %dma_start3A_83 = arith.constant 0 : i32
    %dma_start3A_84 = tpu.memref_slice %arg7[%dma_start3A_81, %dma_start3A_82, %dma_start3A_83] : memref<4x128x64xf32, #tpu.memory_space<vmem>> -> memref<1x128x64xf32, #tpu.memory_space<vmem>>
    %dma_start3A_85 = tpu.memref_squeeze %dma_start3A_84 : memref<1x128x64xf32, #tpu.memory_space<vmem>> -> memref<128x64xf32, #tpu.memory_space<vmem>>
    %dma_start3A_86 = arith.constant 0 : i32
    %dma_start3A_87 = tpu.memref_slice %arg5[%dma_start3A_80, %dma_start3A_86] : memref<80x128xi32, #tpu.memory_space<vmem>> -> memref<1x128xi32, #tpu.memory_space<vmem>>
    %dma_start3A_88 = tpu.memref_squeeze %dma_start3A_87 : memref<1x128xi32, #tpu.memory_space<vmem>> -> memref<128xi32, #tpu.memory_space<vmem>>
    %dma_start3A_89 = arith.constant 0 : i32
    %dma_start3A_90 = arith.constant 0 : i32
    %dma_start3A_91 = tpu.memref_slice %arg2[%dma_start3A_89, %dma_start3A_90] : memref<20000x64xf32, #tpu.memory_space<hbm>> -> memref<20000x64xf32, #tpu.memory_space<hbm>>
    tpu.enqueue_indirect_dma source(%dma_start3A_91 : memref<20000x64xf32, #tpu.memory_space<hbm>>) target(%dma_start3A_85 : memref<128x64xf32, #tpu.memory_space<vmem>>) offsets(%dma_start3A_88 : memref<128xi32, #tpu.memory_space<vmem>>) semaphore(%arg12 : memref<!tpu.dma_semaphore, #tpu.memory_space<semaphore_mem>>)
    %scan3A_92 = arith.constant 0 : i32
    %scan3A_93 = arith.constant 0 : i32
    %scan3A_94 = arith.constant 20 : i32
    %scan3A_95 = arith.addi %scan3A_93, %scan3A_94 : i32
    %scan3A_96 = arith.constant 1 : i32
    scf.for %scan3A_205 = %scan3A_93 to %scan3A_95 step %scan3A_96  : i32 {
      %mul3A_206 = arith.constant 4 : i32
      %mul3A_207 = arith.muli %scan3A_205, %mul3A_206 : i32
      %add3A_208 = arith.constant 0 : i32
      %add3A_209 = arith.addi %mul3A_207, %add3A_208 : i32
      %dma_wait3A = arith.constant 0 : i32
      %dma_wait3A_210 = arith.constant 0 : i32
      %dma_wait3A_211 = arith.constant 0 : i32
      %dma_wait3A_212 = tpu.memref_slice %arg7[%dma_wait3A, %dma_wait3A_210, %dma_wait3A_211] : memref<4x128x64xf32, #tpu.memory_space<vmem>> -> memref<1x128x64xf32, #tpu.memory_space<vmem>>
      %dma_wait3A_213 = tpu.memref_squeeze %dma_wait3A_212 : memref<1x128x64xf32, #tpu.memory_space<vmem>> -> memref<128x64xf32, #tpu.memory_space<vmem>>
      %dma_wait3A_214 = arith.constant 0 : i32
      %dma_wait3A_215 = tpu.memref_slice %arg5[%add3A_209, %dma_wait3A_214] : memref<80x128xi32, #tpu.memory_space<vmem>> -> memref<1x128xi32, #tpu.memory_space<vmem>>
      %dma_wait3A_216 = tpu.memref_squeeze %dma_wait3A_215 : memref<1x128xi32, #tpu.memory_space<vmem>> -> memref<128xi32, #tpu.memory_space<vmem>>
      %dma_wait3A_217 = arith.constant 0 : i32
      %dma_wait3A_218 = arith.constant 0 : i32
      %dma_wait3A_219 = tpu.memref_slice %arg2[%dma_wait3A_217, %dma_wait3A_218] : memref<20000x64xf32, #tpu.memory_space<hbm>> -> memref<20000x64xf32, #tpu.memory_space<hbm>>
      tpu.wait_indirect_dma semaphore(%arg9 : memref<!tpu.dma_semaphore, #tpu.memory_space<semaphore_mem>>) src(%dma_wait3A_219 : memref<20000x64xf32, #tpu.memory_space<hbm>>) dst(%dma_wait3A_213 : memref<128x64xf32, #tpu.memory_space<vmem>>)
      %run_scoped3A_220 = arith.constant 0 : i32
      "tpu.region"() ({
        %run_scoped3A_294 = tpu.sem_alloc : memref<!tpu.dma_semaphore, #tpu.memory_space<semaphore_mem>>
        %dma_start3A_295 = arith.constant 0 : i32
        %dma_start3A_296 = arith.constant 0 : i32
        %dma_start3A_297 = tpu.memref_slice %arg7[%run_scoped3A_220, %dma_start3A_295, %dma_start3A_296] : memref<4x128x64xf32, #tpu.memory_space<vmem>> -> memref<1x128x64xf32, #tpu.memory_space<vmem>>
        %dma_start3A_298 = tpu.memref_squeeze %dma_start3A_297 : memref<1x128x64xf32, #tpu.memory_space<vmem>> -> memref<128x64xf32, #tpu.memory_space<vmem>>
        %dma_start3A_299 = arith.constant 0 : i32
        %dma_start3A_300 = tpu.memref_slice %arg6[%add3A_209, %dma_start3A_299] : memref<80x128xi32, #tpu.memory_space<vmem>> -> memref<1x128xi32, #tpu.memory_space<vmem>>
        %dma_start3A_301 = tpu.memref_squeeze %dma_start3A_300 : memref<1x128xi32, #tpu.memory_space<vmem>> -> memref<128xi32, #tpu.memory_space<vmem>>
        %dma_start3A_302 = arith.constant 0 : i32
        %dma_start3A_303 = arith.constant 0 : i32
        %dma_start3A_304 = tpu.memref_slice %arg8[%dma_start3A_302, %dma_start3A_303] : memref<10240x64xf32, #tpu.memory_space<vmem_shared>> -> memref<10240x64xf32, #tpu.memory_space<vmem_shared>>
        tpu.enqueue_indirect_dma source(%dma_start3A_298 : memref<128x64xf32, #tpu.memory_space<vmem>>) target(%dma_start3A_304 : memref<10240x64xf32, #tpu.memory_space<vmem_shared>>) offsets(%dma_start3A_301 : memref<128xi32, #tpu.memory_space<vmem>>) semaphore(%run_scoped3A_294 : memref<!tpu.dma_semaphore, #tpu.memory_space<semaphore_mem>>) {add = true}
        %dma_wait3A_305 = arith.constant 0 : i32
        %dma_wait3A_306 = arith.constant 0 : i32
        %dma_wait3A_307 = tpu.memref_slice %arg7[%run_scoped3A_220, %dma_wait3A_305, %dma_wait3A_306] : memref<4x128x64xf32, #tpu.memory_space<vmem>> -> memref<1x128x64xf32, #tpu.memory_space<vmem>>
        %dma_wait3A_308 = tpu.memref_squeeze %dma_wait3A_307 : memref<1x128x64xf32, #tpu.memory_space<vmem>> -> memref<128x64xf32, #tpu.memory_space<vmem>>
        %dma_wait3A_309 = arith.constant 0 : i32
        %dma_wait3A_310 = tpu.memref_slice %arg6[%add3A_209, %dma_wait3A_309] : memref<80x128xi32, #tpu.memory_space<vmem>> -> memref<1x128xi32, #tpu.memory_space<vmem>>
        %dma_wait3A_311 = tpu.memref_squeeze %dma_wait3A_310 : memref<1x128xi32, #tpu.memory_space<vmem>> -> memref<128xi32, #tpu.memory_space<vmem>>
        %dma_wait3A_312 = arith.constant 0 : i32
        %dma_wait3A_313 = arith.constant 0 : i32
        %dma_wait3A_314 = tpu.memref_slice %arg8[%dma_wait3A_312, %dma_wait3A_313] : memref<10240x64xf32, #tpu.memory_space<vmem_shared>> -> memref<10240x64xf32, #tpu.memory_space<vmem_shared>>
        tpu.wait_indirect_dma semaphore(%run_scoped3A_294 : memref<!tpu.dma_semaphore, #tpu.memory_space<semaphore_mem>>) src(%dma_wait3A_308 : memref<128x64xf32, #tpu.memory_space<vmem>>) dst(%dma_wait3A_314 : memref<10240x64xf32, #tpu.memory_space<vmem_shared>>)
        tpu.yield
      }) : () -> ()
      %add3A_221 = arith.constant 4 : i32
      %add3A_222 = arith.addi %add3A_209, %add3A_221 : i32
      %lt3A = arith.constant 80 : i32
      %lt3A_223 = arith.cmpi slt, %add3A_222, %lt3A : i32
      %convert_element_type3A = arith.extui %lt3A_223 : i1 to i32
      %cond3A = arith.constant 0 : i32
      %cond3A_224 = arith.cmpi ne, %convert_element_type3A, %cond3A : i32
      scf.if %cond3A_224 {
        %dma_start3A_294 = arith.constant 0 : i32
        %dma_start3A_295 = arith.constant 0 : i32
        %dma_start3A_296 = arith.constant 0 : i32
        %dma_start3A_297 = tpu.memref_slice %arg7[%dma_start3A_294, %dma_start3A_295, %dma_start3A_296] : memref<4x128x64xf32, #tpu.memory_space<vmem>> -> memref<1x128x64xf32, #tpu.memory_space<vmem>>
        %dma_start3A_298 = tpu.memref_squeeze %dma_start3A_297 : memref<1x128x64xf32, #tpu.memory_space<vmem>> -> memref<128x64xf32, #tpu.memory_space<vmem>>
        %dma_start3A_299 = arith.constant 0 : i32
        %dma_start3A_300 = tpu.memref_slice %arg5[%add3A_222, %dma_start3A_299] : memref<80x128xi32, #tpu.memory_space<vmem>> -> memref<1x128xi32, #tpu.memory_space<vmem>>
        %dma_start3A_301 = tpu.memref_squeeze %dma_start3A_300 : memref<1x128xi32, #tpu.memory_space<vmem>> -> memref<128xi32, #tpu.memory_space<vmem>>
        %dma_start3A_302 = arith.constant 0 : i32
        %dma_start3A_303 = arith.constant 0 : i32
        %dma_start3A_304 = tpu.memref_slice %arg2[%dma_start3A_302, %dma_start3A_303] : memref<20000x64xf32, #tpu.memory_space<hbm>> -> memref<20000x64xf32, #tpu.memory_space<hbm>>
        tpu.enqueue_indirect_dma source(%dma_start3A_304 : memref<20000x64xf32, #tpu.memory_space<hbm>>) target(%dma_start3A_298 : memref<128x64xf32, #tpu.memory_space<vmem>>) offsets(%dma_start3A_301 : memref<128xi32, #tpu.memory_space<vmem>>) semaphore(%arg9 : memref<!tpu.dma_semaphore, #tpu.memory_space<semaphore_mem>>)
      } else {
      }
      %mul3A_225 = arith.constant 4 : i32
      %mul3A_226 = arith.muli %scan3A_205, %mul3A_225 : i32
      %add3A_227 = arith.constant 1 : i32
      %add3A_228 = arith.addi %mul3A_226, %add3A_227 : i32
      %dma_wait3A_229 = arith.constant 1 : i32
      %dma_wait3A_230 = arith.constant 0 : i32
      %dma_wait3A_231 = arith.constant 0 : i32
      %dma_wait3A_232 = tpu.memref_slice %arg7[%dma_wait3A_229, %dma_wait3A_230, %dma_wait3A_231] : memref<4x128x64xf32, #tpu.memory_space<vmem>> -> memref<1x128x64xf32, #tpu.memory_space<vmem>>
      %dma_wait3A_233 = tpu.memref_squeeze %dma_wait3A_232 : memref<1x128x64xf32, #tpu.memory_space<vmem>> -> memref<128x64xf32, #tpu.memory_space<vmem>>
      %dma_wait3A_234 = arith.constant 0 : i32
      %dma_wait3A_235 = tpu.memref_slice %arg5[%add3A_228, %dma_wait3A_234] : memref<80x128xi32, #tpu.memory_space<vmem>> -> memref<1x128xi32, #tpu.memory_space<vmem>>
      %dma_wait3A_236 = tpu.memref_squeeze %dma_wait3A_235 : memref<1x128xi32, #tpu.memory_space<vmem>> -> memref<128xi32, #tpu.memory_space<vmem>>
      %dma_wait3A_237 = arith.constant 0 : i32
      %dma_wait3A_238 = arith.constant 0 : i32
      %dma_wait3A_239 = tpu.memref_slice %arg2[%dma_wait3A_237, %dma_wait3A_238] : memref<20000x64xf32, #tpu.memory_space<hbm>> -> memref<20000x64xf32, #tpu.memory_space<hbm>>
      tpu.wait_indirect_dma semaphore(%arg10 : memref<!tpu.dma_semaphore, #tpu.memory_space<semaphore_mem>>) src(%dma_wait3A_239 : memref<20000x64xf32, #tpu.memory_space<hbm>>) dst(%dma_wait3A_233 : memref<128x64xf32, #tpu.memory_space<vmem>>)
      %run_scoped3A_240 = arith.constant 1 : i32
      "tpu.region"() ({
        %run_scoped3A_294 = tpu.sem_alloc : memref<!tpu.dma_semaphore, #tpu.memory_space<semaphore_mem>>
        %dma_start3A_295 = arith.constant 0 : i32
        %dma_start3A_296 = arith.constant 0 : i32
        %dma_start3A_297 = tpu.memref_slice %arg7[%run_scoped3A_240, %dma_start3A_295, %dma_start3A_296] : memref<4x128x64xf32, #tpu.memory_space<vmem>> -> memref<1x128x64xf32, #tpu.memory_space<vmem>>
        %dma_start3A_298 = tpu.memref_squeeze %dma_start3A_297 : memref<1x128x64xf32, #tpu.memory_space<vmem>> -> memref<128x64xf32, #tpu.memory_space<vmem>>
        %dma_start3A_299 = arith.constant 0 : i32
        %dma_start3A_300 = tpu.memref_slice %arg6[%add3A_228, %dma_start3A_299] : memref<80x128xi32, #tpu.memory_space<vmem>> -> memref<1x128xi32, #tpu.memory_space<vmem>>
        %dma_start3A_301 = tpu.memref_squeeze %dma_start3A_300 : memref<1x128xi32, #tpu.memory_space<vmem>> -> memref<128xi32, #tpu.memory_space<vmem>>
        %dma_start3A_302 = arith.constant 0 : i32
        %dma_start3A_303 = arith.constant 0 : i32
        %dma_start3A_304 = tpu.memref_slice %arg8[%dma_start3A_302, %dma_start3A_303] : memref<10240x64xf32, #tpu.memory_space<vmem_shared>> -> memref<10240x64xf32, #tpu.memory_space<vmem_shared>>
        tpu.enqueue_indirect_dma source(%dma_start3A_298 : memref<128x64xf32, #tpu.memory_space<vmem>>) target(%dma_start3A_304 : memref<10240x64xf32, #tpu.memory_space<vmem_shared>>) offsets(%dma_start3A_301 : memref<128xi32, #tpu.memory_space<vmem>>) semaphore(%run_scoped3A_294 : memref<!tpu.dma_semaphore, #tpu.memory_space<semaphore_mem>>) {add = true}
        %dma_wait3A_305 = arith.constant 0 : i32
        %dma_wait3A_306 = arith.constant 0 : i32
        %dma_wait3A_307 = tpu.memref_slice %arg7[%run_scoped3A_240, %dma_wait3A_305, %dma_wait3A_306] : memref<4x128x64xf32, #tpu.memory_space<vmem>> -> memref<1x128x64xf32, #tpu.memory_space<vmem>>
        %dma_wait3A_308 = tpu.memref_squeeze %dma_wait3A_307 : memref<1x128x64xf32, #tpu.memory_space<vmem>> -> memref<128x64xf32, #tpu.memory_space<vmem>>
        %dma_wait3A_309 = arith.constant 0 : i32
        %dma_wait3A_310 = tpu.memref_slice %arg6[%add3A_228, %dma_wait3A_309] : memref<80x128xi32, #tpu.memory_space<vmem>> -> memref<1x128xi32, #tpu.memory_space<vmem>>
        %dma_wait3A_311 = tpu.memref_squeeze %dma_wait3A_310 : memref<1x128xi32, #tpu.memory_space<vmem>> -> memref<128xi32, #tpu.memory_space<vmem>>
        %dma_wait3A_312 = arith.constant 0 : i32
        %dma_wait3A_313 = arith.constant 0 : i32
        %dma_wait3A_314 = tpu.memref_slice %arg8[%dma_wait3A_312, %dma_wait3A_313] : memref<10240x64xf32, #tpu.memory_space<vmem_shared>> -> memref<10240x64xf32, #tpu.memory_space<vmem_shared>>
        tpu.wait_indirect_dma semaphore(%run_scoped3A_294 : memref<!tpu.dma_semaphore, #tpu.memory_space<semaphore_mem>>) src(%dma_wait3A_308 : memref<128x64xf32, #tpu.memory_space<vmem>>) dst(%dma_wait3A_314 : memref<10240x64xf32, #tpu.memory_space<vmem_shared>>)
        tpu.yield
      }) : () -> ()
      %add3A_241 = arith.constant 4 : i32
      %add3A_242 = arith.addi %add3A_228, %add3A_241 : i32
      %lt3A_243 = arith.constant 80 : i32
      %lt3A_244 = arith.cmpi slt, %add3A_242, %lt3A_243 : i32
      %convert_element_type3A_245 = arith.extui %lt3A_244 : i1 to i32
      %cond3A_246 = arith.constant 0 : i32
      %cond3A_247 = arith.cmpi ne, %convert_element_type3A_245, %cond3A_246 : i32
      scf.if %cond3A_247 {
        %dma_start3A_294 = arith.constant 1 : i32
        %dma_start3A_295 = arith.constant 0 : i32
        %dma_start3A_296 = arith.constant 0 : i32
        %dma_start3A_297 = tpu.memref_slice %arg7[%dma_start3A_294, %dma_start3A_295, %dma_start3A_296] : memref<4x128x64xf32, #tpu.memory_space<vmem>> -> memref<1x128x64xf32, #tpu.memory_space<vmem>>
        %dma_start3A_298 = tpu.memref_squeeze %dma_start3A_297 : memref<1x128x64xf32, #tpu.memory_space<vmem>> -> memref<128x64xf32, #tpu.memory_space<vmem>>
        %dma_start3A_299 = arith.constant 0 : i32
        %dma_start3A_300 = tpu.memref_slice %arg5[%add3A_242, %dma_start3A_299] : memref<80x128xi32, #tpu.memory_space<vmem>> -> memref<1x128xi32, #tpu.memory_space<vmem>>
        %dma_start3A_301 = tpu.memref_squeeze %dma_start3A_300 : memref<1x128xi32, #tpu.memory_space<vmem>> -> memref<128xi32, #tpu.memory_space<vmem>>
        %dma_start3A_302 = arith.constant 0 : i32
        %dma_start3A_303 = arith.constant 0 : i32
        %dma_start3A_304 = tpu.memref_slice %arg2[%dma_start3A_302, %dma_start3A_303] : memref<20000x64xf32, #tpu.memory_space<hbm>> -> memref<20000x64xf32, #tpu.memory_space<hbm>>
        tpu.enqueue_indirect_dma source(%dma_start3A_304 : memref<20000x64xf32, #tpu.memory_space<hbm>>) target(%dma_start3A_298 : memref<128x64xf32, #tpu.memory_space<vmem>>) offsets(%dma_start3A_301 : memref<128xi32, #tpu.memory_space<vmem>>) semaphore(%arg10 : memref<!tpu.dma_semaphore, #tpu.memory_space<semaphore_mem>>)
      } else {
      }
      %mul3A_248 = arith.constant 4 : i32
      %mul3A_249 = arith.muli %scan3A_205, %mul3A_248 : i32
      %add3A_250 = arith.constant 2 : i32
      %add3A_251 = arith.addi %mul3A_249, %add3A_250 : i32
      %dma_wait3A_252 = arith.constant 2 : i32
      %dma_wait3A_253 = arith.constant 0 : i32
      %dma_wait3A_254 = arith.constant 0 : i32
      %dma_wait3A_255 = tpu.memref_slice %arg7[%dma_wait3A_252, %dma_wait3A_253, %dma_wait3A_254] : memref<4x128x64xf32, #tpu.memory_space<vmem>> -> memref<1x128x64xf32, #tpu.memory_space<vmem>>
      %dma_wait3A_256 = tpu.memref_squeeze %dma_wait3A_255 : memref<1x128x64xf32, #tpu.memory_space<vmem>> -> memref<128x64xf32, #tpu.memory_space<vmem>>
      %dma_wait3A_257 = arith.constant 0 : i32
      %dma_wait3A_258 = tpu.memref_slice %arg5[%add3A_251, %dma_wait3A_257] : memref<80x128xi32, #tpu.memory_space<vmem>> -> memref<1x128xi32, #tpu.memory_space<vmem>>
      %dma_wait3A_259 = tpu.memref_squeeze %dma_wait3A_258 : memref<1x128xi32, #tpu.memory_space<vmem>> -> memref<128xi32, #tpu.memory_space<vmem>>
      %dma_wait3A_260 = arith.constant 0 : i32
      %dma_wait3A_261 = arith.constant 0 : i32
      %dma_wait3A_262 = tpu.memref_slice %arg2[%dma_wait3A_260, %dma_wait3A_261] : memref<20000x64xf32, #tpu.memory_space<hbm>> -> memref<20000x64xf32, #tpu.memory_space<hbm>>
      tpu.wait_indirect_dma semaphore(%arg11 : memref<!tpu.dma_semaphore, #tpu.memory_space<semaphore_mem>>) src(%dma_wait3A_262 : memref<20000x64xf32, #tpu.memory_space<hbm>>) dst(%dma_wait3A_256 : memref<128x64xf32, #tpu.memory_space<vmem>>)
      %run_scoped3A_263 = arith.constant 2 : i32
      "tpu.region"() ({
        %run_scoped3A_294 = tpu.sem_alloc : memref<!tpu.dma_semaphore, #tpu.memory_space<semaphore_mem>>
        %dma_start3A_295 = arith.constant 0 : i32
        %dma_start3A_296 = arith.constant 0 : i32
        %dma_start3A_297 = tpu.memref_slice %arg7[%run_scoped3A_263, %dma_start3A_295, %dma_start3A_296] : memref<4x128x64xf32, #tpu.memory_space<vmem>> -> memref<1x128x64xf32, #tpu.memory_space<vmem>>
        %dma_start3A_298 = tpu.memref_squeeze %dma_start3A_297 : memref<1x128x64xf32, #tpu.memory_space<vmem>> -> memref<128x64xf32, #tpu.memory_space<vmem>>
        %dma_start3A_299 = arith.constant 0 : i32
        %dma_start3A_300 = tpu.memref_slice %arg6[%add3A_251, %dma_start3A_299] : memref<80x128xi32, #tpu.memory_space<vmem>> -> memref<1x128xi32, #tpu.memory_space<vmem>>
        %dma_start3A_301 = tpu.memref_squeeze %dma_start3A_300 : memref<1x128xi32, #tpu.memory_space<vmem>> -> memref<128xi32, #tpu.memory_space<vmem>>
        %dma_start3A_302 = arith.constant 0 : i32
        %dma_start3A_303 = arith.constant 0 : i32
        %dma_start3A_304 = tpu.memref_slice %arg8[%dma_start3A_302, %dma_start3A_303] : memref<10240x64xf32, #tpu.memory_space<vmem_shared>> -> memref<10240x64xf32, #tpu.memory_space<vmem_shared>>
        tpu.enqueue_indirect_dma source(%dma_start3A_298 : memref<128x64xf32, #tpu.memory_space<vmem>>) target(%dma_start3A_304 : memref<10240x64xf32, #tpu.memory_space<vmem_shared>>) offsets(%dma_start3A_301 : memref<128xi32, #tpu.memory_space<vmem>>) semaphore(%run_scoped3A_294 : memref<!tpu.dma_semaphore, #tpu.memory_space<semaphore_mem>>) {add = true}
        %dma_wait3A_305 = arith.constant 0 : i32
        %dma_wait3A_306 = arith.constant 0 : i32
        %dma_wait3A_307 = tpu.memref_slice %arg7[%run_scoped3A_263, %dma_wait3A_305, %dma_wait3A_306] : memref<4x128x64xf32, #tpu.memory_space<vmem>> -> memref<1x128x64xf32, #tpu.memory_space<vmem>>
        %dma_wait3A_308 = tpu.memref_squeeze %dma_wait3A_307 : memref<1x128x64xf32, #tpu.memory_space<vmem>> -> memref<128x64xf32, #tpu.memory_space<vmem>>
        %dma_wait3A_309 = arith.constant 0 : i32
        %dma_wait3A_310 = tpu.memref_slice %arg6[%add3A_251, %dma_wait3A_309] : memref<80x128xi32, #tpu.memory_space<vmem>> -> memref<1x128xi32, #tpu.memory_space<vmem>>
        %dma_wait3A_311 = tpu.memref_squeeze %dma_wait3A_310 : memref<1x128xi32, #tpu.memory_space<vmem>> -> memref<128xi32, #tpu.memory_space<vmem>>
        %dma_wait3A_312 = arith.constant 0 : i32
        %dma_wait3A_313 = arith.constant 0 : i32
        %dma_wait3A_314 = tpu.memref_slice %arg8[%dma_wait3A_312, %dma_wait3A_313] : memref<10240x64xf32, #tpu.memory_space<vmem_shared>> -> memref<10240x64xf32, #tpu.memory_space<vmem_shared>>
        tpu.wait_indirect_dma semaphore(%run_scoped3A_294 : memref<!tpu.dma_semaphore, #tpu.memory_space<semaphore_mem>>) src(%dma_wait3A_308 : memref<128x64xf32, #tpu.memory_space<vmem>>) dst(%dma_wait3A_314 : memref<10240x64xf32, #tpu.memory_space<vmem_shared>>)
        tpu.yield
      }) : () -> ()
      %add3A_264 = arith.constant 4 : i32
      %add3A_265 = arith.addi %add3A_251, %add3A_264 : i32
      %lt3A_266 = arith.constant 80 : i32
      %lt3A_267 = arith.cmpi slt, %add3A_265, %lt3A_266 : i32
      %convert_element_type3A_268 = arith.extui %lt3A_267 : i1 to i32
      %cond3A_269 = arith.constant 0 : i32
      %cond3A_270 = arith.cmpi ne, %convert_element_type3A_268, %cond3A_269 : i32
      scf.if %cond3A_270 {
        %dma_start3A_294 = arith.constant 2 : i32
        %dma_start3A_295 = arith.constant 0 : i32
        %dma_start3A_296 = arith.constant 0 : i32
        %dma_start3A_297 = tpu.memref_slice %arg7[%dma_start3A_294, %dma_start3A_295, %dma_start3A_296] : memref<4x128x64xf32, #tpu.memory_space<vmem>> -> memref<1x128x64xf32, #tpu.memory_space<vmem>>
        %dma_start3A_298 = tpu.memref_squeeze %dma_start3A_297 : memref<1x128x64xf32, #tpu.memory_space<vmem>> -> memref<128x64xf32, #tpu.memory_space<vmem>>
        %dma_start3A_299 = arith.constant 0 : i32
        %dma_start3A_300 = tpu.memref_slice %arg5[%add3A_265, %dma_start3A_299] : memref<80x128xi32, #tpu.memory_space<vmem>> -> memref<1x128xi32, #tpu.memory_space<vmem>>
        %dma_start3A_301 = tpu.memref_squeeze %dma_start3A_300 : memref<1x128xi32, #tpu.memory_space<vmem>> -> memref<128xi32, #tpu.memory_space<vmem>>
        %dma_start3A_302 = arith.constant 0 : i32
        %dma_start3A_303 = arith.constant 0 : i32
        %dma_start3A_304 = tpu.memref_slice %arg2[%dma_start3A_302, %dma_start3A_303] : memref<20000x64xf32, #tpu.memory_space<hbm>> -> memref<20000x64xf32, #tpu.memory_space<hbm>>
        tpu.enqueue_indirect_dma source(%dma_start3A_304 : memref<20000x64xf32, #tpu.memory_space<hbm>>) target(%dma_start3A_298 : memref<128x64xf32, #tpu.memory_space<vmem>>) offsets(%dma_start3A_301 : memref<128xi32, #tpu.memory_space<vmem>>) semaphore(%arg11 : memref<!tpu.dma_semaphore, #tpu.memory_space<semaphore_mem>>)
      } else {
      }
      %mul3A_271 = arith.constant 4 : i32
      %mul3A_272 = arith.muli %scan3A_205, %mul3A_271 : i32
      %add3A_273 = arith.constant 3 : i32
      %add3A_274 = arith.addi %mul3A_272, %add3A_273 : i32
      %dma_wait3A_275 = arith.constant 3 : i32
      %dma_wait3A_276 = arith.constant 0 : i32
      %dma_wait3A_277 = arith.constant 0 : i32
      %dma_wait3A_278 = tpu.memref_slice %arg7[%dma_wait3A_275, %dma_wait3A_276, %dma_wait3A_277] : memref<4x128x64xf32, #tpu.memory_space<vmem>> -> memref<1x128x64xf32, #tpu.memory_space<vmem>>
      %dma_wait3A_279 = tpu.memref_squeeze %dma_wait3A_278 : memref<1x128x64xf32, #tpu.memory_space<vmem>> -> memref<128x64xf32, #tpu.memory_space<vmem>>
      %dma_wait3A_280 = arith.constant 0 : i32
      %dma_wait3A_281 = tpu.memref_slice %arg5[%add3A_274, %dma_wait3A_280] : memref<80x128xi32, #tpu.memory_space<vmem>> -> memref<1x128xi32, #tpu.memory_space<vmem>>
      %dma_wait3A_282 = tpu.memref_squeeze %dma_wait3A_281 : memref<1x128xi32, #tpu.memory_space<vmem>> -> memref<128xi32, #tpu.memory_space<vmem>>
      %dma_wait3A_283 = arith.constant 0 : i32
      %dma_wait3A_284 = arith.constant 0 : i32
      %dma_wait3A_285 = tpu.memref_slice %arg2[%dma_wait3A_283, %dma_wait3A_284] : memref<20000x64xf32, #tpu.memory_space<hbm>> -> memref<20000x64xf32, #tpu.memory_space<hbm>>
      tpu.wait_indirect_dma semaphore(%arg12 : memref<!tpu.dma_semaphore, #tpu.memory_space<semaphore_mem>>) src(%dma_wait3A_285 : memref<20000x64xf32, #tpu.memory_space<hbm>>) dst(%dma_wait3A_279 : memref<128x64xf32, #tpu.memory_space<vmem>>)
      %run_scoped3A_286 = arith.constant 3 : i32
      "tpu.region"() ({
        %run_scoped3A_294 = tpu.sem_alloc : memref<!tpu.dma_semaphore, #tpu.memory_space<semaphore_mem>>
        %dma_start3A_295 = arith.constant 0 : i32
        %dma_start3A_296 = arith.constant 0 : i32
        %dma_start3A_297 = tpu.memref_slice %arg7[%run_scoped3A_286, %dma_start3A_295, %dma_start3A_296] : memref<4x128x64xf32, #tpu.memory_space<vmem>> -> memref<1x128x64xf32, #tpu.memory_space<vmem>>
        %dma_start3A_298 = tpu.memref_squeeze %dma_start3A_297 : memref<1x128x64xf32, #tpu.memory_space<vmem>> -> memref<128x64xf32, #tpu.memory_space<vmem>>
        %dma_start3A_299 = arith.constant 0 : i32
        %dma_start3A_300 = tpu.memref_slice %arg6[%add3A_274, %dma_start3A_299] : memref<80x128xi32, #tpu.memory_space<vmem>> -> memref<1x128xi32, #tpu.memory_space<vmem>>
        %dma_start3A_301 = tpu.memref_squeeze %dma_start3A_300 : memref<1x128xi32, #tpu.memory_space<vmem>> -> memref<128xi32, #tpu.memory_space<vmem>>
        %dma_start3A_302 = arith.constant 0 : i32
        %dma_start3A_303 = arith.constant 0 : i32
        %dma_start3A_304 = tpu.memref_slice %arg8[%dma_start3A_302, %dma_start3A_303] : memref<10240x64xf32, #tpu.memory_space<vmem_shared>> -> memref<10240x64xf32, #tpu.memory_space<vmem_shared>>
        tpu.enqueue_indirect_dma source(%dma_start3A_298 : memref<128x64xf32, #tpu.memory_space<vmem>>) target(%dma_start3A_304 : memref<10240x64xf32, #tpu.memory_space<vmem_shared>>) offsets(%dma_start3A_301 : memref<128xi32, #tpu.memory_space<vmem>>) semaphore(%run_scoped3A_294 : memref<!tpu.dma_semaphore, #tpu.memory_space<semaphore_mem>>) {add = true}
        %dma_wait3A_305 = arith.constant 0 : i32
        %dma_wait3A_306 = arith.constant 0 : i32
        %dma_wait3A_307 = tpu.memref_slice %arg7[%run_scoped3A_286, %dma_wait3A_305, %dma_wait3A_306] : memref<4x128x64xf32, #tpu.memory_space<vmem>> -> memref<1x128x64xf32, #tpu.memory_space<vmem>>
        %dma_wait3A_308 = tpu.memref_squeeze %dma_wait3A_307 : memref<1x128x64xf32, #tpu.memory_space<vmem>> -> memref<128x64xf32, #tpu.memory_space<vmem>>
        %dma_wait3A_309 = arith.constant 0 : i32
        %dma_wait3A_310 = tpu.memref_slice %arg6[%add3A_274, %dma_wait3A_309] : memref<80x128xi32, #tpu.memory_space<vmem>> -> memref<1x128xi32, #tpu.memory_space<vmem>>
        %dma_wait3A_311 = tpu.memref_squeeze %dma_wait3A_310 : memref<1x128xi32, #tpu.memory_space<vmem>> -> memref<128xi32, #tpu.memory_space<vmem>>
        %dma_wait3A_312 = arith.constant 0 : i32
        %dma_wait3A_313 = arith.constant 0 : i32
        %dma_wait3A_314 = tpu.memref_slice %arg8[%dma_wait3A_312, %dma_wait3A_313] : memref<10240x64xf32, #tpu.memory_space<vmem_shared>> -> memref<10240x64xf32, #tpu.memory_space<vmem_shared>>
        tpu.wait_indirect_dma semaphore(%run_scoped3A_294 : memref<!tpu.dma_semaphore, #tpu.memory_space<semaphore_mem>>) src(%dma_wait3A_308 : memref<128x64xf32, #tpu.memory_space<vmem>>) dst(%dma_wait3A_314 : memref<10240x64xf32, #tpu.memory_space<vmem_shared>>)
        tpu.yield
      }) : () -> ()
      %add3A_287 = arith.constant 4 : i32
      %add3A_288 = arith.addi %add3A_274, %add3A_287 : i32
      %lt3A_289 = arith.constant 80 : i32
      %lt3A_290 = arith.cmpi slt, %add3A_288, %lt3A_289 : i32
      %convert_element_type3A_291 = arith.extui %lt3A_290 : i1 to i32
      %cond3A_292 = arith.constant 0 : i32
      %cond3A_293 = arith.cmpi ne, %convert_element_type3A_291, %cond3A_292 : i32
      scf.if %cond3A_293 {
        %dma_start3A_294 = arith.constant 3 : i32
        %dma_start3A_295 = arith.constant 0 : i32
        %dma_start3A_296 = arith.constant 0 : i32
        %dma_start3A_297 = tpu.memref_slice %arg7[%dma_start3A_294, %dma_start3A_295, %dma_start3A_296] : memref<4x128x64xf32, #tpu.memory_space<vmem>> -> memref<1x128x64xf32, #tpu.memory_space<vmem>>
        %dma_start3A_298 = tpu.memref_squeeze %dma_start3A_297 : memref<1x128x64xf32, #tpu.memory_space<vmem>> -> memref<128x64xf32, #tpu.memory_space<vmem>>
        %dma_start3A_299 = arith.constant 0 : i32
        %dma_start3A_300 = tpu.memref_slice %arg5[%add3A_288, %dma_start3A_299] : memref<80x128xi32, #tpu.memory_space<vmem>> -> memref<1x128xi32, #tpu.memory_space<vmem>>
        %dma_start3A_301 = tpu.memref_squeeze %dma_start3A_300 : memref<1x128xi32, #tpu.memory_space<vmem>> -> memref<128xi32, #tpu.memory_space<vmem>>
        %dma_start3A_302 = arith.constant 0 : i32
        %dma_start3A_303 = arith.constant 0 : i32
        %dma_start3A_304 = tpu.memref_slice %arg2[%dma_start3A_302, %dma_start3A_303] : memref<20000x64xf32, #tpu.memory_space<hbm>> -> memref<20000x64xf32, #tpu.memory_space<hbm>>
        tpu.enqueue_indirect_dma source(%dma_start3A_304 : memref<20000x64xf32, #tpu.memory_space<hbm>>) target(%dma_start3A_298 : memref<128x64xf32, #tpu.memory_space<vmem>>) offsets(%dma_start3A_301 : memref<128xi32, #tpu.memory_space<vmem>>) semaphore(%arg12 : memref<!tpu.dma_semaphore, #tpu.memory_space<semaphore_mem>>)
      } else {
      }
    }
    %scan3A_97 = arith.constant 20 : i32
    %barrier3A_98 = arith.constant 0 : index
    tpu.barrier barrier_id(%barrier3A_98)
    %mul3A_99 = arith.constant 640 : i32
    %mul3A_100 = arith.muli %arg1, %mul3A_99 : i32
    %mul3A_101 = arith.constant 640 : i32
    %mul3A_102 = arith.muli %arg1, %mul3A_101 : i32
    "tpu.region"() ({
      %run_scoped3A_205 = tpu.sem_alloc : memref<!tpu.dma_semaphore, #tpu.memory_space<semaphore_mem>>
      %dma_start3A_206 = arith.constant 0 : i32
      %dma_start3A_207 = tpu.memref_slice %arg4[%arg0, %mul3A_102, %dma_start3A_206] : memref<2x10240x128xf32, #tpu.memory_space<hbm>> -> memref<1x640x64xf32, #tpu.memory_space<hbm>>
      %dma_start3A_208 = tpu.memref_squeeze %dma_start3A_207 : memref<1x640x64xf32, #tpu.memory_space<hbm>> -> memref<640x64xf32, #tpu.memory_space<hbm>>
      %dma_start3A_209 = arith.constant 0 : i32
      %dma_start3A_210 = tpu.memref_slice %arg8[%mul3A_100, %dma_start3A_209] : memref<10240x64xf32, #tpu.memory_space<vmem_shared>> -> memref<640x64xf32, #tpu.memory_space<vmem_shared>>
      tpu.enqueue_dma source(%dma_start3A_210 : memref<640x64xf32, #tpu.memory_space<vmem_shared>>) target(%dma_start3A_208 : memref<640x64xf32, #tpu.memory_space<hbm>>) target_semaphore(%run_scoped3A_205 : memref<!tpu.dma_semaphore, #tpu.memory_space<semaphore_mem>>)
      %dma_wait3A = arith.constant 0 : i32
      %dma_wait3A_211 = tpu.memref_slice %arg4[%arg0, %mul3A_102, %dma_wait3A] : memref<2x10240x128xf32, #tpu.memory_space<hbm>> -> memref<1x640x64xf32, #tpu.memory_space<hbm>>
      %dma_wait3A_212 = tpu.memref_squeeze %dma_wait3A_211 : memref<1x640x64xf32, #tpu.memory_space<hbm>> -> memref<640x64xf32, #tpu.memory_space<hbm>>
      %dma_wait3A_213 = arith.constant 0 : i32
      %dma_wait3A_214 = tpu.memref_slice %arg8[%mul3A_100, %dma_wait3A_213] : memref<10240x64xf32, #tpu.memory_space<vmem_shared>> -> memref<640x64xf32, #tpu.memory_space<vmem_shared>>
      tpu.wait_dma2 semaphore(%run_scoped3A_205 : memref<!tpu.dma_semaphore, #tpu.memory_space<semaphore_mem>>) src(%dma_wait3A_214 : memref<640x64xf32, #tpu.memory_space<vmem_shared>>) dst(%dma_wait3A_212 : memref<640x64xf32, #tpu.memory_space<hbm>>)
      tpu.yield
    }) : () -> ()
    %run_scoped3A_103 = arith.constant 1 : i32
    "tpu.region"() ({
      %run_scoped3A_205 = tpu.sem_alloc : memref<!tpu.dma_semaphore, #tpu.memory_space<semaphore_mem>>
      %dma_start3A_206 = arith.constant 0 : i32
      %dma_start3A_207 = tpu.memref_slice %arg3[%run_scoped3A_103, %mul3A_2, %dma_start3A_206] : memref<3x2560x128xi32, #tpu.memory_space<hbm>> -> memref<1x80x128xi32, #tpu.memory_space<hbm>>
      %dma_start3A_208 = tpu.memref_squeeze %dma_start3A_207 : memref<1x80x128xi32, #tpu.memory_space<hbm>> -> memref<80x128xi32, #tpu.memory_space<hbm>>
      %dma_start3A_209 = arith.constant 0 : i32
      %dma_start3A_210 = tpu.memref_slice %arg3[%run_scoped3A_103, %mul3A_2, %dma_start3A_209] : memref<3x2560x128xi32, #tpu.memory_space<hbm>> -> memref<1x80x128xi32, #tpu.memory_space<hbm>>
      %dma_start3A_211 = tpu.memref_squeeze %dma_start3A_210 : memref<1x80x128xi32, #tpu.memory_space<hbm>> -> memref<80x128xi32, #tpu.memory_space<hbm>>
      tpu.enqueue_dma source(%dma_start3A_211 : memref<80x128xi32, #tpu.memory_space<hbm>>) target(%arg5 : memref<80x128xi32, #tpu.memory_space<vmem>>) target_semaphore(%run_scoped3A_205 : memref<!tpu.dma_semaphore, #tpu.memory_space<semaphore_mem>>)
      %dma_wait3A = arith.constant 0 : i32
      %dma_wait3A_212 = tpu.memref_slice %arg3[%run_scoped3A_103, %mul3A_2, %dma_wait3A] : memref<3x2560x128xi32, #tpu.memory_space<hbm>> -> memref<1x80x128xi32, #tpu.memory_space<hbm>>
      %dma_wait3A_213 = tpu.memref_squeeze %dma_wait3A_212 : memref<1x80x128xi32, #tpu.memory_space<hbm>> -> memref<80x128xi32, #tpu.memory_space<hbm>>
      %dma_wait3A_214 = arith.constant 0 : i32
      %dma_wait3A_215 = tpu.memref_slice %arg3[%run_scoped3A_103, %mul3A_2, %dma_wait3A_214] : memref<3x2560x128xi32, #tpu.memory_space<hbm>> -> memref<1x80x128xi32, #tpu.memory_space<hbm>>
      %dma_wait3A_216 = tpu.memref_squeeze %dma_wait3A_215 : memref<1x80x128xi32, #tpu.memory_space<hbm>> -> memref<80x128xi32, #tpu.memory_space<hbm>>
      tpu.wait_dma2 semaphore(%run_scoped3A_205 : memref<!tpu.dma_semaphore, #tpu.memory_space<semaphore_mem>>) src(%dma_wait3A_216 : memref<80x128xi32, #tpu.memory_space<hbm>>) dst(%arg5 : memref<80x128xi32, #tpu.memory_space<vmem>>)
      tpu.yield
    }) : () -> ()
    %scan3A_104 = arith.constant 0 : i32
    %scan3A_105 = arith.constant 0 : i32
    %scan3A_106 = arith.constant 128 : i32
    %scan3A_107 = arith.addi %scan3A_105, %scan3A_106 : i32
    %scan3A_108 = arith.constant 1 : i32
    scf.for %scan3A_205 = %scan3A_105 to %scan3A_107 step %scan3A_108  : i32 {
      %swap3A = arith.constant 0 : i32
      %swap3A_206 = arith.index_cast %swap3A : i32 to index
      %swap3A_207 = arith.index_cast %scan3A_205 : i32 to index
      %swap3A_208 = arith.constant 0 : index
      %swap3A_209 = tpu.vector_load %arg7[%swap3A_206, %swap3A_207, %swap3A_208] {strides = array<i32>} : memref<4x128x64xf32, #tpu.memory_space<vmem>>, vector<1x1x16xf32>,
      %swap3A_210 = vector.shape_cast %swap3A_209 : vector<1x1x16xf32> to vector<16xf32>
      %swap3A_211 = vector.shape_cast %broadcast_in_dim3A_3 : vector<16xf32> to vector<1x1x16xf32>
      tpu.vector_store %arg7[%swap3A_206, %swap3A_207, %swap3A_208], %swap3A_211 {strides = array<i32>} : memref<4x128x64xf32, #tpu.memory_space<vmem>>, vector<1x1x16xf32>,
      %swap3A_212 = arith.constant 0 : i32
      %swap3A_213 = arith.index_cast %swap3A_212 : i32 to index
      %swap3A_214 = arith.index_cast %scan3A_205 : i32 to index
      %swap3A_215 = arith.constant 16 : index
      %swap3A_216 = tpu.vector_load %arg7[%swap3A_213, %swap3A_214, %swap3A_215] {strides = array<i32>} : memref<4x128x64xf32, #tpu.memory_space<vmem>>, vector<1x1x16xf32>,
      %swap3A_217 = vector.shape_cast %swap3A_216 : vector<1x1x16xf32> to vector<16xf32>
      %swap3A_218 = vector.shape_cast %broadcast_in_dim3A_3 : vector<16xf32> to vector<1x1x16xf32>
      tpu.vector_store %arg7[%swap3A_213, %swap3A_214, %swap3A_215], %swap3A_218 {strides = array<i32>} : memref<4x128x64xf32, #tpu.memory_space<vmem>>, vector<1x1x16xf32>,
      %swap3A_219 = arith.constant 0 : i32
      %swap3A_220 = arith.index_cast %swap3A_219 : i32 to index
      %swap3A_221 = arith.index_cast %scan3A_205 : i32 to index
      %swap3A_222 = arith.constant 32 : index
      %swap3A_223 = tpu.vector_load %arg7[%swap3A_220, %swap3A_221, %swap3A_222] {strides = array<i32>} : memref<4x128x64xf32, #tpu.memory_space<vmem>>, vector<1x1x16xf32>,
      %swap3A_224 = vector.shape_cast %swap3A_223 : vector<1x1x16xf32> to vector<16xf32>
      %swap3A_225 = vector.shape_cast %broadcast_in_dim3A_3 : vector<16xf32> to vector<1x1x16xf32>
      tpu.vector_store %arg7[%swap3A_220, %swap3A_221, %swap3A_222], %swap3A_225 {strides = array<i32>} : memref<4x128x64xf32, #tpu.memory_space<vmem>>, vector<1x1x16xf32>,
      %swap3A_226 = arith.constant 0 : i32
      %swap3A_227 = arith.index_cast %swap3A_226 : i32 to index
      %swap3A_228 = arith.index_cast %scan3A_205 : i32 to index
      %swap3A_229 = arith.constant 48 : index
      %swap3A_230 = tpu.vector_load %arg7[%swap3A_227, %swap3A_228, %swap3A_229] {strides = array<i32>} : memref<4x128x64xf32, #tpu.memory_space<vmem>>, vector<1x1x16xf32>,
      %swap3A_231 = vector.shape_cast %swap3A_230 : vector<1x1x16xf32> to vector<16xf32>
      %swap3A_232 = vector.shape_cast %broadcast_in_dim3A_3 : vector<16xf32> to vector<1x1x16xf32>
      tpu.vector_store %arg7[%swap3A_227, %swap3A_228, %swap3A_229], %swap3A_232 {strides = array<i32>} : memref<4x128x64xf32, #tpu.memory_space<vmem>>, vector<1x1x16xf32>,
    }
    %scan3A_109 = arith.constant 128 : i32
    %mul3A_110 = arith.constant 5 : i32
    %mul3A_111 = arith.muli %arg1, %mul3A_110 : i32
    %add3A_112 = arith.constant 0 : i32
    %add3A_113 = arith.addi %mul3A_111, %add3A_112 : i32
    %mul3A_114 = arith.constant 128 : i32
    %mul3A_115 = arith.muli %add3A_113, %mul3A_114 : i32
    %run_scoped3A_116 = arith.constant 0 : i32
    "tpu.region"() ({
      %run_scoped3A_205 = tpu.sem_alloc : memref<!tpu.dma_semaphore, #tpu.memory_space<semaphore_mem>>
      %dma_start3A_206 = arith.constant 0 : i32
      %dma_start3A_207 = arith.constant 0 : i32
      %dma_start3A_208 = tpu.memref_slice %arg7[%run_scoped3A_116, %dma_start3A_206, %dma_start3A_207] : memref<4x128x64xf32, #tpu.memory_space<vmem>> -> memref<1x128x64xf32, #tpu.memory_space<vmem>>
      %dma_start3A_209 = tpu.memref_squeeze %dma_start3A_208 : memref<1x128x64xf32, #tpu.memory_space<vmem>> -> memref<128x64xf32, #tpu.memory_space<vmem>>
      %dma_start3A_210 = arith.constant 0 : i32
      %dma_start3A_211 = tpu.memref_slice %arg8[%mul3A_115, %dma_start3A_210] : memref<10240x64xf32, #tpu.memory_space<vmem_shared>> -> memref<128x64xf32, #tpu.memory_space<vmem_shared>>
      %dma_start3A_212 = arith.constant 0 : i32
      %dma_start3A_213 = tpu.memref_slice %arg8[%mul3A_115, %dma_start3A_212] : memref<10240x64xf32, #tpu.memory_space<vmem_shared>> -> memref<128x64xf32, #tpu.memory_space<vmem_shared>>
      %dma_start3A_214 = arith.constant 0 : i32
      %dma_start3A_215 = arith.constant 0 : i32
      %dma_start3A_216 = tpu.memref_slice %arg7[%run_scoped3A_116, %dma_start3A_214, %dma_start3A_215] : memref<4x128x64xf32, #tpu.memory_space<vmem>> -> memref<1x128x64xf32, #tpu.memory_space<vmem>>
      %dma_start3A_217 = tpu.memref_squeeze %dma_start3A_216 : memref<1x128x64xf32, #tpu.memory_space<vmem>> -> memref<128x64xf32, #tpu.memory_space<vmem>>
      tpu.enqueue_dma source(%dma_start3A_217 : memref<128x64xf32, #tpu.memory_space<vmem>>) target(%dma_start3A_213 : memref<128x64xf32, #tpu.memory_space<vmem_shared>>) target_semaphore(%run_scoped3A_205 : memref<!tpu.dma_semaphore, #tpu.memory_space<semaphore_mem>>)
      %dma_wait3A = arith.constant 0 : i32
      %dma_wait3A_218 = arith.constant 0 : i32
      %dma_wait3A_219 = tpu.memref_slice %arg7[%run_scoped3A_116, %dma_wait3A, %dma_wait3A_218] : memref<4x128x64xf32, #tpu.memory_space<vmem>> -> memref<1x128x64xf32, #tpu.memory_space<vmem>>
      %dma_wait3A_220 = tpu.memref_squeeze %dma_wait3A_219 : memref<1x128x64xf32, #tpu.memory_space<vmem>> -> memref<128x64xf32, #tpu.memory_space<vmem>>
      %dma_wait3A_221 = arith.constant 0 : i32
      %dma_wait3A_222 = tpu.memref_slice %arg8[%mul3A_115, %dma_wait3A_221] : memref<10240x64xf32, #tpu.memory_space<vmem_shared>> -> memref<128x64xf32, #tpu.memory_space<vmem_shared>>
      %dma_wait3A_223 = arith.constant 0 : i32
      %dma_wait3A_224 = tpu.memref_slice %arg8[%mul3A_115, %dma_wait3A_223] : memref<10240x64xf32, #tpu.memory_space<vmem_shared>> -> memref<128x64xf32, #tpu.memory_space<vmem_shared>>
      %dma_wait3A_225 = arith.constant 0 : i32
      %dma_wait3A_226 = arith.constant 0 : i32
      %dma_wait3A_227 = tpu.memref_slice %arg7[%run_scoped3A_116, %dma_wait3A_225, %dma_wait3A_226] : memref<4x128x64xf32, #tpu.memory_space<vmem>> -> memref<1x128x64xf32, #tpu.memory_space<vmem>>
      %dma_wait3A_228 = tpu.memref_squeeze %dma_wait3A_227 : memref<1x128x64xf32, #tpu.memory_space<vmem>> -> memref<128x64xf32, #tpu.memory_space<vmem>>
      tpu.wait_dma2 semaphore(%run_scoped3A_205 : memref<!tpu.dma_semaphore, #tpu.memory_space<semaphore_mem>>) src(%dma_wait3A_228 : memref<128x64xf32, #tpu.memory_space<vmem>>) dst(%dma_wait3A_224 : memref<128x64xf32, #tpu.memory_space<vmem_shared>>)
      tpu.yield
    }) : () -> ()
    %mul3A_117 = arith.constant 5 : i32
    %mul3A_118 = arith.muli %arg1, %mul3A_117 : i32
    %add3A_119 = arith.constant 1 : i32
    %add3A_120 = arith.addi %mul3A_118, %add3A_119 : i32
    %mul3A_121 = arith.constant 128 : i32
    %mul3A_122 = arith.muli %add3A_120, %mul3A_121 : i32
    %run_scoped3A_123 = arith.constant 0 : i32
    "tpu.region"() ({
      %run_scoped3A_205 = tpu.sem_alloc : memref<!tpu.dma_semaphore, #tpu.memory_space<semaphore_mem>>
      %dma_start3A_206 = arith.constant 0 : i32
      %dma_start3A_207 = arith.constant 0 : i32
      %dma_start3A_208 = tpu.memref_slice %arg7[%run_scoped3A_123, %dma_start3A_206, %dma_start3A_207] : memref<4x128x64xf32, #tpu.memory_space<vmem>> -> memref<1x128x64xf32, #tpu.memory_space<vmem>>
      %dma_start3A_209 = tpu.memref_squeeze %dma_start3A_208 : memref<1x128x64xf32, #tpu.memory_space<vmem>> -> memref<128x64xf32, #tpu.memory_space<vmem>>
      %dma_start3A_210 = arith.constant 0 : i32
      %dma_start3A_211 = tpu.memref_slice %arg8[%mul3A_122, %dma_start3A_210] : memref<10240x64xf32, #tpu.memory_space<vmem_shared>> -> memref<128x64xf32, #tpu.memory_space<vmem_shared>>
      %dma_start3A_212 = arith.constant 0 : i32
      %dma_start3A_213 = tpu.memref_slice %arg8[%mul3A_122, %dma_start3A_212] : memref<10240x64xf32, #tpu.memory_space<vmem_shared>> -> memref<128x64xf32, #tpu.memory_space<vmem_shared>>
      %dma_start3A_214 = arith.constant 0 : i32
      %dma_start3A_215 = arith.constant 0 : i32
      %dma_start3A_216 = tpu.memref_slice %arg7[%run_scoped3A_123, %dma_start3A_214, %dma_start3A_215] : memref<4x128x64xf32, #tpu.memory_space<vmem>> -> memref<1x128x64xf32, #tpu.memory_space<vmem>>
      %dma_start3A_217 = tpu.memref_squeeze %dma_start3A_216 : memref<1x128x64xf32, #tpu.memory_space<vmem>> -> memref<128x64xf32, #tpu.memory_space<vmem>>
      tpu.enqueue_dma source(%dma_start3A_217 : memref<128x64xf32, #tpu.memory_space<vmem>>) target(%dma_start3A_213 : memref<128x64xf32, #tpu.memory_space<vmem_shared>>) target_semaphore(%run_scoped3A_205 : memref<!tpu.dma_semaphore, #tpu.memory_space<semaphore_mem>>)
      %dma_wait3A = arith.constant 0 : i32
      %dma_wait3A_218 = arith.constant 0 : i32
      %dma_wait3A_219 = tpu.memref_slice %arg7[%run_scoped3A_123, %dma_wait3A, %dma_wait3A_218] : memref<4x128x64xf32, #tpu.memory_space<vmem>> -> memref<1x128x64xf32, #tpu.memory_space<vmem>>
      %dma_wait3A_220 = tpu.memref_squeeze %dma_wait3A_219 : memref<1x128x64xf32, #tpu.memory_space<vmem>> -> memref<128x64xf32, #tpu.memory_space<vmem>>
      %dma_wait3A_221 = arith.constant 0 : i32
      %dma_wait3A_222 = tpu.memref_slice %arg8[%mul3A_122, %dma_wait3A_221] : memref<10240x64xf32, #tpu.memory_space<vmem_shared>> -> memref<128x64xf32, #tpu.memory_space<vmem_shared>>
      %dma_wait3A_223 = arith.constant 0 : i32
      %dma_wait3A_224 = tpu.memref_slice %arg8[%mul3A_122, %dma_wait3A_223] : memref<10240x64xf32, #tpu.memory_space<vmem_shared>> -> memref<128x64xf32, #tpu.memory_space<vmem_shared>>
      %dma_wait3A_225 = arith.constant 0 : i32
      %dma_wait3A_226 = arith.constant 0 : i32
      %dma_wait3A_227 = tpu.memref_slice %arg7[%run_scoped3A_123, %dma_wait3A_225, %dma_wait3A_226] : memref<4x128x64xf32, #tpu.memory_space<vmem>> -> memref<1x128x64xf32, #tpu.memory_space<vmem>>
      %dma_wait3A_228 = tpu.memref_squeeze %dma_wait3A_227 : memref<1x128x64xf32, #tpu.memory_space<vmem>> -> memref<128x64xf32, #tpu.memory_space<vmem>>
      tpu.wait_dma2 semaphore(%run_scoped3A_205 : memref<!tpu.dma_semaphore, #tpu.memory_space<semaphore_mem>>) src(%dma_wait3A_228 : memref<128x64xf32, #tpu.memory_space<vmem>>) dst(%dma_wait3A_224 : memref<128x64xf32, #tpu.memory_space<vmem_shared>>)
      tpu.yield
    }) : () -> ()
    %mul3A_124 = arith.constant 5 : i32
    %mul3A_125 = arith.muli %arg1, %mul3A_124 : i32
    %add3A_126 = arith.constant 2 : i32
    %add3A_127 = arith.addi %mul3A_125, %add3A_126 : i32
    %mul3A_128 = arith.constant 128 : i32
    %mul3A_129 = arith.muli %add3A_127, %mul3A_128 : i32
    %run_scoped3A_130 = arith.constant 0 : i32
    "tpu.region"() ({
      %run_scoped3A_205 = tpu.sem_alloc : memref<!tpu.dma_semaphore, #tpu.memory_space<semaphore_mem>>
      %dma_start3A_206 = arith.constant 0 : i32
      %dma_start3A_207 = arith.constant 0 : i32
      %dma_start3A_208 = tpu.memref_slice %arg7[%run_scoped3A_130, %dma_start3A_206, %dma_start3A_207] : memref<4x128x64xf32, #tpu.memory_space<vmem>> -> memref<1x128x64xf32, #tpu.memory_space<vmem>>
      %dma_start3A_209 = tpu.memref_squeeze %dma_start3A_208 : memref<1x128x64xf32, #tpu.memory_space<vmem>> -> memref<128x64xf32, #tpu.memory_space<vmem>>
      %dma_start3A_210 = arith.constant 0 : i32
      %dma_start3A_211 = tpu.memref_slice %arg8[%mul3A_129, %dma_start3A_210] : memref<10240x64xf32, #tpu.memory_space<vmem_shared>> -> memref<128x64xf32, #tpu.memory_space<vmem_shared>>
      %dma_start3A_212 = arith.constant 0 : i32
      %dma_start3A_213 = tpu.memref_slice %arg8[%mul3A_129, %dma_start3A_212] : memref<10240x64xf32, #tpu.memory_space<vmem_shared>> -> memref<128x64xf32, #tpu.memory_space<vmem_shared>>
      %dma_start3A_214 = arith.constant 0 : i32
      %dma_start3A_215 = arith.constant 0 : i32
      %dma_start3A_216 = tpu.memref_slice %arg7[%run_scoped3A_130, %dma_start3A_214, %dma_start3A_215] : memref<4x128x64xf32, #tpu.memory_space<vmem>> -> memref<1x128x64xf32, #tpu.memory_space<vmem>>
      %dma_start3A_217 = tpu.memref_squeeze %dma_start3A_216 : memref<1x128x64xf32, #tpu.memory_space<vmem>> -> memref<128x64xf32, #tpu.memory_space<vmem>>
      tpu.enqueue_dma source(%dma_start3A_217 : memref<128x64xf32, #tpu.memory_space<vmem>>) target(%dma_start3A_213 : memref<128x64xf32, #tpu.memory_space<vmem_shared>>) target_semaphore(%run_scoped3A_205 : memref<!tpu.dma_semaphore, #tpu.memory_space<semaphore_mem>>)
      %dma_wait3A = arith.constant 0 : i32
      %dma_wait3A_218 = arith.constant 0 : i32
      %dma_wait3A_219 = tpu.memref_slice %arg7[%run_scoped3A_130, %dma_wait3A, %dma_wait3A_218] : memref<4x128x64xf32, #tpu.memory_space<vmem>> -> memref<1x128x64xf32, #tpu.memory_space<vmem>>
      %dma_wait3A_220 = tpu.memref_squeeze %dma_wait3A_219 : memref<1x128x64xf32, #tpu.memory_space<vmem>> -> memref<128x64xf32, #tpu.memory_space<vmem>>
      %dma_wait3A_221 = arith.constant 0 : i32
      %dma_wait3A_222 = tpu.memref_slice %arg8[%mul3A_129, %dma_wait3A_221] : memref<10240x64xf32, #tpu.memory_space<vmem_shared>> -> memref<128x64xf32, #tpu.memory_space<vmem_shared>>
      %dma_wait3A_223 = arith.constant 0 : i32
      %dma_wait3A_224 = tpu.memref_slice %arg8[%mul3A_129, %dma_wait3A_223] : memref<10240x64xf32, #tpu.memory_space<vmem_shared>> -> memref<128x64xf32, #tpu.memory_space<vmem_shared>>
      %dma_wait3A_225 = arith.constant 0 : i32
      %dma_wait3A_226 = arith.constant 0 : i32
      %dma_wait3A_227 = tpu.memref_slice %arg7[%run_scoped3A_130, %dma_wait3A_225, %dma_wait3A_226] : memref<4x128x64xf32, #tpu.memory_space<vmem>> -> memref<1x128x64xf32, #tpu.memory_space<vmem>>
      %dma_wait3A_228 = tpu.memref_squeeze %dma_wait3A_227 : memref<1x128x64xf32, #tpu.memory_space<vmem>> -> memref<128x64xf32, #tpu.memory_space<vmem>>
      tpu.wait_dma2 semaphore(%run_scoped3A_205 : memref<!tpu.dma_semaphore, #tpu.memory_space<semaphore_mem>>) src(%dma_wait3A_228 : memref<128x64xf32, #tpu.memory_space<vmem>>) dst(%dma_wait3A_224 : memref<128x64xf32, #tpu.memory_space<vmem_shared>>)
      tpu.yield
    }) : () -> ()
    %mul3A_131 = arith.constant 5 : i32
    %mul3A_132 = arith.muli %arg1, %mul3A_131 : i32
    %add3A_133 = arith.constant 3 : i32
    %add3A_134 = arith.addi %mul3A_132, %add3A_133 : i32
    %mul3A_135 = arith.constant 128 : i32
    %mul3A_136 = arith.muli %add3A_134, %mul3A_135 : i32
    %run_scoped3A_137 = arith.constant 0 : i32
    "tpu.region"() ({
      %run_scoped3A_205 = tpu.sem_alloc : memref<!tpu.dma_semaphore, #tpu.memory_space<semaphore_mem>>
      %dma_start3A_206 = arith.constant 0 : i32
      %dma_start3A_207 = arith.constant 0 : i32
      %dma_start3A_208 = tpu.memref_slice %arg7[%run_scoped3A_137, %dma_start3A_206, %dma_start3A_207] : memref<4x128x64xf32, #tpu.memory_space<vmem>> -> memref<1x128x64xf32, #tpu.memory_space<vmem>>
      %dma_start3A_209 = tpu.memref_squeeze %dma_start3A_208 : memref<1x128x64xf32, #tpu.memory_space<vmem>> -> memref<128x64xf32, #tpu.memory_space<vmem>>
      %dma_start3A_210 = arith.constant 0 : i32
      %dma_start3A_211 = tpu.memref_slice %arg8[%mul3A_136, %dma_start3A_210] : memref<10240x64xf32, #tpu.memory_space<vmem_shared>> -> memref<128x64xf32, #tpu.memory_space<vmem_shared>>
      %dma_start3A_212 = arith.constant 0 : i32
      %dma_start3A_213 = tpu.memref_slice %arg8[%mul3A_136, %dma_start3A_212] : memref<10240x64xf32, #tpu.memory_space<vmem_shared>> -> memref<128x64xf32, #tpu.memory_space<vmem_shared>>
      %dma_start3A_214 = arith.constant 0 : i32
      %dma_start3A_215 = arith.constant 0 : i32
      %dma_start3A_216 = tpu.memref_slice %arg7[%run_scoped3A_137, %dma_start3A_214, %dma_start3A_215] : memref<4x128x64xf32, #tpu.memory_space<vmem>> -> memref<1x128x64xf32, #tpu.memory_space<vmem>>
      %dma_start3A_217 = tpu.memref_squeeze %dma_start3A_216 : memref<1x128x64xf32, #tpu.memory_space<vmem>> -> memref<128x64xf32, #tpu.memory_space<vmem>>
      tpu.enqueue_dma source(%dma_start3A_217 : memref<128x64xf32, #tpu.memory_space<vmem>>) target(%dma_start3A_213 : memref<128x64xf32, #tpu.memory_space<vmem_shared>>) target_semaphore(%run_scoped3A_205 : memref<!tpu.dma_semaphore, #tpu.memory_space<semaphore_mem>>)
      %dma_wait3A = arith.constant 0 : i32
      %dma_wait3A_218 = arith.constant 0 : i32
      %dma_wait3A_219 = tpu.memref_slice %arg7[%run_scoped3A_137, %dma_wait3A, %dma_wait3A_218] : memref<4x128x64xf32, #tpu.memory_space<vmem>> -> memref<1x128x64xf32, #tpu.memory_space<vmem>>
      %dma_wait3A_220 = tpu.memref_squeeze %dma_wait3A_219 : memref<1x128x64xf32, #tpu.memory_space<vmem>> -> memref<128x64xf32, #tpu.memory_space<vmem>>
      %dma_wait3A_221 = arith.constant 0 : i32
      %dma_wait3A_222 = tpu.memref_slice %arg8[%mul3A_136, %dma_wait3A_221] : memref<10240x64xf32, #tpu.memory_space<vmem_shared>> -> memref<128x64xf32, #tpu.memory_space<vmem_shared>>
      %dma_wait3A_223 = arith.constant 0 : i32
      %dma_wait3A_224 = tpu.memref_slice %arg8[%mul3A_136, %dma_wait3A_223] : memref<10240x64xf32, #tpu.memory_space<vmem_shared>> -> memref<128x64xf32, #tpu.memory_space<vmem_shared>>
      %dma_wait3A_225 = arith.constant 0 : i32
      %dma_wait3A_226 = arith.constant 0 : i32
      %dma_wait3A_227 = tpu.memref_slice %arg7[%run_scoped3A_137, %dma_wait3A_225, %dma_wait3A_226] : memref<4x128x64xf32, #tpu.memory_space<vmem>> -> memref<1x128x64xf32, #tpu.memory_space<vmem>>
      %dma_wait3A_228 = tpu.memref_squeeze %dma_wait3A_227 : memref<1x128x64xf32, #tpu.memory_space<vmem>> -> memref<128x64xf32, #tpu.memory_space<vmem>>
      tpu.wait_dma2 semaphore(%run_scoped3A_205 : memref<!tpu.dma_semaphore, #tpu.memory_space<semaphore_mem>>) src(%dma_wait3A_228 : memref<128x64xf32, #tpu.memory_space<vmem>>) dst(%dma_wait3A_224 : memref<128x64xf32, #tpu.memory_space<vmem_shared>>)
      tpu.yield
    }) : () -> ()
    %mul3A_138 = arith.constant 5 : i32
    %mul3A_139 = arith.muli %arg1, %mul3A_138 : i32
    %add3A_140 = arith.constant 4 : i32
    %add3A_141 = arith.addi %mul3A_139, %add3A_140 : i32
    %mul3A_142 = arith.constant 128 : i32
    %mul3A_143 = arith.muli %add3A_141, %mul3A_142 : i32
    %run_scoped3A_144 = arith.constant 0 : i32
    "tpu.region"() ({
      %run_scoped3A_205 = tpu.sem_alloc : memref<!tpu.dma_semaphore, #tpu.memory_space<semaphore_mem>>
      %dma_start3A_206 = arith.constant 0 : i32
      %dma_start3A_207 = arith.constant 0 : i32
      %dma_start3A_208 = tpu.memref_slice %arg7[%run_scoped3A_144, %dma_start3A_206, %dma_start3A_207] : memref<4x128x64xf32, #tpu.memory_space<vmem>> -> memref<1x128x64xf32, #tpu.memory_space<vmem>>
      %dma_start3A_209 = tpu.memref_squeeze %dma_start3A_208 : memref<1x128x64xf32, #tpu.memory_space<vmem>> -> memref<128x64xf32, #tpu.memory_space<vmem>>
      %dma_start3A_210 = arith.constant 0 : i32
      %dma_start3A_211 = tpu.memref_slice %arg8[%mul3A_143, %dma_start3A_210] : memref<10240x64xf32, #tpu.memory_space<vmem_shared>> -> memref<128x64xf32, #tpu.memory_space<vmem_shared>>
      %dma_start3A_212 = arith.constant 0 : i32
      %dma_start3A_213 = tpu.memref_slice %arg8[%mul3A_143, %dma_start3A_212] : memref<10240x64xf32, #tpu.memory_space<vmem_shared>> -> memref<128x64xf32, #tpu.memory_space<vmem_shared>>
      %dma_start3A_214 = arith.constant 0 : i32
      %dma_start3A_215 = arith.constant 0 : i32
      %dma_start3A_216 = tpu.memref_slice %arg7[%run_scoped3A_144, %dma_start3A_214, %dma_start3A_215] : memref<4x128x64xf32, #tpu.memory_space<vmem>> -> memref<1x128x64xf32, #tpu.memory_space<vmem>>
      %dma_start3A_217 = tpu.memref_squeeze %dma_start3A_216 : memref<1x128x64xf32, #tpu.memory_space<vmem>> -> memref<128x64xf32, #tpu.memory_space<vmem>>
      tpu.enqueue_dma source(%dma_start3A_217 : memref<128x64xf32, #tpu.memory_space<vmem>>) target(%dma_start3A_213 : memref<128x64xf32, #tpu.memory_space<vmem_shared>>) target_semaphore(%run_scoped3A_205 : memref<!tpu.dma_semaphore, #tpu.memory_space<semaphore_mem>>)
      %dma_wait3A = arith.constant 0 : i32
      %dma_wait3A_218 = arith.constant 0 : i32
      %dma_wait3A_219 = tpu.memref_slice %arg7[%run_scoped3A_144, %dma_wait3A, %dma_wait3A_218] : memref<4x128x64xf32, #tpu.memory_space<vmem>> -> memref<1x128x64xf32, #tpu.memory_space<vmem>>
      %dma_wait3A_220 = tpu.memref_squeeze %dma_wait3A_219 : memref<1x128x64xf32, #tpu.memory_space<vmem>> -> memref<128x64xf32, #tpu.memory_space<vmem>>
      %dma_wait3A_221 = arith.constant 0 : i32
      %dma_wait3A_222 = tpu.memref_slice %arg8[%mul3A_143, %dma_wait3A_221] : memref<10240x64xf32, #tpu.memory_space<vmem_shared>> -> memref<128x64xf32, #tpu.memory_space<vmem_shared>>
      %dma_wait3A_223 = arith.constant 0 : i32
      %dma_wait3A_224 = tpu.memref_slice %arg8[%mul3A_143, %dma_wait3A_223] : memref<10240x64xf32, #tpu.memory_space<vmem_shared>> -> memref<128x64xf32, #tpu.memory_space<vmem_shared>>
      %dma_wait3A_225 = arith.constant 0 : i32
      %dma_wait3A_226 = arith.constant 0 : i32
      %dma_wait3A_227 = tpu.memref_slice %arg7[%run_scoped3A_144, %dma_wait3A_225, %dma_wait3A_226] : memref<4x128x64xf32, #tpu.memory_space<vmem>> -> memref<1x128x64xf32, #tpu.memory_space<vmem>>
      %dma_wait3A_228 = tpu.memref_squeeze %dma_wait3A_227 : memref<1x128x64xf32, #tpu.memory_space<vmem>> -> memref<128x64xf32, #tpu.memory_space<vmem>>
      tpu.wait_dma2 semaphore(%run_scoped3A_205 : memref<!tpu.dma_semaphore, #tpu.memory_space<semaphore_mem>>) src(%dma_wait3A_228 : memref<128x64xf32, #tpu.memory_space<vmem>>) dst(%dma_wait3A_224 : memref<128x64xf32, #tpu.memory_space<vmem_shared>>)
      tpu.yield
    }) : () -> ()
    %barrier3A_145 = arith.constant 0 : index
    tpu.barrier barrier_id(%barrier3A_145)
    %dma_start3A_146 = arith.constant 0 : i32
    %dma_start3A_147 = arith.constant 0 : i32
    %dma_start3A_148 = arith.constant 0 : i32
    %dma_start3A_149 = arith.constant 0 : i32
    %dma_start3A_150 = tpu.memref_slice %arg7[%dma_start3A_147, %dma_start3A_148, %dma_start3A_149] : memref<4x128x64xf32, #tpu.memory_space<vmem>> -> memref<1x128x64xf32, #tpu.memory_space<vmem>>
    %dma_start3A_151 = tpu.memref_squeeze %dma_start3A_150 : memref<1x128x64xf32, #tpu.memory_space<vmem>> -> memref<128x64xf32, #tpu.memory_space<vmem>>
    %dma_start3A_152 = arith.constant 0 : i32
    %dma_start3A_153 = tpu.memref_slice %arg5[%dma_start3A_146, %dma_start3A_152] : memref<80x128xi32, #tpu.memory_space<vmem>> -> memref<1x128xi32, #tpu.memory_space<vmem>>
    %dma_start3A_154 = tpu.memref_squeeze %dma_start3A_153 : memref<1x128xi32, #tpu.memory_space<vmem>> -> memref<128xi32, #tpu.memory_space<vmem>>
    %dma_start3A_155 = arith.constant 0 : i32
    %dma_start3A_156 = arith.constant 0 : i32
    %dma_start3A_157 = tpu.memref_slice %arg2[%dma_start3A_155, %dma_start3A_156] : memref<20000x64xf32, #tpu.memory_space<hbm>> -> memref<20000x64xf32, #tpu.memory_space<hbm>>
    tpu.enqueue_indirect_dma source(%dma_start3A_157 : memref<20000x64xf32, #tpu.memory_space<hbm>>) target(%dma_start3A_151 : memref<128x64xf32, #tpu.memory_space<vmem>>) offsets(%dma_start3A_154 : memref<128xi32, #tpu.memory_space<vmem>>) semaphore(%arg9 : memref<!tpu.dma_semaphore, #tpu.memory_space<semaphore_mem>>)
    %dma_start3A_158 = arith.constant 1 : i32
    %dma_start3A_159 = arith.constant 1 : i32
    %dma_start3A_160 = arith.constant 0 : i32
    %dma_start3A_161 = arith.constant 0 : i32
    %dma_start3A_162 = tpu.memref_slice %arg7[%dma_start3A_159, %dma_start3A_160, %dma_start3A_161] : memref<4x128x64xf32, #tpu.memory_space<vmem>> -> memref<1x128x64xf32, #tpu.memory_space<vmem>>
    %dma_start3A_163 = tpu.memref_squeeze %dma_start3A_162 : memref<1x128x64xf32, #tpu.memory_space<vmem>> -> memref<128x64xf32, #tpu.memory_space<vmem>>
    %dma_start3A_164 = arith.constant 0 : i32
    %dma_start3A_165 = tpu.memref_slice %arg5[%dma_start3A_158, %dma_start3A_164] : memref<80x128xi32, #tpu.memory_space<vmem>> -> memref<1x128xi32, #tpu.memory_space<vmem>>
    %dma_start3A_166 = tpu.memref_squeeze %dma_start3A_165 : memref<1x128xi32, #tpu.memory_space<vmem>> -> memref<128xi32, #tpu.memory_space<vmem>>
    %dma_start3A_167 = arith.constant 0 : i32
    %dma_start3A_168 = arith.constant 0 : i32
    %dma_start3A_169 = tpu.memref_slice %arg2[%dma_start3A_167, %dma_start3A_168] : memref<20000x64xf32, #tpu.memory_space<hbm>> -> memref<20000x64xf32, #tpu.memory_space<hbm>>
    tpu.enqueue_indirect_dma source(%dma_start3A_169 : memref<20000x64xf32, #tpu.memory_space<hbm>>) target(%dma_start3A_163 : memref<128x64xf32, #tpu.memory_space<vmem>>) offsets(%dma_start3A_166 : memref<128xi32, #tpu.memory_space<vmem>>) semaphore(%arg10 : memref<!tpu.dma_semaphore, #tpu.memory_space<semaphore_mem>>)
    %dma_start3A_170 = arith.constant 2 : i32
    %dma_start3A_171 = arith.constant 2 : i32
    %dma_start3A_172 = arith.constant 0 : i32
    %dma_start3A_173 = arith.constant 0 : i32
    %dma_start3A_174 = tpu.memref_slice %arg7[%dma_start3A_171, %dma_start3A_172, %dma_start3A_173] : memref<4x128x64xf32, #tpu.memory_space<vmem>> -> memref<1x128x64xf32, #tpu.memory_space<vmem>>
    %dma_start3A_175 = tpu.memref_squeeze %dma_start3A_174 : memref<1x128x64xf32, #tpu.memory_space<vmem>> -> memref<128x64xf32, #tpu.memory_space<vmem>>
    %dma_start3A_176 = arith.constant 0 : i32
    %dma_start3A_177 = tpu.memref_slice %arg5[%dma_start3A_170, %dma_start3A_176] : memref<80x128xi32, #tpu.memory_space<vmem>> -> memref<1x128xi32, #tpu.memory_space<vmem>>
    %dma_start3A_178 = tpu.memref_squeeze %dma_start3A_177 : memref<1x128xi32, #tpu.memory_space<vmem>> -> memref<128xi32, #tpu.memory_space<vmem>>
    %dma_start3A_179 = arith.constant 0 : i32
    %dma_start3A_180 = arith.constant 0 : i32
    %dma_start3A_181 = tpu.memref_slice %arg2[%dma_start3A_179, %dma_start3A_180] : memref<20000x64xf32, #tpu.memory_space<hbm>> -> memref<20000x64xf32, #tpu.memory_space<hbm>>
    tpu.enqueue_indirect_dma source(%dma_start3A_181 : memref<20000x64xf32, #tpu.memory_space<hbm>>) target(%dma_start3A_175 : memref<128x64xf32, #tpu.memory_space<vmem>>) offsets(%dma_start3A_178 : memref<128xi32, #tpu.memory_space<vmem>>) semaphore(%arg11 : memref<!tpu.dma_semaphore, #tpu.memory_space<semaphore_mem>>)
    %dma_start3A_182 = arith.constant 3 : i32
    %dma_start3A_183 = arith.constant 3 : i32
    %dma_start3A_184 = arith.constant 0 : i32
    %dma_start3A_185 = arith.constant 0 : i32
    %dma_start3A_186 = tpu.memref_slice %arg7[%dma_start3A_183, %dma_start3A_184, %dma_start3A_185] : memref<4x128x64xf32, #tpu.memory_space<vmem>> -> memref<1x128x64xf32, #tpu.memory_space<vmem>>
    %dma_start3A_187 = tpu.memref_squeeze %dma_start3A_186 : memref<1x128x64xf32, #tpu.memory_space<vmem>> -> memref<128x64xf32, #tpu.memory_space<vmem>>
    %dma_start3A_188 = arith.constant 0 : i32
    %dma_start3A_189 = tpu.memref_slice %arg5[%dma_start3A_182, %dma_start3A_188] : memref<80x128xi32, #tpu.memory_space<vmem>> -> memref<1x128xi32, #tpu.memory_space<vmem>>
    %dma_start3A_190 = tpu.memref_squeeze %dma_start3A_189 : memref<1x128xi32, #tpu.memory_space<vmem>> -> memref<128xi32, #tpu.memory_space<vmem>>
    %dma_start3A_191 = arith.constant 0 : i32
    %dma_start3A_192 = arith.constant 0 : i32
    %dma_start3A_193 = tpu.memref_slice %arg2[%dma_start3A_191, %dma_start3A_192] : memref<20000x64xf32, #tpu.memory_space<hbm>> -> memref<20000x64xf32, #tpu.memory_space<hbm>>
    tpu.enqueue_indirect_dma source(%dma_start3A_193 : memref<20000x64xf32, #tpu.memory_space<hbm>>) target(%dma_start3A_187 : memref<128x64xf32, #tpu.memory_space<vmem>>) offsets(%dma_start3A_190 : memref<128xi32, #tpu.memory_space<vmem>>) semaphore(%arg12 : memref<!tpu.dma_semaphore, #tpu.memory_space<semaphore_mem>>)
    %scan3A_194 = arith.constant 0 : i32
    %scan3A_195 = arith.constant 0 : i32
    %scan3A_196 = arith.constant 20 : i32
    %scan3A_197 = arith.addi %scan3A_195, %scan3A_196 : i32
    %scan3A_198 = arith.constant 1 : i32
    scf.for %scan3A_205 = %scan3A_195 to %scan3A_197 step %scan3A_198  : i32 {
      %mul3A_206 = arith.constant 4 : i32
      %mul3A_207 = arith.muli %scan3A_205, %mul3A_206 : i32
      %add3A_208 = arith.constant 0 : i32
      %add3A_209 = arith.addi %mul3A_207, %add3A_208 : i32
      %dma_wait3A = arith.constant 0 : i32
      %dma_wait3A_210 = arith.constant 0 : i32
      %dma_wait3A_211 = arith.constant 0 : i32
      %dma_wait3A_212 = tpu.memref_slice %arg7[%dma_wait3A, %dma_wait3A_210, %dma_wait3A_211] : memref<4x128x64xf32, #tpu.memory_space<vmem>> -> memref<1x128x64xf32, #tpu.memory_space<vmem>>
      %dma_wait3A_213 = tpu.memref_squeeze %dma_wait3A_212 : memref<1x128x64xf32, #tpu.memory_space<vmem>> -> memref<128x64xf32, #tpu.memory_space<vmem>>
      %dma_wait3A_214 = arith.constant 0 : i32
      %dma_wait3A_215 = tpu.memref_slice %arg5[%add3A_209, %dma_wait3A_214] : memref<80x128xi32, #tpu.memory_space<vmem>> -> memref<1x128xi32, #tpu.memory_space<vmem>>
      %dma_wait3A_216 = tpu.memref_squeeze %dma_wait3A_215 : memref<1x128xi32, #tpu.memory_space<vmem>> -> memref<128xi32, #tpu.memory_space<vmem>>
      %dma_wait3A_217 = arith.constant 0 : i32
      %dma_wait3A_218 = arith.constant 0 : i32
      %dma_wait3A_219 = tpu.memref_slice %arg2[%dma_wait3A_217, %dma_wait3A_218] : memref<20000x64xf32, #tpu.memory_space<hbm>> -> memref<20000x64xf32, #tpu.memory_space<hbm>>
      tpu.wait_indirect_dma semaphore(%arg9 : memref<!tpu.dma_semaphore, #tpu.memory_space<semaphore_mem>>) src(%dma_wait3A_219 : memref<20000x64xf32, #tpu.memory_space<hbm>>) dst(%dma_wait3A_213 : memref<128x64xf32, #tpu.memory_space<vmem>>)
      %run_scoped3A_220 = arith.constant 0 : i32
      "tpu.region"() ({
        %run_scoped3A_294 = tpu.sem_alloc : memref<!tpu.dma_semaphore, #tpu.memory_space<semaphore_mem>>
        %dma_start3A_295 = arith.constant 0 : i32
        %dma_start3A_296 = arith.constant 0 : i32
        %dma_start3A_297 = tpu.memref_slice %arg7[%run_scoped3A_220, %dma_start3A_295, %dma_start3A_296] : memref<4x128x64xf32, #tpu.memory_space<vmem>> -> memref<1x128x64xf32, #tpu.memory_space<vmem>>
        %dma_start3A_298 = tpu.memref_squeeze %dma_start3A_297 : memref<1x128x64xf32, #tpu.memory_space<vmem>> -> memref<128x64xf32, #tpu.memory_space<vmem>>
        %dma_start3A_299 = arith.constant 0 : i32
        %dma_start3A_300 = tpu.memref_slice %arg6[%add3A_209, %dma_start3A_299] : memref<80x128xi32, #tpu.memory_space<vmem>> -> memref<1x128xi32, #tpu.memory_space<vmem>>
        %dma_start3A_301 = tpu.memref_squeeze %dma_start3A_300 : memref<1x128xi32, #tpu.memory_space<vmem>> -> memref<128xi32, #tpu.memory_space<vmem>>
        %dma_start3A_302 = arith.constant 0 : i32
        %dma_start3A_303 = arith.constant 0 : i32
        %dma_start3A_304 = tpu.memref_slice %arg8[%dma_start3A_302, %dma_start3A_303] : memref<10240x64xf32, #tpu.memory_space<vmem_shared>> -> memref<10240x64xf32, #tpu.memory_space<vmem_shared>>
        tpu.enqueue_indirect_dma source(%dma_start3A_298 : memref<128x64xf32, #tpu.memory_space<vmem>>) target(%dma_start3A_304 : memref<10240x64xf32, #tpu.memory_space<vmem_shared>>) offsets(%dma_start3A_301 : memref<128xi32, #tpu.memory_space<vmem>>) semaphore(%run_scoped3A_294 : memref<!tpu.dma_semaphore, #tpu.memory_space<semaphore_mem>>) {add = true}
        %dma_wait3A_305 = arith.constant 0 : i32
        %dma_wait3A_306 = arith.constant 0 : i32
        %dma_wait3A_307 = tpu.memref_slice %arg7[%run_scoped3A_220, %dma_wait3A_305, %dma_wait3A_306] : memref<4x128x64xf32, #tpu.memory_space<vmem>> -> memref<1x128x64xf32, #tpu.memory_space<vmem>>
        %dma_wait3A_308 = tpu.memref_squeeze %dma_wait3A_307 : memref<1x128x64xf32, #tpu.memory_space<vmem>> -> memref<128x64xf32, #tpu.memory_space<vmem>>
        %dma_wait3A_309 = arith.constant 0 : i32
        %dma_wait3A_310 = tpu.memref_slice %arg6[%add3A_209, %dma_wait3A_309] : memref<80x128xi32, #tpu.memory_space<vmem>> -> memref<1x128xi32, #tpu.memory_space<vmem>>
        %dma_wait3A_311 = tpu.memref_squeeze %dma_wait3A_310 : memref<1x128xi32, #tpu.memory_space<vmem>> -> memref<128xi32, #tpu.memory_space<vmem>>
        %dma_wait3A_312 = arith.constant 0 : i32
        %dma_wait3A_313 = arith.constant 0 : i32
        %dma_wait3A_314 = tpu.memref_slice %arg8[%dma_wait3A_312, %dma_wait3A_313] : memref<10240x64xf32, #tpu.memory_space<vmem_shared>> -> memref<10240x64xf32, #tpu.memory_space<vmem_shared>>
        tpu.wait_indirect_dma semaphore(%run_scoped3A_294 : memref<!tpu.dma_semaphore, #tpu.memory_space<semaphore_mem>>) src(%dma_wait3A_308 : memref<128x64xf32, #tpu.memory_space<vmem>>) dst(%dma_wait3A_314 : memref<10240x64xf32, #tpu.memory_space<vmem_shared>>)
        tpu.yield
      }) : () -> ()
      %add3A_221 = arith.constant 4 : i32
      %add3A_222 = arith.addi %add3A_209, %add3A_221 : i32
      %lt3A = arith.constant 80 : i32
      %lt3A_223 = arith.cmpi slt, %add3A_222, %lt3A : i32
      %convert_element_type3A = arith.extui %lt3A_223 : i1 to i32
      %cond3A = arith.constant 0 : i32
      %cond3A_224 = arith.cmpi ne, %convert_element_type3A, %cond3A : i32
      scf.if %cond3A_224 {
        %dma_start3A_294 = arith.constant 0 : i32
        %dma_start3A_295 = arith.constant 0 : i32
        %dma_start3A_296 = arith.constant 0 : i32
        %dma_start3A_297 = tpu.memref_slice %arg7[%dma_start3A_294, %dma_start3A_295, %dma_start3A_296] : memref<4x128x64xf32, #tpu.memory_space<vmem>> -> memref<1x128x64xf32, #tpu.memory_space<vmem>>
        %dma_start3A_298 = tpu.memref_squeeze %dma_start3A_297 : memref<1x128x64xf32, #tpu.memory_space<vmem>> -> memref<128x64xf32, #tpu.memory_space<vmem>>
        %dma_start3A_299 = arith.constant 0 : i32
        %dma_start3A_300 = tpu.memref_slice %arg5[%add3A_222, %dma_start3A_299] : memref<80x128xi32, #tpu.memory_space<vmem>> -> memref<1x128xi32, #tpu.memory_space<vmem>>
        %dma_start3A_301 = tpu.memref_squeeze %dma_start3A_300 : memref<1x128xi32, #tpu.memory_space<vmem>> -> memref<128xi32, #tpu.memory_space<vmem>>
        %dma_start3A_302 = arith.constant 0 : i32
        %dma_start3A_303 = arith.constant 0 : i32
        %dma_start3A_304 = tpu.memref_slice %arg2[%dma_start3A_302, %dma_start3A_303] : memref<20000x64xf32, #tpu.memory_space<hbm>> -> memref<20000x64xf32, #tpu.memory_space<hbm>>
        tpu.enqueue_indirect_dma source(%dma_start3A_304 : memref<20000x64xf32, #tpu.memory_space<hbm>>) target(%dma_start3A_298 : memref<128x64xf32, #tpu.memory_space<vmem>>) offsets(%dma_start3A_301 : memref<128xi32, #tpu.memory_space<vmem>>) semaphore(%arg9 : memref<!tpu.dma_semaphore, #tpu.memory_space<semaphore_mem>>)
      } else {
      }
      %mul3A_225 = arith.constant 4 : i32
      %mul3A_226 = arith.muli %scan3A_205, %mul3A_225 : i32
      %add3A_227 = arith.constant 1 : i32
      %add3A_228 = arith.addi %mul3A_226, %add3A_227 : i32
      %dma_wait3A_229 = arith.constant 1 : i32
      %dma_wait3A_230 = arith.constant 0 : i32
      %dma_wait3A_231 = arith.constant 0 : i32
      %dma_wait3A_232 = tpu.memref_slice %arg7[%dma_wait3A_229, %dma_wait3A_230, %dma_wait3A_231] : memref<4x128x64xf32, #tpu.memory_space<vmem>> -> memref<1x128x64xf32, #tpu.memory_space<vmem>>
      %dma_wait3A_233 = tpu.memref_squeeze %dma_wait3A_232 : memref<1x128x64xf32, #tpu.memory_space<vmem>> -> memref<128x64xf32, #tpu.memory_space<vmem>>
      %dma_wait3A_234 = arith.constant 0 : i32
      %dma_wait3A_235 = tpu.memref_slice %arg5[%add3A_228, %dma_wait3A_234] : memref<80x128xi32, #tpu.memory_space<vmem>> -> memref<1x128xi32, #tpu.memory_space<vmem>>
      %dma_wait3A_236 = tpu.memref_squeeze %dma_wait3A_235 : memref<1x128xi32, #tpu.memory_space<vmem>> -> memref<128xi32, #tpu.memory_space<vmem>>
      %dma_wait3A_237 = arith.constant 0 : i32
      %dma_wait3A_238 = arith.constant 0 : i32
      %dma_wait3A_239 = tpu.memref_slice %arg2[%dma_wait3A_237, %dma_wait3A_238] : memref<20000x64xf32, #tpu.memory_space<hbm>> -> memref<20000x64xf32, #tpu.memory_space<hbm>>
      tpu.wait_indirect_dma semaphore(%arg10 : memref<!tpu.dma_semaphore, #tpu.memory_space<semaphore_mem>>) src(%dma_wait3A_239 : memref<20000x64xf32, #tpu.memory_space<hbm>>) dst(%dma_wait3A_233 : memref<128x64xf32, #tpu.memory_space<vmem>>)
      %run_scoped3A_240 = arith.constant 1 : i32
      "tpu.region"() ({
        %run_scoped3A_294 = tpu.sem_alloc : memref<!tpu.dma_semaphore, #tpu.memory_space<semaphore_mem>>
        %dma_start3A_295 = arith.constant 0 : i32
        %dma_start3A_296 = arith.constant 0 : i32
        %dma_start3A_297 = tpu.memref_slice %arg7[%run_scoped3A_240, %dma_start3A_295, %dma_start3A_296] : memref<4x128x64xf32, #tpu.memory_space<vmem>> -> memref<1x128x64xf32, #tpu.memory_space<vmem>>
        %dma_start3A_298 = tpu.memref_squeeze %dma_start3A_297 : memref<1x128x64xf32, #tpu.memory_space<vmem>> -> memref<128x64xf32, #tpu.memory_space<vmem>>
        %dma_start3A_299 = arith.constant 0 : i32
        %dma_start3A_300 = tpu.memref_slice %arg6[%add3A_228, %dma_start3A_299] : memref<80x128xi32, #tpu.memory_space<vmem>> -> memref<1x128xi32, #tpu.memory_space<vmem>>
        %dma_start3A_301 = tpu.memref_squeeze %dma_start3A_300 : memref<1x128xi32, #tpu.memory_space<vmem>> -> memref<128xi32, #tpu.memory_space<vmem>>
        %dma_start3A_302 = arith.constant 0 : i32
        %dma_start3A_303 = arith.constant 0 : i32
        %dma_start3A_304 = tpu.memref_slice %arg8[%dma_start3A_302, %dma_start3A_303] : memref<10240x64xf32, #tpu.memory_space<vmem_shared>> -> memref<10240x64xf32, #tpu.memory_space<vmem_shared>>
        tpu.enqueue_indirect_dma source(%dma_start3A_298 : memref<128x64xf32, #tpu.memory_space<vmem>>) target(%dma_start3A_304 : memref<10240x64xf32, #tpu.memory_space<vmem_shared>>) offsets(%dma_start3A_301 : memref<128xi32, #tpu.memory_space<vmem>>) semaphore(%run_scoped3A_294 : memref<!tpu.dma_semaphore, #tpu.memory_space<semaphore_mem>>) {add = true}
        %dma_wait3A_305 = arith.constant 0 : i32
        %dma_wait3A_306 = arith.constant 0 : i32
        %dma_wait3A_307 = tpu.memref_slice %arg7[%run_scoped3A_240, %dma_wait3A_305, %dma_wait3A_306] : memref<4x128x64xf32, #tpu.memory_space<vmem>> -> memref<1x128x64xf32, #tpu.memory_space<vmem>>
        %dma_wait3A_308 = tpu.memref_squeeze %dma_wait3A_307 : memref<1x128x64xf32, #tpu.memory_space<vmem>> -> memref<128x64xf32, #tpu.memory_space<vmem>>
        %dma_wait3A_309 = arith.constant 0 : i32
        %dma_wait3A_310 = tpu.memref_slice %arg6[%add3A_228, %dma_wait3A_309] : memref<80x128xi32, #tpu.memory_space<vmem>> -> memref<1x128xi32, #tpu.memory_space<vmem>>
        %dma_wait3A_311 = tpu.memref_squeeze %dma_wait3A_310 : memref<1x128xi32, #tpu.memory_space<vmem>> -> memref<128xi32, #tpu.memory_space<vmem>>
        %dma_wait3A_312 = arith.constant 0 : i32
        %dma_wait3A_313 = arith.constant 0 : i32
        %dma_wait3A_314 = tpu.memref_slice %arg8[%dma_wait3A_312, %dma_wait3A_313] : memref<10240x64xf32, #tpu.memory_space<vmem_shared>> -> memref<10240x64xf32, #tpu.memory_space<vmem_shared>>
        tpu.wait_indirect_dma semaphore(%run_scoped3A_294 : memref<!tpu.dma_semaphore, #tpu.memory_space<semaphore_mem>>) src(%dma_wait3A_308 : memref<128x64xf32, #tpu.memory_space<vmem>>) dst(%dma_wait3A_314 : memref<10240x64xf32, #tpu.memory_space<vmem_shared>>)
        tpu.yield
      }) : () -> ()
      %add3A_241 = arith.constant 4 : i32
      %add3A_242 = arith.addi %add3A_228, %add3A_241 : i32
      %lt3A_243 = arith.constant 80 : i32
      %lt3A_244 = arith.cmpi slt, %add3A_242, %lt3A_243 : i32
      %convert_element_type3A_245 = arith.extui %lt3A_244 : i1 to i32
      %cond3A_246 = arith.constant 0 : i32
      %cond3A_247 = arith.cmpi ne, %convert_element_type3A_245, %cond3A_246 : i32
      scf.if %cond3A_247 {
        %dma_start3A_294 = arith.constant 1 : i32
        %dma_start3A_295 = arith.constant 0 : i32
        %dma_start3A_296 = arith.constant 0 : i32
        %dma_start3A_297 = tpu.memref_slice %arg7[%dma_start3A_294, %dma_start3A_295, %dma_start3A_296] : memref<4x128x64xf32, #tpu.memory_space<vmem>> -> memref<1x128x64xf32, #tpu.memory_space<vmem>>
        %dma_start3A_298 = tpu.memref_squeeze %dma_start3A_297 : memref<1x128x64xf32, #tpu.memory_space<vmem>> -> memref<128x64xf32, #tpu.memory_space<vmem>>
        %dma_start3A_299 = arith.constant 0 : i32
        %dma_start3A_300 = tpu.memref_slice %arg5[%add3A_242, %dma_start3A_299] : memref<80x128xi32, #tpu.memory_space<vmem>> -> memref<1x128xi32, #tpu.memory_space<vmem>>
        %dma_start3A_301 = tpu.memref_squeeze %dma_start3A_300 : memref<1x128xi32, #tpu.memory_space<vmem>> -> memref<128xi32, #tpu.memory_space<vmem>>
        %dma_start3A_302 = arith.constant 0 : i32
        %dma_start3A_303 = arith.constant 0 : i32
        %dma_start3A_304 = tpu.memref_slice %arg2[%dma_start3A_302, %dma_start3A_303] : memref<20000x64xf32, #tpu.memory_space<hbm>> -> memref<20000x64xf32, #tpu.memory_space<hbm>>
        tpu.enqueue_indirect_dma source(%dma_start3A_304 : memref<20000x64xf32, #tpu.memory_space<hbm>>) target(%dma_start3A_298 : memref<128x64xf32, #tpu.memory_space<vmem>>) offsets(%dma_start3A_301 : memref<128xi32, #tpu.memory_space<vmem>>) semaphore(%arg10 : memref<!tpu.dma_semaphore, #tpu.memory_space<semaphore_mem>>)
      } else {
      }
      %mul3A_248 = arith.constant 4 : i32
      %mul3A_249 = arith.muli %scan3A_205, %mul3A_248 : i32
      %add3A_250 = arith.constant 2 : i32
      %add3A_251 = arith.addi %mul3A_249, %add3A_250 : i32
      %dma_wait3A_252 = arith.constant 2 : i32
      %dma_wait3A_253 = arith.constant 0 : i32
      %dma_wait3A_254 = arith.constant 0 : i32
      %dma_wait3A_255 = tpu.memref_slice %arg7[%dma_wait3A_252, %dma_wait3A_253, %dma_wait3A_254] : memref<4x128x64xf32, #tpu.memory_space<vmem>> -> memref<1x128x64xf32, #tpu.memory_space<vmem>>
      %dma_wait3A_256 = tpu.memref_squeeze %dma_wait3A_255 : memref<1x128x64xf32, #tpu.memory_space<vmem>> -> memref<128x64xf32, #tpu.memory_space<vmem>>
      %dma_wait3A_257 = arith.constant 0 : i32
      %dma_wait3A_258 = tpu.memref_slice %arg5[%add3A_251, %dma_wait3A_257] : memref<80x128xi32, #tpu.memory_space<vmem>> -> memref<1x128xi32, #tpu.memory_space<vmem>>
      %dma_wait3A_259 = tpu.memref_squeeze %dma_wait3A_258 : memref<1x128xi32, #tpu.memory_space<vmem>> -> memref<128xi32, #tpu.memory_space<vmem>>
      %dma_wait3A_260 = arith.constant 0 : i32
      %dma_wait3A_261 = arith.constant 0 : i32
      %dma_wait3A_262 = tpu.memref_slice %arg2[%dma_wait3A_260, %dma_wait3A_261] : memref<20000x64xf32, #tpu.memory_space<hbm>> -> memref<20000x64xf32, #tpu.memory_space<hbm>>
      tpu.wait_indirect_dma semaphore(%arg11 : memref<!tpu.dma_semaphore, #tpu.memory_space<semaphore_mem>>) src(%dma_wait3A_262 : memref<20000x64xf32, #tpu.memory_space<hbm>>) dst(%dma_wait3A_256 : memref<128x64xf32, #tpu.memory_space<vmem>>)
      %run_scoped3A_263 = arith.constant 2 : i32
      "tpu.region"() ({
        %run_scoped3A_294 = tpu.sem_alloc : memref<!tpu.dma_semaphore, #tpu.memory_space<semaphore_mem>>
        %dma_start3A_295 = arith.constant 0 : i32
        %dma_start3A_296 = arith.constant 0 : i32
        %dma_start3A_297 = tpu.memref_slice %arg7[%run_scoped3A_263, %dma_start3A_295, %dma_start3A_296] : memref<4x128x64xf32, #tpu.memory_space<vmem>> -> memref<1x128x64xf32, #tpu.memory_space<vmem>>
        %dma_start3A_298 = tpu.memref_squeeze %dma_start3A_297 : memref<1x128x64xf32, #tpu.memory_space<vmem>> -> memref<128x64xf32, #tpu.memory_space<vmem>>
        %dma_start3A_299 = arith.constant 0 : i32
        %dma_start3A_300 = tpu.memref_slice %arg6[%add3A_251, %dma_start3A_299] : memref<80x128xi32, #tpu.memory_space<vmem>> -> memref<1x128xi32, #tpu.memory_space<vmem>>
        %dma_start3A_301 = tpu.memref_squeeze %dma_start3A_300 : memref<1x128xi32, #tpu.memory_space<vmem>> -> memref<128xi32, #tpu.memory_space<vmem>>
        %dma_start3A_302 = arith.constant 0 : i32
        %dma_start3A_303 = arith.constant 0 : i32
        %dma_start3A_304 = tpu.memref_slice %arg8[%dma_start3A_302, %dma_start3A_303] : memref<10240x64xf32, #tpu.memory_space<vmem_shared>> -> memref<10240x64xf32, #tpu.memory_space<vmem_shared>>
        tpu.enqueue_indirect_dma source(%dma_start3A_298 : memref<128x64xf32, #tpu.memory_space<vmem>>) target(%dma_start3A_304 : memref<10240x64xf32, #tpu.memory_space<vmem_shared>>) offsets(%dma_start3A_301 : memref<128xi32, #tpu.memory_space<vmem>>) semaphore(%run_scoped3A_294 : memref<!tpu.dma_semaphore, #tpu.memory_space<semaphore_mem>>) {add = true}
        %dma_wait3A_305 = arith.constant 0 : i32
        %dma_wait3A_306 = arith.constant 0 : i32
        %dma_wait3A_307 = tpu.memref_slice %arg7[%run_scoped3A_263, %dma_wait3A_305, %dma_wait3A_306] : memref<4x128x64xf32, #tpu.memory_space<vmem>> -> memref<1x128x64xf32, #tpu.memory_space<vmem>>
        %dma_wait3A_308 = tpu.memref_squeeze %dma_wait3A_307 : memref<1x128x64xf32, #tpu.memory_space<vmem>> -> memref<128x64xf32, #tpu.memory_space<vmem>>
        %dma_wait3A_309 = arith.constant 0 : i32
        %dma_wait3A_310 = tpu.memref_slice %arg6[%add3A_251, %dma_wait3A_309] : memref<80x128xi32, #tpu.memory_space<vmem>> -> memref<1x128xi32, #tpu.memory_space<vmem>>
        %dma_wait3A_311 = tpu.memref_squeeze %dma_wait3A_310 : memref<1x128xi32, #tpu.memory_space<vmem>> -> memref<128xi32, #tpu.memory_space<vmem>>
        %dma_wait3A_312 = arith.constant 0 : i32
        %dma_wait3A_313 = arith.constant 0 : i32
        %dma_wait3A_314 = tpu.memref_slice %arg8[%dma_wait3A_312, %dma_wait3A_313] : memref<10240x64xf32, #tpu.memory_space<vmem_shared>> -> memref<10240x64xf32, #tpu.memory_space<vmem_shared>>
        tpu.wait_indirect_dma semaphore(%run_scoped3A_294 : memref<!tpu.dma_semaphore, #tpu.memory_space<semaphore_mem>>) src(%dma_wait3A_308 : memref<128x64xf32, #tpu.memory_space<vmem>>) dst(%dma_wait3A_314 : memref<10240x64xf32, #tpu.memory_space<vmem_shared>>)
        tpu.yield
      }) : () -> ()
      %add3A_264 = arith.constant 4 : i32
      %add3A_265 = arith.addi %add3A_251, %add3A_264 : i32
      %lt3A_266 = arith.constant 80 : i32
      %lt3A_267 = arith.cmpi slt, %add3A_265, %lt3A_266 : i32
      %convert_element_type3A_268 = arith.extui %lt3A_267 : i1 to i32
      %cond3A_269 = arith.constant 0 : i32
      %cond3A_270 = arith.cmpi ne, %convert_element_type3A_268, %cond3A_269 : i32
      scf.if %cond3A_270 {
        %dma_start3A_294 = arith.constant 2 : i32
        %dma_start3A_295 = arith.constant 0 : i32
        %dma_start3A_296 = arith.constant 0 : i32
        %dma_start3A_297 = tpu.memref_slice %arg7[%dma_start3A_294, %dma_start3A_295, %dma_start3A_296] : memref<4x128x64xf32, #tpu.memory_space<vmem>> -> memref<1x128x64xf32, #tpu.memory_space<vmem>>
        %dma_start3A_298 = tpu.memref_squeeze %dma_start3A_297 : memref<1x128x64xf32, #tpu.memory_space<vmem>> -> memref<128x64xf32, #tpu.memory_space<vmem>>
        %dma_start3A_299 = arith.constant 0 : i32
        %dma_start3A_300 = tpu.memref_slice %arg5[%add3A_265, %dma_start3A_299] : memref<80x128xi32, #tpu.memory_space<vmem>> -> memref<1x128xi32, #tpu.memory_space<vmem>>
        %dma_start3A_301 = tpu.memref_squeeze %dma_start3A_300 : memref<1x128xi32, #tpu.memory_space<vmem>> -> memref<128xi32, #tpu.memory_space<vmem>>
        %dma_start3A_302 = arith.constant 0 : i32
        %dma_start3A_303 = arith.constant 0 : i32
        %dma_start3A_304 = tpu.memref_slice %arg2[%dma_start3A_302, %dma_start3A_303] : memref<20000x64xf32, #tpu.memory_space<hbm>> -> memref<20000x64xf32, #tpu.memory_space<hbm>>
        tpu.enqueue_indirect_dma source(%dma_start3A_304 : memref<20000x64xf32, #tpu.memory_space<hbm>>) target(%dma_start3A_298 : memref<128x64xf32, #tpu.memory_space<vmem>>) offsets(%dma_start3A_301 : memref<128xi32, #tpu.memory_space<vmem>>) semaphore(%arg11 : memref<!tpu.dma_semaphore, #tpu.memory_space<semaphore_mem>>)
      } else {
      }
      %mul3A_271 = arith.constant 4 : i32
      %mul3A_272 = arith.muli %scan3A_205, %mul3A_271 : i32
      %add3A_273 = arith.constant 3 : i32
      %add3A_274 = arith.addi %mul3A_272, %add3A_273 : i32
      %dma_wait3A_275 = arith.constant 3 : i32
      %dma_wait3A_276 = arith.constant 0 : i32
      %dma_wait3A_277 = arith.constant 0 : i32
      %dma_wait3A_278 = tpu.memref_slice %arg7[%dma_wait3A_275, %dma_wait3A_276, %dma_wait3A_277] : memref<4x128x64xf32, #tpu.memory_space<vmem>> -> memref<1x128x64xf32, #tpu.memory_space<vmem>>
      %dma_wait3A_279 = tpu.memref_squeeze %dma_wait3A_278 : memref<1x128x64xf32, #tpu.memory_space<vmem>> -> memref<128x64xf32, #tpu.memory_space<vmem>>
      %dma_wait3A_280 = arith.constant 0 : i32
      %dma_wait3A_281 = tpu.memref_slice %arg5[%add3A_274, %dma_wait3A_280] : memref<80x128xi32, #tpu.memory_space<vmem>> -> memref<1x128xi32, #tpu.memory_space<vmem>>
      %dma_wait3A_282 = tpu.memref_squeeze %dma_wait3A_281 : memref<1x128xi32, #tpu.memory_space<vmem>> -> memref<128xi32, #tpu.memory_space<vmem>>
      %dma_wait3A_283 = arith.constant 0 : i32
      %dma_wait3A_284 = arith.constant 0 : i32
      %dma_wait3A_285 = tpu.memref_slice %arg2[%dma_wait3A_283, %dma_wait3A_284] : memref<20000x64xf32, #tpu.memory_space<hbm>> -> memref<20000x64xf32, #tpu.memory_space<hbm>>
      tpu.wait_indirect_dma semaphore(%arg12 : memref<!tpu.dma_semaphore, #tpu.memory_space<semaphore_mem>>) src(%dma_wait3A_285 : memref<20000x64xf32, #tpu.memory_space<hbm>>) dst(%dma_wait3A_279 : memref<128x64xf32, #tpu.memory_space<vmem>>)
      %run_scoped3A_286 = arith.constant 3 : i32
      "tpu.region"() ({
        %run_scoped3A_294 = tpu.sem_alloc : memref<!tpu.dma_semaphore, #tpu.memory_space<semaphore_mem>>
        %dma_start3A_295 = arith.constant 0 : i32
        %dma_start3A_296 = arith.constant 0 : i32
        %dma_start3A_297 = tpu.memref_slice %arg7[%run_scoped3A_286, %dma_start3A_295, %dma_start3A_296] : memref<4x128x64xf32, #tpu.memory_space<vmem>> -> memref<1x128x64xf32, #tpu.memory_space<vmem>>
        %dma_start3A_298 = tpu.memref_squeeze %dma_start3A_297 : memref<1x128x64xf32, #tpu.memory_space<vmem>> -> memref<128x64xf32, #tpu.memory_space<vmem>>
        %dma_start3A_299 = arith.constant 0 : i32
        %dma_start3A_300 = tpu.memref_slice %arg6[%add3A_274, %dma_start3A_299] : memref<80x128xi32, #tpu.memory_space<vmem>> -> memref<1x128xi32, #tpu.memory_space<vmem>>
        %dma_start3A_301 = tpu.memref_squeeze %dma_start3A_300 : memref<1x128xi32, #tpu.memory_space<vmem>> -> memref<128xi32, #tpu.memory_space<vmem>>
        %dma_start3A_302 = arith.constant 0 : i32
        %dma_start3A_303 = arith.constant 0 : i32
        %dma_start3A_304 = tpu.memref_slice %arg8[%dma_start3A_302, %dma_start3A_303] : memref<10240x64xf32, #tpu.memory_space<vmem_shared>> -> memref<10240x64xf32, #tpu.memory_space<vmem_shared>>
        tpu.enqueue_indirect_dma source(%dma_start3A_298 : memref<128x64xf32, #tpu.memory_space<vmem>>) target(%dma_start3A_304 : memref<10240x64xf32, #tpu.memory_space<vmem_shared>>) offsets(%dma_start3A_301 : memref<128xi32, #tpu.memory_space<vmem>>) semaphore(%run_scoped3A_294 : memref<!tpu.dma_semaphore, #tpu.memory_space<semaphore_mem>>) {add = true}
        %dma_wait3A_305 = arith.constant 0 : i32
        %dma_wait3A_306 = arith.constant 0 : i32
        %dma_wait3A_307 = tpu.memref_slice %arg7[%run_scoped3A_286, %dma_wait3A_305, %dma_wait3A_306] : memref<4x128x64xf32, #tpu.memory_space<vmem>> -> memref<1x128x64xf32, #tpu.memory_space<vmem>>
        %dma_wait3A_308 = tpu.memref_squeeze %dma_wait3A_307 : memref<1x128x64xf32, #tpu.memory_space<vmem>> -> memref<128x64xf32, #tpu.memory_space<vmem>>
        %dma_wait3A_309 = arith.constant 0 : i32
        %dma_wait3A_310 = tpu.memref_slice %arg6[%add3A_274, %dma_wait3A_309] : memref<80x128xi32, #tpu.memory_space<vmem>> -> memref<1x128xi32, #tpu.memory_space<vmem>>
        %dma_wait3A_311 = tpu.memref_squeeze %dma_wait3A_310 : memref<1x128xi32, #tpu.memory_space<vmem>> -> memref<128xi32, #tpu.memory_space<vmem>>
        %dma_wait3A_312 = arith.constant 0 : i32
        %dma_wait3A_313 = arith.constant 0 : i32
        %dma_wait3A_314 = tpu.memref_slice %arg8[%dma_wait3A_312, %dma_wait3A_313] : memref<10240x64xf32, #tpu.memory_space<vmem_shared>> -> memref<10240x64xf32, #tpu.memory_space<vmem_shared>>
        tpu.wait_indirect_dma semaphore(%run_scoped3A_294 : memref<!tpu.dma_semaphore, #tpu.memory_space<semaphore_mem>>) src(%dma_wait3A_308 : memref<128x64xf32, #tpu.memory_space<vmem>>) dst(%dma_wait3A_314 : memref<10240x64xf32, #tpu.memory_space<vmem_shared>>)
        tpu.yield
      }) : () -> ()
      %add3A_287 = arith.constant 4 : i32
      %add3A_288 = arith.addi %add3A_274, %add3A_287 : i32
      %lt3A_289 = arith.constant 80 : i32
      %lt3A_290 = arith.cmpi slt, %add3A_288, %lt3A_289 : i32
      %convert_element_type3A_291 = arith.extui %lt3A_290 : i1 to i32
      %cond3A_292 = arith.constant 0 : i32
      %cond3A_293 = arith.cmpi ne, %convert_element_type3A_291, %cond3A_292 : i32
      scf.if %cond3A_293 {
        %dma_start3A_294 = arith.constant 3 : i32
        %dma_start3A_295 = arith.constant 0 : i32
        %dma_start3A_296 = arith.constant 0 : i32
        %dma_start3A_297 = tpu.memref_slice %arg7[%dma_start3A_294, %dma_start3A_295, %dma_start3A_296] : memref<4x128x64xf32, #tpu.memory_space<vmem>> -> memref<1x128x64xf32, #tpu.memory_space<vmem>>
        %dma_start3A_298 = tpu.memref_squeeze %dma_start3A_297 : memref<1x128x64xf32, #tpu.memory_space<vmem>> -> memref<128x64xf32, #tpu.memory_space<vmem>>
        %dma_start3A_299 = arith.constant 0 : i32
        %dma_start3A_300 = tpu.memref_slice %arg5[%add3A_288, %dma_start3A_299] : memref<80x128xi32, #tpu.memory_space<vmem>> -> memref<1x128xi32, #tpu.memory_space<vmem>>
        %dma_start3A_301 = tpu.memref_squeeze %dma_start3A_300 : memref<1x128xi32, #tpu.memory_space<vmem>> -> memref<128xi32, #tpu.memory_space<vmem>>
        %dma_start3A_302 = arith.constant 0 : i32
        %dma_start3A_303 = arith.constant 0 : i32
        %dma_start3A_304 = tpu.memref_slice %arg2[%dma_start3A_302, %dma_start3A_303] : memref<20000x64xf32, #tpu.memory_space<hbm>> -> memref<20000x64xf32, #tpu.memory_space<hbm>>
        tpu.enqueue_indirect_dma source(%dma_start3A_304 : memref<20000x64xf32, #tpu.memory_space<hbm>>) target(%dma_start3A_298 : memref<128x64xf32, #tpu.memory_space<vmem>>) offsets(%dma_start3A_301 : memref<128xi32, #tpu.memory_space<vmem>>) semaphore(%arg12 : memref<!tpu.dma_semaphore, #tpu.memory_space<semaphore_mem>>)
      } else {
      }
    }
    %scan3A_199 = arith.constant 20 : i32
    %barrier3A_200 = arith.constant 0 : index
    tpu.barrier barrier_id(%barrier3A_200)
    %mul3A_201 = arith.constant 640 : i32
    %mul3A_202 = arith.muli %arg1, %mul3A_201 : i32
    %mul3A_203 = arith.constant 640 : i32
    %mul3A_204 = arith.muli %arg1, %mul3A_203 : i32
    "tpu.region"() ({
      %run_scoped3A_205 = tpu.sem_alloc : memref<!tpu.dma_semaphore, #tpu.memory_space<semaphore_mem>>
      %dma_start3A_206 = arith.constant 64 : i32
      %dma_start3A_207 = tpu.memref_slice %arg4[%arg0, %mul3A_204, %dma_start3A_206] : memref<2x10240x128xf32, #tpu.memory_space<hbm>> -> memref<1x640x64xf32, #tpu.memory_space<hbm>>
      %dma_start3A_208 = tpu.memref_squeeze %dma_start3A_207 : memref<1x640x64xf32, #tpu.memory_space<hbm>> -> memref<640x64xf32, #tpu.memory_space<hbm>>
      %dma_start3A_209 = arith.constant 0 : i32
      %dma_start3A_210 = tpu.memref_slice %arg8[%mul3A_202, %dma_start3A_209] : memref<10240x64xf32, #tpu.memory_space<vmem_shared>> -> memref<640x64xf32, #tpu.memory_space<vmem_shared>>
      tpu.enqueue_dma source(%dma_start3A_210 : memref<640x64xf32, #tpu.memory_space<vmem_shared>>) target(%dma_start3A_208 : memref<640x64xf32, #tpu.memory_space<hbm>>) target_semaphore(%run_scoped3A_205 : memref<!tpu.dma_semaphore, #tpu.memory_space<semaphore_mem>>)
      %dma_wait3A = arith.constant 64 : i32
      %dma_wait3A_211 = tpu.memref_slice %arg4[%arg0, %mul3A_204, %dma_wait3A] : memref<2x10240x128xf32, #tpu.memory_space<hbm>> -> memref<1x640x64xf32, #tpu.memory_space<hbm>>
      %dma_wait3A_212 = tpu.memref_squeeze %dma_wait3A_211 : memref<1x640x64xf32, #tpu.memory_space<hbm>> -> memref<640x64xf32, #tpu.memory_space<hbm>>
      %dma_wait3A_213 = arith.constant 0 : i32
      %dma_wait3A_214 = tpu.memref_slice %arg8[%mul3A_202, %dma_wait3A_213] : memref<10240x64xf32, #tpu.memory_space<vmem_shared>> -> memref<640x64xf32, #tpu.memory_space<vmem_shared>>
      tpu.wait_dma2 semaphore(%run_scoped3A_205 : memref<!tpu.dma_semaphore, #tpu.memory_space<semaphore_mem>>) src(%dma_wait3A_214 : memref<640x64xf32, #tpu.memory_space<vmem_shared>>) dst(%dma_wait3A_212 : memref<640x64xf32, #tpu.memory_space<hbm>>)
      tpu.yield
    }) : () -> ()
    return
  }
}

#map = affine_map<(d0, d1) -> (0, 0, 0)>
#map1 = affine_map<(d0, d1) -> (0, 0)>
module attributes {stable_mosaic.version = 14 : i64} {
  func.func @_deg_body(%arg0: i32, %arg1: i32, %arg2: memref<3x2560x128xi32, #tpu.memory_space<hbm>>, %arg3: memref<2x10240xf32, #tpu.memory_space<hbm>>, %arg4: memref<80x128xi32, #tpu.memory_space<vmem>>, %arg5: memref<2x128xf32, #tpu.memory_space<vmem>>, %arg6: memref<10240xf32, #tpu.memory_space<vmem_shared>>) attributes {dimension_semantics = [#tpu.dimension_semantics<core_parallel>, #tpu.dimension_semantics<subcore_parallel>], iteration_bounds = array<i64: 2, 16>, scalar_prefetch = 0 : i64, scratch_operands = 3 : i64, tpu.core_type = #tpu.core_type<sc_vector_subcore>, window_params = [{transform_indices = #map}, {transform_indices = #map1}]} {
    %mul3A = arith.constant 2 : i32
    %mul3A_0 = arith.muli %arg1, %mul3A : i32
    %add3A = arith.addi %mul3A_0, %arg0 : i32
    %mul3A_1 = arith.constant 80 : i32
    %mul3A_2 = arith.muli %add3A, %mul3A_1 : i32
    %run_scoped3A = arith.constant 2 : i32
    "tpu.region"() ({
      %run_scoped3A_146 = tpu.sem_alloc : memref<!tpu.dma_semaphore, #tpu.memory_space<semaphore_mem>>
      %dma_start3A = arith.constant 0 : i32
      %dma_start3A_147 = tpu.memref_slice %arg2[%run_scoped3A, %mul3A_2, %dma_start3A] : memref<3x2560x128xi32, #tpu.memory_space<hbm>> -> memref<1x80x128xi32, #tpu.memory_space<hbm>>
      %dma_start3A_148 = tpu.memref_squeeze %dma_start3A_147 : memref<1x80x128xi32, #tpu.memory_space<hbm>> -> memref<80x128xi32, #tpu.memory_space<hbm>>
      %dma_start3A_149 = arith.constant 0 : i32
      %dma_start3A_150 = tpu.memref_slice %arg2[%run_scoped3A, %mul3A_2, %dma_start3A_149] : memref<3x2560x128xi32, #tpu.memory_space<hbm>> -> memref<1x80x128xi32, #tpu.memory_space<hbm>>
      %dma_start3A_151 = tpu.memref_squeeze %dma_start3A_150 : memref<1x80x128xi32, #tpu.memory_space<hbm>> -> memref<80x128xi32, #tpu.memory_space<hbm>>
      tpu.enqueue_dma source(%dma_start3A_151 : memref<80x128xi32, #tpu.memory_space<hbm>>) target(%arg4 : memref<80x128xi32, #tpu.memory_space<vmem>>) target_semaphore(%run_scoped3A_146 : memref<!tpu.dma_semaphore, #tpu.memory_space<semaphore_mem>>)
      %dma_wait3A = arith.constant 0 : i32
      %dma_wait3A_152 = tpu.memref_slice %arg2[%run_scoped3A, %mul3A_2, %dma_wait3A] : memref<3x2560x128xi32, #tpu.memory_space<hbm>> -> memref<1x80x128xi32, #tpu.memory_space<hbm>>
      %dma_wait3A_153 = tpu.memref_squeeze %dma_wait3A_152 : memref<1x80x128xi32, #tpu.memory_space<hbm>> -> memref<80x128xi32, #tpu.memory_space<hbm>>
      %dma_wait3A_154 = arith.constant 0 : i32
      %dma_wait3A_155 = tpu.memref_slice %arg2[%run_scoped3A, %mul3A_2, %dma_wait3A_154] : memref<3x2560x128xi32, #tpu.memory_space<hbm>> -> memref<1x80x128xi32, #tpu.memory_space<hbm>>
      %dma_wait3A_156 = tpu.memref_squeeze %dma_wait3A_155 : memref<1x80x128xi32, #tpu.memory_space<hbm>> -> memref<80x128xi32, #tpu.memory_space<hbm>>
      tpu.wait_dma2 semaphore(%run_scoped3A_146 : memref<!tpu.dma_semaphore, #tpu.memory_space<semaphore_mem>>) src(%dma_wait3A_156 : memref<80x128xi32, #tpu.memory_space<hbm>>) dst(%arg4 : memref<80x128xi32, #tpu.memory_space<vmem>>)
      tpu.yield
    }) : () -> ()
    %broadcast_in_dim3A = arith.constant 0.000000e+00 : f32
    %broadcast_in_dim3A_3 = vector.broadcast %broadcast_in_dim3A : f32 to vector<16xf32>
    %broadcast_in_dim3A_4 = arith.constant 1.000000e+00 : f32
    %broadcast_in_dim3A_5 = vector.broadcast %broadcast_in_dim3A_4 : f32 to vector<16xf32>
    %swap3A = arith.constant 0 : i32
    %swap3A_6 = arith.index_cast %swap3A : i32 to index
    %swap3A_7 = arith.constant 0 : index
    %swap3A_8 = tpu.vector_load %arg5[%swap3A_6, %swap3A_7] {strides = array<i32>} : memref<2x128xf32, #tpu.memory_space<vmem>>, vector<1x16xf32>,
    %swap3A_9 = vector.shape_cast %swap3A_8 : vector<1x16xf32> to vector<16xf32>
    %swap3A_10 = vector.shape_cast %broadcast_in_dim3A_3 : vector<16xf32> to vector<1x16xf32>
    tpu.vector_store %arg5[%swap3A_6, %swap3A_7], %swap3A_10 {strides = array<i32>} : memref<2x128xf32, #tpu.memory_space<vmem>>, vector<1x16xf32>,
    %swap3A_11 = arith.constant 1 : i32
    %swap3A_12 = arith.index_cast %swap3A_11 : i32 to index
    %swap3A_13 = arith.constant 0 : index
    %swap3A_14 = tpu.vector_load %arg5[%swap3A_12, %swap3A_13] {strides = array<i32>} : memref<2x128xf32, #tpu.memory_space<vmem>>, vector<1x16xf32>,
    %swap3A_15 = vector.shape_cast %swap3A_14 : vector<1x16xf32> to vector<16xf32>
    %swap3A_16 = vector.shape_cast %broadcast_in_dim3A_5 : vector<16xf32> to vector<1x16xf32>
    tpu.vector_store %arg5[%swap3A_12, %swap3A_13], %swap3A_16 {strides = array<i32>} : memref<2x128xf32, #tpu.memory_space<vmem>>, vector<1x16xf32>,
    %swap3A_17 = arith.constant 0 : i32
    %swap3A_18 = arith.index_cast %swap3A_17 : i32 to index
    %swap3A_19 = arith.constant 16 : index
    %swap3A_20 = tpu.vector_load %arg5[%swap3A_18, %swap3A_19] {strides = array<i32>} : memref<2x128xf32, #tpu.memory_space<vmem>>, vector<1x16xf32>,
    %swap3A_21 = vector.shape_cast %swap3A_20 : vector<1x16xf32> to vector<16xf32>
    %swap3A_22 = vector.shape_cast %broadcast_in_dim3A_3 : vector<16xf32> to vector<1x16xf32>
    tpu.vector_store %arg5[%swap3A_18, %swap3A_19], %swap3A_22 {strides = array<i32>} : memref<2x128xf32, #tpu.memory_space<vmem>>, vector<1x16xf32>,
    %swap3A_23 = arith.constant 1 : i32
    %swap3A_24 = arith.index_cast %swap3A_23 : i32 to index
    %swap3A_25 = arith.constant 16 : index
    %swap3A_26 = tpu.vector_load %arg5[%swap3A_24, %swap3A_25] {strides = array<i32>} : memref<2x128xf32, #tpu.memory_space<vmem>>, vector<1x16xf32>,
    %swap3A_27 = vector.shape_cast %swap3A_26 : vector<1x16xf32> to vector<16xf32>
    %swap3A_28 = vector.shape_cast %broadcast_in_dim3A_5 : vector<16xf32> to vector<1x16xf32>
    tpu.vector_store %arg5[%swap3A_24, %swap3A_25], %swap3A_28 {strides = array<i32>} : memref<2x128xf32, #tpu.memory_space<vmem>>, vector<1x16xf32>,
    %swap3A_29 = arith.constant 0 : i32
    %swap3A_30 = arith.index_cast %swap3A_29 : i32 to index
    %swap3A_31 = arith.constant 32 : index
    %swap3A_32 = tpu.vector_load %arg5[%swap3A_30, %swap3A_31] {strides = array<i32>} : memref<2x128xf32, #tpu.memory_space<vmem>>, vector<1x16xf32>,
    %swap3A_33 = vector.shape_cast %swap3A_32 : vector<1x16xf32> to vector<16xf32>
    %swap3A_34 = vector.shape_cast %broadcast_in_dim3A_3 : vector<16xf32> to vector<1x16xf32>
    tpu.vector_store %arg5[%swap3A_30, %swap3A_31], %swap3A_34 {strides = array<i32>} : memref<2x128xf32, #tpu.memory_space<vmem>>, vector<1x16xf32>,
    %swap3A_35 = arith.constant 1 : i32
    %swap3A_36 = arith.index_cast %swap3A_35 : i32 to index
    %swap3A_37 = arith.constant 32 : index
    %swap3A_38 = tpu.vector_load %arg5[%swap3A_36, %swap3A_37] {strides = array<i32>} : memref<2x128xf32, #tpu.memory_space<vmem>>, vector<1x16xf32>,
    %swap3A_39 = vector.shape_cast %swap3A_38 : vector<1x16xf32> to vector<16xf32>
    %swap3A_40 = vector.shape_cast %broadcast_in_dim3A_5 : vector<16xf32> to vector<1x16xf32>
    tpu.vector_store %arg5[%swap3A_36, %swap3A_37], %swap3A_40 {strides = array<i32>} : memref<2x128xf32, #tpu.memory_space<vmem>>, vector<1x16xf32>,
    %swap3A_41 = arith.constant 0 : i32
    %swap3A_42 = arith.index_cast %swap3A_41 : i32 to index
    %swap3A_43 = arith.constant 48 : index
    %swap3A_44 = tpu.vector_load %arg5[%swap3A_42, %swap3A_43] {strides = array<i32>} : memref<2x128xf32, #tpu.memory_space<vmem>>, vector<1x16xf32>,
    %swap3A_45 = vector.shape_cast %swap3A_44 : vector<1x16xf32> to vector<16xf32>
    %swap3A_46 = vector.shape_cast %broadcast_in_dim3A_3 : vector<16xf32> to vector<1x16xf32>
    tpu.vector_store %arg5[%swap3A_42, %swap3A_43], %swap3A_46 {strides = array<i32>} : memref<2x128xf32, #tpu.memory_space<vmem>>, vector<1x16xf32>,
    %swap3A_47 = arith.constant 1 : i32
    %swap3A_48 = arith.index_cast %swap3A_47 : i32 to index
    %swap3A_49 = arith.constant 48 : index
    %swap3A_50 = tpu.vector_load %arg5[%swap3A_48, %swap3A_49] {strides = array<i32>} : memref<2x128xf32, #tpu.memory_space<vmem>>, vector<1x16xf32>,
    %swap3A_51 = vector.shape_cast %swap3A_50 : vector<1x16xf32> to vector<16xf32>
    %swap3A_52 = vector.shape_cast %broadcast_in_dim3A_5 : vector<16xf32> to vector<1x16xf32>
    tpu.vector_store %arg5[%swap3A_48, %swap3A_49], %swap3A_52 {strides = array<i32>} : memref<2x128xf32, #tpu.memory_space<vmem>>, vector<1x16xf32>,
    %swap3A_53 = arith.constant 0 : i32
    %swap3A_54 = arith.index_cast %swap3A_53 : i32 to index
    %swap3A_55 = arith.constant 64 : index
    %swap3A_56 = tpu.vector_load %arg5[%swap3A_54, %swap3A_55] {strides = array<i32>} : memref<2x128xf32, #tpu.memory_space<vmem>>, vector<1x16xf32>,
    %swap3A_57 = vector.shape_cast %swap3A_56 : vector<1x16xf32> to vector<16xf32>
    %swap3A_58 = vector.shape_cast %broadcast_in_dim3A_3 : vector<16xf32> to vector<1x16xf32>
    tpu.vector_store %arg5[%swap3A_54, %swap3A_55], %swap3A_58 {strides = array<i32>} : memref<2x128xf32, #tpu.memory_space<vmem>>, vector<1x16xf32>,
    %swap3A_59 = arith.constant 1 : i32
    %swap3A_60 = arith.index_cast %swap3A_59 : i32 to index
    %swap3A_61 = arith.constant 64 : index
    %swap3A_62 = tpu.vector_load %arg5[%swap3A_60, %swap3A_61] {strides = array<i32>} : memref<2x128xf32, #tpu.memory_space<vmem>>, vector<1x16xf32>,
    %swap3A_63 = vector.shape_cast %swap3A_62 : vector<1x16xf32> to vector<16xf32>
    %swap3A_64 = vector.shape_cast %broadcast_in_dim3A_5 : vector<16xf32> to vector<1x16xf32>
    tpu.vector_store %arg5[%swap3A_60, %swap3A_61], %swap3A_64 {strides = array<i32>} : memref<2x128xf32, #tpu.memory_space<vmem>>, vector<1x16xf32>,
    %swap3A_65 = arith.constant 0 : i32
    %swap3A_66 = arith.index_cast %swap3A_65 : i32 to index
    %swap3A_67 = arith.constant 80 : index
    %swap3A_68 = tpu.vector_load %arg5[%swap3A_66, %swap3A_67] {strides = array<i32>} : memref<2x128xf32, #tpu.memory_space<vmem>>, vector<1x16xf32>,
    %swap3A_69 = vector.shape_cast %swap3A_68 : vector<1x16xf32> to vector<16xf32>
    %swap3A_70 = vector.shape_cast %broadcast_in_dim3A_3 : vector<16xf32> to vector<1x16xf32>
    tpu.vector_store %arg5[%swap3A_66, %swap3A_67], %swap3A_70 {strides = array<i32>} : memref<2x128xf32, #tpu.memory_space<vmem>>, vector<1x16xf32>,
    %swap3A_71 = arith.constant 1 : i32
    %swap3A_72 = arith.index_cast %swap3A_71 : i32 to index
    %swap3A_73 = arith.constant 80 : index
    %swap3A_74 = tpu.vector_load %arg5[%swap3A_72, %swap3A_73] {strides = array<i32>} : memref<2x128xf32, #tpu.memory_space<vmem>>, vector<1x16xf32>,
    %swap3A_75 = vector.shape_cast %swap3A_74 : vector<1x16xf32> to vector<16xf32>
    %swap3A_76 = vector.shape_cast %broadcast_in_dim3A_5 : vector<16xf32> to vector<1x16xf32>
    tpu.vector_store %arg5[%swap3A_72, %swap3A_73], %swap3A_76 {strides = array<i32>} : memref<2x128xf32, #tpu.memory_space<vmem>>, vector<1x16xf32>,
    %swap3A_77 = arith.constant 0 : i32
    %swap3A_78 = arith.index_cast %swap3A_77 : i32 to index
    %swap3A_79 = arith.constant 96 : index
    %swap3A_80 = tpu.vector_load %arg5[%swap3A_78, %swap3A_79] {strides = array<i32>} : memref<2x128xf32, #tpu.memory_space<vmem>>, vector<1x16xf32>,
    %swap3A_81 = vector.shape_cast %swap3A_80 : vector<1x16xf32> to vector<16xf32>
    %swap3A_82 = vector.shape_cast %broadcast_in_dim3A_3 : vector<16xf32> to vector<1x16xf32>
    tpu.vector_store %arg5[%swap3A_78, %swap3A_79], %swap3A_82 {strides = array<i32>} : memref<2x128xf32, #tpu.memory_space<vmem>>, vector<1x16xf32>,
    %swap3A_83 = arith.constant 1 : i32
    %swap3A_84 = arith.index_cast %swap3A_83 : i32 to index
    %swap3A_85 = arith.constant 96 : index
    %swap3A_86 = tpu.vector_load %arg5[%swap3A_84, %swap3A_85] {strides = array<i32>} : memref<2x128xf32, #tpu.memory_space<vmem>>, vector<1x16xf32>,
    %swap3A_87 = vector.shape_cast %swap3A_86 : vector<1x16xf32> to vector<16xf32>
    %swap3A_88 = vector.shape_cast %broadcast_in_dim3A_5 : vector<16xf32> to vector<1x16xf32>
    tpu.vector_store %arg5[%swap3A_84, %swap3A_85], %swap3A_88 {strides = array<i32>} : memref<2x128xf32, #tpu.memory_space<vmem>>, vector<1x16xf32>,
    %swap3A_89 = arith.constant 0 : i32
    %swap3A_90 = arith.index_cast %swap3A_89 : i32 to index
    %swap3A_91 = arith.constant 112 : index
    %swap3A_92 = tpu.vector_load %arg5[%swap3A_90, %swap3A_91] {strides = array<i32>} : memref<2x128xf32, #tpu.memory_space<vmem>>, vector<1x16xf32>,
    %swap3A_93 = vector.shape_cast %swap3A_92 : vector<1x16xf32> to vector<16xf32>
    %swap3A_94 = vector.shape_cast %broadcast_in_dim3A_3 : vector<16xf32> to vector<1x16xf32>
    tpu.vector_store %arg5[%swap3A_90, %swap3A_91], %swap3A_94 {strides = array<i32>} : memref<2x128xf32, #tpu.memory_space<vmem>>, vector<1x16xf32>,
    %swap3A_95 = arith.constant 1 : i32
    %swap3A_96 = arith.index_cast %swap3A_95 : i32 to index
    %swap3A_97 = arith.constant 112 : index
    %swap3A_98 = tpu.vector_load %arg5[%swap3A_96, %swap3A_97] {strides = array<i32>} : memref<2x128xf32, #tpu.memory_space<vmem>>, vector<1x16xf32>,
    %swap3A_99 = vector.shape_cast %swap3A_98 : vector<1x16xf32> to vector<16xf32>
    %swap3A_100 = vector.shape_cast %broadcast_in_dim3A_5 : vector<16xf32> to vector<1x16xf32>
    tpu.vector_store %arg5[%swap3A_96, %swap3A_97], %swap3A_100 {strides = array<i32>} : memref<2x128xf32, #tpu.memory_space<vmem>>, vector<1x16xf32>,
    %mul3A_101 = arith.constant 5 : i32
    %mul3A_102 = arith.muli %arg1, %mul3A_101 : i32
    %add3A_103 = arith.constant 0 : i32
    %add3A_104 = arith.addi %mul3A_102, %add3A_103 : i32
    %mul3A_105 = arith.constant 128 : i32
    %mul3A_106 = arith.muli %add3A_104, %mul3A_105 : i32
    %run_scoped3A_107 = arith.constant 0 : i32
    "tpu.region"() ({
      %run_scoped3A_146 = tpu.sem_alloc : memref<!tpu.dma_semaphore, #tpu.memory_space<semaphore_mem>>
      %dma_start3A = arith.constant 0 : i32
      %dma_start3A_147 = tpu.memref_slice %arg5[%run_scoped3A_107, %dma_start3A] : memref<2x128xf32, #tpu.memory_space<vmem>> -> memref<1x128xf32, #tpu.memory_space<vmem>>
      %dma_start3A_148 = tpu.memref_squeeze %dma_start3A_147 : memref<1x128xf32, #tpu.memory_space<vmem>> -> memref<128xf32, #tpu.memory_space<vmem>>
      %dma_start3A_149 = tpu.memref_slice %arg6[%mul3A_106] : memref<10240xf32, #tpu.memory_space<vmem_shared>> -> memref<128xf32, #tpu.memory_space<vmem_shared>>
      %dma_start3A_150 = tpu.memref_slice %arg6[%mul3A_106] : memref<10240xf32, #tpu.memory_space<vmem_shared>> -> memref<128xf32, #tpu.memory_space<vmem_shared>>
      %dma_start3A_151 = arith.constant 0 : i32
      %dma_start3A_152 = tpu.memref_slice %arg5[%run_scoped3A_107, %dma_start3A_151] : memref<2x128xf32, #tpu.memory_space<vmem>> -> memref<1x128xf32, #tpu.memory_space<vmem>>
      %dma_start3A_153 = tpu.memref_squeeze %dma_start3A_152 : memref<1x128xf32, #tpu.memory_space<vmem>> -> memref<128xf32, #tpu.memory_space<vmem>>
      tpu.enqueue_dma source(%dma_start3A_153 : memref<128xf32, #tpu.memory_space<vmem>>) target(%dma_start3A_150 : memref<128xf32, #tpu.memory_space<vmem_shared>>) target_semaphore(%run_scoped3A_146 : memref<!tpu.dma_semaphore, #tpu.memory_space<semaphore_mem>>)
      %dma_wait3A = arith.constant 0 : i32
      %dma_wait3A_154 = tpu.memref_slice %arg5[%run_scoped3A_107, %dma_wait3A] : memref<2x128xf32, #tpu.memory_space<vmem>> -> memref<1x128xf32, #tpu.memory_space<vmem>>
      %dma_wait3A_155 = tpu.memref_squeeze %dma_wait3A_154 : memref<1x128xf32, #tpu.memory_space<vmem>> -> memref<128xf32, #tpu.memory_space<vmem>>
      %dma_wait3A_156 = tpu.memref_slice %arg6[%mul3A_106] : memref<10240xf32, #tpu.memory_space<vmem_shared>> -> memref<128xf32, #tpu.memory_space<vmem_shared>>
      %dma_wait3A_157 = tpu.memref_slice %arg6[%mul3A_106] : memref<10240xf32, #tpu.memory_space<vmem_shared>> -> memref<128xf32, #tpu.memory_space<vmem_shared>>
      %dma_wait3A_158 = arith.constant 0 : i32
      %dma_wait3A_159 = tpu.memref_slice %arg5[%run_scoped3A_107, %dma_wait3A_158] : memref<2x128xf32, #tpu.memory_space<vmem>> -> memref<1x128xf32, #tpu.memory_space<vmem>>
      %dma_wait3A_160 = tpu.memref_squeeze %dma_wait3A_159 : memref<1x128xf32, #tpu.memory_space<vmem>> -> memref<128xf32, #tpu.memory_space<vmem>>
      tpu.wait_dma2 semaphore(%run_scoped3A_146 : memref<!tpu.dma_semaphore, #tpu.memory_space<semaphore_mem>>) src(%dma_wait3A_160 : memref<128xf32, #tpu.memory_space<vmem>>) dst(%dma_wait3A_157 : memref<128xf32, #tpu.memory_space<vmem_shared>>)
      tpu.yield
    }) : () -> ()
    %mul3A_108 = arith.constant 5 : i32
    %mul3A_109 = arith.muli %arg1, %mul3A_108 : i32
    %add3A_110 = arith.constant 1 : i32
    %add3A_111 = arith.addi %mul3A_109, %add3A_110 : i32
    %mul3A_112 = arith.constant 128 : i32
    %mul3A_113 = arith.muli %add3A_111, %mul3A_112 : i32
    %run_scoped3A_114 = arith.constant 0 : i32
    "tpu.region"() ({
      %run_scoped3A_146 = tpu.sem_alloc : memref<!tpu.dma_semaphore, #tpu.memory_space<semaphore_mem>>
      %dma_start3A = arith.constant 0 : i32
      %dma_start3A_147 = tpu.memref_slice %arg5[%run_scoped3A_114, %dma_start3A] : memref<2x128xf32, #tpu.memory_space<vmem>> -> memref<1x128xf32, #tpu.memory_space<vmem>>
      %dma_start3A_148 = tpu.memref_squeeze %dma_start3A_147 : memref<1x128xf32, #tpu.memory_space<vmem>> -> memref<128xf32, #tpu.memory_space<vmem>>
      %dma_start3A_149 = tpu.memref_slice %arg6[%mul3A_113] : memref<10240xf32, #tpu.memory_space<vmem_shared>> -> memref<128xf32, #tpu.memory_space<vmem_shared>>
      %dma_start3A_150 = tpu.memref_slice %arg6[%mul3A_113] : memref<10240xf32, #tpu.memory_space<vmem_shared>> -> memref<128xf32, #tpu.memory_space<vmem_shared>>
      %dma_start3A_151 = arith.constant 0 : i32
      %dma_start3A_152 = tpu.memref_slice %arg5[%run_scoped3A_114, %dma_start3A_151] : memref<2x128xf32, #tpu.memory_space<vmem>> -> memref<1x128xf32, #tpu.memory_space<vmem>>
      %dma_start3A_153 = tpu.memref_squeeze %dma_start3A_152 : memref<1x128xf32, #tpu.memory_space<vmem>> -> memref<128xf32, #tpu.memory_space<vmem>>
      tpu.enqueue_dma source(%dma_start3A_153 : memref<128xf32, #tpu.memory_space<vmem>>) target(%dma_start3A_150 : memref<128xf32, #tpu.memory_space<vmem_shared>>) target_semaphore(%run_scoped3A_146 : memref<!tpu.dma_semaphore, #tpu.memory_space<semaphore_mem>>)
      %dma_wait3A = arith.constant 0 : i32
      %dma_wait3A_154 = tpu.memref_slice %arg5[%run_scoped3A_114, %dma_wait3A] : memref<2x128xf32, #tpu.memory_space<vmem>> -> memref<1x128xf32, #tpu.memory_space<vmem>>
      %dma_wait3A_155 = tpu.memref_squeeze %dma_wait3A_154 : memref<1x128xf32, #tpu.memory_space<vmem>> -> memref<128xf32, #tpu.memory_space<vmem>>
      %dma_wait3A_156 = tpu.memref_slice %arg6[%mul3A_113] : memref<10240xf32, #tpu.memory_space<vmem_shared>> -> memref<128xf32, #tpu.memory_space<vmem_shared>>
      %dma_wait3A_157 = tpu.memref_slice %arg6[%mul3A_113] : memref<10240xf32, #tpu.memory_space<vmem_shared>> -> memref<128xf32, #tpu.memory_space<vmem_shared>>
      %dma_wait3A_158 = arith.constant 0 : i32
      %dma_wait3A_159 = tpu.memref_slice %arg5[%run_scoped3A_114, %dma_wait3A_158] : memref<2x128xf32, #tpu.memory_space<vmem>> -> memref<1x128xf32, #tpu.memory_space<vmem>>
      %dma_wait3A_160 = tpu.memref_squeeze %dma_wait3A_159 : memref<1x128xf32, #tpu.memory_space<vmem>> -> memref<128xf32, #tpu.memory_space<vmem>>
      tpu.wait_dma2 semaphore(%run_scoped3A_146 : memref<!tpu.dma_semaphore, #tpu.memory_space<semaphore_mem>>) src(%dma_wait3A_160 : memref<128xf32, #tpu.memory_space<vmem>>) dst(%dma_wait3A_157 : memref<128xf32, #tpu.memory_space<vmem_shared>>)
      tpu.yield
    }) : () -> ()
    %mul3A_115 = arith.constant 5 : i32
    %mul3A_116 = arith.muli %arg1, %mul3A_115 : i32
    %add3A_117 = arith.constant 2 : i32
    %add3A_118 = arith.addi %mul3A_116, %add3A_117 : i32
    %mul3A_119 = arith.constant 128 : i32
    %mul3A_120 = arith.muli %add3A_118, %mul3A_119 : i32
    %run_scoped3A_121 = arith.constant 0 : i32
    "tpu.region"() ({
      %run_scoped3A_146 = tpu.sem_alloc : memref<!tpu.dma_semaphore, #tpu.memory_space<semaphore_mem>>
      %dma_start3A = arith.constant 0 : i32
      %dma_start3A_147 = tpu.memref_slice %arg5[%run_scoped3A_121, %dma_start3A] : memref<2x128xf32, #tpu.memory_space<vmem>> -> memref<1x128xf32, #tpu.memory_space<vmem>>
      %dma_start3A_148 = tpu.memref_squeeze %dma_start3A_147 : memref<1x128xf32, #tpu.memory_space<vmem>> -> memref<128xf32, #tpu.memory_space<vmem>>
      %dma_start3A_149 = tpu.memref_slice %arg6[%mul3A_120] : memref<10240xf32, #tpu.memory_space<vmem_shared>> -> memref<128xf32, #tpu.memory_space<vmem_shared>>
      %dma_start3A_150 = tpu.memref_slice %arg6[%mul3A_120] : memref<10240xf32, #tpu.memory_space<vmem_shared>> -> memref<128xf32, #tpu.memory_space<vmem_shared>>
      %dma_start3A_151 = arith.constant 0 : i32
      %dma_start3A_152 = tpu.memref_slice %arg5[%run_scoped3A_121, %dma_start3A_151] : memref<2x128xf32, #tpu.memory_space<vmem>> -> memref<1x128xf32, #tpu.memory_space<vmem>>
      %dma_start3A_153 = tpu.memref_squeeze %dma_start3A_152 : memref<1x128xf32, #tpu.memory_space<vmem>> -> memref<128xf32, #tpu.memory_space<vmem>>
      tpu.enqueue_dma source(%dma_start3A_153 : memref<128xf32, #tpu.memory_space<vmem>>) target(%dma_start3A_150 : memref<128xf32, #tpu.memory_space<vmem_shared>>) target_semaphore(%run_scoped3A_146 : memref<!tpu.dma_semaphore, #tpu.memory_space<semaphore_mem>>)
      %dma_wait3A = arith.constant 0 : i32
      %dma_wait3A_154 = tpu.memref_slice %arg5[%run_scoped3A_121, %dma_wait3A] : memref<2x128xf32, #tpu.memory_space<vmem>> -> memref<1x128xf32, #tpu.memory_space<vmem>>
      %dma_wait3A_155 = tpu.memref_squeeze %dma_wait3A_154 : memref<1x128xf32, #tpu.memory_space<vmem>> -> memref<128xf32, #tpu.memory_space<vmem>>
      %dma_wait3A_156 = tpu.memref_slice %arg6[%mul3A_120] : memref<10240xf32, #tpu.memory_space<vmem_shared>> -> memref<128xf32, #tpu.memory_space<vmem_shared>>
      %dma_wait3A_157 = tpu.memref_slice %arg6[%mul3A_120] : memref<10240xf32, #tpu.memory_space<vmem_shared>> -> memref<128xf32, #tpu.memory_space<vmem_shared>>
      %dma_wait3A_158 = arith.constant 0 : i32
      %dma_wait3A_159 = tpu.memref_slice %arg5[%run_scoped3A_121, %dma_wait3A_158] : memref<2x128xf32, #tpu.memory_space<vmem>> -> memref<1x128xf32, #tpu.memory_space<vmem>>
      %dma_wait3A_160 = tpu.memref_squeeze %dma_wait3A_159 : memref<1x128xf32, #tpu.memory_space<vmem>> -> memref<128xf32, #tpu.memory_space<vmem>>
      tpu.wait_dma2 semaphore(%run_scoped3A_146 : memref<!tpu.dma_semaphore, #tpu.memory_space<semaphore_mem>>) src(%dma_wait3A_160 : memref<128xf32, #tpu.memory_space<vmem>>) dst(%dma_wait3A_157 : memref<128xf32, #tpu.memory_space<vmem_shared>>)
      tpu.yield
    }) : () -> ()
    %mul3A_122 = arith.constant 5 : i32
    %mul3A_123 = arith.muli %arg1, %mul3A_122 : i32
    %add3A_124 = arith.constant 3 : i32
    %add3A_125 = arith.addi %mul3A_123, %add3A_124 : i32
    %mul3A_126 = arith.constant 128 : i32
    %mul3A_127 = arith.muli %add3A_125, %mul3A_126 : i32
    %run_scoped3A_128 = arith.constant 0 : i32
    "tpu.region"() ({
      %run_scoped3A_146 = tpu.sem_alloc : memref<!tpu.dma_semaphore, #tpu.memory_space<semaphore_mem>>
      %dma_start3A = arith.constant 0 : i32
      %dma_start3A_147 = tpu.memref_slice %arg5[%run_scoped3A_128, %dma_start3A] : memref<2x128xf32, #tpu.memory_space<vmem>> -> memref<1x128xf32, #tpu.memory_space<vmem>>
      %dma_start3A_148 = tpu.memref_squeeze %dma_start3A_147 : memref<1x128xf32, #tpu.memory_space<vmem>> -> memref<128xf32, #tpu.memory_space<vmem>>
      %dma_start3A_149 = tpu.memref_slice %arg6[%mul3A_127] : memref<10240xf32, #tpu.memory_space<vmem_shared>> -> memref<128xf32, #tpu.memory_space<vmem_shared>>
      %dma_start3A_150 = tpu.memref_slice %arg6[%mul3A_127] : memref<10240xf32, #tpu.memory_space<vmem_shared>> -> memref<128xf32, #tpu.memory_space<vmem_shared>>
      %dma_start3A_151 = arith.constant 0 : i32
      %dma_start3A_152 = tpu.memref_slice %arg5[%run_scoped3A_128, %dma_start3A_151] : memref<2x128xf32, #tpu.memory_space<vmem>> -> memref<1x128xf32, #tpu.memory_space<vmem>>
      %dma_start3A_153 = tpu.memref_squeeze %dma_start3A_152 : memref<1x128xf32, #tpu.memory_space<vmem>> -> memref<128xf32, #tpu.memory_space<vmem>>
      tpu.enqueue_dma source(%dma_start3A_153 : memref<128xf32, #tpu.memory_space<vmem>>) target(%dma_start3A_150 : memref<128xf32, #tpu.memory_space<vmem_shared>>) target_semaphore(%run_scoped3A_146 : memref<!tpu.dma_semaphore, #tpu.memory_space<semaphore_mem>>)
      %dma_wait3A = arith.constant 0 : i32
      %dma_wait3A_154 = tpu.memref_slice %arg5[%run_scoped3A_128, %dma_wait3A] : memref<2x128xf32, #tpu.memory_space<vmem>> -> memref<1x128xf32, #tpu.memory_space<vmem>>
      %dma_wait3A_155 = tpu.memref_squeeze %dma_wait3A_154 : memref<1x128xf32, #tpu.memory_space<vmem>> -> memref<128xf32, #tpu.memory_space<vmem>>
      %dma_wait3A_156 = tpu.memref_slice %arg6[%mul3A_127] : memref<10240xf32, #tpu.memory_space<vmem_shared>> -> memref<128xf32, #tpu.memory_space<vmem_shared>>
      %dma_wait3A_157 = tpu.memref_slice %arg6[%mul3A_127] : memref<10240xf32, #tpu.memory_space<vmem_shared>> -> memref<128xf32, #tpu.memory_space<vmem_shared>>
      %dma_wait3A_158 = arith.constant 0 : i32
      %dma_wait3A_159 = tpu.memref_slice %arg5[%run_scoped3A_128, %dma_wait3A_158] : memref<2x128xf32, #tpu.memory_space<vmem>> -> memref<1x128xf32, #tpu.memory_space<vmem>>
      %dma_wait3A_160 = tpu.memref_squeeze %dma_wait3A_159 : memref<1x128xf32, #tpu.memory_space<vmem>> -> memref<128xf32, #tpu.memory_space<vmem>>
      tpu.wait_dma2 semaphore(%run_scoped3A_146 : memref<!tpu.dma_semaphore, #tpu.memory_space<semaphore_mem>>) src(%dma_wait3A_160 : memref<128xf32, #tpu.memory_space<vmem>>) dst(%dma_wait3A_157 : memref<128xf32, #tpu.memory_space<vmem_shared>>)
      tpu.yield
    }) : () -> ()
    %mul3A_129 = arith.constant 5 : i32
    %mul3A_130 = arith.muli %arg1, %mul3A_129 : i32
    %add3A_131 = arith.constant 4 : i32
    %add3A_132 = arith.addi %mul3A_130, %add3A_131 : i32
    %mul3A_133 = arith.constant 128 : i32
    %mul3A_134 = arith.muli %add3A_132, %mul3A_133 : i32
    %run_scoped3A_135 = arith.constant 0 : i32
    "tpu.region"() ({
      %run_scoped3A_146 = tpu.sem_alloc : memref<!tpu.dma_semaphore, #tpu.memory_space<semaphore_mem>>
      %dma_start3A = arith.constant 0 : i32
      %dma_start3A_147 = tpu.memref_slice %arg5[%run_scoped3A_135, %dma_start3A] : memref<2x128xf32, #tpu.memory_space<vmem>> -> memref<1x128xf32, #tpu.memory_space<vmem>>
      %dma_start3A_148 = tpu.memref_squeeze %dma_start3A_147 : memref<1x128xf32, #tpu.memory_space<vmem>> -> memref<128xf32, #tpu.memory_space<vmem>>
      %dma_start3A_149 = tpu.memref_slice %arg6[%mul3A_134] : memref<10240xf32, #tpu.memory_space<vmem_shared>> -> memref<128xf32, #tpu.memory_space<vmem_shared>>
      %dma_start3A_150 = tpu.memref_slice %arg6[%mul3A_134] : memref<10240xf32, #tpu.memory_space<vmem_shared>> -> memref<128xf32, #tpu.memory_space<vmem_shared>>
      %dma_start3A_151 = arith.constant 0 : i32
      %dma_start3A_152 = tpu.memref_slice %arg5[%run_scoped3A_135, %dma_start3A_151] : memref<2x128xf32, #tpu.memory_space<vmem>> -> memref<1x128xf32, #tpu.memory_space<vmem>>
      %dma_start3A_153 = tpu.memref_squeeze %dma_start3A_152 : memref<1x128xf32, #tpu.memory_space<vmem>> -> memref<128xf32, #tpu.memory_space<vmem>>
      tpu.enqueue_dma source(%dma_start3A_153 : memref<128xf32, #tpu.memory_space<vmem>>) target(%dma_start3A_150 : memref<128xf32, #tpu.memory_space<vmem_shared>>) target_semaphore(%run_scoped3A_146 : memref<!tpu.dma_semaphore, #tpu.memory_space<semaphore_mem>>)
      %dma_wait3A = arith.constant 0 : i32
      %dma_wait3A_154 = tpu.memref_slice %arg5[%run_scoped3A_135, %dma_wait3A] : memref<2x128xf32, #tpu.memory_space<vmem>> -> memref<1x128xf32, #tpu.memory_space<vmem>>
      %dma_wait3A_155 = tpu.memref_squeeze %dma_wait3A_154 : memref<1x128xf32, #tpu.memory_space<vmem>> -> memref<128xf32, #tpu.memory_space<vmem>>
      %dma_wait3A_156 = tpu.memref_slice %arg6[%mul3A_134] : memref<10240xf32, #tpu.memory_space<vmem_shared>> -> memref<128xf32, #tpu.memory_space<vmem_shared>>
      %dma_wait3A_157 = tpu.memref_slice %arg6[%mul3A_134] : memref<10240xf32, #tpu.memory_space<vmem_shared>> -> memref<128xf32, #tpu.memory_space<vmem_shared>>
      %dma_wait3A_158 = arith.constant 0 : i32
      %dma_wait3A_159 = tpu.memref_slice %arg5[%run_scoped3A_135, %dma_wait3A_158] : memref<2x128xf32, #tpu.memory_space<vmem>> -> memref<1x128xf32, #tpu.memory_space<vmem>>
      %dma_wait3A_160 = tpu.memref_squeeze %dma_wait3A_159 : memref<1x128xf32, #tpu.memory_space<vmem>> -> memref<128xf32, #tpu.memory_space<vmem>>
      tpu.wait_dma2 semaphore(%run_scoped3A_146 : memref<!tpu.dma_semaphore, #tpu.memory_space<semaphore_mem>>) src(%dma_wait3A_160 : memref<128xf32, #tpu.memory_space<vmem>>) dst(%dma_wait3A_157 : memref<128xf32, #tpu.memory_space<vmem_shared>>)
      tpu.yield
    }) : () -> ()
    %barrier3A = arith.constant 0 : index
    tpu.barrier barrier_id(%barrier3A)
    %scan3A = arith.constant 0 : i32
    %scan3A_136 = arith.constant 0 : i32
    %scan3A_137 = arith.constant 80 : i32
    %scan3A_138 = arith.addi %scan3A_136, %scan3A_137 : i32
    %scan3A_139 = arith.constant 1 : i32
    scf.for %scan3A_146 = %scan3A_136 to %scan3A_138 step %scan3A_139  : i32 {
      %run_scoped3A_147 = arith.constant 1 : i32
      "tpu.region"() ({
        %run_scoped3A_148 = tpu.sem_alloc : memref<!tpu.dma_semaphore, #tpu.memory_space<semaphore_mem>>
        %dma_start3A = arith.constant 0 : i32
        %dma_start3A_149 = tpu.memref_slice %arg5[%run_scoped3A_147, %dma_start3A] : memref<2x128xf32, #tpu.memory_space<vmem>> -> memref<1x128xf32, #tpu.memory_space<vmem>>
        %dma_start3A_150 = tpu.memref_squeeze %dma_start3A_149 : memref<1x128xf32, #tpu.memory_space<vmem>> -> memref<128xf32, #tpu.memory_space<vmem>>
        %dma_start3A_151 = arith.constant 0 : i32
        %dma_start3A_152 = tpu.memref_slice %arg4[%scan3A_146, %dma_start3A_151] : memref<80x128xi32, #tpu.memory_space<vmem>> -> memref<1x128xi32, #tpu.memory_space<vmem>>
        %dma_start3A_153 = tpu.memref_squeeze %dma_start3A_152 : memref<1x128xi32, #tpu.memory_space<vmem>> -> memref<128xi32, #tpu.memory_space<vmem>>
        %dma_start3A_154 = arith.constant 0 : i32
        %dma_start3A_155 = tpu.memref_slice %arg6[%dma_start3A_154] : memref<10240xf32, #tpu.memory_space<vmem_shared>> -> memref<10240xf32, #tpu.memory_space<vmem_shared>>
        tpu.enqueue_indirect_dma source(%dma_start3A_150 : memref<128xf32, #tpu.memory_space<vmem>>) target(%dma_start3A_155 : memref<10240xf32, #tpu.memory_space<vmem_shared>>) offsets(%dma_start3A_153 : memref<128xi32, #tpu.memory_space<vmem>>) semaphore(%run_scoped3A_148 : memref<!tpu.dma_semaphore, #tpu.memory_space<semaphore_mem>>) {add = true}
        %dma_wait3A = arith.constant 0 : i32
        %dma_wait3A_156 = tpu.memref_slice %arg5[%run_scoped3A_147, %dma_wait3A] : memref<2x128xf32, #tpu.memory_space<vmem>> -> memref<1x128xf32, #tpu.memory_space<vmem>>
        %dma_wait3A_157 = tpu.memref_squeeze %dma_wait3A_156 : memref<1x128xf32, #tpu.memory_space<vmem>> -> memref<128xf32, #tpu.memory_space<vmem>>
        %dma_wait3A_158 = arith.constant 0 : i32
        %dma_wait3A_159 = tpu.memref_slice %arg4[%scan3A_146, %dma_wait3A_158] : memref<80x128xi32, #tpu.memory_space<vmem>> -> memref<1x128xi32, #tpu.memory_space<vmem>>
        %dma_wait3A_160 = tpu.memref_squeeze %dma_wait3A_159 : memref<1x128xi32, #tpu.memory_space<vmem>> -> memref<128xi32, #tpu.memory_space<vmem>>
        %dma_wait3A_161 = arith.constant 0 : i32
        %dma_wait3A_162 = tpu.memref_slice %arg6[%dma_wait3A_161] : memref<10240xf32, #tpu.memory_space<vmem_shared>> -> memref<10240xf32, #tpu.memory_space<vmem_shared>>
        tpu.wait_indirect_dma semaphore(%run_scoped3A_148 : memref<!tpu.dma_semaphore, #tpu.memory_space<semaphore_mem>>) src(%dma_wait3A_157 : memref<128xf32, #tpu.memory_space<vmem>>) dst(%dma_wait3A_162 : memref<10240xf32, #tpu.memory_space<vmem_shared>>)
        tpu.yield
      }) : () -> ()
    }
    %scan3A_140 = arith.constant 80 : i32
    %barrier3A_141 = arith.constant 0 : index
    tpu.barrier barrier_id(%barrier3A_141)
    %mul3A_142 = arith.constant 640 : i32
    %mul3A_143 = arith.muli %arg1, %mul3A_142 : i32
    %mul3A_144 = arith.constant 640 : i32
    %mul3A_145 = arith.muli %arg1, %mul3A_144 : i32
    "tpu.region"() ({
      %run_scoped3A_146 = tpu.sem_alloc : memref<!tpu.dma_semaphore, #tpu.memory_space<semaphore_mem>>
      %dma_start3A = tpu.memref_slice %arg3[%arg0, %mul3A_145] : memref<2x10240xf32, #tpu.memory_space<hbm>> -> memref<1x640xf32, #tpu.memory_space<hbm>>
      %dma_start3A_147 = tpu.memref_squeeze %dma_start3A : memref<1x640xf32, #tpu.memory_space<hbm>> -> memref<640xf32, #tpu.memory_space<hbm>>
      %dma_start3A_148 = tpu.memref_slice %arg6[%mul3A_143] : memref<10240xf32, #tpu.memory_space<vmem_shared>> -> memref<640xf32, #tpu.memory_space<vmem_shared>>
      tpu.enqueue_dma source(%dma_start3A_148 : memref<640xf32, #tpu.memory_space<vmem_shared>>) target(%dma_start3A_147 : memref<640xf32, #tpu.memory_space<hbm>>) target_semaphore(%run_scoped3A_146 : memref<!tpu.dma_semaphore, #tpu.memory_space<semaphore_mem>>)
      %dma_wait3A = tpu.memref_slice %arg3[%arg0, %mul3A_145] : memref<2x10240xf32, #tpu.memory_space<hbm>> -> memref<1x640xf32, #tpu.memory_space<hbm>>
      %dma_wait3A_149 = tpu.memref_squeeze %dma_wait3A : memref<1x640xf32, #tpu.memory_space<hbm>> -> memref<640xf32, #tpu.memory_space<hbm>>
      %dma_wait3A_150 = tpu.memref_slice %arg6[%mul3A_143] : memref<10240xf32, #tpu.memory_space<vmem_shared>> -> memref<640xf32, #tpu.memory_space<vmem_shared>>
      tpu.wait_dma2 semaphore(%run_scoped3A_146 : memref<!tpu.dma_semaphore, #tpu.memory_space<semaphore_mem>>) src(%dma_wait3A_150 : memref<640xf32, #tpu.memory_space<vmem_shared>>) dst(%dma_wait3A_149 : memref<640xf32, #tpu.memory_space<hbm>>)
      tpu.yield
    }) : () -> ()
    return
  }
}

#map = affine_map<(d0, d1) -> (0, 0)>
#map1 = affine_map<(d0, d1) -> (0, 0, 0)>
module attributes {stable_mosaic.version = 14 : i64} {
  func.func @_prop_body(%arg0: i32, %arg1: i32, %arg2: memref<20000x64xf32, #tpu.memory_space<hbm>>, %arg3: memref<3x2560x128xi32, #tpu.memory_space<hbm>>, %arg4: memref<2x10240x128xf32, #tpu.memory_space<hbm>>, %arg5: memref<80x128xi32, #tpu.memory_space<vmem>>, %arg6: memref<80x128xi32, #tpu.memory_space<vmem>>, %arg7: memref<4x128x64xf32, #tpu.memory_space<vmem>>, %arg8: memref<10240x64xf32, #tpu.memory_space<vmem_shared>>, %arg9: memref<!tpu.dma_semaphore, #tpu.memory_space<semaphore_mem>>, %arg10: memref<!tpu.dma_semaphore, #tpu.memory_space<semaphore_mem>>, %arg11: memref<!tpu.dma_semaphore, #tpu.memory_space<semaphore_mem>>, %arg12: memref<!tpu.dma_semaphore, #tpu.memory_space<semaphore_mem>>) attributes {dimension_semantics = [#tpu.dimension_semantics<core_parallel>, #tpu.dimension_semantics<subcore_parallel>], iteration_bounds = array<i64: 2, 16>, scalar_prefetch = 0 : i64, scratch_operands = 8 : i64, tpu.core_type = #tpu.core_type<sc_vector_subcore>, window_params = [{transform_indices = #map}, {transform_indices = #map1}, {transform_indices = #map1}]} {
    %mul3A = arith.constant 2 : i32
    %mul3A_0 = arith.muli %arg1, %mul3A : i32
    %add3A = arith.addi %mul3A_0, %arg0 : i32
    %mul3A_1 = arith.constant 80 : i32
    %mul3A_2 = arith.muli %add3A, %mul3A_1 : i32
    %run_scoped3A = arith.constant 2 : i32
    "tpu.region"() ({
      %run_scoped3A_205 = tpu.sem_alloc : memref<!tpu.dma_semaphore, #tpu.memory_space<semaphore_mem>>
      %dma_start3A_206 = arith.constant 0 : i32
      %dma_start3A_207 = tpu.memref_slice %arg3[%run_scoped3A, %mul3A_2, %dma_start3A_206] : memref<3x2560x128xi32, #tpu.memory_space<hbm>> -> memref<1x80x128xi32, #tpu.memory_space<hbm>>
      %dma_start3A_208 = tpu.memref_squeeze %dma_start3A_207 : memref<1x80x128xi32, #tpu.memory_space<hbm>> -> memref<80x128xi32, #tpu.memory_space<hbm>>
      %dma_start3A_209 = arith.constant 0 : i32
      %dma_start3A_210 = tpu.memref_slice %arg3[%run_scoped3A, %mul3A_2, %dma_start3A_209] : memref<3x2560x128xi32, #tpu.memory_space<hbm>> -> memref<1x80x128xi32, #tpu.memory_space<hbm>>
      %dma_start3A_211 = tpu.memref_squeeze %dma_start3A_210 : memref<1x80x128xi32, #tpu.memory_space<hbm>> -> memref<80x128xi32, #tpu.memory_space<hbm>>
      tpu.enqueue_dma source(%dma_start3A_211 : memref<80x128xi32, #tpu.memory_space<hbm>>) target(%arg6 : memref<80x128xi32, #tpu.memory_space<vmem>>) target_semaphore(%run_scoped3A_205 : memref<!tpu.dma_semaphore, #tpu.memory_space<semaphore_mem>>)
      %dma_wait3A = arith.constant 0 : i32
      %dma_wait3A_212 = tpu.memref_slice %arg3[%run_scoped3A, %mul3A_2, %dma_wait3A] : memref<3x2560x128xi32, #tpu.memory_space<hbm>> -> memref<1x80x128xi32, #tpu.memory_space<hbm>>
      %dma_wait3A_213 = tpu.memref_squeeze %dma_wait3A_212 : memref<1x80x128xi32, #tpu.memory_space<hbm>> -> memref<80x128xi32, #tpu.memory_space<hbm>>
      %dma_wait3A_214 = arith.constant 0 : i32
      %dma_wait3A_215 = tpu.memref_slice %arg3[%run_scoped3A, %mul3A_2, %dma_wait3A_214] : memref<3x2560x128xi32, #tpu.memory_space<hbm>> -> memref<1x80x128xi32, #tpu.memory_space<hbm>>
      %dma_wait3A_216 = tpu.memref_squeeze %dma_wait3A_215 : memref<1x80x128xi32, #tpu.memory_space<hbm>> -> memref<80x128xi32, #tpu.memory_space<hbm>>
      tpu.wait_dma2 semaphore(%run_scoped3A_205 : memref<!tpu.dma_semaphore, #tpu.memory_space<semaphore_mem>>) src(%dma_wait3A_216 : memref<80x128xi32, #tpu.memory_space<hbm>>) dst(%arg6 : memref<80x128xi32, #tpu.memory_space<vmem>>)
      tpu.yield
    }) : () -> ()
    %broadcast_in_dim3A = arith.constant 0.000000e+00 : f32
    %broadcast_in_dim3A_3 = vector.broadcast %broadcast_in_dim3A : f32 to vector<16xf32>
    %run_scoped3A_4 = arith.constant 0 : i32
    "tpu.region"() ({
      %run_scoped3A_205 = tpu.sem_alloc : memref<!tpu.dma_semaphore, #tpu.memory_space<semaphore_mem>>
      %dma_start3A_206 = arith.constant 0 : i32
      %dma_start3A_207 = tpu.memref_slice %arg3[%run_scoped3A_4, %mul3A_2, %dma_start3A_206] : memref<3x2560x128xi32, #tpu.memory_space<hbm>> -> memref<1x80x128xi32, #tpu.memory_space<hbm>>
      %dma_start3A_208 = tpu.memref_squeeze %dma_start3A_207 : memref<1x80x128xi32, #tpu.memory_space<hbm>> -> memref<80x128xi32, #tpu.memory_space<hbm>>
      %dma_start3A_209 = arith.constant 0 : i32
      %dma_start3A_210 = tpu.memref_slice %arg3[%run_scoped3A_4, %mul3A_2, %dma_start3A_209] : memref<3x2560x128xi32, #tpu.memory_space<hbm>> -> memref<1x80x128xi32, #tpu.memory_space<hbm>>
      %dma_start3A_211 = tpu.memref_squeeze %dma_start3A_210 : memref<1x80x128xi32, #tpu.memory_space<hbm>> -> memref<80x128xi32, #tpu.memory_space<hbm>>
      tpu.enqueue_dma source(%dma_start3A_211 : memref<80x128xi32, #tpu.memory_space<hbm>>) target(%arg5 : memref<80x128xi32, #tpu.memory_space<vmem>>) target_semaphore(%run_scoped3A_205 : memref<!tpu.dma_semaphore, #tpu.memory_space<semaphore_mem>>)
      %dma_wait3A = arith.constant 0 : i32
      %dma_wait3A_212 = tpu.memref_slice %arg3[%run_scoped3A_4, %mul3A_2, %dma_wait3A] : memref<3x2560x128xi32, #tpu.memory_space<hbm>> -> memref<1x80x128xi32, #tpu.memory_space<hbm>>
      %dma_wait3A_213 = tpu.memref_squeeze %dma_wait3A_212 : memref<1x80x128xi32, #tpu.memory_space<hbm>> -> memref<80x128xi32, #tpu.memory_space<hbm>>
      %dma_wait3A_214 = arith.constant 0 : i32
      %dma_wait3A_215 = tpu.memref_slice %arg3[%run_scoped3A_4, %mul3A_2, %dma_wait3A_214] : memref<3x2560x128xi32, #tpu.memory_space<hbm>> -> memref<1x80x128xi32, #tpu.memory_space<hbm>>
      %dma_wait3A_216 = tpu.memref_squeeze %dma_wait3A_215 : memref<1x80x128xi32, #tpu.memory_space<hbm>> -> memref<80x128xi32, #tpu.memory_space<hbm>>
      tpu.wait_dma2 semaphore(%run_scoped3A_205 : memref<!tpu.dma_semaphore, #tpu.memory_space<semaphore_mem>>) src(%dma_wait3A_216 : memref<80x128xi32, #tpu.memory_space<hbm>>) dst(%arg5 : memref<80x128xi32, #tpu.memory_space<vmem>>)
      tpu.yield
    }) : () -> ()
    %scan3A = arith.constant 0 : i32
    %scan3A_5 = arith.constant 0 : i32
    %scan3A_6 = arith.constant 128 : i32
    %scan3A_7 = arith.addi %scan3A_5, %scan3A_6 : i32
    %scan3A_8 = arith.constant 1 : i32
    scf.for %scan3A_205 = %scan3A_5 to %scan3A_7 step %scan3A_8  : i32 {
      %swap3A = arith.constant 0 : i32
      %swap3A_206 = arith.index_cast %swap3A : i32 to index
      %swap3A_207 = arith.index_cast %scan3A_205 : i32 to index
      %swap3A_208 = arith.constant 0 : index
      %swap3A_209 = tpu.vector_load %arg7[%swap3A_206, %swap3A_207, %swap3A_208] {strides = array<i32>} : memref<4x128x64xf32, #tpu.memory_space<vmem>>, vector<1x1x16xf32>,
      %swap3A_210 = vector.shape_cast %swap3A_209 : vector<1x1x16xf32> to vector<16xf32>
      %swap3A_211 = vector.shape_cast %broadcast_in_dim3A_3 : vector<16xf32> to vector<1x1x16xf32>
      tpu.vector_store %arg7[%swap3A_206, %swap3A_207, %swap3A_208], %swap3A_211 {strides = array<i32>} : memref<4x128x64xf32, #tpu.memory_space<vmem>>, vector<1x1x16xf32>,
      %swap3A_212 = arith.constant 0 : i32
      %swap3A_213 = arith.index_cast %swap3A_212 : i32 to index
      %swap3A_214 = arith.index_cast %scan3A_205 : i32 to index
      %swap3A_215 = arith.constant 16 : index
      %swap3A_216 = tpu.vector_load %arg7[%swap3A_213, %swap3A_214, %swap3A_215] {strides = array<i32>} : memref<4x128x64xf32, #tpu.memory_space<vmem>>, vector<1x1x16xf32>,
      %swap3A_217 = vector.shape_cast %swap3A_216 : vector<1x1x16xf32> to vector<16xf32>
      %swap3A_218 = vector.shape_cast %broadcast_in_dim3A_3 : vector<16xf32> to vector<1x1x16xf32>
      tpu.vector_store %arg7[%swap3A_213, %swap3A_214, %swap3A_215], %swap3A_218 {strides = array<i32>} : memref<4x128x64xf32, #tpu.memory_space<vmem>>, vector<1x1x16xf32>,
      %swap3A_219 = arith.constant 0 : i32
      %swap3A_220 = arith.index_cast %swap3A_219 : i32 to index
      %swap3A_221 = arith.index_cast %scan3A_205 : i32 to index
      %swap3A_222 = arith.constant 32 : index
      %swap3A_223 = tpu.vector_load %arg7[%swap3A_220, %swap3A_221, %swap3A_222] {strides = array<i32>} : memref<4x128x64xf32, #tpu.memory_space<vmem>>, vector<1x1x16xf32>,
      %swap3A_224 = vector.shape_cast %swap3A_223 : vector<1x1x16xf32> to vector<16xf32>
      %swap3A_225 = vector.shape_cast %broadcast_in_dim3A_3 : vector<16xf32> to vector<1x1x16xf32>
      tpu.vector_store %arg7[%swap3A_220, %swap3A_221, %swap3A_222], %swap3A_225 {strides = array<i32>} : memref<4x128x64xf32, #tpu.memory_space<vmem>>, vector<1x1x16xf32>,
      %swap3A_226 = arith.constant 0 : i32
      %swap3A_227 = arith.index_cast %swap3A_226 : i32 to index
      %swap3A_228 = arith.index_cast %scan3A_205 : i32 to index
      %swap3A_229 = arith.constant 48 : index
      %swap3A_230 = tpu.vector_load %arg7[%swap3A_227, %swap3A_228, %swap3A_229] {strides = array<i32>} : memref<4x128x64xf32, #tpu.memory_space<vmem>>, vector<1x1x16xf32>,
      %swap3A_231 = vector.shape_cast %swap3A_230 : vector<1x1x16xf32> to vector<16xf32>
      %swap3A_232 = vector.shape_cast %broadcast_in_dim3A_3 : vector<16xf32> to vector<1x1x16xf32>
      tpu.vector_store %arg7[%swap3A_227, %swap3A_228, %swap3A_229], %swap3A_232 {strides = array<i32>} : memref<4x128x64xf32, #tpu.memory_space<vmem>>, vector<1x1x16xf32>,
    }
    %scan3A_9 = arith.constant 128 : i32
    %mul3A_10 = arith.constant 5 : i32
    %mul3A_11 = arith.muli %arg1, %mul3A_10 : i32
    %add3A_12 = arith.constant 0 : i32
    %add3A_13 = arith.addi %mul3A_11, %add3A_12 : i32
    %mul3A_14 = arith.constant 128 : i32
    %mul3A_15 = arith.muli %add3A_13, %mul3A_14 : i32
    %run_scoped3A_16 = arith.constant 0 : i32
    "tpu.region"() ({
      %run_scoped3A_205 = tpu.sem_alloc : memref<!tpu.dma_semaphore, #tpu.memory_space<semaphore_mem>>
      %dma_start3A_206 = arith.constant 0 : i32
      %dma_start3A_207 = arith.constant 0 : i32
      %dma_start3A_208 = tpu.memref_slice %arg7[%run_scoped3A_16, %dma_start3A_206, %dma_start3A_207] : memref<4x128x64xf32, #tpu.memory_space<vmem>> -> memref<1x128x64xf32, #tpu.memory_space<vmem>>
      %dma_start3A_209 = tpu.memref_squeeze %dma_start3A_208 : memref<1x128x64xf32, #tpu.memory_space<vmem>> -> memref<128x64xf32, #tpu.memory_space<vmem>>
      %dma_start3A_210 = arith.constant 0 : i32
      %dma_start3A_211 = tpu.memref_slice %arg8[%mul3A_15, %dma_start3A_210] : memref<10240x64xf32, #tpu.memory_space<vmem_shared>> -> memref<128x64xf32, #tpu.memory_space<vmem_shared>>
      %dma_start3A_212 = arith.constant 0 : i32
      %dma_start3A_213 = tpu.memref_slice %arg8[%mul3A_15, %dma_start3A_212] : memref<10240x64xf32, #tpu.memory_space<vmem_shared>> -> memref<128x64xf32, #tpu.memory_space<vmem_shared>>
      %dma_start3A_214 = arith.constant 0 : i32
      %dma_start3A_215 = arith.constant 0 : i32
      %dma_start3A_216 = tpu.memref_slice %arg7[%run_scoped3A_16, %dma_start3A_214, %dma_start3A_215] : memref<4x128x64xf32, #tpu.memory_space<vmem>> -> memref<1x128x64xf32, #tpu.memory_space<vmem>>
      %dma_start3A_217 = tpu.memref_squeeze %dma_start3A_216 : memref<1x128x64xf32, #tpu.memory_space<vmem>> -> memref<128x64xf32, #tpu.memory_space<vmem>>
      tpu.enqueue_dma source(%dma_start3A_217 : memref<128x64xf32, #tpu.memory_space<vmem>>) target(%dma_start3A_213 : memref<128x64xf32, #tpu.memory_space<vmem_shared>>) target_semaphore(%run_scoped3A_205 : memref<!tpu.dma_semaphore, #tpu.memory_space<semaphore_mem>>)
      %dma_wait3A = arith.constant 0 : i32
      %dma_wait3A_218 = arith.constant 0 : i32
      %dma_wait3A_219 = tpu.memref_slice %arg7[%run_scoped3A_16, %dma_wait3A, %dma_wait3A_218] : memref<4x128x64xf32, #tpu.memory_space<vmem>> -> memref<1x128x64xf32, #tpu.memory_space<vmem>>
      %dma_wait3A_220 = tpu.memref_squeeze %dma_wait3A_219 : memref<1x128x64xf32, #tpu.memory_space<vmem>> -> memref<128x64xf32, #tpu.memory_space<vmem>>
      %dma_wait3A_221 = arith.constant 0 : i32
      %dma_wait3A_222 = tpu.memref_slice %arg8[%mul3A_15, %dma_wait3A_221] : memref<10240x64xf32, #tpu.memory_space<vmem_shared>> -> memref<128x64xf32, #tpu.memory_space<vmem_shared>>
      %dma_wait3A_223 = arith.constant 0 : i32
      %dma_wait3A_224 = tpu.memref_slice %arg8[%mul3A_15, %dma_wait3A_223] : memref<10240x64xf32, #tpu.memory_space<vmem_shared>> -> memref<128x64xf32, #tpu.memory_space<vmem_shared>>
      %dma_wait3A_225 = arith.constant 0 : i32
      %dma_wait3A_226 = arith.constant 0 : i32
      %dma_wait3A_227 = tpu.memref_slice %arg7[%run_scoped3A_16, %dma_wait3A_225, %dma_wait3A_226] : memref<4x128x64xf32, #tpu.memory_space<vmem>> -> memref<1x128x64xf32, #tpu.memory_space<vmem>>
      %dma_wait3A_228 = tpu.memref_squeeze %dma_wait3A_227 : memref<1x128x64xf32, #tpu.memory_space<vmem>> -> memref<128x64xf32, #tpu.memory_space<vmem>>
      tpu.wait_dma2 semaphore(%run_scoped3A_205 : memref<!tpu.dma_semaphore, #tpu.memory_space<semaphore_mem>>) src(%dma_wait3A_228 : memref<128x64xf32, #tpu.memory_space<vmem>>) dst(%dma_wait3A_224 : memref<128x64xf32, #tpu.memory_space<vmem_shared>>)
      tpu.yield
    }) : () -> ()
    %mul3A_17 = arith.constant 5 : i32
    %mul3A_18 = arith.muli %arg1, %mul3A_17 : i32
    %add3A_19 = arith.constant 1 : i32
    %add3A_20 = arith.addi %mul3A_18, %add3A_19 : i32
    %mul3A_21 = arith.constant 128 : i32
    %mul3A_22 = arith.muli %add3A_20, %mul3A_21 : i32
    %run_scoped3A_23 = arith.constant 0 : i32
    "tpu.region"() ({
      %run_scoped3A_205 = tpu.sem_alloc : memref<!tpu.dma_semaphore, #tpu.memory_space<semaphore_mem>>
      %dma_start3A_206 = arith.constant 0 : i32
      %dma_start3A_207 = arith.constant 0 : i32
      %dma_start3A_208 = tpu.memref_slice %arg7[%run_scoped3A_23, %dma_start3A_206, %dma_start3A_207] : memref<4x128x64xf32, #tpu.memory_space<vmem>> -> memref<1x128x64xf32, #tpu.memory_space<vmem>>
      %dma_start3A_209 = tpu.memref_squeeze %dma_start3A_208 : memref<1x128x64xf32, #tpu.memory_space<vmem>> -> memref<128x64xf32, #tpu.memory_space<vmem>>
      %dma_start3A_210 = arith.constant 0 : i32
      %dma_start3A_211 = tpu.memref_slice %arg8[%mul3A_22, %dma_start3A_210] : memref<10240x64xf32, #tpu.memory_space<vmem_shared>> -> memref<128x64xf32, #tpu.memory_space<vmem_shared>>
      %dma_start3A_212 = arith.constant 0 : i32
      %dma_start3A_213 = tpu.memref_slice %arg8[%mul3A_22, %dma_start3A_212] : memref<10240x64xf32, #tpu.memory_space<vmem_shared>> -> memref<128x64xf32, #tpu.memory_space<vmem_shared>>
      %dma_start3A_214 = arith.constant 0 : i32
      %dma_start3A_215 = arith.constant 0 : i32
      %dma_start3A_216 = tpu.memref_slice %arg7[%run_scoped3A_23, %dma_start3A_214, %dma_start3A_215] : memref<4x128x64xf32, #tpu.memory_space<vmem>> -> memref<1x128x64xf32, #tpu.memory_space<vmem>>
      %dma_start3A_217 = tpu.memref_squeeze %dma_start3A_216 : memref<1x128x64xf32, #tpu.memory_space<vmem>> -> memref<128x64xf32, #tpu.memory_space<vmem>>
      tpu.enqueue_dma source(%dma_start3A_217 : memref<128x64xf32, #tpu.memory_space<vmem>>) target(%dma_start3A_213 : memref<128x64xf32, #tpu.memory_space<vmem_shared>>) target_semaphore(%run_scoped3A_205 : memref<!tpu.dma_semaphore, #tpu.memory_space<semaphore_mem>>)
      %dma_wait3A = arith.constant 0 : i32
      %dma_wait3A_218 = arith.constant 0 : i32
      %dma_wait3A_219 = tpu.memref_slice %arg7[%run_scoped3A_23, %dma_wait3A, %dma_wait3A_218] : memref<4x128x64xf32, #tpu.memory_space<vmem>> -> memref<1x128x64xf32, #tpu.memory_space<vmem>>
      %dma_wait3A_220 = tpu.memref_squeeze %dma_wait3A_219 : memref<1x128x64xf32, #tpu.memory_space<vmem>> -> memref<128x64xf32, #tpu.memory_space<vmem>>
      %dma_wait3A_221 = arith.constant 0 : i32
      %dma_wait3A_222 = tpu.memref_slice %arg8[%mul3A_22, %dma_wait3A_221] : memref<10240x64xf32, #tpu.memory_space<vmem_shared>> -> memref<128x64xf32, #tpu.memory_space<vmem_shared>>
      %dma_wait3A_223 = arith.constant 0 : i32
      %dma_wait3A_224 = tpu.memref_slice %arg8[%mul3A_22, %dma_wait3A_223] : memref<10240x64xf32, #tpu.memory_space<vmem_shared>> -> memref<128x64xf32, #tpu.memory_space<vmem_shared>>
      %dma_wait3A_225 = arith.constant 0 : i32
      %dma_wait3A_226 = arith.constant 0 : i32
      %dma_wait3A_227 = tpu.memref_slice %arg7[%run_scoped3A_23, %dma_wait3A_225, %dma_wait3A_226] : memref<4x128x64xf32, #tpu.memory_space<vmem>> -> memref<1x128x64xf32, #tpu.memory_space<vmem>>
      %dma_wait3A_228 = tpu.memref_squeeze %dma_wait3A_227 : memref<1x128x64xf32, #tpu.memory_space<vmem>> -> memref<128x64xf32, #tpu.memory_space<vmem>>
      tpu.wait_dma2 semaphore(%run_scoped3A_205 : memref<!tpu.dma_semaphore, #tpu.memory_space<semaphore_mem>>) src(%dma_wait3A_228 : memref<128x64xf32, #tpu.memory_space<vmem>>) dst(%dma_wait3A_224 : memref<128x64xf32, #tpu.memory_space<vmem_shared>>)
      tpu.yield
    }) : () -> ()
    %mul3A_24 = arith.constant 5 : i32
    %mul3A_25 = arith.muli %arg1, %mul3A_24 : i32
    %add3A_26 = arith.constant 2 : i32
    %add3A_27 = arith.addi %mul3A_25, %add3A_26 : i32
    %mul3A_28 = arith.constant 128 : i32
    %mul3A_29 = arith.muli %add3A_27, %mul3A_28 : i32
    %run_scoped3A_30 = arith.constant 0 : i32
    "tpu.region"() ({
      %run_scoped3A_205 = tpu.sem_alloc : memref<!tpu.dma_semaphore, #tpu.memory_space<semaphore_mem>>
      %dma_start3A_206 = arith.constant 0 : i32
      %dma_start3A_207 = arith.constant 0 : i32
      %dma_start3A_208 = tpu.memref_slice %arg7[%run_scoped3A_30, %dma_start3A_206, %dma_start3A_207] : memref<4x128x64xf32, #tpu.memory_space<vmem>> -> memref<1x128x64xf32, #tpu.memory_space<vmem>>
      %dma_start3A_209 = tpu.memref_squeeze %dma_start3A_208 : memref<1x128x64xf32, #tpu.memory_space<vmem>> -> memref<128x64xf32, #tpu.memory_space<vmem>>
      %dma_start3A_210 = arith.constant 0 : i32
      %dma_start3A_211 = tpu.memref_slice %arg8[%mul3A_29, %dma_start3A_210] : memref<10240x64xf32, #tpu.memory_space<vmem_shared>> -> memref<128x64xf32, #tpu.memory_space<vmem_shared>>
      %dma_start3A_212 = arith.constant 0 : i32
      %dma_start3A_213 = tpu.memref_slice %arg8[%mul3A_29, %dma_start3A_212] : memref<10240x64xf32, #tpu.memory_space<vmem_shared>> -> memref<128x64xf32, #tpu.memory_space<vmem_shared>>
      %dma_start3A_214 = arith.constant 0 : i32
      %dma_start3A_215 = arith.constant 0 : i32
      %dma_start3A_216 = tpu.memref_slice %arg7[%run_scoped3A_30, %dma_start3A_214, %dma_start3A_215] : memref<4x128x64xf32, #tpu.memory_space<vmem>> -> memref<1x128x64xf32, #tpu.memory_space<vmem>>
      %dma_start3A_217 = tpu.memref_squeeze %dma_start3A_216 : memref<1x128x64xf32, #tpu.memory_space<vmem>> -> memref<128x64xf32, #tpu.memory_space<vmem>>
      tpu.enqueue_dma source(%dma_start3A_217 : memref<128x64xf32, #tpu.memory_space<vmem>>) target(%dma_start3A_213 : memref<128x64xf32, #tpu.memory_space<vmem_shared>>) target_semaphore(%run_scoped3A_205 : memref<!tpu.dma_semaphore, #tpu.memory_space<semaphore_mem>>)
      %dma_wait3A = arith.constant 0 : i32
      %dma_wait3A_218 = arith.constant 0 : i32
      %dma_wait3A_219 = tpu.memref_slice %arg7[%run_scoped3A_30, %dma_wait3A, %dma_wait3A_218] : memref<4x128x64xf32, #tpu.memory_space<vmem>> -> memref<1x128x64xf32, #tpu.memory_space<vmem>>
      %dma_wait3A_220 = tpu.memref_squeeze %dma_wait3A_219 : memref<1x128x64xf32, #tpu.memory_space<vmem>> -> memref<128x64xf32, #tpu.memory_space<vmem>>
      %dma_wait3A_221 = arith.constant 0 : i32
      %dma_wait3A_222 = tpu.memref_slice %arg8[%mul3A_29, %dma_wait3A_221] : memref<10240x64xf32, #tpu.memory_space<vmem_shared>> -> memref<128x64xf32, #tpu.memory_space<vmem_shared>>
      %dma_wait3A_223 = arith.constant 0 : i32
      %dma_wait3A_224 = tpu.memref_slice %arg8[%mul3A_29, %dma_wait3A_223] : memref<10240x64xf32, #tpu.memory_space<vmem_shared>> -> memref<128x64xf32, #tpu.memory_space<vmem_shared>>
      %dma_wait3A_225 = arith.constant 0 : i32
      %dma_wait3A_226 = arith.constant 0 : i32
      %dma_wait3A_227 = tpu.memref_slice %arg7[%run_scoped3A_30, %dma_wait3A_225, %dma_wait3A_226] : memref<4x128x64xf32, #tpu.memory_space<vmem>> -> memref<1x128x64xf32, #tpu.memory_space<vmem>>
      %dma_wait3A_228 = tpu.memref_squeeze %dma_wait3A_227 : memref<1x128x64xf32, #tpu.memory_space<vmem>> -> memref<128x64xf32, #tpu.memory_space<vmem>>
      tpu.wait_dma2 semaphore(%run_scoped3A_205 : memref<!tpu.dma_semaphore, #tpu.memory_space<semaphore_mem>>) src(%dma_wait3A_228 : memref<128x64xf32, #tpu.memory_space<vmem>>) dst(%dma_wait3A_224 : memref<128x64xf32, #tpu.memory_space<vmem_shared>>)
      tpu.yield
    }) : () -> ()
    %mul3A_31 = arith.constant 5 : i32
    %mul3A_32 = arith.muli %arg1, %mul3A_31 : i32
    %add3A_33 = arith.constant 3 : i32
    %add3A_34 = arith.addi %mul3A_32, %add3A_33 : i32
    %mul3A_35 = arith.constant 128 : i32
    %mul3A_36 = arith.muli %add3A_34, %mul3A_35 : i32
    %run_scoped3A_37 = arith.constant 0 : i32
    "tpu.region"() ({
      %run_scoped3A_205 = tpu.sem_alloc : memref<!tpu.dma_semaphore, #tpu.memory_space<semaphore_mem>>
      %dma_start3A_206 = arith.constant 0 : i32
      %dma_start3A_207 = arith.constant 0 : i32
      %dma_start3A_208 = tpu.memref_slice %arg7[%run_scoped3A_37, %dma_start3A_206, %dma_start3A_207] : memref<4x128x64xf32, #tpu.memory_space<vmem>> -> memref<1x128x64xf32, #tpu.memory_space<vmem>>
      %dma_start3A_209 = tpu.memref_squeeze %dma_start3A_208 : memref<1x128x64xf32, #tpu.memory_space<vmem>> -> memref<128x64xf32, #tpu.memory_space<vmem>>
      %dma_start3A_210 = arith.constant 0 : i32
      %dma_start3A_211 = tpu.memref_slice %arg8[%mul3A_36, %dma_start3A_210] : memref<10240x64xf32, #tpu.memory_space<vmem_shared>> -> memref<128x64xf32, #tpu.memory_space<vmem_shared>>
      %dma_start3A_212 = arith.constant 0 : i32
      %dma_start3A_213 = tpu.memref_slice %arg8[%mul3A_36, %dma_start3A_212] : memref<10240x64xf32, #tpu.memory_space<vmem_shared>> -> memref<128x64xf32, #tpu.memory_space<vmem_shared>>
      %dma_start3A_214 = arith.constant 0 : i32
      %dma_start3A_215 = arith.constant 0 : i32
      %dma_start3A_216 = tpu.memref_slice %arg7[%run_scoped3A_37, %dma_start3A_214, %dma_start3A_215] : memref<4x128x64xf32, #tpu.memory_space<vmem>> -> memref<1x128x64xf32, #tpu.memory_space<vmem>>
      %dma_start3A_217 = tpu.memref_squeeze %dma_start3A_216 : memref<1x128x64xf32, #tpu.memory_space<vmem>> -> memref<128x64xf32, #tpu.memory_space<vmem>>
      tpu.enqueue_dma source(%dma_start3A_217 : memref<128x64xf32, #tpu.memory_space<vmem>>) target(%dma_start3A_213 : memref<128x64xf32, #tpu.memory_space<vmem_shared>>) target_semaphore(%run_scoped3A_205 : memref<!tpu.dma_semaphore, #tpu.memory_space<semaphore_mem>>)
      %dma_wait3A = arith.constant 0 : i32
      %dma_wait3A_218 = arith.constant 0 : i32
      %dma_wait3A_219 = tpu.memref_slice %arg7[%run_scoped3A_37, %dma_wait3A, %dma_wait3A_218] : memref<4x128x64xf32, #tpu.memory_space<vmem>> -> memref<1x128x64xf32, #tpu.memory_space<vmem>>
      %dma_wait3A_220 = tpu.memref_squeeze %dma_wait3A_219 : memref<1x128x64xf32, #tpu.memory_space<vmem>> -> memref<128x64xf32, #tpu.memory_space<vmem>>
      %dma_wait3A_221 = arith.constant 0 : i32
      %dma_wait3A_222 = tpu.memref_slice %arg8[%mul3A_36, %dma_wait3A_221] : memref<10240x64xf32, #tpu.memory_space<vmem_shared>> -> memref<128x64xf32, #tpu.memory_space<vmem_shared>>
      %dma_wait3A_223 = arith.constant 0 : i32
      %dma_wait3A_224 = tpu.memref_slice %arg8[%mul3A_36, %dma_wait3A_223] : memref<10240x64xf32, #tpu.memory_space<vmem_shared>> -> memref<128x64xf32, #tpu.memory_space<vmem_shared>>
      %dma_wait3A_225 = arith.constant 0 : i32
      %dma_wait3A_226 = arith.constant 0 : i32
      %dma_wait3A_227 = tpu.memref_slice %arg7[%run_scoped3A_37, %dma_wait3A_225, %dma_wait3A_226] : memref<4x128x64xf32, #tpu.memory_space<vmem>> -> memref<1x128x64xf32, #tpu.memory_space<vmem>>
      %dma_wait3A_228 = tpu.memref_squeeze %dma_wait3A_227 : memref<1x128x64xf32, #tpu.memory_space<vmem>> -> memref<128x64xf32, #tpu.memory_space<vmem>>
      tpu.wait_dma2 semaphore(%run_scoped3A_205 : memref<!tpu.dma_semaphore, #tpu.memory_space<semaphore_mem>>) src(%dma_wait3A_228 : memref<128x64xf32, #tpu.memory_space<vmem>>) dst(%dma_wait3A_224 : memref<128x64xf32, #tpu.memory_space<vmem_shared>>)
      tpu.yield
    }) : () -> ()
    %mul3A_38 = arith.constant 5 : i32
    %mul3A_39 = arith.muli %arg1, %mul3A_38 : i32
    %add3A_40 = arith.constant 4 : i32
    %add3A_41 = arith.addi %mul3A_39, %add3A_40 : i32
    %mul3A_42 = arith.constant 128 : i32
    %mul3A_43 = arith.muli %add3A_41, %mul3A_42 : i32
    %run_scoped3A_44 = arith.constant 0 : i32
    "tpu.region"() ({
      %run_scoped3A_205 = tpu.sem_alloc : memref<!tpu.dma_semaphore, #tpu.memory_space<semaphore_mem>>
      %dma_start3A_206 = arith.constant 0 : i32
      %dma_start3A_207 = arith.constant 0 : i32
      %dma_start3A_208 = tpu.memref_slice %arg7[%run_scoped3A_44, %dma_start3A_206, %dma_start3A_207] : memref<4x128x64xf32, #tpu.memory_space<vmem>> -> memref<1x128x64xf32, #tpu.memory_space<vmem>>
      %dma_start3A_209 = tpu.memref_squeeze %dma_start3A_208 : memref<1x128x64xf32, #tpu.memory_space<vmem>> -> memref<128x64xf32, #tpu.memory_space<vmem>>
      %dma_start3A_210 = arith.constant 0 : i32
      %dma_start3A_211 = tpu.memref_slice %arg8[%mul3A_43, %dma_start3A_210] : memref<10240x64xf32, #tpu.memory_space<vmem_shared>> -> memref<128x64xf32, #tpu.memory_space<vmem_shared>>
      %dma_start3A_212 = arith.constant 0 : i32
      %dma_start3A_213 = tpu.memref_slice %arg8[%mul3A_43, %dma_start3A_212] : memref<10240x64xf32, #tpu.memory_space<vmem_shared>> -> memref<128x64xf32, #tpu.memory_space<vmem_shared>>
      %dma_start3A_214 = arith.constant 0 : i32
      %dma_start3A_215 = arith.constant 0 : i32
      %dma_start3A_216 = tpu.memref_slice %arg7[%run_scoped3A_44, %dma_start3A_214, %dma_start3A_215] : memref<4x128x64xf32, #tpu.memory_space<vmem>> -> memref<1x128x64xf32, #tpu.memory_space<vmem>>
      %dma_start3A_217 = tpu.memref_squeeze %dma_start3A_216 : memref<1x128x64xf32, #tpu.memory_space<vmem>> -> memref<128x64xf32, #tpu.memory_space<vmem>>
      tpu.enqueue_dma source(%dma_start3A_217 : memref<128x64xf32, #tpu.memory_space<vmem>>) target(%dma_start3A_213 : memref<128x64xf32, #tpu.memory_space<vmem_shared>>) target_semaphore(%run_scoped3A_205 : memref<!tpu.dma_semaphore, #tpu.memory_space<semaphore_mem>>)
      %dma_wait3A = arith.constant 0 : i32
      %dma_wait3A_218 = arith.constant 0 : i32
      %dma_wait3A_219 = tpu.memref_slice %arg7[%run_scoped3A_44, %dma_wait3A, %dma_wait3A_218] : memref<4x128x64xf32, #tpu.memory_space<vmem>> -> memref<1x128x64xf32, #tpu.memory_space<vmem>>
      %dma_wait3A_220 = tpu.memref_squeeze %dma_wait3A_219 : memref<1x128x64xf32, #tpu.memory_space<vmem>> -> memref<128x64xf32, #tpu.memory_space<vmem>>
      %dma_wait3A_221 = arith.constant 0 : i32
      %dma_wait3A_222 = tpu.memref_slice %arg8[%mul3A_43, %dma_wait3A_221] : memref<10240x64xf32, #tpu.memory_space<vmem_shared>> -> memref<128x64xf32, #tpu.memory_space<vmem_shared>>
      %dma_wait3A_223 = arith.constant 0 : i32
      %dma_wait3A_224 = tpu.memref_slice %arg8[%mul3A_43, %dma_wait3A_223] : memref<10240x64xf32, #tpu.memory_space<vmem_shared>> -> memref<128x64xf32, #tpu.memory_space<vmem_shared>>
      %dma_wait3A_225 = arith.constant 0 : i32
      %dma_wait3A_226 = arith.constant 0 : i32
      %dma_wait3A_227 = tpu.memref_slice %arg7[%run_scoped3A_44, %dma_wait3A_225, %dma_wait3A_226] : memref<4x128x64xf32, #tpu.memory_space<vmem>> -> memref<1x128x64xf32, #tpu.memory_space<vmem>>
      %dma_wait3A_228 = tpu.memref_squeeze %dma_wait3A_227 : memref<1x128x64xf32, #tpu.memory_space<vmem>> -> memref<128x64xf32, #tpu.memory_space<vmem>>
      tpu.wait_dma2 semaphore(%run_scoped3A_205 : memref<!tpu.dma_semaphore, #tpu.memory_space<semaphore_mem>>) src(%dma_wait3A_228 : memref<128x64xf32, #tpu.memory_space<vmem>>) dst(%dma_wait3A_224 : memref<128x64xf32, #tpu.memory_space<vmem_shared>>)
      tpu.yield
    }) : () -> ()
    %barrier3A = arith.constant 0 : index
    tpu.barrier barrier_id(%barrier3A)
    %dma_start3A = arith.constant 0 : i32
    %dma_start3A_45 = arith.constant 0 : i32
    %dma_start3A_46 = arith.constant 0 : i32
    %dma_start3A_47 = arith.constant 0 : i32
    %dma_start3A_48 = tpu.memref_slice %arg7[%dma_start3A_45, %dma_start3A_46, %dma_start3A_47] : memref<4x128x64xf32, #tpu.memory_space<vmem>> -> memref<1x128x64xf32, #tpu.memory_space<vmem>>
    %dma_start3A_49 = tpu.memref_squeeze %dma_start3A_48 : memref<1x128x64xf32, #tpu.memory_space<vmem>> -> memref<128x64xf32, #tpu.memory_space<vmem>>
    %dma_start3A_50 = arith.constant 0 : i32
    %dma_start3A_51 = tpu.memref_slice %arg5[%dma_start3A, %dma_start3A_50] : memref<80x128xi32, #tpu.memory_space<vmem>> -> memref<1x128xi32, #tpu.memory_space<vmem>>
    %dma_start3A_52 = tpu.memref_squeeze %dma_start3A_51 : memref<1x128xi32, #tpu.memory_space<vmem>> -> memref<128xi32, #tpu.memory_space<vmem>>
    %dma_start3A_53 = arith.constant 0 : i32
    %dma_start3A_54 = arith.constant 0 : i32
    %dma_start3A_55 = tpu.memref_slice %arg2[%dma_start3A_53, %dma_start3A_54] : memref<20000x64xf32, #tpu.memory_space<hbm>> -> memref<20000x64xf32, #tpu.memory_space<hbm>>
    tpu.enqueue_indirect_dma source(%dma_start3A_55 : memref<20000x64xf32, #tpu.memory_space<hbm>>) target(%dma_start3A_49 : memref<128x64xf32, #tpu.memory_space<vmem>>) offsets(%dma_start3A_52 : memref<128xi32, #tpu.memory_space<vmem>>) semaphore(%arg9 : memref<!tpu.dma_semaphore, #tpu.memory_space<semaphore_mem>>)
    %dma_start3A_56 = arith.constant 1 : i32
    %dma_start3A_57 = arith.constant 1 : i32
    %dma_start3A_58 = arith.constant 0 : i32
    %dma_start3A_59 = arith.constant 0 : i32
    %dma_start3A_60 = tpu.memref_slice %arg7[%dma_start3A_57, %dma_start3A_58, %dma_start3A_59] : memref<4x128x64xf32, #tpu.memory_space<vmem>> -> memref<1x128x64xf32, #tpu.memory_space<vmem>>
    %dma_start3A_61 = tpu.memref_squeeze %dma_start3A_60 : memref<1x128x64xf32, #tpu.memory_space<vmem>> -> memref<128x64xf32, #tpu.memory_space<vmem>>
    %dma_start3A_62 = arith.constant 0 : i32
    %dma_start3A_63 = tpu.memref_slice %arg5[%dma_start3A_56, %dma_start3A_62] : memref<80x128xi32, #tpu.memory_space<vmem>> -> memref<1x128xi32, #tpu.memory_space<vmem>>
    %dma_start3A_64 = tpu.memref_squeeze %dma_start3A_63 : memref<1x128xi32, #tpu.memory_space<vmem>> -> memref<128xi32, #tpu.memory_space<vmem>>
    %dma_start3A_65 = arith.constant 0 : i32
    %dma_start3A_66 = arith.constant 0 : i32
    %dma_start3A_67 = tpu.memref_slice %arg2[%dma_start3A_65, %dma_start3A_66] : memref<20000x64xf32, #tpu.memory_space<hbm>> -> memref<20000x64xf32, #tpu.memory_space<hbm>>
    tpu.enqueue_indirect_dma source(%dma_start3A_67 : memref<20000x64xf32, #tpu.memory_space<hbm>>) target(%dma_start3A_61 : memref<128x64xf32, #tpu.memory_space<vmem>>) offsets(%dma_start3A_64 : memref<128xi32, #tpu.memory_space<vmem>>) semaphore(%arg10 : memref<!tpu.dma_semaphore, #tpu.memory_space<semaphore_mem>>)
    %dma_start3A_68 = arith.constant 2 : i32
    %dma_start3A_69 = arith.constant 2 : i32
    %dma_start3A_70 = arith.constant 0 : i32
    %dma_start3A_71 = arith.constant 0 : i32
    %dma_start3A_72 = tpu.memref_slice %arg7[%dma_start3A_69, %dma_start3A_70, %dma_start3A_71] : memref<4x128x64xf32, #tpu.memory_space<vmem>> -> memref<1x128x64xf32, #tpu.memory_space<vmem>>
    %dma_start3A_73 = tpu.memref_squeeze %dma_start3A_72 : memref<1x128x64xf32, #tpu.memory_space<vmem>> -> memref<128x64xf32, #tpu.memory_space<vmem>>
    %dma_start3A_74 = arith.constant 0 : i32
    %dma_start3A_75 = tpu.memref_slice %arg5[%dma_start3A_68, %dma_start3A_74] : memref<80x128xi32, #tpu.memory_space<vmem>> -> memref<1x128xi32, #tpu.memory_space<vmem>>
    %dma_start3A_76 = tpu.memref_squeeze %dma_start3A_75 : memref<1x128xi32, #tpu.memory_space<vmem>> -> memref<128xi32, #tpu.memory_space<vmem>>
    %dma_start3A_77 = arith.constant 0 : i32
    %dma_start3A_78 = arith.constant 0 : i32
    %dma_start3A_79 = tpu.memref_slice %arg2[%dma_start3A_77, %dma_start3A_78] : memref<20000x64xf32, #tpu.memory_space<hbm>> -> memref<20000x64xf32, #tpu.memory_space<hbm>>
    tpu.enqueue_indirect_dma source(%dma_start3A_79 : memref<20000x64xf32, #tpu.memory_space<hbm>>) target(%dma_start3A_73 : memref<128x64xf32, #tpu.memory_space<vmem>>) offsets(%dma_start3A_76 : memref<128xi32, #tpu.memory_space<vmem>>) semaphore(%arg11 : memref<!tpu.dma_semaphore, #tpu.memory_space<semaphore_mem>>)
    %dma_start3A_80 = arith.constant 3 : i32
    %dma_start3A_81 = arith.constant 3 : i32
    %dma_start3A_82 = arith.constant 0 : i32
    %dma_start3A_83 = arith.constant 0 : i32
    %dma_start3A_84 = tpu.memref_slice %arg7[%dma_start3A_81, %dma_start3A_82, %dma_start3A_83] : memref<4x128x64xf32, #tpu.memory_space<vmem>> -> memref<1x128x64xf32, #tpu.memory_space<vmem>>
    %dma_start3A_85 = tpu.memref_squeeze %dma_start3A_84 : memref<1x128x64xf32, #tpu.memory_space<vmem>> -> memref<128x64xf32, #tpu.memory_space<vmem>>
    %dma_start3A_86 = arith.constant 0 : i32
    %dma_start3A_87 = tpu.memref_slice %arg5[%dma_start3A_80, %dma_start3A_86] : memref<80x128xi32, #tpu.memory_space<vmem>> -> memref<1x128xi32, #tpu.memory_space<vmem>>
    %dma_start3A_88 = tpu.memref_squeeze %dma_start3A_87 : memref<1x128xi32, #tpu.memory_space<vmem>> -> memref<128xi32, #tpu.memory_space<vmem>>
    %dma_start3A_89 = arith.constant 0 : i32
    %dma_start3A_90 = arith.constant 0 : i32
    %dma_start3A_91 = tpu.memref_slice %arg2[%dma_start3A_89, %dma_start3A_90] : memref<20000x64xf32, #tpu.memory_space<hbm>> -> memref<20000x64xf32, #tpu.memory_space<hbm>>
    tpu.enqueue_indirect_dma source(%dma_start3A_91 : memref<20000x64xf32, #tpu.memory_space<hbm>>) target(%dma_start3A_85 : memref<128x64xf32, #tpu.memory_space<vmem>>) offsets(%dma_start3A_88 : memref<128xi32, #tpu.memory_space<vmem>>) semaphore(%arg12 : memref<!tpu.dma_semaphore, #tpu.memory_space<semaphore_mem>>)
    %scan3A_92 = arith.constant 0 : i32
    %scan3A_93 = arith.constant 0 : i32
    %scan3A_94 = arith.constant 20 : i32
    %scan3A_95 = arith.addi %scan3A_93, %scan3A_94 : i32
    %scan3A_96 = arith.constant 1 : i32
    scf.for %scan3A_205 = %scan3A_93 to %scan3A_95 step %scan3A_96  : i32 {
      %mul3A_206 = arith.constant 4 : i32
      %mul3A_207 = arith.muli %scan3A_205, %mul3A_206 : i32
      %add3A_208 = arith.constant 0 : i32
      %add3A_209 = arith.addi %mul3A_207, %add3A_208 : i32
      %dma_wait3A = arith.constant 0 : i32
      %dma_wait3A_210 = arith.constant 0 : i32
      %dma_wait3A_211 = arith.constant 0 : i32
      %dma_wait3A_212 = tpu.memref_slice %arg7[%dma_wait3A, %dma_wait3A_210, %dma_wait3A_211] : memref<4x128x64xf32, #tpu.memory_space<vmem>> -> memref<1x128x64xf32, #tpu.memory_space<vmem>>
      %dma_wait3A_213 = tpu.memref_squeeze %dma_wait3A_212 : memref<1x128x64xf32, #tpu.memory_space<vmem>> -> memref<128x64xf32, #tpu.memory_space<vmem>>
      %dma_wait3A_214 = arith.constant 0 : i32
      %dma_wait3A_215 = tpu.memref_slice %arg5[%add3A_209, %dma_wait3A_214] : memref<80x128xi32, #tpu.memory_space<vmem>> -> memref<1x128xi32, #tpu.memory_space<vmem>>
      %dma_wait3A_216 = tpu.memref_squeeze %dma_wait3A_215 : memref<1x128xi32, #tpu.memory_space<vmem>> -> memref<128xi32, #tpu.memory_space<vmem>>
      %dma_wait3A_217 = arith.constant 0 : i32
      %dma_wait3A_218 = arith.constant 0 : i32
      %dma_wait3A_219 = tpu.memref_slice %arg2[%dma_wait3A_217, %dma_wait3A_218] : memref<20000x64xf32, #tpu.memory_space<hbm>> -> memref<20000x64xf32, #tpu.memory_space<hbm>>
      tpu.wait_indirect_dma semaphore(%arg9 : memref<!tpu.dma_semaphore, #tpu.memory_space<semaphore_mem>>) src(%dma_wait3A_219 : memref<20000x64xf32, #tpu.memory_space<hbm>>) dst(%dma_wait3A_213 : memref<128x64xf32, #tpu.memory_space<vmem>>)
      %run_scoped3A_220 = arith.constant 0 : i32
      "tpu.region"() ({
        %run_scoped3A_294 = tpu.sem_alloc : memref<!tpu.dma_semaphore, #tpu.memory_space<semaphore_mem>>
        %dma_start3A_295 = arith.constant 0 : i32
        %dma_start3A_296 = arith.constant 0 : i32
        %dma_start3A_297 = tpu.memref_slice %arg7[%run_scoped3A_220, %dma_start3A_295, %dma_start3A_296] : memref<4x128x64xf32, #tpu.memory_space<vmem>> -> memref<1x128x64xf32, #tpu.memory_space<vmem>>
        %dma_start3A_298 = tpu.memref_squeeze %dma_start3A_297 : memref<1x128x64xf32, #tpu.memory_space<vmem>> -> memref<128x64xf32, #tpu.memory_space<vmem>>
        %dma_start3A_299 = arith.constant 0 : i32
        %dma_start3A_300 = tpu.memref_slice %arg6[%add3A_209, %dma_start3A_299] : memref<80x128xi32, #tpu.memory_space<vmem>> -> memref<1x128xi32, #tpu.memory_space<vmem>>
        %dma_start3A_301 = tpu.memref_squeeze %dma_start3A_300 : memref<1x128xi32, #tpu.memory_space<vmem>> -> memref<128xi32, #tpu.memory_space<vmem>>
        %dma_start3A_302 = arith.constant 0 : i32
        %dma_start3A_303 = arith.constant 0 : i32
        %dma_start3A_304 = tpu.memref_slice %arg8[%dma_start3A_302, %dma_start3A_303] : memref<10240x64xf32, #tpu.memory_space<vmem_shared>> -> memref<10240x64xf32, #tpu.memory_space<vmem_shared>>
        tpu.enqueue_indirect_dma source(%dma_start3A_298 : memref<128x64xf32, #tpu.memory_space<vmem>>) target(%dma_start3A_304 : memref<10240x64xf32, #tpu.memory_space<vmem_shared>>) offsets(%dma_start3A_301 : memref<128xi32, #tpu.memory_space<vmem>>) semaphore(%run_scoped3A_294 : memref<!tpu.dma_semaphore, #tpu.memory_space<semaphore_mem>>) {add = true}
        %dma_wait3A_305 = arith.constant 0 : i32
        %dma_wait3A_306 = arith.constant 0 : i32
        %dma_wait3A_307 = tpu.memref_slice %arg7[%run_scoped3A_220, %dma_wait3A_305, %dma_wait3A_306] : memref<4x128x64xf32, #tpu.memory_space<vmem>> -> memref<1x128x64xf32, #tpu.memory_space<vmem>>
        %dma_wait3A_308 = tpu.memref_squeeze %dma_wait3A_307 : memref<1x128x64xf32, #tpu.memory_space<vmem>> -> memref<128x64xf32, #tpu.memory_space<vmem>>
        %dma_wait3A_309 = arith.constant 0 : i32
        %dma_wait3A_310 = tpu.memref_slice %arg6[%add3A_209, %dma_wait3A_309] : memref<80x128xi32, #tpu.memory_space<vmem>> -> memref<1x128xi32, #tpu.memory_space<vmem>>
        %dma_wait3A_311 = tpu.memref_squeeze %dma_wait3A_310 : memref<1x128xi32, #tpu.memory_space<vmem>> -> memref<128xi32, #tpu.memory_space<vmem>>
        %dma_wait3A_312 = arith.constant 0 : i32
        %dma_wait3A_313 = arith.constant 0 : i32
        %dma_wait3A_314 = tpu.memref_slice %arg8[%dma_wait3A_312, %dma_wait3A_313] : memref<10240x64xf32, #tpu.memory_space<vmem_shared>> -> memref<10240x64xf32, #tpu.memory_space<vmem_shared>>
        tpu.wait_indirect_dma semaphore(%run_scoped3A_294 : memref<!tpu.dma_semaphore, #tpu.memory_space<semaphore_mem>>) src(%dma_wait3A_308 : memref<128x64xf32, #tpu.memory_space<vmem>>) dst(%dma_wait3A_314 : memref<10240x64xf32, #tpu.memory_space<vmem_shared>>)
        tpu.yield
      }) : () -> ()
      %add3A_221 = arith.constant 4 : i32
      %add3A_222 = arith.addi %add3A_209, %add3A_221 : i32
      %lt3A = arith.constant 80 : i32
      %lt3A_223 = arith.cmpi slt, %add3A_222, %lt3A : i32
      %convert_element_type3A = arith.extui %lt3A_223 : i1 to i32
      %cond3A = arith.constant 0 : i32
      %cond3A_224 = arith.cmpi ne, %convert_element_type3A, %cond3A : i32
      scf.if %cond3A_224 {
        %dma_start3A_294 = arith.constant 0 : i32
        %dma_start3A_295 = arith.constant 0 : i32
        %dma_start3A_296 = arith.constant 0 : i32
        %dma_start3A_297 = tpu.memref_slice %arg7[%dma_start3A_294, %dma_start3A_295, %dma_start3A_296] : memref<4x128x64xf32, #tpu.memory_space<vmem>> -> memref<1x128x64xf32, #tpu.memory_space<vmem>>
        %dma_start3A_298 = tpu.memref_squeeze %dma_start3A_297 : memref<1x128x64xf32, #tpu.memory_space<vmem>> -> memref<128x64xf32, #tpu.memory_space<vmem>>
        %dma_start3A_299 = arith.constant 0 : i32
        %dma_start3A_300 = tpu.memref_slice %arg5[%add3A_222, %dma_start3A_299] : memref<80x128xi32, #tpu.memory_space<vmem>> -> memref<1x128xi32, #tpu.memory_space<vmem>>
        %dma_start3A_301 = tpu.memref_squeeze %dma_start3A_300 : memref<1x128xi32, #tpu.memory_space<vmem>> -> memref<128xi32, #tpu.memory_space<vmem>>
        %dma_start3A_302 = arith.constant 0 : i32
        %dma_start3A_303 = arith.constant 0 : i32
        %dma_start3A_304 = tpu.memref_slice %arg2[%dma_start3A_302, %dma_start3A_303] : memref<20000x64xf32, #tpu.memory_space<hbm>> -> memref<20000x64xf32, #tpu.memory_space<hbm>>
        tpu.enqueue_indirect_dma source(%dma_start3A_304 : memref<20000x64xf32, #tpu.memory_space<hbm>>) target(%dma_start3A_298 : memref<128x64xf32, #tpu.memory_space<vmem>>) offsets(%dma_start3A_301 : memref<128xi32, #tpu.memory_space<vmem>>) semaphore(%arg9 : memref<!tpu.dma_semaphore, #tpu.memory_space<semaphore_mem>>)
      } else {
      }
      %mul3A_225 = arith.constant 4 : i32
      %mul3A_226 = arith.muli %scan3A_205, %mul3A_225 : i32
      %add3A_227 = arith.constant 1 : i32
      %add3A_228 = arith.addi %mul3A_226, %add3A_227 : i32
      %dma_wait3A_229 = arith.constant 1 : i32
      %dma_wait3A_230 = arith.constant 0 : i32
      %dma_wait3A_231 = arith.constant 0 : i32
      %dma_wait3A_232 = tpu.memref_slice %arg7[%dma_wait3A_229, %dma_wait3A_230, %dma_wait3A_231] : memref<4x128x64xf32, #tpu.memory_space<vmem>> -> memref<1x128x64xf32, #tpu.memory_space<vmem>>
      %dma_wait3A_233 = tpu.memref_squeeze %dma_wait3A_232 : memref<1x128x64xf32, #tpu.memory_space<vmem>> -> memref<128x64xf32, #tpu.memory_space<vmem>>
      %dma_wait3A_234 = arith.constant 0 : i32
      %dma_wait3A_235 = tpu.memref_slice %arg5[%add3A_228, %dma_wait3A_234] : memref<80x128xi32, #tpu.memory_space<vmem>> -> memref<1x128xi32, #tpu.memory_space<vmem>>
      %dma_wait3A_236 = tpu.memref_squeeze %dma_wait3A_235 : memref<1x128xi32, #tpu.memory_space<vmem>> -> memref<128xi32, #tpu.memory_space<vmem>>
      %dma_wait3A_237 = arith.constant 0 : i32
      %dma_wait3A_238 = arith.constant 0 : i32
      %dma_wait3A_239 = tpu.memref_slice %arg2[%dma_wait3A_237, %dma_wait3A_238] : memref<20000x64xf32, #tpu.memory_space<hbm>> -> memref<20000x64xf32, #tpu.memory_space<hbm>>
      tpu.wait_indirect_dma semaphore(%arg10 : memref<!tpu.dma_semaphore, #tpu.memory_space<semaphore_mem>>) src(%dma_wait3A_239 : memref<20000x64xf32, #tpu.memory_space<hbm>>) dst(%dma_wait3A_233 : memref<128x64xf32, #tpu.memory_space<vmem>>)
      %run_scoped3A_240 = arith.constant 1 : i32
      "tpu.region"() ({
        %run_scoped3A_294 = tpu.sem_alloc : memref<!tpu.dma_semaphore, #tpu.memory_space<semaphore_mem>>
        %dma_start3A_295 = arith.constant 0 : i32
        %dma_start3A_296 = arith.constant 0 : i32
        %dma_start3A_297 = tpu.memref_slice %arg7[%run_scoped3A_240, %dma_start3A_295, %dma_start3A_296] : memref<4x128x64xf32, #tpu.memory_space<vmem>> -> memref<1x128x64xf32, #tpu.memory_space<vmem>>
        %dma_start3A_298 = tpu.memref_squeeze %dma_start3A_297 : memref<1x128x64xf32, #tpu.memory_space<vmem>> -> memref<128x64xf32, #tpu.memory_space<vmem>>
        %dma_start3A_299 = arith.constant 0 : i32
        %dma_start3A_300 = tpu.memref_slice %arg6[%add3A_228, %dma_start3A_299] : memref<80x128xi32, #tpu.memory_space<vmem>> -> memref<1x128xi32, #tpu.memory_space<vmem>>
        %dma_start3A_301 = tpu.memref_squeeze %dma_start3A_300 : memref<1x128xi32, #tpu.memory_space<vmem>> -> memref<128xi32, #tpu.memory_space<vmem>>
        %dma_start3A_302 = arith.constant 0 : i32
        %dma_start3A_303 = arith.constant 0 : i32
        %dma_start3A_304 = tpu.memref_slice %arg8[%dma_start3A_302, %dma_start3A_303] : memref<10240x64xf32, #tpu.memory_space<vmem_shared>> -> memref<10240x64xf32, #tpu.memory_space<vmem_shared>>
        tpu.enqueue_indirect_dma source(%dma_start3A_298 : memref<128x64xf32, #tpu.memory_space<vmem>>) target(%dma_start3A_304 : memref<10240x64xf32, #tpu.memory_space<vmem_shared>>) offsets(%dma_start3A_301 : memref<128xi32, #tpu.memory_space<vmem>>) semaphore(%run_scoped3A_294 : memref<!tpu.dma_semaphore, #tpu.memory_space<semaphore_mem>>) {add = true}
        %dma_wait3A_305 = arith.constant 0 : i32
        %dma_wait3A_306 = arith.constant 0 : i32
        %dma_wait3A_307 = tpu.memref_slice %arg7[%run_scoped3A_240, %dma_wait3A_305, %dma_wait3A_306] : memref<4x128x64xf32, #tpu.memory_space<vmem>> -> memref<1x128x64xf32, #tpu.memory_space<vmem>>
        %dma_wait3A_308 = tpu.memref_squeeze %dma_wait3A_307 : memref<1x128x64xf32, #tpu.memory_space<vmem>> -> memref<128x64xf32, #tpu.memory_space<vmem>>
        %dma_wait3A_309 = arith.constant 0 : i32
        %dma_wait3A_310 = tpu.memref_slice %arg6[%add3A_228, %dma_wait3A_309] : memref<80x128xi32, #tpu.memory_space<vmem>> -> memref<1x128xi32, #tpu.memory_space<vmem>>
        %dma_wait3A_311 = tpu.memref_squeeze %dma_wait3A_310 : memref<1x128xi32, #tpu.memory_space<vmem>> -> memref<128xi32, #tpu.memory_space<vmem>>
        %dma_wait3A_312 = arith.constant 0 : i32
        %dma_wait3A_313 = arith.constant 0 : i32
        %dma_wait3A_314 = tpu.memref_slice %arg8[%dma_wait3A_312, %dma_wait3A_313] : memref<10240x64xf32, #tpu.memory_space<vmem_shared>> -> memref<10240x64xf32, #tpu.memory_space<vmem_shared>>
        tpu.wait_indirect_dma semaphore(%run_scoped3A_294 : memref<!tpu.dma_semaphore, #tpu.memory_space<semaphore_mem>>) src(%dma_wait3A_308 : memref<128x64xf32, #tpu.memory_space<vmem>>) dst(%dma_wait3A_314 : memref<10240x64xf32, #tpu.memory_space<vmem_shared>>)
        tpu.yield
      }) : () -> ()
      %add3A_241 = arith.constant 4 : i32
      %add3A_242 = arith.addi %add3A_228, %add3A_241 : i32
      %lt3A_243 = arith.constant 80 : i32
      %lt3A_244 = arith.cmpi slt, %add3A_242, %lt3A_243 : i32
      %convert_element_type3A_245 = arith.extui %lt3A_244 : i1 to i32
      %cond3A_246 = arith.constant 0 : i32
      %cond3A_247 = arith.cmpi ne, %convert_element_type3A_245, %cond3A_246 : i32
      scf.if %cond3A_247 {
        %dma_start3A_294 = arith.constant 1 : i32
        %dma_start3A_295 = arith.constant 0 : i32
        %dma_start3A_296 = arith.constant 0 : i32
        %dma_start3A_297 = tpu.memref_slice %arg7[%dma_start3A_294, %dma_start3A_295, %dma_start3A_296] : memref<4x128x64xf32, #tpu.memory_space<vmem>> -> memref<1x128x64xf32, #tpu.memory_space<vmem>>
        %dma_start3A_298 = tpu.memref_squeeze %dma_start3A_297 : memref<1x128x64xf32, #tpu.memory_space<vmem>> -> memref<128x64xf32, #tpu.memory_space<vmem>>
        %dma_start3A_299 = arith.constant 0 : i32
        %dma_start3A_300 = tpu.memref_slice %arg5[%add3A_242, %dma_start3A_299] : memref<80x128xi32, #tpu.memory_space<vmem>> -> memref<1x128xi32, #tpu.memory_space<vmem>>
        %dma_start3A_301 = tpu.memref_squeeze %dma_start3A_300 : memref<1x128xi32, #tpu.memory_space<vmem>> -> memref<128xi32, #tpu.memory_space<vmem>>
        %dma_start3A_302 = arith.constant 0 : i32
        %dma_start3A_303 = arith.constant 0 : i32
        %dma_start3A_304 = tpu.memref_slice %arg2[%dma_start3A_302, %dma_start3A_303] : memref<20000x64xf32, #tpu.memory_space<hbm>> -> memref<20000x64xf32, #tpu.memory_space<hbm>>
        tpu.enqueue_indirect_dma source(%dma_start3A_304 : memref<20000x64xf32, #tpu.memory_space<hbm>>) target(%dma_start3A_298 : memref<128x64xf32, #tpu.memory_space<vmem>>) offsets(%dma_start3A_301 : memref<128xi32, #tpu.memory_space<vmem>>) semaphore(%arg10 : memref<!tpu.dma_semaphore, #tpu.memory_space<semaphore_mem>>)
      } else {
      }
      %mul3A_248 = arith.constant 4 : i32
      %mul3A_249 = arith.muli %scan3A_205, %mul3A_248 : i32
      %add3A_250 = arith.constant 2 : i32
      %add3A_251 = arith.addi %mul3A_249, %add3A_250 : i32
      %dma_wait3A_252 = arith.constant 2 : i32
      %dma_wait3A_253 = arith.constant 0 : i32
      %dma_wait3A_254 = arith.constant 0 : i32
      %dma_wait3A_255 = tpu.memref_slice %arg7[%dma_wait3A_252, %dma_wait3A_253, %dma_wait3A_254] : memref<4x128x64xf32, #tpu.memory_space<vmem>> -> memref<1x128x64xf32, #tpu.memory_space<vmem>>
      %dma_wait3A_256 = tpu.memref_squeeze %dma_wait3A_255 : memref<1x128x64xf32, #tpu.memory_space<vmem>> -> memref<128x64xf32, #tpu.memory_space<vmem>>
      %dma_wait3A_257 = arith.constant 0 : i32
      %dma_wait3A_258 = tpu.memref_slice %arg5[%add3A_251, %dma_wait3A_257] : memref<80x128xi32, #tpu.memory_space<vmem>> -> memref<1x128xi32, #tpu.memory_space<vmem>>
      %dma_wait3A_259 = tpu.memref_squeeze %dma_wait3A_258 : memref<1x128xi32, #tpu.memory_space<vmem>> -> memref<128xi32, #tpu.memory_space<vmem>>
      %dma_wait3A_260 = arith.constant 0 : i32
      %dma_wait3A_261 = arith.constant 0 : i32
      %dma_wait3A_262 = tpu.memref_slice %arg2[%dma_wait3A_260, %dma_wait3A_261] : memref<20000x64xf32, #tpu.memory_space<hbm>> -> memref<20000x64xf32, #tpu.memory_space<hbm>>
      tpu.wait_indirect_dma semaphore(%arg11 : memref<!tpu.dma_semaphore, #tpu.memory_space<semaphore_mem>>) src(%dma_wait3A_262 : memref<20000x64xf32, #tpu.memory_space<hbm>>) dst(%dma_wait3A_256 : memref<128x64xf32, #tpu.memory_space<vmem>>)
      %run_scoped3A_263 = arith.constant 2 : i32
      "tpu.region"() ({
        %run_scoped3A_294 = tpu.sem_alloc : memref<!tpu.dma_semaphore, #tpu.memory_space<semaphore_mem>>
        %dma_start3A_295 = arith.constant 0 : i32
        %dma_start3A_296 = arith.constant 0 : i32
        %dma_start3A_297 = tpu.memref_slice %arg7[%run_scoped3A_263, %dma_start3A_295, %dma_start3A_296] : memref<4x128x64xf32, #tpu.memory_space<vmem>> -> memref<1x128x64xf32, #tpu.memory_space<vmem>>
        %dma_start3A_298 = tpu.memref_squeeze %dma_start3A_297 : memref<1x128x64xf32, #tpu.memory_space<vmem>> -> memref<128x64xf32, #tpu.memory_space<vmem>>
        %dma_start3A_299 = arith.constant 0 : i32
        %dma_start3A_300 = tpu.memref_slice %arg6[%add3A_251, %dma_start3A_299] : memref<80x128xi32, #tpu.memory_space<vmem>> -> memref<1x128xi32, #tpu.memory_space<vmem>>
        %dma_start3A_301 = tpu.memref_squeeze %dma_start3A_300 : memref<1x128xi32, #tpu.memory_space<vmem>> -> memref<128xi32, #tpu.memory_space<vmem>>
        %dma_start3A_302 = arith.constant 0 : i32
        %dma_start3A_303 = arith.constant 0 : i32
        %dma_start3A_304 = tpu.memref_slice %arg8[%dma_start3A_302, %dma_start3A_303] : memref<10240x64xf32, #tpu.memory_space<vmem_shared>> -> memref<10240x64xf32, #tpu.memory_space<vmem_shared>>
        tpu.enqueue_indirect_dma source(%dma_start3A_298 : memref<128x64xf32, #tpu.memory_space<vmem>>) target(%dma_start3A_304 : memref<10240x64xf32, #tpu.memory_space<vmem_shared>>) offsets(%dma_start3A_301 : memref<128xi32, #tpu.memory_space<vmem>>) semaphore(%run_scoped3A_294 : memref<!tpu.dma_semaphore, #tpu.memory_space<semaphore_mem>>) {add = true}
        %dma_wait3A_305 = arith.constant 0 : i32
        %dma_wait3A_306 = arith.constant 0 : i32
        %dma_wait3A_307 = tpu.memref_slice %arg7[%run_scoped3A_263, %dma_wait3A_305, %dma_wait3A_306] : memref<4x128x64xf32, #tpu.memory_space<vmem>> -> memref<1x128x64xf32, #tpu.memory_space<vmem>>
        %dma_wait3A_308 = tpu.memref_squeeze %dma_wait3A_307 : memref<1x128x64xf32, #tpu.memory_space<vmem>> -> memref<128x64xf32, #tpu.memory_space<vmem>>
        %dma_wait3A_309 = arith.constant 0 : i32
        %dma_wait3A_310 = tpu.memref_slice %arg6[%add3A_251, %dma_wait3A_309] : memref<80x128xi32, #tpu.memory_space<vmem>> -> memref<1x128xi32, #tpu.memory_space<vmem>>
        %dma_wait3A_311 = tpu.memref_squeeze %dma_wait3A_310 : memref<1x128xi32, #tpu.memory_space<vmem>> -> memref<128xi32, #tpu.memory_space<vmem>>
        %dma_wait3A_312 = arith.constant 0 : i32
        %dma_wait3A_313 = arith.constant 0 : i32
        %dma_wait3A_314 = tpu.memref_slice %arg8[%dma_wait3A_312, %dma_wait3A_313] : memref<10240x64xf32, #tpu.memory_space<vmem_shared>> -> memref<10240x64xf32, #tpu.memory_space<vmem_shared>>
        tpu.wait_indirect_dma semaphore(%run_scoped3A_294 : memref<!tpu.dma_semaphore, #tpu.memory_space<semaphore_mem>>) src(%dma_wait3A_308 : memref<128x64xf32, #tpu.memory_space<vmem>>) dst(%dma_wait3A_314 : memref<10240x64xf32, #tpu.memory_space<vmem_shared>>)
        tpu.yield
      }) : () -> ()
      %add3A_264 = arith.constant 4 : i32
      %add3A_265 = arith.addi %add3A_251, %add3A_264 : i32
      %lt3A_266 = arith.constant 80 : i32
      %lt3A_267 = arith.cmpi slt, %add3A_265, %lt3A_266 : i32
      %convert_element_type3A_268 = arith.extui %lt3A_267 : i1 to i32
      %cond3A_269 = arith.constant 0 : i32
      %cond3A_270 = arith.cmpi ne, %convert_element_type3A_268, %cond3A_269 : i32
      scf.if %cond3A_270 {
        %dma_start3A_294 = arith.constant 2 : i32
        %dma_start3A_295 = arith.constant 0 : i32
        %dma_start3A_296 = arith.constant 0 : i32
        %dma_start3A_297 = tpu.memref_slice %arg7[%dma_start3A_294, %dma_start3A_295, %dma_start3A_296] : memref<4x128x64xf32, #tpu.memory_space<vmem>> -> memref<1x128x64xf32, #tpu.memory_space<vmem>>
        %dma_start3A_298 = tpu.memref_squeeze %dma_start3A_297 : memref<1x128x64xf32, #tpu.memory_space<vmem>> -> memref<128x64xf32, #tpu.memory_space<vmem>>
        %dma_start3A_299 = arith.constant 0 : i32
        %dma_start3A_300 = tpu.memref_slice %arg5[%add3A_265, %dma_start3A_299] : memref<80x128xi32, #tpu.memory_space<vmem>> -> memref<1x128xi32, #tpu.memory_space<vmem>>
        %dma_start3A_301 = tpu.memref_squeeze %dma_start3A_300 : memref<1x128xi32, #tpu.memory_space<vmem>> -> memref<128xi32, #tpu.memory_space<vmem>>
        %dma_start3A_302 = arith.constant 0 : i32
        %dma_start3A_303 = arith.constant 0 : i32
        %dma_start3A_304 = tpu.memref_slice %arg2[%dma_start3A_302, %dma_start3A_303] : memref<20000x64xf32, #tpu.memory_space<hbm>> -> memref<20000x64xf32, #tpu.memory_space<hbm>>
        tpu.enqueue_indirect_dma source(%dma_start3A_304 : memref<20000x64xf32, #tpu.memory_space<hbm>>) target(%dma_start3A_298 : memref<128x64xf32, #tpu.memory_space<vmem>>) offsets(%dma_start3A_301 : memref<128xi32, #tpu.memory_space<vmem>>) semaphore(%arg11 : memref<!tpu.dma_semaphore, #tpu.memory_space<semaphore_mem>>)
      } else {
      }
      %mul3A_271 = arith.constant 4 : i32
      %mul3A_272 = arith.muli %scan3A_205, %mul3A_271 : i32
      %add3A_273 = arith.constant 3 : i32
      %add3A_274 = arith.addi %mul3A_272, %add3A_273 : i32
      %dma_wait3A_275 = arith.constant 3 : i32
      %dma_wait3A_276 = arith.constant 0 : i32
      %dma_wait3A_277 = arith.constant 0 : i32
      %dma_wait3A_278 = tpu.memref_slice %arg7[%dma_wait3A_275, %dma_wait3A_276, %dma_wait3A_277] : memref<4x128x64xf32, #tpu.memory_space<vmem>> -> memref<1x128x64xf32, #tpu.memory_space<vmem>>
      %dma_wait3A_279 = tpu.memref_squeeze %dma_wait3A_278 : memref<1x128x64xf32, #tpu.memory_space<vmem>> -> memref<128x64xf32, #tpu.memory_space<vmem>>
      %dma_wait3A_280 = arith.constant 0 : i32
      %dma_wait3A_281 = tpu.memref_slice %arg5[%add3A_274, %dma_wait3A_280] : memref<80x128xi32, #tpu.memory_space<vmem>> -> memref<1x128xi32, #tpu.memory_space<vmem>>
      %dma_wait3A_282 = tpu.memref_squeeze %dma_wait3A_281 : memref<1x128xi32, #tpu.memory_space<vmem>> -> memref<128xi32, #tpu.memory_space<vmem>>
      %dma_wait3A_283 = arith.constant 0 : i32
      %dma_wait3A_284 = arith.constant 0 : i32
      %dma_wait3A_285 = tpu.memref_slice %arg2[%dma_wait3A_283, %dma_wait3A_284] : memref<20000x64xf32, #tpu.memory_space<hbm>> -> memref<20000x64xf32, #tpu.memory_space<hbm>>
      tpu.wait_indirect_dma semaphore(%arg12 : memref<!tpu.dma_semaphore, #tpu.memory_space<semaphore_mem>>) src(%dma_wait3A_285 : memref<20000x64xf32, #tpu.memory_space<hbm>>) dst(%dma_wait3A_279 : memref<128x64xf32, #tpu.memory_space<vmem>>)
      %run_scoped3A_286 = arith.constant 3 : i32
      "tpu.region"() ({
        %run_scoped3A_294 = tpu.sem_alloc : memref<!tpu.dma_semaphore, #tpu.memory_space<semaphore_mem>>
        %dma_start3A_295 = arith.constant 0 : i32
        %dma_start3A_296 = arith.constant 0 : i32
        %dma_start3A_297 = tpu.memref_slice %arg7[%run_scoped3A_286, %dma_start3A_295, %dma_start3A_296] : memref<4x128x64xf32, #tpu.memory_space<vmem>> -> memref<1x128x64xf32, #tpu.memory_space<vmem>>
        %dma_start3A_298 = tpu.memref_squeeze %dma_start3A_297 : memref<1x128x64xf32, #tpu.memory_space<vmem>> -> memref<128x64xf32, #tpu.memory_space<vmem>>
        %dma_start3A_299 = arith.constant 0 : i32
        %dma_start3A_300 = tpu.memref_slice %arg6[%add3A_274, %dma_start3A_299] : memref<80x128xi32, #tpu.memory_space<vmem>> -> memref<1x128xi32, #tpu.memory_space<vmem>>
        %dma_start3A_301 = tpu.memref_squeeze %dma_start3A_300 : memref<1x128xi32, #tpu.memory_space<vmem>> -> memref<128xi32, #tpu.memory_space<vmem>>
        %dma_start3A_302 = arith.constant 0 : i32
        %dma_start3A_303 = arith.constant 0 : i32
        %dma_start3A_304 = tpu.memref_slice %arg8[%dma_start3A_302, %dma_start3A_303] : memref<10240x64xf32, #tpu.memory_space<vmem_shared>> -> memref<10240x64xf32, #tpu.memory_space<vmem_shared>>
        tpu.enqueue_indirect_dma source(%dma_start3A_298 : memref<128x64xf32, #tpu.memory_space<vmem>>) target(%dma_start3A_304 : memref<10240x64xf32, #tpu.memory_space<vmem_shared>>) offsets(%dma_start3A_301 : memref<128xi32, #tpu.memory_space<vmem>>) semaphore(%run_scoped3A_294 : memref<!tpu.dma_semaphore, #tpu.memory_space<semaphore_mem>>) {add = true}
        %dma_wait3A_305 = arith.constant 0 : i32
        %dma_wait3A_306 = arith.constant 0 : i32
        %dma_wait3A_307 = tpu.memref_slice %arg7[%run_scoped3A_286, %dma_wait3A_305, %dma_wait3A_306] : memref<4x128x64xf32, #tpu.memory_space<vmem>> -> memref<1x128x64xf32, #tpu.memory_space<vmem>>
        %dma_wait3A_308 = tpu.memref_squeeze %dma_wait3A_307 : memref<1x128x64xf32, #tpu.memory_space<vmem>> -> memref<128x64xf32, #tpu.memory_space<vmem>>
        %dma_wait3A_309 = arith.constant 0 : i32
        %dma_wait3A_310 = tpu.memref_slice %arg6[%add3A_274, %dma_wait3A_309] : memref<80x128xi32, #tpu.memory_space<vmem>> -> memref<1x128xi32, #tpu.memory_space<vmem>>
        %dma_wait3A_311 = tpu.memref_squeeze %dma_wait3A_310 : memref<1x128xi32, #tpu.memory_space<vmem>> -> memref<128xi32, #tpu.memory_space<vmem>>
        %dma_wait3A_312 = arith.constant 0 : i32
        %dma_wait3A_313 = arith.constant 0 : i32
        %dma_wait3A_314 = tpu.memref_slice %arg8[%dma_wait3A_312, %dma_wait3A_313] : memref<10240x64xf32, #tpu.memory_space<vmem_shared>> -> memref<10240x64xf32, #tpu.memory_space<vmem_shared>>
        tpu.wait_indirect_dma semaphore(%run_scoped3A_294 : memref<!tpu.dma_semaphore, #tpu.memory_space<semaphore_mem>>) src(%dma_wait3A_308 : memref<128x64xf32, #tpu.memory_space<vmem>>) dst(%dma_wait3A_314 : memref<10240x64xf32, #tpu.memory_space<vmem_shared>>)
        tpu.yield
      }) : () -> ()
      %add3A_287 = arith.constant 4 : i32
      %add3A_288 = arith.addi %add3A_274, %add3A_287 : i32
      %lt3A_289 = arith.constant 80 : i32
      %lt3A_290 = arith.cmpi slt, %add3A_288, %lt3A_289 : i32
      %convert_element_type3A_291 = arith.extui %lt3A_290 : i1 to i32
      %cond3A_292 = arith.constant 0 : i32
      %cond3A_293 = arith.cmpi ne, %convert_element_type3A_291, %cond3A_292 : i32
      scf.if %cond3A_293 {
        %dma_start3A_294 = arith.constant 3 : i32
        %dma_start3A_295 = arith.constant 0 : i32
        %dma_start3A_296 = arith.constant 0 : i32
        %dma_start3A_297 = tpu.memref_slice %arg7[%dma_start3A_294, %dma_start3A_295, %dma_start3A_296] : memref<4x128x64xf32, #tpu.memory_space<vmem>> -> memref<1x128x64xf32, #tpu.memory_space<vmem>>
        %dma_start3A_298 = tpu.memref_squeeze %dma_start3A_297 : memref<1x128x64xf32, #tpu.memory_space<vmem>> -> memref<128x64xf32, #tpu.memory_space<vmem>>
        %dma_start3A_299 = arith.constant 0 : i32
        %dma_start3A_300 = tpu.memref_slice %arg5[%add3A_288, %dma_start3A_299] : memref<80x128xi32, #tpu.memory_space<vmem>> -> memref<1x128xi32, #tpu.memory_space<vmem>>
        %dma_start3A_301 = tpu.memref_squeeze %dma_start3A_300 : memref<1x128xi32, #tpu.memory_space<vmem>> -> memref<128xi32, #tpu.memory_space<vmem>>
        %dma_start3A_302 = arith.constant 0 : i32
        %dma_start3A_303 = arith.constant 0 : i32
        %dma_start3A_304 = tpu.memref_slice %arg2[%dma_start3A_302, %dma_start3A_303] : memref<20000x64xf32, #tpu.memory_space<hbm>> -> memref<20000x64xf32, #tpu.memory_space<hbm>>
        tpu.enqueue_indirect_dma source(%dma_start3A_304 : memref<20000x64xf32, #tpu.memory_space<hbm>>) target(%dma_start3A_298 : memref<128x64xf32, #tpu.memory_space<vmem>>) offsets(%dma_start3A_301 : memref<128xi32, #tpu.memory_space<vmem>>) semaphore(%arg12 : memref<!tpu.dma_semaphore, #tpu.memory_space<semaphore_mem>>)
      } else {
      }
    }
    %scan3A_97 = arith.constant 20 : i32
    %barrier3A_98 = arith.constant 0 : index
    tpu.barrier barrier_id(%barrier3A_98)
    %mul3A_99 = arith.constant 640 : i32
    %mul3A_100 = arith.muli %arg1, %mul3A_99 : i32
    %mul3A_101 = arith.constant 640 : i32
    %mul3A_102 = arith.muli %arg1, %mul3A_101 : i32
    "tpu.region"() ({
      %run_scoped3A_205 = tpu.sem_alloc : memref<!tpu.dma_semaphore, #tpu.memory_space<semaphore_mem>>
      %dma_start3A_206 = arith.constant 0 : i32
      %dma_start3A_207 = tpu.memref_slice %arg4[%arg0, %mul3A_102, %dma_start3A_206] : memref<2x10240x128xf32, #tpu.memory_space<hbm>> -> memref<1x640x64xf32, #tpu.memory_space<hbm>>
      %dma_start3A_208 = tpu.memref_squeeze %dma_start3A_207 : memref<1x640x64xf32, #tpu.memory_space<hbm>> -> memref<640x64xf32, #tpu.memory_space<hbm>>
      %dma_start3A_209 = arith.constant 0 : i32
      %dma_start3A_210 = tpu.memref_slice %arg8[%mul3A_100, %dma_start3A_209] : memref<10240x64xf32, #tpu.memory_space<vmem_shared>> -> memref<640x64xf32, #tpu.memory_space<vmem_shared>>
      tpu.enqueue_dma source(%dma_start3A_210 : memref<640x64xf32, #tpu.memory_space<vmem_shared>>) target(%dma_start3A_208 : memref<640x64xf32, #tpu.memory_space<hbm>>) target_semaphore(%run_scoped3A_205 : memref<!tpu.dma_semaphore, #tpu.memory_space<semaphore_mem>>)
      %dma_wait3A = arith.constant 0 : i32
      %dma_wait3A_211 = tpu.memref_slice %arg4[%arg0, %mul3A_102, %dma_wait3A] : memref<2x10240x128xf32, #tpu.memory_space<hbm>> -> memref<1x640x64xf32, #tpu.memory_space<hbm>>
      %dma_wait3A_212 = tpu.memref_squeeze %dma_wait3A_211 : memref<1x640x64xf32, #tpu.memory_space<hbm>> -> memref<640x64xf32, #tpu.memory_space<hbm>>
      %dma_wait3A_213 = arith.constant 0 : i32
      %dma_wait3A_214 = tpu.memref_slice %arg8[%mul3A_100, %dma_wait3A_213] : memref<10240x64xf32, #tpu.memory_space<vmem_shared>> -> memref<640x64xf32, #tpu.memory_space<vmem_shared>>
      tpu.wait_dma2 semaphore(%run_scoped3A_205 : memref<!tpu.dma_semaphore, #tpu.memory_space<semaphore_mem>>) src(%dma_wait3A_214 : memref<640x64xf32, #tpu.memory_space<vmem_shared>>) dst(%dma_wait3A_212 : memref<640x64xf32, #tpu.memory_space<hbm>>)
      tpu.yield
    }) : () -> ()
    %run_scoped3A_103 = arith.constant 1 : i32
    "tpu.region"() ({
      %run_scoped3A_205 = tpu.sem_alloc : memref<!tpu.dma_semaphore, #tpu.memory_space<semaphore_mem>>
      %dma_start3A_206 = arith.constant 0 : i32
      %dma_start3A_207 = tpu.memref_slice %arg3[%run_scoped3A_103, %mul3A_2, %dma_start3A_206] : memref<3x2560x128xi32, #tpu.memory_space<hbm>> -> memref<1x80x128xi32, #tpu.memory_space<hbm>>
      %dma_start3A_208 = tpu.memref_squeeze %dma_start3A_207 : memref<1x80x128xi32, #tpu.memory_space<hbm>> -> memref<80x128xi32, #tpu.memory_space<hbm>>
      %dma_start3A_209 = arith.constant 0 : i32
      %dma_start3A_210 = tpu.memref_slice %arg3[%run_scoped3A_103, %mul3A_2, %dma_start3A_209] : memref<3x2560x128xi32, #tpu.memory_space<hbm>> -> memref<1x80x128xi32, #tpu.memory_space<hbm>>
      %dma_start3A_211 = tpu.memref_squeeze %dma_start3A_210 : memref<1x80x128xi32, #tpu.memory_space<hbm>> -> memref<80x128xi32, #tpu.memory_space<hbm>>
      tpu.enqueue_dma source(%dma_start3A_211 : memref<80x128xi32, #tpu.memory_space<hbm>>) target(%arg5 : memref<80x128xi32, #tpu.memory_space<vmem>>) target_semaphore(%run_scoped3A_205 : memref<!tpu.dma_semaphore, #tpu.memory_space<semaphore_mem>>)
      %dma_wait3A = arith.constant 0 : i32
      %dma_wait3A_212 = tpu.memref_slice %arg3[%run_scoped3A_103, %mul3A_2, %dma_wait3A] : memref<3x2560x128xi32, #tpu.memory_space<hbm>> -> memref<1x80x128xi32, #tpu.memory_space<hbm>>
      %dma_wait3A_213 = tpu.memref_squeeze %dma_wait3A_212 : memref<1x80x128xi32, #tpu.memory_space<hbm>> -> memref<80x128xi32, #tpu.memory_space<hbm>>
      %dma_wait3A_214 = arith.constant 0 : i32
      %dma_wait3A_215 = tpu.memref_slice %arg3[%run_scoped3A_103, %mul3A_2, %dma_wait3A_214] : memref<3x2560x128xi32, #tpu.memory_space<hbm>> -> memref<1x80x128xi32, #tpu.memory_space<hbm>>
      %dma_wait3A_216 = tpu.memref_squeeze %dma_wait3A_215 : memref<1x80x128xi32, #tpu.memory_space<hbm>> -> memref<80x128xi32, #tpu.memory_space<hbm>>
      tpu.wait_dma2 semaphore(%run_scoped3A_205 : memref<!tpu.dma_semaphore, #tpu.memory_space<semaphore_mem>>) src(%dma_wait3A_216 : memref<80x128xi32, #tpu.memory_space<hbm>>) dst(%arg5 : memref<80x128xi32, #tpu.memory_space<vmem>>)
      tpu.yield
    }) : () -> ()
    %scan3A_104 = arith.constant 0 : i32
    %scan3A_105 = arith.constant 0 : i32
    %scan3A_106 = arith.constant 128 : i32
    %scan3A_107 = arith.addi %scan3A_105, %scan3A_106 : i32
    %scan3A_108 = arith.constant 1 : i32
    scf.for %scan3A_205 = %scan3A_105 to %scan3A_107 step %scan3A_108  : i32 {
      %swap3A = arith.constant 0 : i32
      %swap3A_206 = arith.index_cast %swap3A : i32 to index
      %swap3A_207 = arith.index_cast %scan3A_205 : i32 to index
      %swap3A_208 = arith.constant 0 : index
      %swap3A_209 = tpu.vector_load %arg7[%swap3A_206, %swap3A_207, %swap3A_208] {strides = array<i32>} : memref<4x128x64xf32, #tpu.memory_space<vmem>>, vector<1x1x16xf32>,
      %swap3A_210 = vector.shape_cast %swap3A_209 : vector<1x1x16xf32> to vector<16xf32>
      %swap3A_211 = vector.shape_cast %broadcast_in_dim3A_3 : vector<16xf32> to vector<1x1x16xf32>
      tpu.vector_store %arg7[%swap3A_206, %swap3A_207, %swap3A_208], %swap3A_211 {strides = array<i32>} : memref<4x128x64xf32, #tpu.memory_space<vmem>>, vector<1x1x16xf32>,
      %swap3A_212 = arith.constant 0 : i32
      %swap3A_213 = arith.index_cast %swap3A_212 : i32 to index
      %swap3A_214 = arith.index_cast %scan3A_205 : i32 to index
      %swap3A_215 = arith.constant 16 : index
      %swap3A_216 = tpu.vector_load %arg7[%swap3A_213, %swap3A_214, %swap3A_215] {strides = array<i32>} : memref<4x128x64xf32, #tpu.memory_space<vmem>>, vector<1x1x16xf32>,
      %swap3A_217 = vector.shape_cast %swap3A_216 : vector<1x1x16xf32> to vector<16xf32>
      %swap3A_218 = vector.shape_cast %broadcast_in_dim3A_3 : vector<16xf32> to vector<1x1x16xf32>
      tpu.vector_store %arg7[%swap3A_213, %swap3A_214, %swap3A_215], %swap3A_218 {strides = array<i32>} : memref<4x128x64xf32, #tpu.memory_space<vmem>>, vector<1x1x16xf32>,
      %swap3A_219 = arith.constant 0 : i32
      %swap3A_220 = arith.index_cast %swap3A_219 : i32 to index
      %swap3A_221 = arith.index_cast %scan3A_205 : i32 to index
      %swap3A_222 = arith.constant 32 : index
      %swap3A_223 = tpu.vector_load %arg7[%swap3A_220, %swap3A_221, %swap3A_222] {strides = array<i32>} : memref<4x128x64xf32, #tpu.memory_space<vmem>>, vector<1x1x16xf32>,
      %swap3A_224 = vector.shape_cast %swap3A_223 : vector<1x1x16xf32> to vector<16xf32>
      %swap3A_225 = vector.shape_cast %broadcast_in_dim3A_3 : vector<16xf32> to vector<1x1x16xf32>
      tpu.vector_store %arg7[%swap3A_220, %swap3A_221, %swap3A_222], %swap3A_225 {strides = array<i32>} : memref<4x128x64xf32, #tpu.memory_space<vmem>>, vector<1x1x16xf32>,
      %swap3A_226 = arith.constant 0 : i32
      %swap3A_227 = arith.index_cast %swap3A_226 : i32 to index
      %swap3A_228 = arith.index_cast %scan3A_205 : i32 to index
      %swap3A_229 = arith.constant 48 : index
      %swap3A_230 = tpu.vector_load %arg7[%swap3A_227, %swap3A_228, %swap3A_229] {strides = array<i32>} : memref<4x128x64xf32, #tpu.memory_space<vmem>>, vector<1x1x16xf32>,
      %swap3A_231 = vector.shape_cast %swap3A_230 : vector<1x1x16xf32> to vector<16xf32>
      %swap3A_232 = vector.shape_cast %broadcast_in_dim3A_3 : vector<16xf32> to vector<1x1x16xf32>
      tpu.vector_store %arg7[%swap3A_227, %swap3A_228, %swap3A_229], %swap3A_232 {strides = array<i32>} : memref<4x128x64xf32, #tpu.memory_space<vmem>>, vector<1x1x16xf32>,
    }
    %scan3A_109 = arith.constant 128 : i32
    %mul3A_110 = arith.constant 5 : i32
    %mul3A_111 = arith.muli %arg1, %mul3A_110 : i32
    %add3A_112 = arith.constant 0 : i32
    %add3A_113 = arith.addi %mul3A_111, %add3A_112 : i32
    %mul3A_114 = arith.constant 128 : i32
    %mul3A_115 = arith.muli %add3A_113, %mul3A_114 : i32
    %run_scoped3A_116 = arith.constant 0 : i32
    "tpu.region"() ({
      %run_scoped3A_205 = tpu.sem_alloc : memref<!tpu.dma_semaphore, #tpu.memory_space<semaphore_mem>>
      %dma_start3A_206 = arith.constant 0 : i32
      %dma_start3A_207 = arith.constant 0 : i32
      %dma_start3A_208 = tpu.memref_slice %arg7[%run_scoped3A_116, %dma_start3A_206, %dma_start3A_207] : memref<4x128x64xf32, #tpu.memory_space<vmem>> -> memref<1x128x64xf32, #tpu.memory_space<vmem>>
      %dma_start3A_209 = tpu.memref_squeeze %dma_start3A_208 : memref<1x128x64xf32, #tpu.memory_space<vmem>> -> memref<128x64xf32, #tpu.memory_space<vmem>>
      %dma_start3A_210 = arith.constant 0 : i32
      %dma_start3A_211 = tpu.memref_slice %arg8[%mul3A_115, %dma_start3A_210] : memref<10240x64xf32, #tpu.memory_space<vmem_shared>> -> memref<128x64xf32, #tpu.memory_space<vmem_shared>>
      %dma_start3A_212 = arith.constant 0 : i32
      %dma_start3A_213 = tpu.memref_slice %arg8[%mul3A_115, %dma_start3A_212] : memref<10240x64xf32, #tpu.memory_space<vmem_shared>> -> memref<128x64xf32, #tpu.memory_space<vmem_shared>>
      %dma_start3A_214 = arith.constant 0 : i32
      %dma_start3A_215 = arith.constant 0 : i32
      %dma_start3A_216 = tpu.memref_slice %arg7[%run_scoped3A_116, %dma_start3A_214, %dma_start3A_215] : memref<4x128x64xf32, #tpu.memory_space<vmem>> -> memref<1x128x64xf32, #tpu.memory_space<vmem>>
      %dma_start3A_217 = tpu.memref_squeeze %dma_start3A_216 : memref<1x128x64xf32, #tpu.memory_space<vmem>> -> memref<128x64xf32, #tpu.memory_space<vmem>>
      tpu.enqueue_dma source(%dma_start3A_217 : memref<128x64xf32, #tpu.memory_space<vmem>>) target(%dma_start3A_213 : memref<128x64xf32, #tpu.memory_space<vmem_shared>>) target_semaphore(%run_scoped3A_205 : memref<!tpu.dma_semaphore, #tpu.memory_space<semaphore_mem>>)
      %dma_wait3A = arith.constant 0 : i32
      %dma_wait3A_218 = arith.constant 0 : i32
      %dma_wait3A_219 = tpu.memref_slice %arg7[%run_scoped3A_116, %dma_wait3A, %dma_wait3A_218] : memref<4x128x64xf32, #tpu.memory_space<vmem>> -> memref<1x128x64xf32, #tpu.memory_space<vmem>>
      %dma_wait3A_220 = tpu.memref_squeeze %dma_wait3A_219 : memref<1x128x64xf32, #tpu.memory_space<vmem>> -> memref<128x64xf32, #tpu.memory_space<vmem>>
      %dma_wait3A_221 = arith.constant 0 : i32
      %dma_wait3A_222 = tpu.memref_slice %arg8[%mul3A_115, %dma_wait3A_221] : memref<10240x64xf32, #tpu.memory_space<vmem_shared>> -> memref<128x64xf32, #tpu.memory_space<vmem_shared>>
      %dma_wait3A_223 = arith.constant 0 : i32
      %dma_wait3A_224 = tpu.memref_slice %arg8[%mul3A_115, %dma_wait3A_223] : memref<10240x64xf32, #tpu.memory_space<vmem_shared>> -> memref<128x64xf32, #tpu.memory_space<vmem_shared>>
      %dma_wait3A_225 = arith.constant 0 : i32
      %dma_wait3A_226 = arith.constant 0 : i32
      %dma_wait3A_227 = tpu.memref_slice %arg7[%run_scoped3A_116, %dma_wait3A_225, %dma_wait3A_226] : memref<4x128x64xf32, #tpu.memory_space<vmem>> -> memref<1x128x64xf32, #tpu.memory_space<vmem>>
      %dma_wait3A_228 = tpu.memref_squeeze %dma_wait3A_227 : memref<1x128x64xf32, #tpu.memory_space<vmem>> -> memref<128x64xf32, #tpu.memory_space<vmem>>
      tpu.wait_dma2 semaphore(%run_scoped3A_205 : memref<!tpu.dma_semaphore, #tpu.memory_space<semaphore_mem>>) src(%dma_wait3A_228 : memref<128x64xf32, #tpu.memory_space<vmem>>) dst(%dma_wait3A_224 : memref<128x64xf32, #tpu.memory_space<vmem_shared>>)
      tpu.yield
    }) : () -> ()
    %mul3A_117 = arith.constant 5 : i32
    %mul3A_118 = arith.muli %arg1, %mul3A_117 : i32
    %add3A_119 = arith.constant 1 : i32
    %add3A_120 = arith.addi %mul3A_118, %add3A_119 : i32
    %mul3A_121 = arith.constant 128 : i32
    %mul3A_122 = arith.muli %add3A_120, %mul3A_121 : i32
    %run_scoped3A_123 = arith.constant 0 : i32
    "tpu.region"() ({
      %run_scoped3A_205 = tpu.sem_alloc : memref<!tpu.dma_semaphore, #tpu.memory_space<semaphore_mem>>
      %dma_start3A_206 = arith.constant 0 : i32
      %dma_start3A_207 = arith.constant 0 : i32
      %dma_start3A_208 = tpu.memref_slice %arg7[%run_scoped3A_123, %dma_start3A_206, %dma_start3A_207] : memref<4x128x64xf32, #tpu.memory_space<vmem>> -> memref<1x128x64xf32, #tpu.memory_space<vmem>>
      %dma_start3A_209 = tpu.memref_squeeze %dma_start3A_208 : memref<1x128x64xf32, #tpu.memory_space<vmem>> -> memref<128x64xf32, #tpu.memory_space<vmem>>
      %dma_start3A_210 = arith.constant 0 : i32
      %dma_start3A_211 = tpu.memref_slice %arg8[%mul3A_122, %dma_start3A_210] : memref<10240x64xf32, #tpu.memory_space<vmem_shared>> -> memref<128x64xf32, #tpu.memory_space<vmem_shared>>
      %dma_start3A_212 = arith.constant 0 : i32
      %dma_start3A_213 = tpu.memref_slice %arg8[%mul3A_122, %dma_start3A_212] : memref<10240x64xf32, #tpu.memory_space<vmem_shared>> -> memref<128x64xf32, #tpu.memory_space<vmem_shared>>
      %dma_start3A_214 = arith.constant 0 : i32
      %dma_start3A_215 = arith.constant 0 : i32
      %dma_start3A_216 = tpu.memref_slice %arg7[%run_scoped3A_123, %dma_start3A_214, %dma_start3A_215] : memref<4x128x64xf32, #tpu.memory_space<vmem>> -> memref<1x128x64xf32, #tpu.memory_space<vmem>>
      %dma_start3A_217 = tpu.memref_squeeze %dma_start3A_216 : memref<1x128x64xf32, #tpu.memory_space<vmem>> -> memref<128x64xf32, #tpu.memory_space<vmem>>
      tpu.enqueue_dma source(%dma_start3A_217 : memref<128x64xf32, #tpu.memory_space<vmem>>) target(%dma_start3A_213 : memref<128x64xf32, #tpu.memory_space<vmem_shared>>) target_semaphore(%run_scoped3A_205 : memref<!tpu.dma_semaphore, #tpu.memory_space<semaphore_mem>>)
      %dma_wait3A = arith.constant 0 : i32
      %dma_wait3A_218 = arith.constant 0 : i32
      %dma_wait3A_219 = tpu.memref_slice %arg7[%run_scoped3A_123, %dma_wait3A, %dma_wait3A_218] : memref<4x128x64xf32, #tpu.memory_space<vmem>> -> memref<1x128x64xf32, #tpu.memory_space<vmem>>
      %dma_wait3A_220 = tpu.memref_squeeze %dma_wait3A_219 : memref<1x128x64xf32, #tpu.memory_space<vmem>> -> memref<128x64xf32, #tpu.memory_space<vmem>>
      %dma_wait3A_221 = arith.constant 0 : i32
      %dma_wait3A_222 = tpu.memref_slice %arg8[%mul3A_122, %dma_wait3A_221] : memref<10240x64xf32, #tpu.memory_space<vmem_shared>> -> memref<128x64xf32, #tpu.memory_space<vmem_shared>>
      %dma_wait3A_223 = arith.constant 0 : i32
      %dma_wait3A_224 = tpu.memref_slice %arg8[%mul3A_122, %dma_wait3A_223] : memref<10240x64xf32, #tpu.memory_space<vmem_shared>> -> memref<128x64xf32, #tpu.memory_space<vmem_shared>>
      %dma_wait3A_225 = arith.constant 0 : i32
      %dma_wait3A_226 = arith.constant 0 : i32
      %dma_wait3A_227 = tpu.memref_slice %arg7[%run_scoped3A_123, %dma_wait3A_225, %dma_wait3A_226] : memref<4x128x64xf32, #tpu.memory_space<vmem>> -> memref<1x128x64xf32, #tpu.memory_space<vmem>>
      %dma_wait3A_228 = tpu.memref_squeeze %dma_wait3A_227 : memref<1x128x64xf32, #tpu.memory_space<vmem>> -> memref<128x64xf32, #tpu.memory_space<vmem>>
      tpu.wait_dma2 semaphore(%run_scoped3A_205 : memref<!tpu.dma_semaphore, #tpu.memory_space<semaphore_mem>>) src(%dma_wait3A_228 : memref<128x64xf32, #tpu.memory_space<vmem>>) dst(%dma_wait3A_224 : memref<128x64xf32, #tpu.memory_space<vmem_shared>>)
      tpu.yield
    }) : () -> ()
    %mul3A_124 = arith.constant 5 : i32
    %mul3A_125 = arith.muli %arg1, %mul3A_124 : i32
    %add3A_126 = arith.constant 2 : i32
    %add3A_127 = arith.addi %mul3A_125, %add3A_126 : i32
    %mul3A_128 = arith.constant 128 : i32
    %mul3A_129 = arith.muli %add3A_127, %mul3A_128 : i32
    %run_scoped3A_130 = arith.constant 0 : i32
    "tpu.region"() ({
      %run_scoped3A_205 = tpu.sem_alloc : memref<!tpu.dma_semaphore, #tpu.memory_space<semaphore_mem>>
      %dma_start3A_206 = arith.constant 0 : i32
      %dma_start3A_207 = arith.constant 0 : i32
      %dma_start3A_208 = tpu.memref_slice %arg7[%run_scoped3A_130, %dma_start3A_206, %dma_start3A_207] : memref<4x128x64xf32, #tpu.memory_space<vmem>> -> memref<1x128x64xf32, #tpu.memory_space<vmem>>
      %dma_start3A_209 = tpu.memref_squeeze %dma_start3A_208 : memref<1x128x64xf32, #tpu.memory_space<vmem>> -> memref<128x64xf32, #tpu.memory_space<vmem>>
      %dma_start3A_210 = arith.constant 0 : i32
      %dma_start3A_211 = tpu.memref_slice %arg8[%mul3A_129, %dma_start3A_210] : memref<10240x64xf32, #tpu.memory_space<vmem_shared>> -> memref<128x64xf32, #tpu.memory_space<vmem_shared>>
      %dma_start3A_212 = arith.constant 0 : i32
      %dma_start3A_213 = tpu.memref_slice %arg8[%mul3A_129, %dma_start3A_212] : memref<10240x64xf32, #tpu.memory_space<vmem_shared>> -> memref<128x64xf32, #tpu.memory_space<vmem_shared>>
      %dma_start3A_214 = arith.constant 0 : i32
      %dma_start3A_215 = arith.constant 0 : i32
      %dma_start3A_216 = tpu.memref_slice %arg7[%run_scoped3A_130, %dma_start3A_214, %dma_start3A_215] : memref<4x128x64xf32, #tpu.memory_space<vmem>> -> memref<1x128x64xf32, #tpu.memory_space<vmem>>
      %dma_start3A_217 = tpu.memref_squeeze %dma_start3A_216 : memref<1x128x64xf32, #tpu.memory_space<vmem>> -> memref<128x64xf32, #tpu.memory_space<vmem>>
      tpu.enqueue_dma source(%dma_start3A_217 : memref<128x64xf32, #tpu.memory_space<vmem>>) target(%dma_start3A_213 : memref<128x64xf32, #tpu.memory_space<vmem_shared>>) target_semaphore(%run_scoped3A_205 : memref<!tpu.dma_semaphore, #tpu.memory_space<semaphore_mem>>)
      %dma_wait3A = arith.constant 0 : i32
      %dma_wait3A_218 = arith.constant 0 : i32
      %dma_wait3A_219 = tpu.memref_slice %arg7[%run_scoped3A_130, %dma_wait3A, %dma_wait3A_218] : memref<4x128x64xf32, #tpu.memory_space<vmem>> -> memref<1x128x64xf32, #tpu.memory_space<vmem>>
      %dma_wait3A_220 = tpu.memref_squeeze %dma_wait3A_219 : memref<1x128x64xf32, #tpu.memory_space<vmem>> -> memref<128x64xf32, #tpu.memory_space<vmem>>
      %dma_wait3A_221 = arith.constant 0 : i32
      %dma_wait3A_222 = tpu.memref_slice %arg8[%mul3A_129, %dma_wait3A_221] : memref<10240x64xf32, #tpu.memory_space<vmem_shared>> -> memref<128x64xf32, #tpu.memory_space<vmem_shared>>
      %dma_wait3A_223 = arith.constant 0 : i32
      %dma_wait3A_224 = tpu.memref_slice %arg8[%mul3A_129, %dma_wait3A_223] : memref<10240x64xf32, #tpu.memory_space<vmem_shared>> -> memref<128x64xf32, #tpu.memory_space<vmem_shared>>
      %dma_wait3A_225 = arith.constant 0 : i32
      %dma_wait3A_226 = arith.constant 0 : i32
      %dma_wait3A_227 = tpu.memref_slice %arg7[%run_scoped3A_130, %dma_wait3A_225, %dma_wait3A_226] : memref<4x128x64xf32, #tpu.memory_space<vmem>> -> memref<1x128x64xf32, #tpu.memory_space<vmem>>
      %dma_wait3A_228 = tpu.memref_squeeze %dma_wait3A_227 : memref<1x128x64xf32, #tpu.memory_space<vmem>> -> memref<128x64xf32, #tpu.memory_space<vmem>>
      tpu.wait_dma2 semaphore(%run_scoped3A_205 : memref<!tpu.dma_semaphore, #tpu.memory_space<semaphore_mem>>) src(%dma_wait3A_228 : memref<128x64xf32, #tpu.memory_space<vmem>>) dst(%dma_wait3A_224 : memref<128x64xf32, #tpu.memory_space<vmem_shared>>)
      tpu.yield
    }) : () -> ()
    %mul3A_131 = arith.constant 5 : i32
    %mul3A_132 = arith.muli %arg1, %mul3A_131 : i32
    %add3A_133 = arith.constant 3 : i32
    %add3A_134 = arith.addi %mul3A_132, %add3A_133 : i32
    %mul3A_135 = arith.constant 128 : i32
    %mul3A_136 = arith.muli %add3A_134, %mul3A_135 : i32
    %run_scoped3A_137 = arith.constant 0 : i32
    "tpu.region"() ({
      %run_scoped3A_205 = tpu.sem_alloc : memref<!tpu.dma_semaphore, #tpu.memory_space<semaphore_mem>>
      %dma_start3A_206 = arith.constant 0 : i32
      %dma_start3A_207 = arith.constant 0 : i32
      %dma_start3A_208 = tpu.memref_slice %arg7[%run_scoped3A_137, %dma_start3A_206, %dma_start3A_207] : memref<4x128x64xf32, #tpu.memory_space<vmem>> -> memref<1x128x64xf32, #tpu.memory_space<vmem>>
      %dma_start3A_209 = tpu.memref_squeeze %dma_start3A_208 : memref<1x128x64xf32, #tpu.memory_space<vmem>> -> memref<128x64xf32, #tpu.memory_space<vmem>>
      %dma_start3A_210 = arith.constant 0 : i32
      %dma_start3A_211 = tpu.memref_slice %arg8[%mul3A_136, %dma_start3A_210] : memref<10240x64xf32, #tpu.memory_space<vmem_shared>> -> memref<128x64xf32, #tpu.memory_space<vmem_shared>>
      %dma_start3A_212 = arith.constant 0 : i32
      %dma_start3A_213 = tpu.memref_slice %arg8[%mul3A_136, %dma_start3A_212] : memref<10240x64xf32, #tpu.memory_space<vmem_shared>> -> memref<128x64xf32, #tpu.memory_space<vmem_shared>>
      %dma_start3A_214 = arith.constant 0 : i32
      %dma_start3A_215 = arith.constant 0 : i32
      %dma_start3A_216 = tpu.memref_slice %arg7[%run_scoped3A_137, %dma_start3A_214, %dma_start3A_215] : memref<4x128x64xf32, #tpu.memory_space<vmem>> -> memref<1x128x64xf32, #tpu.memory_space<vmem>>
      %dma_start3A_217 = tpu.memref_squeeze %dma_start3A_216 : memref<1x128x64xf32, #tpu.memory_space<vmem>> -> memref<128x64xf32, #tpu.memory_space<vmem>>
      tpu.enqueue_dma source(%dma_start3A_217 : memref<128x64xf32, #tpu.memory_space<vmem>>) target(%dma_start3A_213 : memref<128x64xf32, #tpu.memory_space<vmem_shared>>) target_semaphore(%run_scoped3A_205 : memref<!tpu.dma_semaphore, #tpu.memory_space<semaphore_mem>>)
      %dma_wait3A = arith.constant 0 : i32
      %dma_wait3A_218 = arith.constant 0 : i32
      %dma_wait3A_219 = tpu.memref_slice %arg7[%run_scoped3A_137, %dma_wait3A, %dma_wait3A_218] : memref<4x128x64xf32, #tpu.memory_space<vmem>> -> memref<1x128x64xf32, #tpu.memory_space<vmem>>
      %dma_wait3A_220 = tpu.memref_squeeze %dma_wait3A_219 : memref<1x128x64xf32, #tpu.memory_space<vmem>> -> memref<128x64xf32, #tpu.memory_space<vmem>>
      %dma_wait3A_221 = arith.constant 0 : i32
      %dma_wait3A_222 = tpu.memref_slice %arg8[%mul3A_136, %dma_wait3A_221] : memref<10240x64xf32, #tpu.memory_space<vmem_shared>> -> memref<128x64xf32, #tpu.memory_space<vmem_shared>>
      %dma_wait3A_223 = arith.constant 0 : i32
      %dma_wait3A_224 = tpu.memref_slice %arg8[%mul3A_136, %dma_wait3A_223] : memref<10240x64xf32, #tpu.memory_space<vmem_shared>> -> memref<128x64xf32, #tpu.memory_space<vmem_shared>>
      %dma_wait3A_225 = arith.constant 0 : i32
      %dma_wait3A_226 = arith.constant 0 : i32
      %dma_wait3A_227 = tpu.memref_slice %arg7[%run_scoped3A_137, %dma_wait3A_225, %dma_wait3A_226] : memref<4x128x64xf32, #tpu.memory_space<vmem>> -> memref<1x128x64xf32, #tpu.memory_space<vmem>>
      %dma_wait3A_228 = tpu.memref_squeeze %dma_wait3A_227 : memref<1x128x64xf32, #tpu.memory_space<vmem>> -> memref<128x64xf32, #tpu.memory_space<vmem>>
      tpu.wait_dma2 semaphore(%run_scoped3A_205 : memref<!tpu.dma_semaphore, #tpu.memory_space<semaphore_mem>>) src(%dma_wait3A_228 : memref<128x64xf32, #tpu.memory_space<vmem>>) dst(%dma_wait3A_224 : memref<128x64xf32, #tpu.memory_space<vmem_shared>>)
      tpu.yield
    }) : () -> ()
    %mul3A_138 = arith.constant 5 : i32
    %mul3A_139 = arith.muli %arg1, %mul3A_138 : i32
    %add3A_140 = arith.constant 4 : i32
    %add3A_141 = arith.addi %mul3A_139, %add3A_140 : i32
    %mul3A_142 = arith.constant 128 : i32
    %mul3A_143 = arith.muli %add3A_141, %mul3A_142 : i32
    %run_scoped3A_144 = arith.constant 0 : i32
    "tpu.region"() ({
      %run_scoped3A_205 = tpu.sem_alloc : memref<!tpu.dma_semaphore, #tpu.memory_space<semaphore_mem>>
      %dma_start3A_206 = arith.constant 0 : i32
      %dma_start3A_207 = arith.constant 0 : i32
      %dma_start3A_208 = tpu.memref_slice %arg7[%run_scoped3A_144, %dma_start3A_206, %dma_start3A_207] : memref<4x128x64xf32, #tpu.memory_space<vmem>> -> memref<1x128x64xf32, #tpu.memory_space<vmem>>
      %dma_start3A_209 = tpu.memref_squeeze %dma_start3A_208 : memref<1x128x64xf32, #tpu.memory_space<vmem>> -> memref<128x64xf32, #tpu.memory_space<vmem>>
      %dma_start3A_210 = arith.constant 0 : i32
      %dma_start3A_211 = tpu.memref_slice %arg8[%mul3A_143, %dma_start3A_210] : memref<10240x64xf32, #tpu.memory_space<vmem_shared>> -> memref<128x64xf32, #tpu.memory_space<vmem_shared>>
      %dma_start3A_212 = arith.constant 0 : i32
      %dma_start3A_213 = tpu.memref_slice %arg8[%mul3A_143, %dma_start3A_212] : memref<10240x64xf32, #tpu.memory_space<vmem_shared>> -> memref<128x64xf32, #tpu.memory_space<vmem_shared>>
      %dma_start3A_214 = arith.constant 0 : i32
      %dma_start3A_215 = arith.constant 0 : i32
      %dma_start3A_216 = tpu.memref_slice %arg7[%run_scoped3A_144, %dma_start3A_214, %dma_start3A_215] : memref<4x128x64xf32, #tpu.memory_space<vmem>> -> memref<1x128x64xf32, #tpu.memory_space<vmem>>
      %dma_start3A_217 = tpu.memref_squeeze %dma_start3A_216 : memref<1x128x64xf32, #tpu.memory_space<vmem>> -> memref<128x64xf32, #tpu.memory_space<vmem>>
      tpu.enqueue_dma source(%dma_start3A_217 : memref<128x64xf32, #tpu.memory_space<vmem>>) target(%dma_start3A_213 : memref<128x64xf32, #tpu.memory_space<vmem_shared>>) target_semaphore(%run_scoped3A_205 : memref<!tpu.dma_semaphore, #tpu.memory_space<semaphore_mem>>)
      %dma_wait3A = arith.constant 0 : i32
      %dma_wait3A_218 = arith.constant 0 : i32
      %dma_wait3A_219 = tpu.memref_slice %arg7[%run_scoped3A_144, %dma_wait3A, %dma_wait3A_218] : memref<4x128x64xf32, #tpu.memory_space<vmem>> -> memref<1x128x64xf32, #tpu.memory_space<vmem>>
      %dma_wait3A_220 = tpu.memref_squeeze %dma_wait3A_219 : memref<1x128x64xf32, #tpu.memory_space<vmem>> -> memref<128x64xf32, #tpu.memory_space<vmem>>
      %dma_wait3A_221 = arith.constant 0 : i32
      %dma_wait3A_222 = tpu.memref_slice %arg8[%mul3A_143, %dma_wait3A_221] : memref<10240x64xf32, #tpu.memory_space<vmem_shared>> -> memref<128x64xf32, #tpu.memory_space<vmem_shared>>
      %dma_wait3A_223 = arith.constant 0 : i32
      %dma_wait3A_224 = tpu.memref_slice %arg8[%mul3A_143, %dma_wait3A_223] : memref<10240x64xf32, #tpu.memory_space<vmem_shared>> -> memref<128x64xf32, #tpu.memory_space<vmem_shared>>
      %dma_wait3A_225 = arith.constant 0 : i32
      %dma_wait3A_226 = arith.constant 0 : i32
      %dma_wait3A_227 = tpu.memref_slice %arg7[%run_scoped3A_144, %dma_wait3A_225, %dma_wait3A_226] : memref<4x128x64xf32, #tpu.memory_space<vmem>> -> memref<1x128x64xf32, #tpu.memory_space<vmem>>
      %dma_wait3A_228 = tpu.memref_squeeze %dma_wait3A_227 : memref<1x128x64xf32, #tpu.memory_space<vmem>> -> memref<128x64xf32, #tpu.memory_space<vmem>>
      tpu.wait_dma2 semaphore(%run_scoped3A_205 : memref<!tpu.dma_semaphore, #tpu.memory_space<semaphore_mem>>) src(%dma_wait3A_228 : memref<128x64xf32, #tpu.memory_space<vmem>>) dst(%dma_wait3A_224 : memref<128x64xf32, #tpu.memory_space<vmem_shared>>)
      tpu.yield
    }) : () -> ()
    %barrier3A_145 = arith.constant 0 : index
    tpu.barrier barrier_id(%barrier3A_145)
    %dma_start3A_146 = arith.constant 0 : i32
    %dma_start3A_147 = arith.constant 0 : i32
    %dma_start3A_148 = arith.constant 0 : i32
    %dma_start3A_149 = arith.constant 0 : i32
    %dma_start3A_150 = tpu.memref_slice %arg7[%dma_start3A_147, %dma_start3A_148, %dma_start3A_149] : memref<4x128x64xf32, #tpu.memory_space<vmem>> -> memref<1x128x64xf32, #tpu.memory_space<vmem>>
    %dma_start3A_151 = tpu.memref_squeeze %dma_start3A_150 : memref<1x128x64xf32, #tpu.memory_space<vmem>> -> memref<128x64xf32, #tpu.memory_space<vmem>>
    %dma_start3A_152 = arith.constant 0 : i32
    %dma_start3A_153 = tpu.memref_slice %arg5[%dma_start3A_146, %dma_start3A_152] : memref<80x128xi32, #tpu.memory_space<vmem>> -> memref<1x128xi32, #tpu.memory_space<vmem>>
    %dma_start3A_154 = tpu.memref_squeeze %dma_start3A_153 : memref<1x128xi32, #tpu.memory_space<vmem>> -> memref<128xi32, #tpu.memory_space<vmem>>
    %dma_start3A_155 = arith.constant 0 : i32
    %dma_start3A_156 = arith.constant 0 : i32
    %dma_start3A_157 = tpu.memref_slice %arg2[%dma_start3A_155, %dma_start3A_156] : memref<20000x64xf32, #tpu.memory_space<hbm>> -> memref<20000x64xf32, #tpu.memory_space<hbm>>
    tpu.enqueue_indirect_dma source(%dma_start3A_157 : memref<20000x64xf32, #tpu.memory_space<hbm>>) target(%dma_start3A_151 : memref<128x64xf32, #tpu.memory_space<vmem>>) offsets(%dma_start3A_154 : memref<128xi32, #tpu.memory_space<vmem>>) semaphore(%arg9 : memref<!tpu.dma_semaphore, #tpu.memory_space<semaphore_mem>>)
    %dma_start3A_158 = arith.constant 1 : i32
    %dma_start3A_159 = arith.constant 1 : i32
    %dma_start3A_160 = arith.constant 0 : i32
    %dma_start3A_161 = arith.constant 0 : i32
    %dma_start3A_162 = tpu.memref_slice %arg7[%dma_start3A_159, %dma_start3A_160, %dma_start3A_161] : memref<4x128x64xf32, #tpu.memory_space<vmem>> -> memref<1x128x64xf32, #tpu.memory_space<vmem>>
    %dma_start3A_163 = tpu.memref_squeeze %dma_start3A_162 : memref<1x128x64xf32, #tpu.memory_space<vmem>> -> memref<128x64xf32, #tpu.memory_space<vmem>>
    %dma_start3A_164 = arith.constant 0 : i32
    %dma_start3A_165 = tpu.memref_slice %arg5[%dma_start3A_158, %dma_start3A_164] : memref<80x128xi32, #tpu.memory_space<vmem>> -> memref<1x128xi32, #tpu.memory_space<vmem>>
    %dma_start3A_166 = tpu.memref_squeeze %dma_start3A_165 : memref<1x128xi32, #tpu.memory_space<vmem>> -> memref<128xi32, #tpu.memory_space<vmem>>
    %dma_start3A_167 = arith.constant 0 : i32
    %dma_start3A_168 = arith.constant 0 : i32
    %dma_start3A_169 = tpu.memref_slice %arg2[%dma_start3A_167, %dma_start3A_168] : memref<20000x64xf32, #tpu.memory_space<hbm>> -> memref<20000x64xf32, #tpu.memory_space<hbm>>
    tpu.enqueue_indirect_dma source(%dma_start3A_169 : memref<20000x64xf32, #tpu.memory_space<hbm>>) target(%dma_start3A_163 : memref<128x64xf32, #tpu.memory_space<vmem>>) offsets(%dma_start3A_166 : memref<128xi32, #tpu.memory_space<vmem>>) semaphore(%arg10 : memref<!tpu.dma_semaphore, #tpu.memory_space<semaphore_mem>>)
    %dma_start3A_170 = arith.constant 2 : i32
    %dma_start3A_171 = arith.constant 2 : i32
    %dma_start3A_172 = arith.constant 0 : i32
    %dma_start3A_173 = arith.constant 0 : i32
    %dma_start3A_174 = tpu.memref_slice %arg7[%dma_start3A_171, %dma_start3A_172, %dma_start3A_173] : memref<4x128x64xf32, #tpu.memory_space<vmem>> -> memref<1x128x64xf32, #tpu.memory_space<vmem>>
    %dma_start3A_175 = tpu.memref_squeeze %dma_start3A_174 : memref<1x128x64xf32, #tpu.memory_space<vmem>> -> memref<128x64xf32, #tpu.memory_space<vmem>>
    %dma_start3A_176 = arith.constant 0 : i32
    %dma_start3A_177 = tpu.memref_slice %arg5[%dma_start3A_170, %dma_start3A_176] : memref<80x128xi32, #tpu.memory_space<vmem>> -> memref<1x128xi32, #tpu.memory_space<vmem>>
    %dma_start3A_178 = tpu.memref_squeeze %dma_start3A_177 : memref<1x128xi32, #tpu.memory_space<vmem>> -> memref<128xi32, #tpu.memory_space<vmem>>
    %dma_start3A_179 = arith.constant 0 : i32
    %dma_start3A_180 = arith.constant 0 : i32
    %dma_start3A_181 = tpu.memref_slice %arg2[%dma_start3A_179, %dma_start3A_180] : memref<20000x64xf32, #tpu.memory_space<hbm>> -> memref<20000x64xf32, #tpu.memory_space<hbm>>
    tpu.enqueue_indirect_dma source(%dma_start3A_181 : memref<20000x64xf32, #tpu.memory_space<hbm>>) target(%dma_start3A_175 : memref<128x64xf32, #tpu.memory_space<vmem>>) offsets(%dma_start3A_178 : memref<128xi32, #tpu.memory_space<vmem>>) semaphore(%arg11 : memref<!tpu.dma_semaphore, #tpu.memory_space<semaphore_mem>>)
    %dma_start3A_182 = arith.constant 3 : i32
    %dma_start3A_183 = arith.constant 3 : i32
    %dma_start3A_184 = arith.constant 0 : i32
    %dma_start3A_185 = arith.constant 0 : i32
    %dma_start3A_186 = tpu.memref_slice %arg7[%dma_start3A_183, %dma_start3A_184, %dma_start3A_185] : memref<4x128x64xf32, #tpu.memory_space<vmem>> -> memref<1x128x64xf32, #tpu.memory_space<vmem>>
    %dma_start3A_187 = tpu.memref_squeeze %dma_start3A_186 : memref<1x128x64xf32, #tpu.memory_space<vmem>> -> memref<128x64xf32, #tpu.memory_space<vmem>>
    %dma_start3A_188 = arith.constant 0 : i32
    %dma_start3A_189 = tpu.memref_slice %arg5[%dma_start3A_182, %dma_start3A_188] : memref<80x128xi32, #tpu.memory_space<vmem>> -> memref<1x128xi32, #tpu.memory_space<vmem>>
    %dma_start3A_190 = tpu.memref_squeeze %dma_start3A_189 : memref<1x128xi32, #tpu.memory_space<vmem>> -> memref<128xi32, #tpu.memory_space<vmem>>
    %dma_start3A_191 = arith.constant 0 : i32
    %dma_start3A_192 = arith.constant 0 : i32
    %dma_start3A_193 = tpu.memref_slice %arg2[%dma_start3A_191, %dma_start3A_192] : memref<20000x64xf32, #tpu.memory_space<hbm>> -> memref<20000x64xf32, #tpu.memory_space<hbm>>
    tpu.enqueue_indirect_dma source(%dma_start3A_193 : memref<20000x64xf32, #tpu.memory_space<hbm>>) target(%dma_start3A_187 : memref<128x64xf32, #tpu.memory_space<vmem>>) offsets(%dma_start3A_190 : memref<128xi32, #tpu.memory_space<vmem>>) semaphore(%arg12 : memref<!tpu.dma_semaphore, #tpu.memory_space<semaphore_mem>>)
    %scan3A_194 = arith.constant 0 : i32
    %scan3A_195 = arith.constant 0 : i32
    %scan3A_196 = arith.constant 20 : i32
    %scan3A_197 = arith.addi %scan3A_195, %scan3A_196 : i32
    %scan3A_198 = arith.constant 1 : i32
    scf.for %scan3A_205 = %scan3A_195 to %scan3A_197 step %scan3A_198  : i32 {
      %mul3A_206 = arith.constant 4 : i32
      %mul3A_207 = arith.muli %scan3A_205, %mul3A_206 : i32
      %add3A_208 = arith.constant 0 : i32
      %add3A_209 = arith.addi %mul3A_207, %add3A_208 : i32
      %dma_wait3A = arith.constant 0 : i32
      %dma_wait3A_210 = arith.constant 0 : i32
      %dma_wait3A_211 = arith.constant 0 : i32
      %dma_wait3A_212 = tpu.memref_slice %arg7[%dma_wait3A, %dma_wait3A_210, %dma_wait3A_211] : memref<4x128x64xf32, #tpu.memory_space<vmem>> -> memref<1x128x64xf32, #tpu.memory_space<vmem>>
      %dma_wait3A_213 = tpu.memref_squeeze %dma_wait3A_212 : memref<1x128x64xf32, #tpu.memory_space<vmem>> -> memref<128x64xf32, #tpu.memory_space<vmem>>
      %dma_wait3A_214 = arith.constant 0 : i32
      %dma_wait3A_215 = tpu.memref_slice %arg5[%add3A_209, %dma_wait3A_214] : memref<80x128xi32, #tpu.memory_space<vmem>> -> memref<1x128xi32, #tpu.memory_space<vmem>>
      %dma_wait3A_216 = tpu.memref_squeeze %dma_wait3A_215 : memref<1x128xi32, #tpu.memory_space<vmem>> -> memref<128xi32, #tpu.memory_space<vmem>>
      %dma_wait3A_217 = arith.constant 0 : i32
      %dma_wait3A_218 = arith.constant 0 : i32
      %dma_wait3A_219 = tpu.memref_slice %arg2[%dma_wait3A_217, %dma_wait3A_218] : memref<20000x64xf32, #tpu.memory_space<hbm>> -> memref<20000x64xf32, #tpu.memory_space<hbm>>
      tpu.wait_indirect_dma semaphore(%arg9 : memref<!tpu.dma_semaphore, #tpu.memory_space<semaphore_mem>>) src(%dma_wait3A_219 : memref<20000x64xf32, #tpu.memory_space<hbm>>) dst(%dma_wait3A_213 : memref<128x64xf32, #tpu.memory_space<vmem>>)
      %run_scoped3A_220 = arith.constant 0 : i32
      "tpu.region"() ({
        %run_scoped3A_294 = tpu.sem_alloc : memref<!tpu.dma_semaphore, #tpu.memory_space<semaphore_mem>>
        %dma_start3A_295 = arith.constant 0 : i32
        %dma_start3A_296 = arith.constant 0 : i32
        %dma_start3A_297 = tpu.memref_slice %arg7[%run_scoped3A_220, %dma_start3A_295, %dma_start3A_296] : memref<4x128x64xf32, #tpu.memory_space<vmem>> -> memref<1x128x64xf32, #tpu.memory_space<vmem>>
        %dma_start3A_298 = tpu.memref_squeeze %dma_start3A_297 : memref<1x128x64xf32, #tpu.memory_space<vmem>> -> memref<128x64xf32, #tpu.memory_space<vmem>>
        %dma_start3A_299 = arith.constant 0 : i32
        %dma_start3A_300 = tpu.memref_slice %arg6[%add3A_209, %dma_start3A_299] : memref<80x128xi32, #tpu.memory_space<vmem>> -> memref<1x128xi32, #tpu.memory_space<vmem>>
        %dma_start3A_301 = tpu.memref_squeeze %dma_start3A_300 : memref<1x128xi32, #tpu.memory_space<vmem>> -> memref<128xi32, #tpu.memory_space<vmem>>
        %dma_start3A_302 = arith.constant 0 : i32
        %dma_start3A_303 = arith.constant 0 : i32
        %dma_start3A_304 = tpu.memref_slice %arg8[%dma_start3A_302, %dma_start3A_303] : memref<10240x64xf32, #tpu.memory_space<vmem_shared>> -> memref<10240x64xf32, #tpu.memory_space<vmem_shared>>
        tpu.enqueue_indirect_dma source(%dma_start3A_298 : memref<128x64xf32, #tpu.memory_space<vmem>>) target(%dma_start3A_304 : memref<10240x64xf32, #tpu.memory_space<vmem_shared>>) offsets(%dma_start3A_301 : memref<128xi32, #tpu.memory_space<vmem>>) semaphore(%run_scoped3A_294 : memref<!tpu.dma_semaphore, #tpu.memory_space<semaphore_mem>>) {add = true}
        %dma_wait3A_305 = arith.constant 0 : i32
        %dma_wait3A_306 = arith.constant 0 : i32
        %dma_wait3A_307 = tpu.memref_slice %arg7[%run_scoped3A_220, %dma_wait3A_305, %dma_wait3A_306] : memref<4x128x64xf32, #tpu.memory_space<vmem>> -> memref<1x128x64xf32, #tpu.memory_space<vmem>>
        %dma_wait3A_308 = tpu.memref_squeeze %dma_wait3A_307 : memref<1x128x64xf32, #tpu.memory_space<vmem>> -> memref<128x64xf32, #tpu.memory_space<vmem>>
        %dma_wait3A_309 = arith.constant 0 : i32
        %dma_wait3A_310 = tpu.memref_slice %arg6[%add3A_209, %dma_wait3A_309] : memref<80x128xi32, #tpu.memory_space<vmem>> -> memref<1x128xi32, #tpu.memory_space<vmem>>
        %dma_wait3A_311 = tpu.memref_squeeze %dma_wait3A_310 : memref<1x128xi32, #tpu.memory_space<vmem>> -> memref<128xi32, #tpu.memory_space<vmem>>
        %dma_wait3A_312 = arith.constant 0 : i32
        %dma_wait3A_313 = arith.constant 0 : i32
        %dma_wait3A_314 = tpu.memref_slice %arg8[%dma_wait3A_312, %dma_wait3A_313] : memref<10240x64xf32, #tpu.memory_space<vmem_shared>> -> memref<10240x64xf32, #tpu.memory_space<vmem_shared>>
        tpu.wait_indirect_dma semaphore(%run_scoped3A_294 : memref<!tpu.dma_semaphore, #tpu.memory_space<semaphore_mem>>) src(%dma_wait3A_308 : memref<128x64xf32, #tpu.memory_space<vmem>>) dst(%dma_wait3A_314 : memref<10240x64xf32, #tpu.memory_space<vmem_shared>>)
        tpu.yield
      }) : () -> ()
      %add3A_221 = arith.constant 4 : i32
      %add3A_222 = arith.addi %add3A_209, %add3A_221 : i32
      %lt3A = arith.constant 80 : i32
      %lt3A_223 = arith.cmpi slt, %add3A_222, %lt3A : i32
      %convert_element_type3A = arith.extui %lt3A_223 : i1 to i32
      %cond3A = arith.constant 0 : i32
      %cond3A_224 = arith.cmpi ne, %convert_element_type3A, %cond3A : i32
      scf.if %cond3A_224 {
        %dma_start3A_294 = arith.constant 0 : i32
        %dma_start3A_295 = arith.constant 0 : i32
        %dma_start3A_296 = arith.constant 0 : i32
        %dma_start3A_297 = tpu.memref_slice %arg7[%dma_start3A_294, %dma_start3A_295, %dma_start3A_296] : memref<4x128x64xf32, #tpu.memory_space<vmem>> -> memref<1x128x64xf32, #tpu.memory_space<vmem>>
        %dma_start3A_298 = tpu.memref_squeeze %dma_start3A_297 : memref<1x128x64xf32, #tpu.memory_space<vmem>> -> memref<128x64xf32, #tpu.memory_space<vmem>>
        %dma_start3A_299 = arith.constant 0 : i32
        %dma_start3A_300 = tpu.memref_slice %arg5[%add3A_222, %dma_start3A_299] : memref<80x128xi32, #tpu.memory_space<vmem>> -> memref<1x128xi32, #tpu.memory_space<vmem>>
        %dma_start3A_301 = tpu.memref_squeeze %dma_start3A_300 : memref<1x128xi32, #tpu.memory_space<vmem>> -> memref<128xi32, #tpu.memory_space<vmem>>
        %dma_start3A_302 = arith.constant 0 : i32
        %dma_start3A_303 = arith.constant 0 : i32
        %dma_start3A_304 = tpu.memref_slice %arg2[%dma_start3A_302, %dma_start3A_303] : memref<20000x64xf32, #tpu.memory_space<hbm>> -> memref<20000x64xf32, #tpu.memory_space<hbm>>
        tpu.enqueue_indirect_dma source(%dma_start3A_304 : memref<20000x64xf32, #tpu.memory_space<hbm>>) target(%dma_start3A_298 : memref<128x64xf32, #tpu.memory_space<vmem>>) offsets(%dma_start3A_301 : memref<128xi32, #tpu.memory_space<vmem>>) semaphore(%arg9 : memref<!tpu.dma_semaphore, #tpu.memory_space<semaphore_mem>>)
      } else {
      }
      %mul3A_225 = arith.constant 4 : i32
      %mul3A_226 = arith.muli %scan3A_205, %mul3A_225 : i32
      %add3A_227 = arith.constant 1 : i32
      %add3A_228 = arith.addi %mul3A_226, %add3A_227 : i32
      %dma_wait3A_229 = arith.constant 1 : i32
      %dma_wait3A_230 = arith.constant 0 : i32
      %dma_wait3A_231 = arith.constant 0 : i32
      %dma_wait3A_232 = tpu.memref_slice %arg7[%dma_wait3A_229, %dma_wait3A_230, %dma_wait3A_231] : memref<4x128x64xf32, #tpu.memory_space<vmem>> -> memref<1x128x64xf32, #tpu.memory_space<vmem>>
      %dma_wait3A_233 = tpu.memref_squeeze %dma_wait3A_232 : memref<1x128x64xf32, #tpu.memory_space<vmem>> -> memref<128x64xf32, #tpu.memory_space<vmem>>
      %dma_wait3A_234 = arith.constant 0 : i32
      %dma_wait3A_235 = tpu.memref_slice %arg5[%add3A_228, %dma_wait3A_234] : memref<80x128xi32, #tpu.memory_space<vmem>> -> memref<1x128xi32, #tpu.memory_space<vmem>>
      %dma_wait3A_236 = tpu.memref_squeeze %dma_wait3A_235 : memref<1x128xi32, #tpu.memory_space<vmem>> -> memref<128xi32, #tpu.memory_space<vmem>>
      %dma_wait3A_237 = arith.constant 0 : i32
      %dma_wait3A_238 = arith.constant 0 : i32
      %dma_wait3A_239 = tpu.memref_slice %arg2[%dma_wait3A_237, %dma_wait3A_238] : memref<20000x64xf32, #tpu.memory_space<hbm>> -> memref<20000x64xf32, #tpu.memory_space<hbm>>
      tpu.wait_indirect_dma semaphore(%arg10 : memref<!tpu.dma_semaphore, #tpu.memory_space<semaphore_mem>>) src(%dma_wait3A_239 : memref<20000x64xf32, #tpu.memory_space<hbm>>) dst(%dma_wait3A_233 : memref<128x64xf32, #tpu.memory_space<vmem>>)
      %run_scoped3A_240 = arith.constant 1 : i32
      "tpu.region"() ({
        %run_scoped3A_294 = tpu.sem_alloc : memref<!tpu.dma_semaphore, #tpu.memory_space<semaphore_mem>>
        %dma_start3A_295 = arith.constant 0 : i32
        %dma_start3A_296 = arith.constant 0 : i32
        %dma_start3A_297 = tpu.memref_slice %arg7[%run_scoped3A_240, %dma_start3A_295, %dma_start3A_296] : memref<4x128x64xf32, #tpu.memory_space<vmem>> -> memref<1x128x64xf32, #tpu.memory_space<vmem>>
        %dma_start3A_298 = tpu.memref_squeeze %dma_start3A_297 : memref<1x128x64xf32, #tpu.memory_space<vmem>> -> memref<128x64xf32, #tpu.memory_space<vmem>>
        %dma_start3A_299 = arith.constant 0 : i32
        %dma_start3A_300 = tpu.memref_slice %arg6[%add3A_228, %dma_start3A_299] : memref<80x128xi32, #tpu.memory_space<vmem>> -> memref<1x128xi32, #tpu.memory_space<vmem>>
        %dma_start3A_301 = tpu.memref_squeeze %dma_start3A_300 : memref<1x128xi32, #tpu.memory_space<vmem>> -> memref<128xi32, #tpu.memory_space<vmem>>
        %dma_start3A_302 = arith.constant 0 : i32
        %dma_start3A_303 = arith.constant 0 : i32
        %dma_start3A_304 = tpu.memref_slice %arg8[%dma_start3A_302, %dma_start3A_303] : memref<10240x64xf32, #tpu.memory_space<vmem_shared>> -> memref<10240x64xf32, #tpu.memory_space<vmem_shared>>
        tpu.enqueue_indirect_dma source(%dma_start3A_298 : memref<128x64xf32, #tpu.memory_space<vmem>>) target(%dma_start3A_304 : memref<10240x64xf32, #tpu.memory_space<vmem_shared>>) offsets(%dma_start3A_301 : memref<128xi32, #tpu.memory_space<vmem>>) semaphore(%run_scoped3A_294 : memref<!tpu.dma_semaphore, #tpu.memory_space<semaphore_mem>>) {add = true}
        %dma_wait3A_305 = arith.constant 0 : i32
        %dma_wait3A_306 = arith.constant 0 : i32
        %dma_wait3A_307 = tpu.memref_slice %arg7[%run_scoped3A_240, %dma_wait3A_305, %dma_wait3A_306] : memref<4x128x64xf32, #tpu.memory_space<vmem>> -> memref<1x128x64xf32, #tpu.memory_space<vmem>>
        %dma_wait3A_308 = tpu.memref_squeeze %dma_wait3A_307 : memref<1x128x64xf32, #tpu.memory_space<vmem>> -> memref<128x64xf32, #tpu.memory_space<vmem>>
        %dma_wait3A_309 = arith.constant 0 : i32
        %dma_wait3A_310 = tpu.memref_slice %arg6[%add3A_228, %dma_wait3A_309] : memref<80x128xi32, #tpu.memory_space<vmem>> -> memref<1x128xi32, #tpu.memory_space<vmem>>
        %dma_wait3A_311 = tpu.memref_squeeze %dma_wait3A_310 : memref<1x128xi32, #tpu.memory_space<vmem>> -> memref<128xi32, #tpu.memory_space<vmem>>
        %dma_wait3A_312 = arith.constant 0 : i32
        %dma_wait3A_313 = arith.constant 0 : i32
        %dma_wait3A_314 = tpu.memref_slice %arg8[%dma_wait3A_312, %dma_wait3A_313] : memref<10240x64xf32, #tpu.memory_space<vmem_shared>> -> memref<10240x64xf32, #tpu.memory_space<vmem_shared>>
        tpu.wait_indirect_dma semaphore(%run_scoped3A_294 : memref<!tpu.dma_semaphore, #tpu.memory_space<semaphore_mem>>) src(%dma_wait3A_308 : memref<128x64xf32, #tpu.memory_space<vmem>>) dst(%dma_wait3A_314 : memref<10240x64xf32, #tpu.memory_space<vmem_shared>>)
        tpu.yield
      }) : () -> ()
      %add3A_241 = arith.constant 4 : i32
      %add3A_242 = arith.addi %add3A_228, %add3A_241 : i32
      %lt3A_243 = arith.constant 80 : i32
      %lt3A_244 = arith.cmpi slt, %add3A_242, %lt3A_243 : i32
      %convert_element_type3A_245 = arith.extui %lt3A_244 : i1 to i32
      %cond3A_246 = arith.constant 0 : i32
      %cond3A_247 = arith.cmpi ne, %convert_element_type3A_245, %cond3A_246 : i32
      scf.if %cond3A_247 {
        %dma_start3A_294 = arith.constant 1 : i32
        %dma_start3A_295 = arith.constant 0 : i32
        %dma_start3A_296 = arith.constant 0 : i32
        %dma_start3A_297 = tpu.memref_slice %arg7[%dma_start3A_294, %dma_start3A_295, %dma_start3A_296] : memref<4x128x64xf32, #tpu.memory_space<vmem>> -> memref<1x128x64xf32, #tpu.memory_space<vmem>>
        %dma_start3A_298 = tpu.memref_squeeze %dma_start3A_297 : memref<1x128x64xf32, #tpu.memory_space<vmem>> -> memref<128x64xf32, #tpu.memory_space<vmem>>
        %dma_start3A_299 = arith.constant 0 : i32
        %dma_start3A_300 = tpu.memref_slice %arg5[%add3A_242, %dma_start3A_299] : memref<80x128xi32, #tpu.memory_space<vmem>> -> memref<1x128xi32, #tpu.memory_space<vmem>>
        %dma_start3A_301 = tpu.memref_squeeze %dma_start3A_300 : memref<1x128xi32, #tpu.memory_space<vmem>> -> memref<128xi32, #tpu.memory_space<vmem>>
        %dma_start3A_302 = arith.constant 0 : i32
        %dma_start3A_303 = arith.constant 0 : i32
        %dma_start3A_304 = tpu.memref_slice %arg2[%dma_start3A_302, %dma_start3A_303] : memref<20000x64xf32, #tpu.memory_space<hbm>> -> memref<20000x64xf32, #tpu.memory_space<hbm>>
        tpu.enqueue_indirect_dma source(%dma_start3A_304 : memref<20000x64xf32, #tpu.memory_space<hbm>>) target(%dma_start3A_298 : memref<128x64xf32, #tpu.memory_space<vmem>>) offsets(%dma_start3A_301 : memref<128xi32, #tpu.memory_space<vmem>>) semaphore(%arg10 : memref<!tpu.dma_semaphore, #tpu.memory_space<semaphore_mem>>)
      } else {
      }
      %mul3A_248 = arith.constant 4 : i32
      %mul3A_249 = arith.muli %scan3A_205, %mul3A_248 : i32
      %add3A_250 = arith.constant 2 : i32
      %add3A_251 = arith.addi %mul3A_249, %add3A_250 : i32
      %dma_wait3A_252 = arith.constant 2 : i32
      %dma_wait3A_253 = arith.constant 0 : i32
      %dma_wait3A_254 = arith.constant 0 : i32
      %dma_wait3A_255 = tpu.memref_slice %arg7[%dma_wait3A_252, %dma_wait3A_253, %dma_wait3A_254] : memref<4x128x64xf32, #tpu.memory_space<vmem>> -> memref<1x128x64xf32, #tpu.memory_space<vmem>>
      %dma_wait3A_256 = tpu.memref_squeeze %dma_wait3A_255 : memref<1x128x64xf32, #tpu.memory_space<vmem>> -> memref<128x64xf32, #tpu.memory_space<vmem>>
      %dma_wait3A_257 = arith.constant 0 : i32
      %dma_wait3A_258 = tpu.memref_slice %arg5[%add3A_251, %dma_wait3A_257] : memref<80x128xi32, #tpu.memory_space<vmem>> -> memref<1x128xi32, #tpu.memory_space<vmem>>
      %dma_wait3A_259 = tpu.memref_squeeze %dma_wait3A_258 : memref<1x128xi32, #tpu.memory_space<vmem>> -> memref<128xi32, #tpu.memory_space<vmem>>
      %dma_wait3A_260 = arith.constant 0 : i32
      %dma_wait3A_261 = arith.constant 0 : i32
      %dma_wait3A_262 = tpu.memref_slice %arg2[%dma_wait3A_260, %dma_wait3A_261] : memref<20000x64xf32, #tpu.memory_space<hbm>> -> memref<20000x64xf32, #tpu.memory_space<hbm>>
      tpu.wait_indirect_dma semaphore(%arg11 : memref<!tpu.dma_semaphore, #tpu.memory_space<semaphore_mem>>) src(%dma_wait3A_262 : memref<20000x64xf32, #tpu.memory_space<hbm>>) dst(%dma_wait3A_256 : memref<128x64xf32, #tpu.memory_space<vmem>>)
      %run_scoped3A_263 = arith.constant 2 : i32
      "tpu.region"() ({
        %run_scoped3A_294 = tpu.sem_alloc : memref<!tpu.dma_semaphore, #tpu.memory_space<semaphore_mem>>
        %dma_start3A_295 = arith.constant 0 : i32
        %dma_start3A_296 = arith.constant 0 : i32
        %dma_start3A_297 = tpu.memref_slice %arg7[%run_scoped3A_263, %dma_start3A_295, %dma_start3A_296] : memref<4x128x64xf32, #tpu.memory_space<vmem>> -> memref<1x128x64xf32, #tpu.memory_space<vmem>>
        %dma_start3A_298 = tpu.memref_squeeze %dma_start3A_297 : memref<1x128x64xf32, #tpu.memory_space<vmem>> -> memref<128x64xf32, #tpu.memory_space<vmem>>
        %dma_start3A_299 = arith.constant 0 : i32
        %dma_start3A_300 = tpu.memref_slice %arg6[%add3A_251, %dma_start3A_299] : memref<80x128xi32, #tpu.memory_space<vmem>> -> memref<1x128xi32, #tpu.memory_space<vmem>>
        %dma_start3A_301 = tpu.memref_squeeze %dma_start3A_300 : memref<1x128xi32, #tpu.memory_space<vmem>> -> memref<128xi32, #tpu.memory_space<vmem>>
        %dma_start3A_302 = arith.constant 0 : i32
        %dma_start3A_303 = arith.constant 0 : i32
        %dma_start3A_304 = tpu.memref_slice %arg8[%dma_start3A_302, %dma_start3A_303] : memref<10240x64xf32, #tpu.memory_space<vmem_shared>> -> memref<10240x64xf32, #tpu.memory_space<vmem_shared>>
        tpu.enqueue_indirect_dma source(%dma_start3A_298 : memref<128x64xf32, #tpu.memory_space<vmem>>) target(%dma_start3A_304 : memref<10240x64xf32, #tpu.memory_space<vmem_shared>>) offsets(%dma_start3A_301 : memref<128xi32, #tpu.memory_space<vmem>>) semaphore(%run_scoped3A_294 : memref<!tpu.dma_semaphore, #tpu.memory_space<semaphore_mem>>) {add = true}
        %dma_wait3A_305 = arith.constant 0 : i32
        %dma_wait3A_306 = arith.constant 0 : i32
        %dma_wait3A_307 = tpu.memref_slice %arg7[%run_scoped3A_263, %dma_wait3A_305, %dma_wait3A_306] : memref<4x128x64xf32, #tpu.memory_space<vmem>> -> memref<1x128x64xf32, #tpu.memory_space<vmem>>
        %dma_wait3A_308 = tpu.memref_squeeze %dma_wait3A_307 : memref<1x128x64xf32, #tpu.memory_space<vmem>> -> memref<128x64xf32, #tpu.memory_space<vmem>>
        %dma_wait3A_309 = arith.constant 0 : i32
        %dma_wait3A_310 = tpu.memref_slice %arg6[%add3A_251, %dma_wait3A_309] : memref<80x128xi32, #tpu.memory_space<vmem>> -> memref<1x128xi32, #tpu.memory_space<vmem>>
        %dma_wait3A_311 = tpu.memref_squeeze %dma_wait3A_310 : memref<1x128xi32, #tpu.memory_space<vmem>> -> memref<128xi32, #tpu.memory_space<vmem>>
        %dma_wait3A_312 = arith.constant 0 : i32
        %dma_wait3A_313 = arith.constant 0 : i32
        %dma_wait3A_314 = tpu.memref_slice %arg8[%dma_wait3A_312, %dma_wait3A_313] : memref<10240x64xf32, #tpu.memory_space<vmem_shared>> -> memref<10240x64xf32, #tpu.memory_space<vmem_shared>>
        tpu.wait_indirect_dma semaphore(%run_scoped3A_294 : memref<!tpu.dma_semaphore, #tpu.memory_space<semaphore_mem>>) src(%dma_wait3A_308 : memref<128x64xf32, #tpu.memory_space<vmem>>) dst(%dma_wait3A_314 : memref<10240x64xf32, #tpu.memory_space<vmem_shared>>)
        tpu.yield
      }) : () -> ()
      %add3A_264 = arith.constant 4 : i32
      %add3A_265 = arith.addi %add3A_251, %add3A_264 : i32
      %lt3A_266 = arith.constant 80 : i32
      %lt3A_267 = arith.cmpi slt, %add3A_265, %lt3A_266 : i32
      %convert_element_type3A_268 = arith.extui %lt3A_267 : i1 to i32
      %cond3A_269 = arith.constant 0 : i32
      %cond3A_270 = arith.cmpi ne, %convert_element_type3A_268, %cond3A_269 : i32
      scf.if %cond3A_270 {
        %dma_start3A_294 = arith.constant 2 : i32
        %dma_start3A_295 = arith.constant 0 : i32
        %dma_start3A_296 = arith.constant 0 : i32
        %dma_start3A_297 = tpu.memref_slice %arg7[%dma_start3A_294, %dma_start3A_295, %dma_start3A_296] : memref<4x128x64xf32, #tpu.memory_space<vmem>> -> memref<1x128x64xf32, #tpu.memory_space<vmem>>
        %dma_start3A_298 = tpu.memref_squeeze %dma_start3A_297 : memref<1x128x64xf32, #tpu.memory_space<vmem>> -> memref<128x64xf32, #tpu.memory_space<vmem>>
        %dma_start3A_299 = arith.constant 0 : i32
        %dma_start3A_300 = tpu.memref_slice %arg5[%add3A_265, %dma_start3A_299] : memref<80x128xi32, #tpu.memory_space<vmem>> -> memref<1x128xi32, #tpu.memory_space<vmem>>
        %dma_start3A_301 = tpu.memref_squeeze %dma_start3A_300 : memref<1x128xi32, #tpu.memory_space<vmem>> -> memref<128xi32, #tpu.memory_space<vmem>>
        %dma_start3A_302 = arith.constant 0 : i32
        %dma_start3A_303 = arith.constant 0 : i32
        %dma_start3A_304 = tpu.memref_slice %arg2[%dma_start3A_302, %dma_start3A_303] : memref<20000x64xf32, #tpu.memory_space<hbm>> -> memref<20000x64xf32, #tpu.memory_space<hbm>>
        tpu.enqueue_indirect_dma source(%dma_start3A_304 : memref<20000x64xf32, #tpu.memory_space<hbm>>) target(%dma_start3A_298 : memref<128x64xf32, #tpu.memory_space<vmem>>) offsets(%dma_start3A_301 : memref<128xi32, #tpu.memory_space<vmem>>) semaphore(%arg11 : memref<!tpu.dma_semaphore, #tpu.memory_space<semaphore_mem>>)
      } else {
      }
      %mul3A_271 = arith.constant 4 : i32
      %mul3A_272 = arith.muli %scan3A_205, %mul3A_271 : i32
      %add3A_273 = arith.constant 3 : i32
      %add3A_274 = arith.addi %mul3A_272, %add3A_273 : i32
      %dma_wait3A_275 = arith.constant 3 : i32
      %dma_wait3A_276 = arith.constant 0 : i32
      %dma_wait3A_277 = arith.constant 0 : i32
      %dma_wait3A_278 = tpu.memref_slice %arg7[%dma_wait3A_275, %dma_wait3A_276, %dma_wait3A_277] : memref<4x128x64xf32, #tpu.memory_space<vmem>> -> memref<1x128x64xf32, #tpu.memory_space<vmem>>
      %dma_wait3A_279 = tpu.memref_squeeze %dma_wait3A_278 : memref<1x128x64xf32, #tpu.memory_space<vmem>> -> memref<128x64xf32, #tpu.memory_space<vmem>>
      %dma_wait3A_280 = arith.constant 0 : i32
      %dma_wait3A_281 = tpu.memref_slice %arg5[%add3A_274, %dma_wait3A_280] : memref<80x128xi32, #tpu.memory_space<vmem>> -> memref<1x128xi32, #tpu.memory_space<vmem>>
      %dma_wait3A_282 = tpu.memref_squeeze %dma_wait3A_281 : memref<1x128xi32, #tpu.memory_space<vmem>> -> memref<128xi32, #tpu.memory_space<vmem>>
      %dma_wait3A_283 = arith.constant 0 : i32
      %dma_wait3A_284 = arith.constant 0 : i32
      %dma_wait3A_285 = tpu.memref_slice %arg2[%dma_wait3A_283, %dma_wait3A_284] : memref<20000x64xf32, #tpu.memory_space<hbm>> -> memref<20000x64xf32, #tpu.memory_space<hbm>>
      tpu.wait_indirect_dma semaphore(%arg12 : memref<!tpu.dma_semaphore, #tpu.memory_space<semaphore_mem>>) src(%dma_wait3A_285 : memref<20000x64xf32, #tpu.memory_space<hbm>>) dst(%dma_wait3A_279 : memref<128x64xf32, #tpu.memory_space<vmem>>)
      %run_scoped3A_286 = arith.constant 3 : i32
      "tpu.region"() ({
        %run_scoped3A_294 = tpu.sem_alloc : memref<!tpu.dma_semaphore, #tpu.memory_space<semaphore_mem>>
        %dma_start3A_295 = arith.constant 0 : i32
        %dma_start3A_296 = arith.constant 0 : i32
        %dma_start3A_297 = tpu.memref_slice %arg7[%run_scoped3A_286, %dma_start3A_295, %dma_start3A_296] : memref<4x128x64xf32, #tpu.memory_space<vmem>> -> memref<1x128x64xf32, #tpu.memory_space<vmem>>
        %dma_start3A_298 = tpu.memref_squeeze %dma_start3A_297 : memref<1x128x64xf32, #tpu.memory_space<vmem>> -> memref<128x64xf32, #tpu.memory_space<vmem>>
        %dma_start3A_299 = arith.constant 0 : i32
        %dma_start3A_300 = tpu.memref_slice %arg6[%add3A_274, %dma_start3A_299] : memref<80x128xi32, #tpu.memory_space<vmem>> -> memref<1x128xi32, #tpu.memory_space<vmem>>
        %dma_start3A_301 = tpu.memref_squeeze %dma_start3A_300 : memref<1x128xi32, #tpu.memory_space<vmem>> -> memref<128xi32, #tpu.memory_space<vmem>>
        %dma_start3A_302 = arith.constant 0 : i32
        %dma_start3A_303 = arith.constant 0 : i32
        %dma_start3A_304 = tpu.memref_slice %arg8[%dma_start3A_302, %dma_start3A_303] : memref<10240x64xf32, #tpu.memory_space<vmem_shared>> -> memref<10240x64xf32, #tpu.memory_space<vmem_shared>>
        tpu.enqueue_indirect_dma source(%dma_start3A_298 : memref<128x64xf32, #tpu.memory_space<vmem>>) target(%dma_start3A_304 : memref<10240x64xf32, #tpu.memory_space<vmem_shared>>) offsets(%dma_start3A_301 : memref<128xi32, #tpu.memory_space<vmem>>) semaphore(%run_scoped3A_294 : memref<!tpu.dma_semaphore, #tpu.memory_space<semaphore_mem>>) {add = true}
        %dma_wait3A_305 = arith.constant 0 : i32
        %dma_wait3A_306 = arith.constant 0 : i32
        %dma_wait3A_307 = tpu.memref_slice %arg7[%run_scoped3A_286, %dma_wait3A_305, %dma_wait3A_306] : memref<4x128x64xf32, #tpu.memory_space<vmem>> -> memref<1x128x64xf32, #tpu.memory_space<vmem>>
        %dma_wait3A_308 = tpu.memref_squeeze %dma_wait3A_307 : memref<1x128x64xf32, #tpu.memory_space<vmem>> -> memref<128x64xf32, #tpu.memory_space<vmem>>
        %dma_wait3A_309 = arith.constant 0 : i32
        %dma_wait3A_310 = tpu.memref_slice %arg6[%add3A_274, %dma_wait3A_309] : memref<80x128xi32, #tpu.memory_space<vmem>> -> memref<1x128xi32, #tpu.memory_space<vmem>>
        %dma_wait3A_311 = tpu.memref_squeeze %dma_wait3A_310 : memref<1x128xi32, #tpu.memory_space<vmem>> -> memref<128xi32, #tpu.memory_space<vmem>>
        %dma_wait3A_312 = arith.constant 0 : i32
        %dma_wait3A_313 = arith.constant 0 : i32
        %dma_wait3A_314 = tpu.memref_slice %arg8[%dma_wait3A_312, %dma_wait3A_313] : memref<10240x64xf32, #tpu.memory_space<vmem_shared>> -> memref<10240x64xf32, #tpu.memory_space<vmem_shared>>
        tpu.wait_indirect_dma semaphore(%run_scoped3A_294 : memref<!tpu.dma_semaphore, #tpu.memory_space<semaphore_mem>>) src(%dma_wait3A_308 : memref<128x64xf32, #tpu.memory_space<vmem>>) dst(%dma_wait3A_314 : memref<10240x64xf32, #tpu.memory_space<vmem_shared>>)
        tpu.yield
      }) : () -> ()
      %add3A_287 = arith.constant 4 : i32
      %add3A_288 = arith.addi %add3A_274, %add3A_287 : i32
      %lt3A_289 = arith.constant 80 : i32
      %lt3A_290 = arith.cmpi slt, %add3A_288, %lt3A_289 : i32
      %convert_element_type3A_291 = arith.extui %lt3A_290 : i1 to i32
      %cond3A_292 = arith.constant 0 : i32
      %cond3A_293 = arith.cmpi ne, %convert_element_type3A_291, %cond3A_292 : i32
      scf.if %cond3A_293 {
        %dma_start3A_294 = arith.constant 3 : i32
        %dma_start3A_295 = arith.constant 0 : i32
        %dma_start3A_296 = arith.constant 0 : i32
        %dma_start3A_297 = tpu.memref_slice %arg7[%dma_start3A_294, %dma_start3A_295, %dma_start3A_296] : memref<4x128x64xf32, #tpu.memory_space<vmem>> -> memref<1x128x64xf32, #tpu.memory_space<vmem>>
        %dma_start3A_298 = tpu.memref_squeeze %dma_start3A_297 : memref<1x128x64xf32, #tpu.memory_space<vmem>> -> memref<128x64xf32, #tpu.memory_space<vmem>>
        %dma_start3A_299 = arith.constant 0 : i32
        %dma_start3A_300 = tpu.memref_slice %arg5[%add3A_288, %dma_start3A_299] : memref<80x128xi32, #tpu.memory_space<vmem>> -> memref<1x128xi32, #tpu.memory_space<vmem>>
        %dma_start3A_301 = tpu.memref_squeeze %dma_start3A_300 : memref<1x128xi32, #tpu.memory_space<vmem>> -> memref<128xi32, #tpu.memory_space<vmem>>
        %dma_start3A_302 = arith.constant 0 : i32
        %dma_start3A_303 = arith.constant 0 : i32
        %dma_start3A_304 = tpu.memref_slice %arg2[%dma_start3A_302, %dma_start3A_303] : memref<20000x64xf32, #tpu.memory_space<hbm>> -> memref<20000x64xf32, #tpu.memory_space<hbm>>
        tpu.enqueue_indirect_dma source(%dma_start3A_304 : memref<20000x64xf32, #tpu.memory_space<hbm>>) target(%dma_start3A_298 : memref<128x64xf32, #tpu.memory_space<vmem>>) offsets(%dma_start3A_301 : memref<128xi32, #tpu.memory_space<vmem>>) semaphore(%arg12 : memref<!tpu.dma_semaphore, #tpu.memory_space<semaphore_mem>>)
      } else {
      }
    }
    %scan3A_199 = arith.constant 20 : i32
    %barrier3A_200 = arith.constant 0 : index
    tpu.barrier barrier_id(%barrier3A_200)
    %mul3A_201 = arith.constant 640 : i32
    %mul3A_202 = arith.muli %arg1, %mul3A_201 : i32
    %mul3A_203 = arith.constant 640 : i32
    %mul3A_204 = arith.muli %arg1, %mul3A_203 : i32
    "tpu.region"() ({
      %run_scoped3A_205 = tpu.sem_alloc : memref<!tpu.dma_semaphore, #tpu.memory_space<semaphore_mem>>
      %dma_start3A_206 = arith.constant 64 : i32
      %dma_start3A_207 = tpu.memref_slice %arg4[%arg0, %mul3A_204, %dma_start3A_206] : memref<2x10240x128xf32, #tpu.memory_space<hbm>> -> memref<1x640x64xf32, #tpu.memory_space<hbm>>
      %dma_start3A_208 = tpu.memref_squeeze %dma_start3A_207 : memref<1x640x64xf32, #tpu.memory_space<hbm>> -> memref<640x64xf32, #tpu.memory_space<hbm>>
      %dma_start3A_209 = arith.constant 0 : i32
      %dma_start3A_210 = tpu.memref_slice %arg8[%mul3A_202, %dma_start3A_209] : memref<10240x64xf32, #tpu.memory_space<vmem_shared>> -> memref<640x64xf32, #tpu.memory_space<vmem_shared>>
      tpu.enqueue_dma source(%dma_start3A_210 : memref<640x64xf32, #tpu.memory_space<vmem_shared>>) target(%dma_start3A_208 : memref<640x64xf32, #tpu.memory_space<hbm>>) target_semaphore(%run_scoped3A_205 : memref<!tpu.dma_semaphore, #tpu.memory_space<semaphore_mem>>)
      %dma_wait3A = arith.constant 64 : i32
      %dma_wait3A_211 = tpu.memref_slice %arg4[%arg0, %mul3A_204, %dma_wait3A] : memref<2x10240x128xf32, #tpu.memory_space<hbm>> -> memref<1x640x64xf32, #tpu.memory_space<hbm>>
      %dma_wait3A_212 = tpu.memref_squeeze %dma_wait3A_211 : memref<1x640x64xf32, #tpu.memory_space<hbm>> -> memref<640x64xf32, #tpu.memory_space<hbm>>
      %dma_wait3A_213 = arith.constant 0 : i32
      %dma_wait3A_214 = tpu.memref_slice %arg8[%mul3A_202, %dma_wait3A_213] : memref<10240x64xf32, #tpu.memory_space<vmem_shared>> -> memref<640x64xf32, #tpu.memory_space<vmem_shared>>
      tpu.wait_dma2 semaphore(%run_scoped3A_205 : memref<!tpu.dma_semaphore, #tpu.memory_space<semaphore_mem>>) src(%dma_wait3A_214 : memref<640x64xf32, #tpu.memory_space<vmem_shared>>) dst(%dma_wait3A_212 : memref<640x64xf32, #tpu.memory_space<hbm>>)
      tpu.yield
    }) : () -> ()
    return
  }
}

module attributes {stable_mosaic.version = 14 : i64} {
  func.func @_tcb_body(%arg0: i32, %arg1: memref<1x2000x1xf32, #tpu.memory_space<vmem>>, %arg2: memref<1x2000x1xf32, #tpu.memory_space<vmem>>, %arg3: memref<2000x128xf32, #tpu.memory_space<vmem>>, %arg4: memref<128x128xf32, #tpu.memory_space<vmem>>, %arg5: memref<2000x128xf32, #tpu.memory_space<vmem>>, %arg6: memref<2000x1xf32, #tpu.memory_space<vmem>>) attributes {dimension_semantics = [#tpu.dimension_semantics<arbitrary>], iteration_bounds = array<i64: 5>, scalar_prefetch = 0 : i64, scratch_operands = 0 : i64, tpu.core_type = #tpu.core_type<tc>, window_params = [{transform_indices = @transform_0, window_bounds = array<i64: 1, 2000, 1>}, {transform_indices = @transform_1, window_bounds = array<i64: 1, 2000, 1>}, {transform_indices = @transform_2, window_bounds = array<i64: 2000, 128>}, {pipeline_mode = #tpu.pipeline_mode<synchronous>, transform_indices = @transform_3, window_bounds = array<i64: 128, 128>}, {transform_indices = @transform_4, window_bounds = array<i64: 2000, 128>}, {transform_indices = @transform_5, window_bounds = array<i64: 2000, 1>}]} {
    %get3A = arith.constant 0 : index
    %get3A_0 = arith.constant 0 : index
    %get3A_1 = arith.constant 0 : index
    %get3A_2 = vector.load %arg1[%get3A, %get3A_0, %get3A_1] : memref<1x2000x1xf32, #tpu.memory_space<vmem>>, vector<1x2000x1xf32>
    %reshape3A = vector.shape_cast %get3A_2 : vector<1x2000x1xf32> to vector<2000x1xf32>
    %get3A_3 = arith.constant 0 : index
    %get3A_4 = arith.constant 0 : index
    %get3A_5 = arith.constant 0 : index
    %get3A_6 = vector.load %arg2[%get3A_3, %get3A_4, %get3A_5] : memref<1x2000x1xf32, #tpu.memory_space<vmem>>, vector<1x2000x1xf32>
    %reshape3A_7 = vector.shape_cast %get3A_6 : vector<1x2000x1xf32> to vector<2000x1xf32>
    %add3A = arith.constant 1.000000e+00 : f32
    %add3A_8 = vector.broadcast %add3A : f32 to vector<2000x1xf32>
    %add3A_9 = arith.addf %add3A_8, %reshape3A : vector<2000x1xf32>
    %add3A_10 = arith.addf %add3A_9, %reshape3A_7 : vector<2000x1xf32>
    %rsqrt3A = math.rsqrt %add3A_10 : vector<2000x1xf32>
    %swap3A = arith.constant 0 : index
    %swap3A_11 = arith.constant 0 : index
    %swap3A_12 = vector.load %arg6[%swap3A, %swap3A_11] : memref<2000x1xf32, #tpu.memory_space<vmem>>, vector<2000x1xf32>
    tpu.vector_store %arg6[%swap3A, %swap3A_11], %rsqrt3A {strides = array<i32>} : memref<2000x1xf32, #tpu.memory_space<vmem>>, vector<2000x1xf32>,
    %get3A_13 = arith.constant 0 : index
    %get3A_14 = arith.constant 0 : index
    %get3A_15 = vector.load %arg3[%get3A_13, %get3A_14] : memref<2000x128xf32, #tpu.memory_space<vmem>>, vector<2000x128xf32>
    %get3A_16 = arith.constant 0 : index
    %get3A_17 = arith.constant 0 : index
    %get3A_18 = vector.load %arg4[%get3A_16, %get3A_17] : memref<128x128xf32, #tpu.memory_space<vmem>>, vector<128x128xf32>
    %dot_general3A = arith.constant dense<0.000000e+00> : vector<2000x128xf32>
    %dot_general3A_19 = tpu.matmul %get3A_15, %get3A_18, %dot_general3A {dimension_numbers = #tpu.dot_dimension_numbers<[1], [0], [0], [1], [0, 0, 1, 1], [], []>, transpose_lhs_hint = false} : vector<2000x128xf32>, vector<128x128xf32>, vector<2000x128xf32> -> vector<2000x128xf32>
    %mul3A = vector.broadcast %rsqrt3A : vector<2000x1xf32> to vector<2000x128xf32>
    %mul3A_20 = arith.mulf %dot_general3A_19, %mul3A : vector<2000x128xf32>
    %swap3A_21 = arith.constant 0 : index
    %swap3A_22 = arith.constant 0 : index
    %swap3A_23 = vector.load %arg5[%swap3A_21, %swap3A_22] : memref<2000x128xf32, #tpu.memory_space<vmem>>, vector<2000x128xf32>
    tpu.vector_store %arg5[%swap3A_21, %swap3A_22], %mul3A_20 {strides = array<i32>} : memref<2000x128xf32, #tpu.memory_space<vmem>>, vector<2000x128xf32>,
    return
  }
  func.func @transform_0(%arg0: i32) -> (i32, i32, i32) {
    %c0_i32 = arith.constant 0 : i32
    %c0_i32_0 = arith.constant 0 : i32
    %c0_i32_1 = arith.constant 0 : i32
    return %c0_i32, %arg0, %c0_i32_0 : i32, i32, i32
  }
  func.func @transform_1(%arg0: i32) -> (i32, i32, i32) {
    %c1_i32 = arith.constant 1 : i32
    %c0_i32 = arith.constant 0 : i32
    %c0_i32_0 = arith.constant 0 : i32
    return %c1_i32, %arg0, %c0_i32 : i32, i32, i32
  }
  func.func @transform_2(%arg0: i32) -> (i32, i32) {
    %c0_i32 = arith.constant 0 : i32
    %c0_i32_0 = arith.constant 0 : i32
    return %arg0, %c0_i32 : i32, i32
  }
  func.func @transform_3(%arg0: i32) -> (i32, i32) {
    %c0_i32 = arith.constant 0 : i32
    %c0_i32_0 = arith.constant 0 : i32
    %c0_i32_1 = arith.constant 0 : i32
    return %c0_i32, %c0_i32_0 : i32, i32
  }
  func.func @transform_4(%arg0: i32) -> (i32, i32) {
    %c0_i32 = arith.constant 0 : i32
    %c0_i32_0 = arith.constant 0 : i32
    return %arg0, %c0_i32 : i32, i32
  }
  func.func @transform_5(%arg0: i32) -> (i32, i32) {
    %c0_i32 = arith.constant 0 : i32
    %c0_i32_0 = arith.constant 0 : i32
    return %arg0, %c0_i32 : i32, i32
  }
}

module attributes {stable_mosaic.version = 14 : i64} {
  func.func @_tcd_body(%arg0: i32, %arg1: memref<1x2000x128xf32, #tpu.memory_space<vmem>>, %arg2: memref<1x2000x128xf32, #tpu.memory_space<vmem>>, %arg3: memref<2000x128xf32, #tpu.memory_space<vmem>>, %arg4: memref<2000x1xf32, #tpu.memory_space<vmem>>, %arg5: memref<1x128xf32, #tpu.memory_space<vmem>>, %arg6: memref<128x128xf32, #tpu.memory_space<vmem>>, %arg7: memref<2000x128xf32, #tpu.memory_space<vmem>>) attributes {dimension_semantics = [#tpu.dimension_semantics<arbitrary>], iteration_bounds = array<i64: 5>, scalar_prefetch = 0 : i64, scratch_operands = 0 : i64, tpu.core_type = #tpu.core_type<tc>, window_params = [{transform_indices = @transform_0, window_bounds = array<i64: 1, 2000, 128>}, {transform_indices = @transform_1, window_bounds = array<i64: 1, 2000, 128>}, {transform_indices = @transform_2, window_bounds = array<i64: 2000, 128>}, {transform_indices = @transform_3, window_bounds = array<i64: 2000, 1>}, {pipeline_mode = #tpu.pipeline_mode<synchronous>, transform_indices = @transform_4, window_bounds = array<i64: 1, 128>}, {pipeline_mode = #tpu.pipeline_mode<synchronous>, transform_indices = @transform_5, window_bounds = array<i64: 128, 128>}, {transform_indices = @transform_6, window_bounds = array<i64: 2000, 128>}]} {
    %get3A = arith.constant 0 : index
    %get3A_0 = arith.constant 0 : index
    %get3A_1 = vector.load %arg4[%get3A, %get3A_0] : memref<2000x1xf32, #tpu.memory_space<vmem>>, vector<2000x1xf32>
    %get3A_2 = arith.constant 0 : index
    %get3A_3 = arith.constant 0 : index
    %get3A_4 = arith.constant 0 : index
    %get3A_5 = vector.load %arg1[%get3A_2, %get3A_3, %get3A_4] : memref<1x2000x128xf32, #tpu.memory_space<vmem>>, vector<1x2000x128xf32>
    %reshape3A = vector.shape_cast %get3A_5 : vector<1x2000x128xf32> to vector<2000x128xf32>
    %get3A_6 = arith.constant 0 : index
    %get3A_7 = arith.constant 0 : index
    %get3A_8 = arith.constant 0 : index
    %get3A_9 = vector.load %arg2[%get3A_6, %get3A_7, %get3A_8] : memref<1x2000x128xf32, #tpu.memory_space<vmem>>, vector<1x2000x128xf32>
    %reshape3A_10 = vector.shape_cast %get3A_9 : vector<1x2000x128xf32> to vector<2000x128xf32>
    %add3A = arith.addf %reshape3A, %reshape3A_10 : vector<2000x128xf32>
    %get3A_11 = arith.constant 0 : index
    %get3A_12 = arith.constant 0 : index
    %get3A_13 = vector.load %arg3[%get3A_11, %get3A_12] : memref<2000x128xf32, #tpu.memory_space<vmem>>, vector<2000x128xf32>
    %add3A_14 = arith.addf %add3A, %get3A_13 : vector<2000x128xf32>
    %mul3A = vector.broadcast %get3A_1 : vector<2000x1xf32> to vector<2000x128xf32>
    %mul3A_15 = arith.mulf %mul3A, %add3A_14 : vector<2000x128xf32>
    %get3A_16 = arith.constant 0 : index
    %get3A_17 = arith.constant 0 : index
    %get3A_18 = vector.load %arg5[%get3A_16, %get3A_17] : memref<1x128xf32, #tpu.memory_space<vmem>>, vector<1x128xf32>
    %add3A_19 = vector.broadcast %get3A_18 : vector<1x128xf32> to vector<2000x128xf32>
    %add3A_20 = arith.addf %mul3A_15, %add3A_19 : vector<2000x128xf32>
    %max3A = arith.constant 0.000000e+00 : f32
    %max3A_21 = vector.broadcast %max3A : f32 to vector<2000x128xf32>
    %max3A_22 = arith.maximumf %add3A_20, %max3A_21 : vector<2000x128xf32>
    %get3A_23 = arith.constant 0 : index
    %get3A_24 = arith.constant 0 : index
    %get3A_25 = vector.load %arg6[%get3A_23, %get3A_24] : memref<128x128xf32, #tpu.memory_space<vmem>>, vector<128x128xf32>
    %dot_general3A = arith.constant dense<0.000000e+00> : vector<2000x128xf32>
    %dot_general3A_26 = tpu.matmul %max3A_22, %get3A_25, %dot_general3A {dimension_numbers = #tpu.dot_dimension_numbers<[1], [0], [0], [1], [0, 0, 1, 1], [], []>, transpose_lhs_hint = false} : vector<2000x128xf32>, vector<128x128xf32>, vector<2000x128xf32> -> vector<2000x128xf32>
    %mul3A_27 = vector.broadcast %get3A_1 : vector<2000x1xf32> to vector<2000x128xf32>
    %mul3A_28 = arith.mulf %dot_general3A_26, %mul3A_27 : vector<2000x128xf32>
    %swap3A = arith.constant 0 : index
    %swap3A_29 = arith.constant 0 : index
    %swap3A_30 = vector.load %arg7[%swap3A, %swap3A_29] : memref<2000x128xf32, #tpu.memory_space<vmem>>, vector<2000x128xf32>
    tpu.vector_store %arg7[%swap3A, %swap3A_29], %mul3A_28 {strides = array<i32>} : memref<2000x128xf32, #tpu.memory_space<vmem>>, vector<2000x128xf32>,
    return
  }
  func.func @transform_0(%arg0: i32) -> (i32, i32, i32) {
    %c0_i32 = arith.constant 0 : i32
    %c0_i32_0 = arith.constant 0 : i32
    %c0_i32_1 = arith.constant 0 : i32
    return %c0_i32, %arg0, %c0_i32_0 : i32, i32, i32
  }
  func.func @transform_1(%arg0: i32) -> (i32, i32, i32) {
    %c1_i32 = arith.constant 1 : i32
    %c0_i32 = arith.constant 0 : i32
    %c0_i32_0 = arith.constant 0 : i32
    return %c1_i32, %arg0, %c0_i32 : i32, i32, i32
  }
  func.func @transform_2(%arg0: i32) -> (i32, i32) {
    %c0_i32 = arith.constant 0 : i32
    %c0_i32_0 = arith.constant 0 : i32
    return %arg0, %c0_i32 : i32, i32
  }
  func.func @transform_3(%arg0: i32) -> (i32, i32) {
    %c0_i32 = arith.constant 0 : i32
    %c0_i32_0 = arith.constant 0 : i32
    return %arg0, %c0_i32 : i32, i32
  }
  func.func @transform_4(%arg0: i32) -> (i32, i32) {
    %c0_i32 = arith.constant 0 : i32
    %c0_i32_0 = arith.constant 0 : i32
    %c0_i32_1 = arith.constant 0 : i32
    return %c0_i32, %c0_i32_0 : i32, i32
  }
  func.func @transform_5(%arg0: i32) -> (i32, i32) {
    %c0_i32 = arith.constant 0 : i32
    %c0_i32_0 = arith.constant 0 : i32
    %c0_i32_1 = arith.constant 0 : i32
    return %c0_i32, %c0_i32_0 : i32, i32
  }
  func.func @transform_6(%arg0: i32) -> (i32, i32) {
    %c0_i32 = arith.constant 0 : i32
    %c0_i32_0 = arith.constant 0 : i32
    return %arg0, %c0_i32 : i32, i32
  }
}

module attributes {stable_mosaic.version = 14 : i64} {
  func.func @_tce_body(%arg0: i32, %arg1: memref<1x2000x128xf32, #tpu.memory_space<vmem>>, %arg2: memref<1x2000x128xf32, #tpu.memory_space<vmem>>, %arg3: memref<2000x128xf32, #tpu.memory_space<vmem>>, %arg4: memref<2000x1xf32, #tpu.memory_space<vmem>>, %arg5: memref<1x128xf32, #tpu.memory_space<vmem>>, %arg6: memref<2000x128xf32, #tpu.memory_space<vmem>>) attributes {dimension_semantics = [#tpu.dimension_semantics<arbitrary>], iteration_bounds = array<i64: 5>, scalar_prefetch = 0 : i64, scratch_operands = 0 : i64, tpu.core_type = #tpu.core_type<tc>, window_params = [{transform_indices = @transform_0, window_bounds = array<i64: 1, 2000, 128>}, {transform_indices = @transform_1, window_bounds = array<i64: 1, 2000, 128>}, {transform_indices = @transform_2, window_bounds = array<i64: 2000, 128>}, {transform_indices = @transform_3, window_bounds = array<i64: 2000, 1>}, {pipeline_mode = #tpu.pipeline_mode<synchronous>, transform_indices = @transform_4, window_bounds = array<i64: 1, 128>}, {transform_indices = @transform_5, window_bounds = array<i64: 2000, 128>}]} {
    %get3A = arith.constant 0 : index
    %get3A_0 = arith.constant 0 : index
    %get3A_1 = vector.load %arg4[%get3A, %get3A_0] : memref<2000x1xf32, #tpu.memory_space<vmem>>, vector<2000x1xf32>
    %get3A_2 = arith.constant 0 : index
    %get3A_3 = arith.constant 0 : index
    %get3A_4 = arith.constant 0 : index
    %get3A_5 = vector.load %arg1[%get3A_2, %get3A_3, %get3A_4] : memref<1x2000x128xf32, #tpu.memory_space<vmem>>, vector<1x2000x128xf32>
    %reshape3A = vector.shape_cast %get3A_5 : vector<1x2000x128xf32> to vector<2000x128xf32>
    %get3A_6 = arith.constant 0 : index
    %get3A_7 = arith.constant 0 : index
    %get3A_8 = arith.constant 0 : index
    %get3A_9 = vector.load %arg2[%get3A_6, %get3A_7, %get3A_8] : memref<1x2000x128xf32, #tpu.memory_space<vmem>>, vector<1x2000x128xf32>
    %reshape3A_10 = vector.shape_cast %get3A_9 : vector<1x2000x128xf32> to vector<2000x128xf32>
    %add3A = arith.addf %reshape3A, %reshape3A_10 : vector<2000x128xf32>
    %get3A_11 = arith.constant 0 : index
    %get3A_12 = arith.constant 0 : index
    %get3A_13 = vector.load %arg3[%get3A_11, %get3A_12] : memref<2000x128xf32, #tpu.memory_space<vmem>>, vector<2000x128xf32>
    %add3A_14 = arith.addf %add3A, %get3A_13 : vector<2000x128xf32>
    %mul3A = vector.broadcast %get3A_1 : vector<2000x1xf32> to vector<2000x128xf32>
    %mul3A_15 = arith.mulf %mul3A, %add3A_14 : vector<2000x128xf32>
    %get3A_16 = arith.constant 0 : index
    %get3A_17 = arith.constant 0 : index
    %get3A_18 = vector.load %arg5[%get3A_16, %get3A_17] : memref<1x128xf32, #tpu.memory_space<vmem>>, vector<1x128xf32>
    %add3A_19 = vector.broadcast %get3A_18 : vector<1x128xf32> to vector<2000x128xf32>
    %add3A_20 = arith.addf %mul3A_15, %add3A_19 : vector<2000x128xf32>
    %swap3A = arith.constant 0 : index
    %swap3A_21 = arith.constant 0 : index
    %swap3A_22 = vector.load %arg6[%swap3A, %swap3A_21] : memref<2000x128xf32, #tpu.memory_space<vmem>>, vector<2000x128xf32>
    tpu.vector_store %arg6[%swap3A, %swap3A_21], %add3A_20 {strides = array<i32>} : memref<2000x128xf32, #tpu.memory_space<vmem>>, vector<2000x128xf32>,
    return
  }
  func.func @transform_0(%arg0: i32) -> (i32, i32, i32) {
    %c0_i32 = arith.constant 0 : i32
    %c0_i32_0 = arith.constant 0 : i32
    %c0_i32_1 = arith.constant 0 : i32
    return %c0_i32, %arg0, %c0_i32_0 : i32, i32, i32
  }
  func.func @transform_1(%arg0: i32) -> (i32, i32, i32) {
    %c1_i32 = arith.constant 1 : i32
    %c0_i32 = arith.constant 0 : i32
    %c0_i32_0 = arith.constant 0 : i32
    return %c1_i32, %arg0, %c0_i32 : i32, i32, i32
  }
  func.func @transform_2(%arg0: i32) -> (i32, i32) {
    %c0_i32 = arith.constant 0 : i32
    %c0_i32_0 = arith.constant 0 : i32
    return %arg0, %c0_i32 : i32, i32
  }
  func.func @transform_3(%arg0: i32) -> (i32, i32) {
    %c0_i32 = arith.constant 0 : i32
    %c0_i32_0 = arith.constant 0 : i32
    return %arg0, %c0_i32 : i32, i32
  }
  func.func @transform_4(%arg0: i32) -> (i32, i32) {
    %c0_i32 = arith.constant 0 : i32
    %c0_i32_0 = arith.constant 0 : i32
    %c0_i32_1 = arith.constant 0 : i32
    return %c0_i32, %c0_i32_0 : i32, i32
  }
  func.func @transform_5(%arg0: i32) -> (i32, i32) {
    %c0_i32 = arith.constant 0 : i32
    %c0_i32_0 = arith.constant 0 : i32
    return %arg0, %c0_i32 : i32, i32
  }
}

</mosaic_0001>

<sc_bundles>
// kernel: kernel.11.cloned.1.call-start
scs
__scs_entry_jumppad:
0x0: {  	(pc) =	sbr.rel $0x88, $3  }
0x1: {  	(tag) =	ssettag $0x0;
	lr =	simm.s32 $0x1  }
0x2: {  	[smem:$0x3F99] =	sst lr;
	_ =	strace $0xD0000000  }
0x3: {  	_ = 	snop  }
0x4: {  	_ = 	snop  }
0x5: {  	_ = 	snop  }
0x6: {  	_ = 	snop  }
0x7: {  	_ = 	snop  }
__scs_overlays_trampoline_lowered:
0x8: {  	[smem:$0x3FA8] =	sst s0  }
0x9: {  	[smem:$0x3FA9] =	sst s1  }
0xa: {  	[smem:$0x3FAA] =	sst s2  }
0xb: {  	[smem:$0x3FAB] =	sst s3  }
0xc: {  	[smem:$0x3FAC] =	sst s4  }
0xd: {  	[smem:$0x3FAD] =	sst s5  }
0xe: {  	[smem:$0x3FAE] =	sst s6  }
0xf: {  	[smem:$0x3FAF] =	sst s7  }
0x10: {  	[smem:$0x3FB0] =	sst s8  }
0x11: {  	[smem:$0x3FB1] =	sst s9;
	s0 =	simm.s32 @!p0 $0x0  }
0x12: {  	s1 =	sld [smem:$0x3F97];
	s0 =	simm.s32 @p0 $0x1  }
0x13: {  	[smem:$0x3FB2] =	sst s0;
	s0 =	simm.s32 @!p1 $0x0  }
0x14: {  	s2 =	sld [smem:$0x3F96];
	s0 =	simm.s32 @p1 $0x1  }
0x15: {  	[smem:$0x3FB3] =	sst s0;
	s0 =	simm.s32 @!p2 $0x0  }
0x16: {  	s3 =	sld [smem:$0x3FDB];
	s0 =	simm.s32 @p2 $0x1  }
0x17: {  	s4 =	simm.s32 $0x1BF5;
	[smem:$0x3FB5] =	sst s0  }
0x18: {  	s0 =	sld [smem:$0x3F98];
	_ =	swait.ge [sflag:s4], $0x0  }
0x19: {  	s7 =	sld [smem:$0x3F99]  }
0x1a: {  	s8 =	sadd.s32 $0xFFFFE003, lr  }
0x1b: {  	s9 =	sadd.s32 $0xFFFFFEF7, lr;
	s5 =	simm.s32 $0xFFFFFFFF;
	p2 =	slt.u32 s8, $0xFFFFF086  }
0x1c: {  	p1 =	slt.u32 s9, $0xF7A;
	s5 =	simm.s32 @!p2 $0x0  }
0x1d: {  	s5 =	simm.s32 @p1 $0x1;
	p0 =	seq.s32 s7, s2  }
0x1e: {  	s7 =	smul.u32 @!p0 $0xF7A, s2;
	p2 =	seq.s32 @!p0 s5, $0x0  }
0x1f: {  	s9 =	smul.u32 $0xF7A, s1;
	s8 =	simm.s32 @!p0 $0x1BF5;
	p2 =	por !p2, p0  }
0x20: {  	[sflag:s8] =	ssyncset.s32 @!p0 $0xFFFFF086;
	s6 =	sadd.s32 @!p0 s3, s7;
	s7 =	simm.s32 @!p0 $0x108  }
0x21: {  	s3 =	sadd.s32 s3, s9;
	s6 =	sadd.s32 @!p0 $0x88, s6;
	s7 =	simm.s32 @p2 $0x1082  }
0x22: {  	[simem:s7], [sflag:s8] =	dma.local @!p0 [hbm:s6], $0xF7A  }
0x23: {  	s9 =	sor.u32 $0xD0000000, s2;
	s6 =	simm.s32 $0x108;
	_ =	swait.ge @!p0 [sflag:s8], $0x0  }
0x24: {  	s3 =	sadd.s32 $0x88, s3;
	s6 =	simm.s32 @!p1 $0x1082;
	[sflag:s4] =	ssyncset.s32 $0xFFFFF086  }
0x25: {  	[simem:s6], [sflag:s4] =	dma.local [hbm:s3], $0xF7A  }
0x26: {  	[smem:$0x3F99] =	sst s1;
	(tag) =	ssettag s2;
	_ =	strace s9  }
0x27: {  	s1 =	sld [smem:$0x3FA9]  }
0x28: {  	s2 =	sld [smem:$0x3FAA]  }
0x29: {  	s4 =	sld [smem:$0x3FAC]  }
0x2a: {  	p0 =	seq.s32 s5, $0x0;
	s5 =	sld [smem:$0x3FAD]  }
0x2b: {  	s6 =	sld [smem:$0x3FAE]  }
0x2c: {  	s7 =	sld [smem:$0x3FAF]  }
0x2d: {  	s3 =	simm.s32 $0x108;
	s8 =	sld [smem:$0x3FB0]  }
0x2e: {  	s3 =	simm.s32 @!p0 $0x1082;
	s9 =	sld [smem:$0x3FB1]  }
0x2f: {  	lr =	sadd.s32 s0, s3;
	s0 =	sld [smem:$0x3FA8]  }
0x30: {  	s3 =	sld [smem:$0x3FAB]  }
0x31: {  	[smem:$0x3FB4] =	sst s10  }
0x32: {  	s10 =	sld [smem:$0x3FB2];
	_ =	sdelay $0x3  }
0x33: {  	p0 =	seq.s32 s10, $0x1;
	s10 =	sld [smem:$0x3FB4];
	_ =	sdelay $0x3  }
0x34: {  	[smem:$0x3FB4] =	sst s10  }
0x35: {  	s10 =	sld [smem:$0x3FB3];
	_ =	sdelay $0x3  }
0x36: {  	p1 =	seq.s32 s10, $0x1;
	s10 =	sld [smem:$0x3FB4];
	_ =	sdelay $0x3  }
0x37: {  	[smem:$0x3FB4] =	sst s10  }
0x38: {  	s10 =	sld [smem:$0x3FB5]  }
0x39: {  	_ = 	snop;
	(pc) =	sbr.ind lr, $3  }
0x3a: {  	_ = 	snop  }
0x3b: {  	_ = 	snop  }
0x3c: {  	p2 =	seq.s32 s10, $0x1;
	s10 =	sld [smem:$0x3FB4]  }
0x3d: {  	_ =	shalt  }
0x3e: {  	_ =	shalt  }
0x3f: {  	_ =	shalt  }
0x40: {  	_ =	shalt  }
0x41: {  	_ =	shalt  }
0x42: {  	_ =	shalt  }
0x43: {  	_ =	shalt  }
0x44: {  	_ =	shalt  }
0x45: {  	_ =	shalt  }
0x46: {  	_ =	shalt  }
0x47: {  	_ =	shalt  }
0x48: {  	_ =	shalt  }
0x49: {  	_ =	shalt  }
0x4a: {  	_ =	shalt  }
0x4b: {  	_ =	shalt  }
0x4c: {  	_ =	shalt  }
0x4d: {  	_ =	shalt  }
0x4e: {  	_ =	shalt  }
0x4f: {  	_ =	shalt  }
0x50: {  	_ =	shalt  }
0x51: {  	_ =	shalt  }
0x52: {  	_ =	shalt  }
0x53: {  	_ =	shalt  }
0x54: {  	_ =	shalt  }
0x55: {  	_ =	shalt  }
0x56: {  	_ =	shalt  }
0x57: {  	_ =	shalt  }
0x58: {  	_ =	shalt  }
0x59: {  	_ =	shalt  }
0x5a: {  	_ =	shalt  }
0x5b: {  	_ =	shalt  }
0x5c: {  	_ =	shalt  }
0x5d: {  	_ =	shalt  }
0x5e: {  	_ =	shalt  }
0x5f: {  	_ =	shalt  }
0x60: {  	_ =	shalt  }
0x61: {  	_ =	shalt  }
0x62: {  	_ =	shalt  }
0x63: {  	_ =	shalt  }
0x64: {  	_ =	shalt  }
0x65: {  	_ =	shalt  }
0x66: {  	_ =	shalt  }
0x67: {  	_ =	shalt  }
0x68: {  	_ =	shalt  }
0x69: {  	_ =	shalt  }
0x6a: {  	_ =	shalt  }
0x6b: {  	_ =	shalt  }
0x6c: {  	_ =	shalt  }
0x6d: {  	_ =	shalt  }
0x6e: {  	_ =	shalt  }
0x6f: {  	_ =	shalt  }
0x70: {  	_ =	shalt  }
0x71: {  	_ =	shalt  }
0x72: {  	_ =	shalt  }
0x73: {  	_ =	shalt  }
0x74: {  	_ =	shalt  }
0x75: {  	_ =	shalt  }
0x76: {  	_ =	shalt  }
0x77: {  	_ =	shalt  }
0x78: {  	_ =	shalt  }
0x79: {  	_ =	shalt  }
0x7a: {  	_ =	shalt  }
0x7b: {  	_ =	shalt  }
0x7c: {  	_ =	shalt  }
0x7d: {  	_ =	shalt  }
0x7e: {  	_ =	shalt  }
0x7f: {  	_ =	shalt  }
0x80: {  	_ =	shalt  }
0x81: {  	_ =	shalt  }
0x82: {  	_ =	shalt  }
0x83: {  	_ =	shalt  }
0x84: {  	_ =	shalt  }
0x85: {  	_ =	shalt  }
0x86: {  	_ =	shalt  }
0x87: {  	_ =	shalt  }
.Lfunc_end0:
.L_simem_size_0:
called_computation.1_lowered:
.L_overlay_start_0:
0x88: {  	s2 =	sld [smem:$0x3FD9]  }
0x89: {  	s3 =	sld [smem:$0x3FFE];
	_ =	sdelay $0x1  }
0x8a: {  	s1 =	srdreg.scid  }
0x8b: {  	s0 =	sand.u32 $0x1, s1  }
0x8c: {  	s16 =	sshll.u32 s0, $0xA;
	s2 =	sadd.s32 s3, s2  }
0x8d: {  	s2 =	sadd.s32 s2, s16  }
0x8e: {  	[smem:$0x3FC0] =	sst s2  }
0x8f: {  	_ = 	snop  }
0x90: {  	(tm) =	ssettm $0x1  }
0x91: {  	s17 =	sld [smem:$0x3FFB];
	_ =	sdelay $0x3  }
0x92: {  	_ =	strace s17  }
0x93: {  	s2 =	sld [smem:$0x3FFC];
	_ =	sdelay $0x3  }
0x94: {  	_ =	strace s2  }
0x95: {  	s2 =	sld [smem:$0x3FFD];
	_ =	sdelay $0x3  }
0x96: {  	_ =	strace s2  }
0x97: {  	_ =	strace $0x8FFFFFFF  }
0x98: {  	s18 =	sld [smem:$0x3FDB];
	_ =	sdelay $0x1  }
0x99: {  	s19 =	simm.s32 $_scs_section_size  }
0x9a: {  	s4 =	simm.s32 $_size__tile_overlayer_lowered;
	s5 =	simm.s32 $_tile_overlayer_lowered  }
0x9b: {  	s22 =	simm.s32 $0x1BFF;
	s21 =	sshll.u32 s5, $0x1;
	s2 =	sadd.s32 s19, s18  }
0x9c: {  	s6 =	simm.s32 $0x0;
	s20 =	sshll.u32 s4, $0x1;
	s4 =	sadd.s32 s21, s2  }
0x9d: {  	[timem:s6], [sflag:s22] =	dma.local [hbm:s4], s20  }
0x9e: {  	_ =	swait.ge [sflag:s22], s20  }
0x9f: {  	s3 =	ssub.s32 $0x0, s20;
	[sflag:s22] =	ssyncset.done $0x0  }
0xa0: {  	[sflag:s22] =	ssyncadd.s32 s3;
	_ =	sdelay $0x1  }
0xa1: {  	s23 =	simm.s32 $0x1B8B  }
0xa2: {  	_ =	swait.ge [sflag:s23], $0x1  }
0xa3: {  	[sflag:s23] =	ssyncset.done $0x0  }
0xa4: {  	s25 =	simm.s32 $0x1B8E;
	s24 =	sld [smem:$0x3FFE];
	[sflag:s23] =	ssyncadd.s32 $0xFFFFFFFF  }
0xa5: {  	s26 =	simm.s32 $execute0_lowered;
	[smem:$0x3FD2] =	sst s25  }
0xa6: {  	s4 =	sshll.u32 s26, $0x1;
	_ =	strace $0x80000049;
	[dreg:$0x1] =	wrdreg $0xFFFFFFFF  }
0xa7: {  	s28 =	simm.s32 $_size_execute0_lowered;
	s2 =	sadd.s32 s2, s4;
	[dreg:$0x0] =	wrdreg $0x0  }
0xa8: {  	s4 =	sshll.u32 s28, $0x1;
	[dreg:$0x2] =	wrdreg s2  }
0xa9: {  	[dreg:$0x3] =	wrdreg s4  }
0xaa: {  	[dreg:$0x4] =	wrdreg $0xC0  }
0xab: {  	_ =	task [dreg:s6], $0x5FFFF  }
0xac: {  	[dreg:$0x1] =	wrdreg $0xFFFFFFFF  }
0xad: {  	[dreg:$0x0] =	wrdreg $0x60  }
0xae: {  	[dreg:$0x2] =	wrdreg s24  }
0xaf: {  	[dreg:$0x3] =	wrdreg $0xD0000  }
0xb0: {  	[dreg:$0x4] =	wrdreg $0x9  }
0xb1: {  	_ =	task.clear_ibuf [dreg:s6], $0x5FFFF;
	_ =	strace $0x90000049  }
0xb2: {  	s29 =	simm.s32 $0x9;
	_ =	strace $0x8000004B  }
0xb3: {  	_ =	swait.ge [sflag:s29], $0x1  }
0xb4: {  	[sflag:s29] =	ssyncadd.s32 $0xFFFFFFFF  }
0xb5: {  	_ =	strace $0x9000004B  }
0xb6: {  	_ =	sfence  }
0xb7: {  	s30 =	sld [smem:$0x0];
	_ =	sdelay $0x2  }
0xb8: {  	s31 =	sshll.u32 s1, $0xD;
	s1 =	sshrl.u32 s1, $0x2  }
0xb9: {  	s3 =	sand.u32 $0x4000, s31;
	s1 =	sadd.s32 s1, s30  }
0xba: {  	s0 =	sor.u32 s3, s0;
	s1 =	sshll.u32 s1, $0x11  }
0xbb: {  	s0 =	sor.u32 s1, s0  }
0xbc: {  	s0 =	sadd.s32 $0x8F2B, s0  }
0xbd: {  	[sflag:s0] =	ssyncadd.remote.s32 $0x1  }
0xbe: {  	_ =	sfence.sel $0xFFFF  }
0xbf: {  	[dreg:$0x0] =	wrdreg $0xFFFFFFFF;
	(pc) =	sbr.abs _section_cstart, $3  }
0xc0: {  	[dreg:$0x1] =	wrdreg $0xFFFFFFFF  }
0xc1: {  	_ =	task.clear_ibuf [dreg:s6], $0x2FFFF;
	_ =	strace $0x9FFFFFFF  }
0xc2: {  	(tm) =	ssettm $0x7FFFFFFF  }
0xc3: {  	_ =	shalt  }
tec
execute0_lowered:
.L_overlay_start_1:
0x0: {  	(tag) =	ssettag $0x1  }
0x1: {  	s0 =	srdreg.scid;
	s1 =	rddreg [dreg:$0x0]  }
0x2: {  	s7 =	stileid.u32;
	s2 =	rddreg [dreg:$0x1]  }
0x3: {  	s4 =	simm.s32 $0x0;
	s17 =	simm.s32 $0x5;
	s18 =	simm.s32 $0x5000  }
0x4: {  	s19 =	simm.s32 $0x80;
	s20 =	simm.s32 $0x7000;
	s22 =	simm.s32 $0x9000  }
0x5: {  	s28 =	simm.s32 $0x3;
	s29 =	simm.s32 $0x4;
	s30 =	simm.s32 $0x4E00  }
0x6: {  	s31 =	simm.s32 $0x4E80;
	s16 =	simm.s32 $0x4F80;
	s0 =	sand.u32 $0x1, s0  }
0x7: {  	s3 =	sshll.u32 s7, $0x1;
	[smem:$0x7FF] =	sst s4;
	s6 =	smul.u32 $0x14000, s7  }
0x8: {  	s4 =	sadd.s32 $0x21600, s1;
	s7 =	smul.u32 $0x28000, s7;
	s3 =	sor.u32 s0, s3  }
0x9: {  	s5 =	smul.u32 $0x140000, s0;
	_ =	strace $0x8000004A;
	s0 =	ssub.s32 $0x2, s0  }
0xa: {  	s3 =	smul.u32 $0x2800, s3;
	s23 =	sshrl.u32 s0, $0x1;
	s7 =	sshrl.u32 s7, $0x2  }
0xb: {  	s5 =	sadd.s32 s6, s5;
	s0 =	ssub.s32 s0, s23;
	s23 =	simm.s32 $0x180  }
0xc: {  	s6 =	simm.s32 $0x0;
	s3 =	sshrl.u32 s3, $0x3;
	s5 =	sshrl.u32 s5, $0x3  }
0xd: {  	s15 =	smax.u32 s0, $0x1;
	s0 =	simm.s32 $0x10;
	s3 =	sadd.s32 s3, s1  }
0xe: {  	s1 =	sadd.s32 s5, s1;
	s5 =	sadd.s32 s7, s2;
	s24 =	sadd.s32 $0x17600, s3  }
0xf: {  	s25 =	sadd.s32 $0x3600, s3;
	s8 =	sadd.s32 $0x2000, s5;
	[dreg:$0x3] =	wrdreg s24  }
0x10: {  	s9 =	sadd.s32 $0x4000, s5;
	s26 =	sadd.s32 $0x48800, s1;
	[dreg:$0x4] =	wrdreg s25  }
0x11: {  	s10 =	sadd.s32 $0x6000, s5;
	s3 =	sadd.s32 $0xD600, s3;
	[dreg:$0x5] =	wrdreg s26  }
0x12: {  	s11 =	sadd.s32 $0x8000, s5;
	s1 =	sadd.s32 $0x48808, s1;
	[dreg:$0x6] =	wrdreg s3  }
0x13: {  	[dreg:$0x7] =	wrdreg s1;
	s24 =	simm.s32 $0xB000;
	s25 =	simm.s32 $0x1  }
0x14: {  	v0 =	vimm.f32 $0.0e+00;
	s26 =	simm.s32 $0x2;
	s1 =	simm.s32 $0x4F00;
	s3 =	simm.s32 $0x8  }
.LBB2_1:
0x15: {  	s7 =	simm.s32 $0x0;
	s12 =	rddreg [dreg:$0x3];
	s13 =	simm.s32 $0x2800  }
0x16: {  	[tilespmem:s13], [sflag:$0x5] =	stream.linear.gather [hbm4b:s12+s7], $0x2800, $0x38;
	[tilespmem:$0x17000] =	vst v63  }
0x17: {  	_ =	swait.ge [sflag:s17], $0x2800  }
0x18: {  	[sflag:s17] =	ssyncset.done $0x0  }
0x19: {  	s21 =	rddreg [dreg:$0x4];
	[sflag:s17] =	ssyncadd.s32 $0xFFFFD800  }
0x1a: {  	[tilespmem:s7], [sflag:$0x5] =	stream.linear.gather [hbm4b:s21+s7], $0x2800, $0x38;
	[tilespmem:$0x17000] =	vst v63  }
0x1b: {  	_ =	swait.ge [sflag:s17], $0x2800  }
0x1c: {  	[sflag:s17] =	ssyncset.done $0x0  }
0x1d: {  	s12 =	simm.s32 $0x100;
	s7 =	simm.s32 $0x0;
	[sflag:s17] =	ssyncadd.s32 $0xFFFFD800  }
.LBB2_2:
0x1e: {  	p0 =	sne.s32 s12, $0x7F00;
	[tilespmem:s7+$0x5030] =	vst v0;
	s13 =	smov.u32 s12;
	s12 =	sadd.s32 $0x100, s12  }
.Ltmp0:
0x1f: {  	[tilespmem:s7+$0x5020] =	vst v0;
	(pc) =	sbr.rel @p0 .LBB2_2-.Ltmp0, $3  }
0x20: {  	[tilespmem:s7+$0x5000] =	vst v0  }
0x21: {  	[tilespmem:s7+$0x5010] =	vst v0;
	_ =	sdelay $0x1  }
0x22: {  	s7 =	sshra.s32 s13, $0x2  }
0x23: {  	[tilespmem:s7+$0x5030] =	vst v0  }
0x24: {  	[tilespmem:s7+$0x5020] =	vst v0  }
0x25: {  	[tilespmem:s7+$0x5000] =	vst v0  }
0x26: {  	[tilespmem:s7+$0x5010] =	vst v0  }
0x27: {  	[spmem:s5] =	stream.linear.scatter [tilespmem:s18], [sflag:$0x5], $0x2000, $0x38;
	[tilespmem:$0x17000] =	vst v63  }
0x28: {  	_ =	swait.ge [sflag:s17], $0x2000  }
0x29: {  	[sflag:s17] =	ssyncset.done $0x0  }
0x2a: {  	[sflag:s17] =	ssyncadd.s32 $0xFFFFE000  }
0x2b: {  	[spmem:s8] =	stream.linear.scatter [tilespmem:s18], [sflag:$0x5], $0x2000, $0x38;
	[tilespmem:$0x17000] =	vst v63  }
0x2c: {  	_ =	swait.ge [sflag:s17], $0x2000  }
0x2d: {  	[sflag:s17] =	ssyncset.done $0x0  }
0x2e: {  	[sflag:s17] =	ssyncadd.s32 $0xFFFFE000  }
0x2f: {  	[spmem:s9] =	stream.linear.scatter [tilespmem:s18], [sflag:$0x5], $0x2000, $0x38;
	[tilespmem:$0x17000] =	vst v63  }
0x30: {  	_ =	swait.ge [sflag:s17], $0x2000  }
0x31: {  	[sflag:s17] =	ssyncset.done $0x0  }
0x32: {  	[sflag:s17] =	ssyncadd.s32 $0xFFFFE000  }
0x33: {  	[spmem:s10] =	stream.linear.scatter [tilespmem:s18], [sflag:$0x5], $0x2000, $0x38;
	[tilespmem:$0x17000] =	vst v63  }
0x34: {  	_ =	swait.ge [sflag:s17], $0x2000  }
0x35: {  	[sflag:s17] =	ssyncset.done $0x0  }
0x36: {  	[sflag:s17] =	ssyncadd.s32 $0xFFFFE000  }
0x37: {  	[spmem:s11] =	stream.linear.scatter [tilespmem:s18], [sflag:$0x5], $0x2000, $0x38;
	[tilespmem:$0x17000] =	vst v63  }
0x38: {  	_ =	swait.ge [sflag:s17], $0x2000  }
0x39: {  	[sflag:s17] =	ssyncset.done $0x0  }
0x3a: {  	[sflag:s17] =	ssyncadd.s32 $0xFFFFE000  }
0x3b: {  	s21 =	simm.s32 $0x0;
	[bflag:$0x0] =	sbarrier.arrive $0xFFFF  }
0x3c: {  	[tilespmem:s18], [sflag:$0x1] =	stream.indirect.gather [hbm4b:s4+s19], $0x40, s21, s19, $0xb8;
	[tilespmem:$0x17000] =	vst v63  }
0x3d: {  	_ = 	snop  }
0x3e: {  	[tilespmem:s20], [sflag:$0x2] =	stream.indirect.gather [hbm4b:s4+s19], $0x40, s19, s19, $0xb8;
	[tilespmem:$0x17000] =	vst v63  }
0x3f: {  	s12 =	simm.s32 $0x100  }
0x40: {  	[tilespmem:s22], [sflag:$0x3] =	stream.indirect.gather [hbm4b:s4+s19], $0x40, s12, s19, $0xb8;
	[tilespmem:$0x17000] =	vst v63  }
0x41: {  	_ = 	snop  }
0x42: {  	[tilespmem:s24], [sflag:$0x4] =	stream.indirect.gather [hbm4b:s4+s19], $0x40, s23, s19, $0xb8;
	[tilespmem:$0x17000] =	vst v63  }
0x43: {  	_ =	swait.ge [sflag:s25], $0x2000  }
0x44: {  	[sflag:s25] =	ssyncset.done $0x0  }
0x45: {  	s13 =	simm.s32 $0x2800;
	[sflag:s25] =	ssyncadd.s32 $0xFFFFE000  }
0x46: {  	[spmem:s2] =	stream.indirect.scatter.add.f32 [tilespmem:s18], [sflag:$0x5], $0x40, s13, s19, $0xb8;
	[tilespmem:$0x17000] =	vst v63  }
0x47: {  	_ =	swait.ge [sflag:s17], $0x2000  }
0x48: {  	[sflag:s17] =	ssyncset.done $0x0  }
0x49: {  	s14 =	simm.s32 $0x200;
	[sflag:s17] =	ssyncadd.s32 $0xFFFFE000  }
0x4a: {  	[tilespmem:s18], [sflag:$0x1] =	stream.indirect.gather [hbm4b:s4+s19], $0x40, s14, s19, $0xb8;
	[tilespmem:$0x17000] =	vst v63  }
0x4b: {  	_ =	swait.ge [sflag:s26], $0x2000  }
0x4c: {  	[sflag:s26] =	ssyncset.done $0x0  }
0x4d: {  	s21 =	simm.s32 $0x2880;
	[sflag:s26] =	ssyncadd.s32 $0xFFFFE000  }
0x4e: {  	[spmem:s2] =	stream.indirect.scatter.add.f32 [tilespmem:s20], [sflag:$0x5], $0x40, s21, s19, $0xb8;
	[tilespmem:$0x17000] =	vst v63  }
0x4f: {  	_ =	swait.ge [sflag:s17], $0x2000  }
0x50: {  	[sflag:s17] =	ssyncset.done $0x0  }
0x51: {  	s12 =	simm.s32 $0x280;
	[sflag:s17] =	ssyncadd.s32 $0xFFFFE000  }
0x52: {  	[tilespmem:s20], [sflag:$0x2] =	stream.indirect.gather [hbm4b:s4+s19], $0x40, s12, s19, $0xb8;
	[tilespmem:$0x17000] =	vst v63  }
0x53: {  	_ =	swait.ge [sflag:s28], $0x2000  }
0x54: {  	[sflag:s28] =	ssyncset.done $0x0  }
0x55: {  	s13 =	simm.s32 $0x2900;
	[sflag:s28] =	ssyncadd.s32 $0xFFFFE000  }
0x56: {  	[spmem:s2] =	stream.indirect.scatter.add.f32 [tilespmem:s22], [sflag:$0x5], $0x40, s13, s19, $0xb8;
	[tilespmem:$0x17000] =	vst v63  }
0x57: {  	_ =	swait.ge [sflag:s17], $0x2000  }
0x58: {  	[sflag:s17] =	ssyncset.done $0x0  }
0x59: {  	s14 =	simm.s32 $0x300;
	[sflag:s17] =	ssyncadd.s32 $0xFFFFE000  }
0x5a: {  	[tilespmem:s22], [sflag:$0x3] =	stream.indirect.gather [hbm4b:s4+s19], $0x40, s14, s19, $0xb8;
	[tilespmem:$0x17000] =	vst v63  }
0x5b: {  	_ =	swait.ge [sflag:s29], $0x2000  }
0x5c: {  	[sflag:s29] =	ssyncset.done $0x0  }
0x5d: {  	s21 =	simm.s32 $0x2980;
	[sflag:s29] =	ssyncadd.s32 $0xFFFFE000  }
0x5e: {  	[spmem:s2] =	stream.indirect.scatter.add.f32 [tilespmem:s24], [sflag:$0x5], $0x40, s21, s19, $0xb8;
	[tilespmem:$0x17000] =	vst v63  }
0x5f: {  	_ =	swait.ge [sflag:s17], $0x2000  }
0x60: {  	[sflag:s17] =	ssyncset.done $0x0  }
0x61: {  	s7 =	simm.s32 $0x800;
	s12 =	simm.s32 $0x380;
	[sflag:s17] =	ssyncadd.s32 $0xFFFFE000  }
.LBB2_4:
0x62: {  	[tilespmem:s24], [sflag:$0x4] =	stream.indirect.gather [hbm4b:s4+s19], $0x40, s12, s19, $0xb8;
	[tilespmem:$0x17000] =	vst v63  }
0x63: {  	s12 =	smov.u32 s7  }
0x64: {  	p0 =	sne.s32 s7, $0x9000;
	s7 =	sadd.s32 $0x800, s7;
	_ =	swait.ge [sflag:s25], $0x2000  }
0x65: {  	s12 =	sshra.s32 s12, $0x2;
	[sflag:s25] =	ssyncset.done $0x0  }
0x66: {  	s13 =	sadd.s32 $0x2800, s12;
	[sflag:s25] =	ssyncadd.s32 $0xFFFFE000  }
0x67: {  	[spmem:s2] =	stream.indirect.scatter.add.f32 [tilespmem:s18], [sflag:$0x5], $0x40, s13, s19, $0xb8;
	[tilespmem:$0x17000] =	vst v63  }
0x68: {  	_ =	swait.ge [sflag:s17], $0x2000  }
0x69: {  	[sflag:s17] =	ssyncset.done $0x0  }
0x6a: {  	s13 =	sadd.s32 $0x200, s12;
	[sflag:s17] =	ssyncadd.s32 $0xFFFFE000  }
0x6b: {  	[tilespmem:s18], [sflag:$0x1] =	stream.indirect.gather [hbm4b:s4+s19], $0x40, s13, s19, $0xb8;
	[tilespmem:$0x17000] =	vst v63  }
0x6c: {  	_ =	swait.ge [sflag:s26], $0x2000  }
0x6d: {  	[sflag:s26] =	ssyncset.done $0x0  }
0x6e: {  	s13 =	sadd.s32 $0x2880, s12;
	[sflag:s26] =	ssyncadd.s32 $0xFFFFE000  }
0x6f: {  	[spmem:s2] =	stream.indirect.scatter.add.f32 [tilespmem:s20], [sflag:$0x5], $0x40, s13, s19, $0xb8;
	[tilespmem:$0x17000] =	vst v63  }
0x70: {  	_ =	swait.ge [sflag:s17], $0x2000  }
0x71: {  	[sflag:s17] =	ssyncset.done $0x0  }
0x72: {  	s13 =	sadd.s32 $0x280, s12;
	[sflag:s17] =	ssyncadd.s32 $0xFFFFE000  }
0x73: {  	[tilespmem:s20], [sflag:$0x2] =	stream.indirect.gather [hbm4b:s4+s19], $0x40, s13, s19, $0xb8;
	[tilespmem:$0x17000] =	vst v63  }
0x74: {  	_ =	swait.ge [sflag:s28], $0x2000  }
0x75: {  	[sflag:s28] =	ssyncset.done $0x0  }
0x76: {  	s13 =	sadd.s32 $0x2900, s12;
	[sflag:s28] =	ssyncadd.s32 $0xFFFFE000  }
0x77: {  	[spmem:s2] =	stream.indirect.scatter.add.f32 [tilespmem:s22], [sflag:$0x5], $0x40, s13, s19, $0xb8;
	[tilespmem:$0x17000] =	vst v63  }
0x78: {  	_ =	swait.ge [sflag:s17], $0x2000  }
0x79: {  	[sflag:s17] =	ssyncset.done $0x0  }
0x7a: {  	s13 =	sadd.s32 $0x300, s12;
	[sflag:s17] =	ssyncadd.s32 $0xFFFFE000  }
0x7b: {  	[tilespmem:s22], [sflag:$0x3] =	stream.indirect.gather [hbm4b:s4+s19], $0x40, s13, s19, $0xb8;
	[tilespmem:$0x17000] =	vst v63  }
0x7c: {  	_ =	swait.ge [sflag:s29], $0x2000  }
0x7d: {  	[sflag:s29] =	ssyncset.done $0x0  }
.Ltmp1:
0x7e: {  	s13 =	sadd.s32 $0x2980, s12;
	[sflag:s29] =	ssyncadd.s32 $0xFFFFE000;
	(pc) =	sbr.rel @p0 .LBB2_4-.Ltmp1, $4  }
0x7f: {  	[spmem:s2] =	stream.indirect.scatter.add.f32 [tilespmem:s24], [sflag:$0x5], $0x40, s13, s19, $0xb8;
	[tilespmem:$0x17000] =	vst v63  }
0x80: {  	_ =	swait.ge [sflag:s17], $0x2000  }
0x81: {  	[sflag:s17] =	ssyncset.done $0x0  }
0x82: {  	s12 =	sadd.s32 $0x380, s12;
	[sflag:s17] =	ssyncadd.s32 $0xFFFFE000  }
0x83: {  	[tilespmem:s24], [sflag:$0x4] =	stream.indirect.gather [hbm4b:s4+s19], $0x40, s12, s19, $0xb8;
	[tilespmem:$0x17000] =	vst v63  }
0x84: {  	_ =	swait.ge [sflag:s25], $0x2000  }
0x85: {  	[sflag:s25] =	ssyncset.done $0x0  }
0x86: {  	[sflag:s25] =	ssyncadd.s32 $0xFFFFE000  }
0x87: {  	[spmem:s2] =	stream.indirect.scatter.add.f32 [tilespmem:s18], [sflag:$0x5], $0x40, s30, s19, $0xb8;
	[tilespmem:$0x17000] =	vst v63  }
0x88: {  	_ =	swait.ge [sflag:s17], $0x2000  }
0x89: {  	[sflag:s17] =	ssyncset.done $0x0  }
0x8a: {  	[sflag:s17] =	ssyncadd.s32 $0xFFFFE000  }
0x8b: {  	_ =	swait.ge [sflag:s26], $0x2000  }
0x8c: {  	[sflag:s26] =	ssyncset.done $0x0  }
0x8d: {  	[sflag:s26] =	ssyncadd.s32 $0xFFFFE000  }
0x8e: {  	[spmem:s2] =	stream.indirect.scatter.add.f32 [tilespmem:s20], [sflag:$0x5], $0x40, s31, s19, $0xb8;
	[tilespmem:$0x17000] =	vst v63  }
0x8f: {  	_ =	swait.ge [sflag:s17], $0x2000  }
0x90: {  	[sflag:s17] =	ssyncset.done $0x0  }
0x91: {  	[sflag:s17] =	ssyncadd.s32 $0xFFFFE000  }
0x92: {  	_ =	swait.ge [sflag:s28], $0x2000  }
0x93: {  	[sflag:s28] =	ssyncset.done $0x0  }
0x94: {  	[sflag:s28] =	ssyncadd.s32 $0xFFFFE000  }
0x95: {  	[spmem:s2] =	stream.indirect.scatter.add.f32 [tilespmem:s22], [sflag:$0x5], $0x40, s1, s19, $0xb8;
	[tilespmem:$0x17000] =	vst v63  }
0x96: {  	_ =	swait.ge [sflag:s17], $0x2000  }
0x97: {  	[sflag:s17] =	ssyncset.done $0x0  }
0x98: {  	[sflag:s17] =	ssyncadd.s32 $0xFFFFE000  }
0x99: {  	_ =	swait.ge [sflag:s29], $0x2000  }
0x9a: {  	[sflag:s29] =	ssyncset.done $0x0  }
0x9b: {  	[sflag:s29] =	ssyncadd.s32 $0xFFFFE000  }
0x9c: {  	[spmem:s2] =	stream.indirect.scatter.add.f32 [tilespmem:s24], [sflag:$0x5], $0x40, s16, s19, $0xb8;
	[tilespmem:$0x17000] =	vst v63  }
0x9d: {  	_ =	swait.ge [sflag:s17], $0x2000  }
0x9e: {  	[sflag:s17] =	ssyncset.done $0x0  }
0x9f: {  	s7 =	stileid.u32;
	[sflag:s17] =	ssyncadd.s32 $0xFFFFE000  }
0xa0: {  	s7 =	sshll.u32 s7, $0x6;
	[bflag:$0x0] =	sbarrier.arrive $0xFFFF  }
0xa1: {  	s12 =	sshrl.u32 s5, $0x3;
	s7 =	sor.u32 $0x1C05, s7;
	s13 =	rddreg [dreg:$0x5]  }
0xa2: {  	[hbm:s13@s0], [sflag:s7] =	dma.strided [spmem:s12@s3], $0x1400, s25, $0x8   }
0xa3: {  	_ =	swait.ge [sflag:s17], $0x1400  }
0xa4: {  	[sflag:s17] =	ssyncset.done $0x0  }
0xa5: {  	s21 =	simm.s32 $0x0;
	s14 =	rddreg [dreg:$0x6];
	[sflag:s17] =	ssyncadd.s32 $0xFFFFEC00  }
0xa6: {  	[tilespmem:s21], [sflag:$0x5] =	stream.linear.gather [hbm4b:s14+s21], $0x2800, $0x38;
	[tilespmem:$0x17000] =	vst v63  }
0xa7: {  	_ =	swait.ge [sflag:s17], $0x2800  }
0xa8: {  	[sflag:s17] =	ssyncset.done $0x0  }
0xa9: {  	s13 =	simm.s32 $0x0;
	s21 =	simm.s32 $0x100;
	[sflag:s17] =	ssyncadd.s32 $0xFFFFD800  }
.LBB2_6:
0xaa: {  	p0 =	sne.s32 s21, $0x7F00;
	[tilespmem:s13+$0x5030] =	vst v0;
	s14 =	smov.u32 s21;
	s21 =	sadd.s32 $0x100, s21  }
.Ltmp2:
0xab: {  	[tilespmem:s13+$0x5020] =	vst v0;
	(pc) =	sbr.rel @p0 .LBB2_6-.Ltmp2, $3  }
0xac: {  	[tilespmem:s13+$0x5000] =	vst v0  }
0xad: {  	[tilespmem:s13+$0x5010] =	vst v0;
	_ =	sdelay $0x1  }
0xae: {  	s13 =	sshra.s32 s14, $0x2  }
0xaf: {  	[tilespmem:s13+$0x5030] =	vst v0  }
0xb0: {  	[tilespmem:s13+$0x5020] =	vst v0  }
0xb1: {  	[tilespmem:s13+$0x5000] =	vst v0  }
0xb2: {  	[tilespmem:s13+$0x5010] =	vst v0  }
0xb3: {  	[spmem:s5] =	stream.linear.scatter [tilespmem:s18], [sflag:$0x5], $0x2000, $0x38;
	[tilespmem:$0x17000] =	vst v63  }
0xb4: {  	_ =	swait.ge [sflag:s17], $0x2000  }
0xb5: {  	[sflag:s17] =	ssyncset.done $0x0  }
0xb6: {  	[sflag:s17] =	ssyncadd.s32 $0xFFFFE000  }
0xb7: {  	[spmem:s8] =	stream.linear.scatter [tilespmem:s18], [sflag:$0x5], $0x2000, $0x38;
	[tilespmem:$0x17000] =	vst v63  }
0xb8: {  	_ =	swait.ge [sflag:s17], $0x2000  }
0xb9: {  	[sflag:s17] =	ssyncset.done $0x0  }
0xba: {  	[sflag:s17] =	ssyncadd.s32 $0xFFFFE000  }
0xbb: {  	[spmem:s9] =	stream.linear.scatter [tilespmem:s18], [sflag:$0x5], $0x2000, $0x38;
	[tilespmem:$0x17000] =	vst v63  }
0xbc: {  	_ =	swait.ge [sflag:s17], $0x2000  }
0xbd: {  	[sflag:s17] =	ssyncset.done $0x0  }
0xbe: {  	[sflag:s17] =	ssyncadd.s32 $0xFFFFE000  }
0xbf: {  	[spmem:s10] =	stream.linear.scatter [tilespmem:s18], [sflag:$0x5], $0x2000, $0x38;
	[tilespmem:$0x17000] =	vst v63  }
0xc0: {  	_ =	swait.ge [sflag:s17], $0x2000  }
0xc1: {  	[sflag:s17] =	ssyncset.done $0x0  }
0xc2: {  	[sflag:s17] =	ssyncadd.s32 $0xFFFFE000  }
0xc3: {  	[spmem:s11] =	stream.linear.scatter [tilespmem:s18], [sflag:$0x5], $0x2000, $0x38;
	[tilespmem:$0x17000] =	vst v63  }
0xc4: {  	_ =	swait.ge [sflag:s17], $0x2000  }
0xc5: {  	[sflag:s17] =	ssyncset.done $0x0  }
0xc6: {  	[sflag:s17] =	ssyncadd.s32 $0xFFFFE000  }
0xc7: {  	s21 =	simm.s32 $0x0;
	[bflag:$0x0] =	sbarrier.arrive $0xFFFF  }
0xc8: {  	[tilespmem:s18], [sflag:$0x1] =	stream.indirect.gather [hbm4b:s4+s19], $0x40, s21, s19, $0xb8;
	[tilespmem:$0x17000] =	vst v63  }
0xc9: {  	_ = 	snop  }
0xca: {  	[tilespmem:s20], [sflag:$0x2] =	stream.indirect.gather [hbm4b:s4+s19], $0x40, s19, s19, $0xb8;
	[tilespmem:$0x17000] =	vst v63  }
0xcb: {  	s14 =	simm.s32 $0x100  }
0xcc: {  	[tilespmem:s22], [sflag:$0x3] =	stream.indirect.gather [hbm4b:s4+s19], $0x40, s14, s19, $0xb8;
	[tilespmem:$0x17000] =	vst v63  }
0xcd: {  	_ = 	snop  }
0xce: {  	[tilespmem:s24], [sflag:$0x4] =	stream.indirect.gather [hbm4b:s4+s19], $0x40, s23, s19, $0xb8;
	[tilespmem:$0x17000] =	vst v63  }
0xcf: {  	_ =	swait.ge [sflag:s25], $0x2000  }
0xd0: {  	[sflag:s25] =	ssyncset.done $0x0  }
0xd1: {  	s21 =	simm.s32 $0x2800;
	[sflag:s25] =	ssyncadd.s32 $0xFFFFE000  }
0xd2: {  	[spmem:s2] =	stream.indirect.scatter.add.f32 [tilespmem:s18], [sflag:$0x5], $0x40, s21, s19, $0xb8;
	[tilespmem:$0x17000] =	vst v63  }
0xd3: {  	_ =	swait.ge [sflag:s17], $0x2000  }
0xd4: {  	[sflag:s17] =	ssyncset.done $0x0  }
0xd5: {  	s14 =	simm.s32 $0x200;
	[sflag:s17] =	ssyncadd.s32 $0xFFFFE000  }
0xd6: {  	[tilespmem:s18], [sflag:$0x1] =	stream.indirect.gather [hbm4b:s4+s19], $0x40, s14, s19, $0xb8;
	[tilespmem:$0x17000] =	vst v63  }
0xd7: {  	_ =	swait.ge [sflag:s26], $0x2000  }
0xd8: {  	[sflag:s26] =	ssyncset.done $0x0  }
0xd9: {  	s21 =	simm.s32 $0x2880;
	[sflag:s26] =	ssyncadd.s32 $0xFFFFE000  }
0xda: {  	[spmem:s2] =	stream.indirect.scatter.add.f32 [tilespmem:s20], [sflag:$0x5], $0x40, s21, s19, $0xb8;
	[tilespmem:$0x17000] =	vst v63  }
0xdb: {  	_ =	swait.ge [sflag:s17], $0x2000  }
0xdc: {  	[sflag:s17] =	ssyncset.done $0x0  }
0xdd: {  	s14 =	simm.s32 $0x280;
	[sflag:s17] =	ssyncadd.s32 $0xFFFFE000  }
0xde: {  	[tilespmem:s20], [sflag:$0x2] =	stream.indirect.gather [hbm4b:s4+s19], $0x40, s14, s19, $0xb8;
	[tilespmem:$0x17000] =	vst v63  }
0xdf: {  	_ =	swait.ge [sflag:s28], $0x2000  }
0xe0: {  	[sflag:s28] =	ssyncset.done $0x0  }
0xe1: {  	s21 =	simm.s32 $0x2900;
	[sflag:s28] =	ssyncadd.s32 $0xFFFFE000  }
0xe2: {  	[spmem:s2] =	stream.indirect.scatter.add.f32 [tilespmem:s22], [sflag:$0x5], $0x40, s21, s19, $0xb8;
	[tilespmem:$0x17000] =	vst v63  }
0xe3: {  	_ =	swait.ge [sflag:s17], $0x2000  }
0xe4: {  	[sflag:s17] =	ssyncset.done $0x0  }
0xe5: {  	s14 =	simm.s32 $0x300;
	[sflag:s17] =	ssyncadd.s32 $0xFFFFE000  }
0xe6: {  	[tilespmem:s22], [sflag:$0x3] =	stream.indirect.gather [hbm4b:s4+s19], $0x40, s14, s19, $0xb8;
	[tilespmem:$0x17000] =	vst v63  }
0xe7: {  	_ =	swait.ge [sflag:s29], $0x2000  }
0xe8: {  	[sflag:s29] =	ssyncset.done $0x0  }
0xe9: {  	s21 =	simm.s32 $0x2980;
	[sflag:s29] =	ssyncadd.s32 $0xFFFFE000  }
0xea: {  	[spmem:s2] =	stream.indirect.scatter.add.f32 [tilespmem:s24], [sflag:$0x5], $0x40, s21, s19, $0xb8;
	[tilespmem:$0x17000] =	vst v63  }
0xeb: {  	_ =	swait.ge [sflag:s17], $0x2000  }
0xec: {  	[sflag:s17] =	ssyncset.done $0x0  }
0xed: {  	s13 =	simm.s32 $0x800;
	s21 =	simm.s32 $0x380;
	[sflag:s17] =	ssyncadd.s32 $0xFFFFE000  }
.LBB2_8:
0xee: {  	[tilespmem:s24], [sflag:$0x4] =	stream.indirect.gather [hbm4b:s4+s19], $0x40, s21, s19, $0xb8;
	[tilespmem:$0x17000] =	vst v63  }
0xef: {  	s14 =	smov.u32 s13  }
0xf0: {  	p0 =	sne.s32 s13, $0x9000;
	s13 =	sadd.s32 $0x800, s13;
	_ =	swait.ge [sflag:s25], $0x2000  }
0xf1: {  	s21 =	sshra.s32 s14, $0x2;
	[sflag:s25] =	ssyncset.done $0x0  }
0xf2: {  	s14 =	sadd.s32 $0x2800, s21;
	[sflag:s25] =	ssyncadd.s32 $0xFFFFE000  }
0xf3: {  	[spmem:s2] =	stream.indirect.scatter.add.f32 [tilespmem:s18], [sflag:$0x5], $0x40, s14, s19, $0xb8;
	[tilespmem:$0x17000] =	vst v63  }
0xf4: {  	_ =	swait.ge [sflag:s17], $0x2000  }
0xf5: {  	[sflag:s17] =	ssyncset.done $0x0  }
0xf6: {  	s14 =	sadd.s32 $0x200, s21;
	[sflag:s17] =	ssyncadd.s32 $0xFFFFE000  }
0xf7: {  	[tilespmem:s18], [sflag:$0x1] =	stream.indirect.gather [hbm4b:s4+s19], $0x40, s14, s19, $0xb8;
	[tilespmem:$0x17000] =	vst v63  }
0xf8: {  	_ =	swait.ge [sflag:s26], $0x2000  }
0xf9: {  	[sflag:s26] =	ssyncset.done $0x0  }
0xfa: {  	s14 =	sadd.s32 $0x2880, s21;
	[sflag:s26] =	ssyncadd.s32 $0xFFFFE000  }
0xfb: {  	[spmem:s2] =	stream.indirect.scatter.add.f32 [tilespmem:s20], [sflag:$0x5], $0x40, s14, s19, $0xb8;
	[tilespmem:$0x17000] =	vst v63  }
0xfc: {  	_ =	swait.ge [sflag:s17], $0x2000  }
0xfd: {  	[sflag:s17] =	ssyncset.done $0x0  }
0xfe: {  	s14 =	sadd.s32 $0x280, s21;
	[sflag:s17] =	ssyncadd.s32 $0xFFFFE000  }
0xff: {  	[tilespmem:s20], [sflag:$0x2] =	stream.indirect.gather [hbm4b:s4+s19], $0x40, s14, s19, $0xb8;
	[tilespmem:$0x17000] =	vst v63  }
0x100: {  	_ =	swait.ge [sflag:s28], $0x2000  }
0x101: {  	[sflag:s28] =	ssyncset.done $0x0  }
0x102: {  	s14 =	sadd.s32 $0x2900, s21;
	[sflag:s28] =	ssyncadd.s32 $0xFFFFE000  }
0x103: {  	[spmem:s2] =	stream.indirect.scatter.add.f32 [tilespmem:s22], [sflag:$0x5], $0x40, s14, s19, $0xb8;
	[tilespmem:$0x17000] =	vst v63  }
0x104: {  	_ =	swait.ge [sflag:s17], $0x2000  }
0x105: {  	[sflag:s17] =	ssyncset.done $0x0  }
0x106: {  	s14 =	sadd.s32 $0x300, s21;
	[sflag:s17] =	ssyncadd.s32 $0xFFFFE000  }
0x107: {  	[tilespmem:s22], [sflag:$0x3] =	stream.indirect.gather [hbm4b:s4+s19], $0x40, s14, s19, $0xb8;
	[tilespmem:$0x17000] =	vst v63  }
0x108: {  	_ =	swait.ge [sflag:s29], $0x2000  }
0x109: {  	[sflag:s29] =	ssyncset.done $0x0  }
.Ltmp3:
0x10a: {  	s14 =	sadd.s32 $0x2980, s21;
	[sflag:s29] =	ssyncadd.s32 $0xFFFFE000;
	(pc) =	sbr.rel @p0 .LBB2_8-.Ltmp3, $4  }
0x10b: {  	[spmem:s2] =	stream.indirect.scatter.add.f32 [tilespmem:s24], [sflag:$0x5], $0x40, s14, s19, $0xb8;
	[tilespmem:$0x17000] =	vst v63  }
0x10c: {  	_ =	swait.ge [sflag:s17], $0x2000  }
0x10d: {  	[sflag:s17] =	ssyncset.done $0x0  }
0x10e: {  	s21 =	sadd.s32 $0x380, s21;
	[sflag:s17] =	ssyncadd.s32 $0xFFFFE000  }
0x10f: {  	[tilespmem:s24], [sflag:$0x4] =	stream.indirect.gather [hbm4b:s4+s19], $0x40, s21, s19, $0xb8;
	[tilespmem:$0x17000] =	vst v63  }
0x110: {  	_ =	swait.ge [sflag:s25], $0x2000  }
0x111: {  	[sflag:s25] =	ssyncset.done $0x0  }
0x112: {  	[sflag:s25] =	ssyncadd.s32 $0xFFFFE000  }
0x113: {  	[spmem:s2] =	stream.indirect.scatter.add.f32 [tilespmem:s18], [sflag:$0x5], $0x40, s30, s19, $0xb8;
	[tilespmem:$0x17000] =	vst v63  }
0x114: {  	_ =	swait.ge [sflag:s17], $0x2000  }
0x115: {  	[sflag:s17] =	ssyncset.done $0x0  }
0x116: {  	[sflag:s17] =	ssyncadd.s32 $0xFFFFE000  }
0x117: {  	_ =	swait.ge [sflag:s26], $0x2000  }
0x118: {  	[sflag:s26] =	ssyncset.done $0x0  }
0x119: {  	[sflag:s26] =	ssyncadd.s32 $0xFFFFE000  }
0x11a: {  	[spmem:s2] =	stream.indirect.scatter.add.f32 [tilespmem:s20], [sflag:$0x5], $0x40, s31, s19, $0xb8;
	[tilespmem:$0x17000] =	vst v63  }
0x11b: {  	_ =	swait.ge [sflag:s17], $0x2000  }
0x11c: {  	[sflag:s17] =	ssyncset.done $0x0  }
0x11d: {  	[sflag:s17] =	ssyncadd.s32 $0xFFFFE000  }
0x11e: {  	_ =	swait.ge [sflag:s28], $0x2000  }
0x11f: {  	[sflag:s28] =	ssyncset.done $0x0  }
0x120: {  	[sflag:s28] =	ssyncadd.s32 $0xFFFFE000  }
0x121: {  	[spmem:s2] =	stream.indirect.scatter.add.f32 [tilespmem:s22], [sflag:$0x5], $0x40, s1, s19, $0xb8;
	[tilespmem:$0x17000] =	vst v63  }
0x122: {  	_ =	swait.ge [sflag:s17], $0x2000  }
0x123: {  	[sflag:s17] =	ssyncset.done $0x0  }
0x124: {  	[sflag:s17] =	ssyncadd.s32 $0xFFFFE000  }
0x125: {  	_ =	swait.ge [sflag:s29], $0x2000  }
0x126: {  	[sflag:s29] =	ssyncset.done $0x0  }
0x127: {  	[sflag:s29] =	ssyncadd.s32 $0xFFFFE000  }
0x128: {  	[spmem:s2] =	stream.indirect.scatter.add.f32 [tilespmem:s24], [sflag:$0x5], $0x40, s16, s19, $0xb8;
	[tilespmem:$0x17000] =	vst v63  }
0x129: {  	_ =	swait.ge [sflag:s17], $0x2000  }
0x12a: {  	[sflag:s17] =	ssyncset.done $0x0  }
0x12b: {  	s6 =	sadd.s32 $0x1, s6;
	[sflag:s17] =	ssyncadd.s32 $0xFFFFE000  }
0x12c: {  	p0 =	sne.s32 s6, s15;
	[bflag:$0x0] =	sbarrier.arrive $0xFFFF  }
.Ltmp4:
0x12d: {  	s13 =	rddreg [dreg:$0x7];
	(pc) =	sbr.rel @p0 .LBB2_1-.Ltmp4, $4  }
0x12e: {  	[hbm:s13@s0], [sflag:s7] =	dma.strided [spmem:s12@s3], $0x1400, s25, $0x8   }
0x12f: {  	_ =	swait.ge [sflag:s17], $0x1400  }
0x130: {  	[sflag:s17] =	ssyncset.done $0x0  }
0x131: {  	[sflag:s17] =	ssyncadd.s32 $0xFFFFEC00  }
0x132: {  	_ =	sfence.sel $0x180000  }
0x133: {  	[bflag:$0x0] =	sbarrier.arrive $0xFFFF  }
0x134: {  	_ =	strace $0x9000004A  }
0x135: {  	s0 =	stileid.u32;
	[bflag:$0x2] =	sbarrier.arrive $0xFFFF  }
0x136: {  	p0 =	sne.s32 s0, $0x0;
	s0 =	rddreg [dreg:$0x2]  }
0x137: {  	s0 =	sadd.s32 @!p0 $0x100000, s0  }
0x138: {  	[sflag:s0] =	ssyncadd.tile.s32 @!p0 $0x1;
	_ =	shalt  }
.Lfunc_end2:
_tile_overlayer_lowered:
.L_overlay_start_2:
0x139: {  	(tag) =	ssettag $0x2  }
0x13a: {  	s0 =	rddreg [dreg:$0x0];
	s2 =	stileid.u32  }
0x13b: {  	s1 =	rddreg [dreg:$0x1];
	p0 =	sne.s32 s2, $0x0  }
0x13c: {  	s3 =	rddreg [dreg:$0x2];
	[bflag:$0x3] =	sbarrier.arrive $0xFFFF;
	s2 =	simm.s32 @!p0 $0x1C05  }
0x13d: {  	[timem:s3], [sflag:s2] =	dma.local @!p0 [hbm:s0], s1  }
0x13e: {  	s0 =	simm.s32 @!p0 $0x5  }
0x13f: {  	_ =	swait.ge @!p0 [sflag:s0], s1  }
0x140: {  	s1 =	ssub.s32 @!p0 $0x0, s1;
	[sflag:s0] =	ssyncset.done @!p0 $0x0  }
0x141: {  	[sflag:s0] =	ssyncadd.s32 @!p0 s1  }
0x142: {  	[bflag:$0x3] =	sbarrier.arrive $0xFFFF  }
0x143: {  	_ =	shalt  }

// kernel: kernel.14.cloned.1.call-start
scs
__scs_entry_jumppad:
0x0: {  	(pc) =	sbr.rel $0x88, $3  }
0x1: {  	(tag) =	ssettag $0x0;
	lr =	simm.s32 $0x1  }
0x2: {  	[smem:$0x3F99] =	sst lr;
	_ =	strace $0xD0000000  }
0x3: {  	_ = 	snop  }
0x4: {  	_ = 	snop  }
0x5: {  	_ = 	snop  }
0x6: {  	_ = 	snop  }
0x7: {  	_ = 	snop  }
__scs_overlays_trampoline_lowered:
0x8: {  	[smem:$0x3FA8] =	sst s0  }
0x9: {  	[smem:$0x3FA9] =	sst s1  }
0xa: {  	[smem:$0x3FAA] =	sst s2  }
0xb: {  	[smem:$0x3FAB] =	sst s3  }
0xc: {  	[smem:$0x3FAC] =	sst s4  }
0xd: {  	[smem:$0x3FAD] =	sst s5  }
0xe: {  	[smem:$0x3FAE] =	sst s6  }
0xf: {  	[smem:$0x3FAF] =	sst s7  }
0x10: {  	[smem:$0x3FB0] =	sst s8  }
0x11: {  	[smem:$0x3FB1] =	sst s9;
	s0 =	simm.s32 @!p0 $0x0  }
0x12: {  	s1 =	sld [smem:$0x3F97];
	s0 =	simm.s32 @p0 $0x1  }
0x13: {  	[smem:$0x3FB2] =	sst s0;
	s0 =	simm.s32 @!p1 $0x0  }
0x14: {  	s2 =	sld [smem:$0x3F96];
	s0 =	simm.s32 @p1 $0x1  }
0x15: {  	[smem:$0x3FB3] =	sst s0;
	s0 =	simm.s32 @!p2 $0x0  }
0x16: {  	s3 =	sld [smem:$0x3FDB];
	s0 =	simm.s32 @p2 $0x1  }
0x17: {  	s4 =	simm.s32 $0x1BF5;
	[smem:$0x3FB5] =	sst s0  }
0x18: {  	s0 =	sld [smem:$0x3F98];
	_ =	swait.ge [sflag:s4], $0x0  }
0x19: {  	s7 =	sld [smem:$0x3F99]  }
0x1a: {  	s8 =	sadd.s32 $0xFFFFE003, lr  }
0x1b: {  	s9 =	sadd.s32 $0xFFFFFEF7, lr;
	s5 =	simm.s32 $0xFFFFFFFF;
	p2 =	slt.u32 s8, $0xFFFFF086  }
0x1c: {  	p1 =	slt.u32 s9, $0xF7A;
	s5 =	simm.s32 @!p2 $0x0  }
0x1d: {  	s5 =	simm.s32 @p1 $0x1;
	p0 =	seq.s32 s7, s2  }
0x1e: {  	s7 =	smul.u32 @!p0 $0xF7A, s2;
	p2 =	seq.s32 @!p0 s5, $0x0  }
0x1f: {  	s9 =	smul.u32 $0xF7A, s1;
	s8 =	simm.s32 @!p0 $0x1BF5;
	p2 =	por !p2, p0  }
0x20: {  	[sflag:s8] =	ssyncset.s32 @!p0 $0xFFFFF086;
	s6 =	sadd.s32 @!p0 s3, s7;
	s7 =	simm.s32 @!p0 $0x108  }
0x21: {  	s3 =	sadd.s32 s3, s9;
	s6 =	sadd.s32 @!p0 $0x88, s6;
	s7 =	simm.s32 @p2 $0x1082  }
0x22: {  	[simem:s7], [sflag:s8] =	dma.local @!p0 [hbm:s6], $0xF7A  }
0x23: {  	s9 =	sor.u32 $0xD0000000, s2;
	s6 =	simm.s32 $0x108;
	_ =	swait.ge @!p0 [sflag:s8], $0x0  }
0x24: {  	s3 =	sadd.s32 $0x88, s3;
	s6 =	simm.s32 @!p1 $0x1082;
	[sflag:s4] =	ssyncset.s32 $0xFFFFF086  }
0x25: {  	[simem:s6], [sflag:s4] =	dma.local [hbm:s3], $0xF7A  }
0x26: {  	[smem:$0x3F99] =	sst s1;
	(tag) =	ssettag s2;
	_ =	strace s9  }
0x27: {  	s1 =	sld [smem:$0x3FA9]  }
0x28: {  	s2 =	sld [smem:$0x3FAA]  }
0x29: {  	s4 =	sld [smem:$0x3FAC]  }
0x2a: {  	p0 =	seq.s32 s5, $0x0;
	s5 =	sld [smem:$0x3FAD]  }
0x2b: {  	s6 =	sld [smem:$0x3FAE]  }
0x2c: {  	s7 =	sld [smem:$0x3FAF]  }
0x2d: {  	s3 =	simm.s32 $0x108;
	s8 =	sld [smem:$0x3FB0]  }
0x2e: {  	s3 =	simm.s32 @!p0 $0x1082;
	s9 =	sld [smem:$0x3FB1]  }
0x2f: {  	lr =	sadd.s32 s0, s3;
	s0 =	sld [smem:$0x3FA8]  }
0x30: {  	s3 =	sld [smem:$0x3FAB]  }
0x31: {  	[smem:$0x3FB4] =	sst s10  }
0x32: {  	s10 =	sld [smem:$0x3FB2];
	_ =	sdelay $0x3  }
0x33: {  	p0 =	seq.s32 s10, $0x1;
	s10 =	sld [smem:$0x3FB4];
	_ =	sdelay $0x3  }
0x34: {  	[smem:$0x3FB4] =	sst s10  }
0x35: {  	s10 =	sld [smem:$0x3FB3];
	_ =	sdelay $0x3  }
0x36: {  	p1 =	seq.s32 s10, $0x1;
	s10 =	sld [smem:$0x3FB4];
	_ =	sdelay $0x3  }
0x37: {  	[smem:$0x3FB4] =	sst s10  }
0x38: {  	s10 =	sld [smem:$0x3FB5]  }
0x39: {  	_ = 	snop;
	(pc) =	sbr.ind lr, $3  }
0x3a: {  	_ = 	snop  }
0x3b: {  	_ = 	snop  }
0x3c: {  	p2 =	seq.s32 s10, $0x1;
	s10 =	sld [smem:$0x3FB4]  }
0x3d: {  	_ =	shalt  }
0x3e: {  	_ =	shalt  }
0x3f: {  	_ =	shalt  }
0x40: {  	_ =	shalt  }
0x41: {  	_ =	shalt  }
0x42: {  	_ =	shalt  }
0x43: {  	_ =	shalt  }
0x44: {  	_ =	shalt  }
0x45: {  	_ =	shalt  }
0x46: {  	_ =	shalt  }
0x47: {  	_ =	shalt  }
0x48: {  	_ =	shalt  }
0x49: {  	_ =	shalt  }
0x4a: {  	_ =	shalt  }
0x4b: {  	_ =	shalt  }
0x4c: {  	_ =	shalt  }
0x4d: {  	_ =	shalt  }
0x4e: {  	_ =	shalt  }
0x4f: {  	_ =	shalt  }
0x50: {  	_ =	shalt  }
0x51: {  	_ =	shalt  }
0x52: {  	_ =	shalt  }
0x53: {  	_ =	shalt  }
0x54: {  	_ =	shalt  }
0x55: {  	_ =	shalt  }
0x56: {  	_ =	shalt  }
0x57: {  	_ =	shalt  }
0x58: {  	_ =	shalt  }
0x59: {  	_ =	shalt  }
0x5a: {  	_ =	shalt  }
0x5b: {  	_ =	shalt  }
0x5c: {  	_ =	shalt  }
0x5d: {  	_ =	shalt  }
0x5e: {  	_ =	shalt  }
0x5f: {  	_ =	shalt  }
0x60: {  	_ =	shalt  }
0x61: {  	_ =	shalt  }
0x62: {  	_ =	shalt  }
0x63: {  	_ =	shalt  }
0x64: {  	_ =	shalt  }
0x65: {  	_ =	shalt  }
0x66: {  	_ =	shalt  }
0x67: {  	_ =	shalt  }
0x68: {  	_ =	shalt  }
0x69: {  	_ =	shalt  }
0x6a: {  	_ =	shalt  }
0x6b: {  	_ =	shalt  }
0x6c: {  	_ =	shalt  }
0x6d: {  	_ =	shalt  }
0x6e: {  	_ =	shalt  }
0x6f: {  	_ =	shalt  }
0x70: {  	_ =	shalt  }
0x71: {  	_ =	shalt  }
0x72: {  	_ =	shalt  }
0x73: {  	_ =	shalt  }
0x74: {  	_ =	shalt  }
0x75: {  	_ =	shalt  }
0x76: {  	_ =	shalt  }
0x77: {  	_ =	shalt  }
0x78: {  	_ =	shalt  }
0x79: {  	_ =	shalt  }
0x7a: {  	_ =	shalt  }
0x7b: {  	_ =	shalt  }
0x7c: {  	_ =	shalt  }
0x7d: {  	_ =	shalt  }
0x7e: {  	_ =	shalt  }
0x7f: {  	_ =	shalt  }
0x80: {  	_ =	shalt  }
0x81: {  	_ =	shalt  }
0x82: {  	_ =	shalt  }
0x83: {  	_ =	shalt  }
0x84: {  	_ =	shalt  }
0x85: {  	_ =	shalt  }
0x86: {  	_ =	shalt  }
0x87: {  	_ =	shalt  }
.Lfunc_end0:
.L_simem_size_0:
called_computation.2_lowered:
.L_overlay_start_0:
0x88: {  	s2 =	sld [smem:$0x3FD9]  }
0x89: {  	s3 =	sld [smem:$0x3FFE];
	_ =	sdelay $0x1  }
0x8a: {  	s1 =	srdreg.scid  }
0x8b: {  	s0 =	sand.u32 $0x1, s1  }
0x8c: {  	s16 =	sshll.u32 s0, $0xA;
	s2 =	sadd.s32 s3, s2  }
0x8d: {  	s2 =	sadd.s32 s2, s16  }
0x8e: {  	[smem:$0x3FC0] =	sst s2  }
0x8f: {  	_ = 	snop  }
0x90: {  	(tm) =	ssettm $0x1  }
0x91: {  	s17 =	sld [smem:$0x3FFB];
	_ =	sdelay $0x3  }
0x92: {  	_ =	strace s17  }
0x93: {  	s2 =	sld [smem:$0x3FFC];
	_ =	sdelay $0x3  }
0x94: {  	_ =	strace s2  }
0x95: {  	s2 =	sld [smem:$0x3FFD];
	_ =	sdelay $0x3  }
0x96: {  	_ =	strace s2  }
0x97: {  	_ =	strace $0x8FFFFFFF  }
0x98: {  	s18 =	sld [smem:$0x3FDB];
	_ =	sdelay $0x1  }
0x99: {  	s19 =	simm.s32 $_scs_section_size  }
0x9a: {  	s4 =	simm.s32 $_size__tile_overlayer_lowered;
	s5 =	simm.s32 $_tile_overlayer_lowered  }
0x9b: {  	s22 =	simm.s32 $0x1BFF;
	s21 =	sshll.u32 s5, $0x1;
	s2 =	sadd.s32 s19, s18  }
0x9c: {  	s6 =	simm.s32 $0x0;
	s20 =	sshll.u32 s4, $0x1;
	s4 =	sadd.s32 s21, s2  }
0x9d: {  	[timem:s6], [sflag:s22] =	dma.local [hbm:s4], s20  }
0x9e: {  	_ =	swait.ge [sflag:s22], s20  }
0x9f: {  	s3 =	ssub.s32 $0x0, s20;
	[sflag:s22] =	ssyncset.done $0x0  }
0xa0: {  	[sflag:s22] =	ssyncadd.s32 s3;
	_ =	sdelay $0x1  }
0xa1: {  	s23 =	simm.s32 $0x1B8B  }
0xa2: {  	_ =	swait.ge [sflag:s23], $0x1  }
0xa3: {  	[sflag:s23] =	ssyncset.done $0x0  }
0xa4: {  	s25 =	simm.s32 $0x1B8E;
	s24 =	sld [smem:$0x3FFE];
	[sflag:s23] =	ssyncadd.s32 $0xFFFFFFFF  }
0xa5: {  	s26 =	simm.s32 $execute0_lowered;
	[smem:$0x3FD2] =	sst s25  }
0xa6: {  	s4 =	sshll.u32 s26, $0x1;
	_ =	strace $0x8000004C;
	[dreg:$0x1] =	wrdreg $0xFFFFFFFF  }
0xa7: {  	s28 =	simm.s32 $_size_execute0_lowered;
	s2 =	sadd.s32 s2, s4;
	[dreg:$0x0] =	wrdreg $0x0  }
0xa8: {  	s4 =	sshll.u32 s28, $0x1;
	[dreg:$0x2] =	wrdreg s2  }
0xa9: {  	[dreg:$0x3] =	wrdreg s4  }
0xaa: {  	[dreg:$0x4] =	wrdreg $0xC0  }
0xab: {  	_ =	task [dreg:s6], $0x5FFFF  }
0xac: {  	[dreg:$0x1] =	wrdreg $0xFFFFFFFF  }
0xad: {  	[dreg:$0x0] =	wrdreg $0x60  }
0xae: {  	[dreg:$0x2] =	wrdreg s24  }
0xaf: {  	[dreg:$0x3] =	wrdreg $0xD0000  }
0xb0: {  	[dreg:$0x4] =	wrdreg $0x9  }
0xb1: {  	_ =	task.clear_ibuf [dreg:s6], $0x5FFFF;
	_ =	strace $0x9000004C  }
0xb2: {  	s29 =	simm.s32 $0x9;
	_ =	strace $0x8000004E  }
0xb3: {  	_ =	swait.ge [sflag:s29], $0x1  }
0xb4: {  	[sflag:s29] =	ssyncadd.s32 $0xFFFFFFFF  }
0xb5: {  	_ =	strace $0x9000004E  }
0xb6: {  	_ =	sfence  }
0xb7: {  	s30 =	sld [smem:$0x0];
	_ =	sdelay $0x2  }
0xb8: {  	s31 =	sshll.u32 s1, $0xD;
	s1 =	sshrl.u32 s1, $0x2  }
0xb9: {  	s3 =	sand.u32 $0x4000, s31;
	s1 =	sadd.s32 s1, s30  }
0xba: {  	s0 =	sor.u32 s3, s0;
	s1 =	sshll.u32 s1, $0x11  }
0xbb: {  	s0 =	sor.u32 s1, s0  }
0xbc: {  	s0 =	sadd.s32 $0x8F2B, s0  }
0xbd: {  	[sflag:s0] =	ssyncadd.remote.s32 $0x1  }
0xbe: {  	_ =	sfence.sel $0xFFFF  }
0xbf: {  	[dreg:$0x0] =	wrdreg $0xFFFFFFFF;
	(pc) =	sbr.abs _section_cstart, $3  }
0xc0: {  	[dreg:$0x1] =	wrdreg $0xFFFFFFFF  }
0xc1: {  	_ =	task.clear_ibuf [dreg:s6], $0x2FFFF;
	_ =	strace $0x9FFFFFFF  }
0xc2: {  	(tm) =	ssettm $0x7FFFFFFF  }
0xc3: {  	_ =	shalt  }
tec
execute0_lowered:
.L_overlay_start_1:
0x0: {  	(tag) =	ssettag $0x1  }
0x1: {  	s0 =	srdreg.scid;
	s1 =	rddreg [dreg:$0x0]  }
0x2: {  	s7 =	stileid.u32;
	s2 =	rddreg [dreg:$0x1]  }
0x3: {  	s4 =	simm.s32 $0x0;
	s17 =	simm.s32 $0x5;
	s18 =	simm.s32 $0x5000  }
0x4: {  	s19 =	simm.s32 $0x80;
	s20 =	simm.s32 $0x7000;
	s22 =	simm.s32 $0x9000  }
0x5: {  	s28 =	simm.s32 $0x3;
	s29 =	simm.s32 $0x4;
	s30 =	simm.s32 $0x4E00  }
0x6: {  	s31 =	simm.s32 $0x4E80;
	s16 =	simm.s32 $0x4F80;
	s0 =	sand.u32 $0x1, s0  }
0x7: {  	s3 =	sshll.u32 s7, $0x1;
	[smem:$0x7FF] =	sst s4;
	s6 =	smul.u32 $0x14000, s7  }
0x8: {  	s4 =	sadd.s32 $0x21600, s1;
	s7 =	smul.u32 $0x28000, s7;
	s3 =	sor.u32 s0, s3  }
0x9: {  	s5 =	smul.u32 $0x140000, s0;
	_ =	strace $0x8000004D;
	s0 =	ssub.s32 $0x2, s0  }
0xa: {  	s3 =	smul.u32 $0x2800, s3;
	s23 =	sshrl.u32 s0, $0x1;
	s7 =	sshrl.u32 s7, $0x2  }
0xb: {  	s5 =	sadd.s32 s6, s5;
	s0 =	ssub.s32 s0, s23;
	s23 =	simm.s32 $0x180  }
0xc: {  	s6 =	simm.s32 $0x0;
	s3 =	sshrl.u32 s3, $0x3;
	s5 =	sshrl.u32 s5, $0x3  }
0xd: {  	s15 =	smax.u32 s0, $0x1;
	s0 =	simm.s32 $0x10;
	s3 =	sadd.s32 s3, s1  }
0xe: {  	s1 =	sadd.s32 s5, s1;
	s5 =	sadd.s32 s7, s2;
	s24 =	sadd.s32 $0x17600, s3  }
0xf: {  	s25 =	sadd.s32 $0x3600, s3;
	s8 =	sadd.s32 $0x2000, s5;
	[dreg:$0x3] =	wrdreg s24  }
0x10: {  	s9 =	sadd.s32 $0x4000, s5;
	s26 =	sadd.s32 $0x48800, s1;
	[dreg:$0x4] =	wrdreg s25  }
0x11: {  	s10 =	sadd.s32 $0x6000, s5;
	s3 =	sadd.s32 $0xD600, s3;
	[dreg:$0x5] =	wrdreg s26  }
0x12: {  	s11 =	sadd.s32 $0x8000, s5;
	s1 =	sadd.s32 $0x48808, s1;
	[dreg:$0x6] =	wrdreg s3  }
0x13: {  	[dreg:$0x7] =	wrdreg s1;
	s24 =	simm.s32 $0xB000;
	s25 =	simm.s32 $0x1  }
0x14: {  	v0 =	vimm.f32 $0.0e+00;
	s26 =	simm.s32 $0x2;
	s1 =	simm.s32 $0x4F00;
	s3 =	simm.s32 $0x8  }
.LBB2_1:
0x15: {  	s7 =	simm.s32 $0x0;
	s12 =	rddreg [dreg:$0x3];
	s13 =	simm.s32 $0x2800  }
0x16: {  	[tilespmem:s13], [sflag:$0x5] =	stream.linear.gather [hbm4b:s12+s7], $0x2800, $0x38;
	[tilespmem:$0x17000] =	vst v63  }
0x17: {  	_ =	swait.ge [sflag:s17], $0x2800  }
0x18: {  	[sflag:s17] =	ssyncset.done $0x0  }
0x19: {  	s21 =	rddreg [dreg:$0x4];
	[sflag:s17] =	ssyncadd.s32 $0xFFFFD800  }
0x1a: {  	[tilespmem:s7], [sflag:$0x5] =	stream.linear.gather [hbm4b:s21+s7], $0x2800, $0x38;
	[tilespmem:$0x17000] =	vst v63  }
0x1b: {  	_ =	swait.ge [sflag:s17], $0x2800  }
0x1c: {  	[sflag:s17] =	ssyncset.done $0x0  }
0x1d: {  	s12 =	simm.s32 $0x100;
	s7 =	simm.s32 $0x0;
	[sflag:s17] =	ssyncadd.s32 $0xFFFFD800  }
.LBB2_2:
0x1e: {  	p0 =	sne.s32 s12, $0x7F00;
	[tilespmem:s7+$0x5030] =	vst v0;
	s13 =	smov.u32 s12;
	s12 =	sadd.s32 $0x100, s12  }
.Ltmp0:
0x1f: {  	[tilespmem:s7+$0x5020] =	vst v0;
	(pc) =	sbr.rel @p0 .LBB2_2-.Ltmp0, $3  }
0x20: {  	[tilespmem:s7+$0x5000] =	vst v0  }
0x21: {  	[tilespmem:s7+$0x5010] =	vst v0;
	_ =	sdelay $0x1  }
0x22: {  	s7 =	sshra.s32 s13, $0x2  }
0x23: {  	[tilespmem:s7+$0x5030] =	vst v0  }
0x24: {  	[tilespmem:s7+$0x5020] =	vst v0  }
0x25: {  	[tilespmem:s7+$0x5000] =	vst v0  }
0x26: {  	[tilespmem:s7+$0x5010] =	vst v0  }
0x27: {  	[spmem:s5] =	stream.linear.scatter [tilespmem:s18], [sflag:$0x5], $0x2000, $0x38;
	[tilespmem:$0x17000] =	vst v63  }
0x28: {  	_ =	swait.ge [sflag:s17], $0x2000  }
0x29: {  	[sflag:s17] =	ssyncset.done $0x0  }
0x2a: {  	[sflag:s17] =	ssyncadd.s32 $0xFFFFE000  }
0x2b: {  	[spmem:s8] =	stream.linear.scatter [tilespmem:s18], [sflag:$0x5], $0x2000, $0x38;
	[tilespmem:$0x17000] =	vst v63  }
0x2c: {  	_ =	swait.ge [sflag:s17], $0x2000  }
0x2d: {  	[sflag:s17] =	ssyncset.done $0x0  }
0x2e: {  	[sflag:s17] =	ssyncadd.s32 $0xFFFFE000  }
0x2f: {  	[spmem:s9] =	stream.linear.scatter [tilespmem:s18], [sflag:$0x5], $0x2000, $0x38;
	[tilespmem:$0x17000] =	vst v63  }
0x30: {  	_ =	swait.ge [sflag:s17], $0x2000  }
0x31: {  	[sflag:s17] =	ssyncset.done $0x0  }
0x32: {  	[sflag:s17] =	ssyncadd.s32 $0xFFFFE000  }
0x33: {  	[spmem:s10] =	stream.linear.scatter [tilespmem:s18], [sflag:$0x5], $0x2000, $0x38;
	[tilespmem:$0x17000] =	vst v63  }
0x34: {  	_ =	swait.ge [sflag:s17], $0x2000  }
0x35: {  	[sflag:s17] =	ssyncset.done $0x0  }
0x36: {  	[sflag:s17] =	ssyncadd.s32 $0xFFFFE000  }
0x37: {  	[spmem:s11] =	stream.linear.scatter [tilespmem:s18], [sflag:$0x5], $0x2000, $0x38;
	[tilespmem:$0x17000] =	vst v63  }
0x38: {  	_ =	swait.ge [sflag:s17], $0x2000  }
0x39: {  	[sflag:s17] =	ssyncset.done $0x0  }
0x3a: {  	[sflag:s17] =	ssyncadd.s32 $0xFFFFE000  }
0x3b: {  	s21 =	simm.s32 $0x0;
	[bflag:$0x0] =	sbarrier.arrive $0xFFFF  }
0x3c: {  	[tilespmem:s18], [sflag:$0x1] =	stream.indirect.gather [hbm4b:s4+s19], $0x40, s21, s19, $0xb8;
	[tilespmem:$0x17000] =	vst v63  }
0x3d: {  	_ = 	snop  }
0x3e: {  	[tilespmem:s20], [sflag:$0x2] =	stream.indirect.gather [hbm4b:s4+s19], $0x40, s19, s19, $0xb8;
	[tilespmem:$0x17000] =	vst v63  }
0x3f: {  	s12 =	simm.s32 $0x100  }
0x40: {  	[tilespmem:s22], [sflag:$0x3] =	stream.indirect.gather [hbm4b:s4+s19], $0x40, s12, s19, $0xb8;
	[tilespmem:$0x17000] =	vst v63  }
0x41: {  	_ = 	snop  }
0x42: {  	[tilespmem:s24], [sflag:$0x4] =	stream.indirect.gather [hbm4b:s4+s19], $0x40, s23, s19, $0xb8;
	[tilespmem:$0x17000] =	vst v63  }
0x43: {  	_ =	swait.ge [sflag:s25], $0x2000  }
0x44: {  	[sflag:s25] =	ssyncset.done $0x0  }
0x45: {  	s13 =	simm.s32 $0x2800;
	[sflag:s25] =	ssyncadd.s32 $0xFFFFE000  }
0x46: {  	[spmem:s2] =	stream.indirect.scatter.add.f32 [tilespmem:s18], [sflag:$0x5], $0x40, s13, s19, $0xb8;
	[tilespmem:$0x17000] =	vst v63  }
0x47: {  	_ =	swait.ge [sflag:s17], $0x2000  }
0x48: {  	[sflag:s17] =	ssyncset.done $0x0  }
0x49: {  	s14 =	simm.s32 $0x200;
	[sflag:s17] =	ssyncadd.s32 $0xFFFFE000  }
0x4a: {  	[tilespmem:s18], [sflag:$0x1] =	stream.indirect.gather [hbm4b:s4+s19], $0x40, s14, s19, $0xb8;
	[tilespmem:$0x17000] =	vst v63  }
0x4b: {  	_ =	swait.ge [sflag:s26], $0x2000  }
0x4c: {  	[sflag:s26] =	ssyncset.done $0x0  }
0x4d: {  	s21 =	simm.s32 $0x2880;
	[sflag:s26] =	ssyncadd.s32 $0xFFFFE000  }
0x4e: {  	[spmem:s2] =	stream.indirect.scatter.add.f32 [tilespmem:s20], [sflag:$0x5], $0x40, s21, s19, $0xb8;
	[tilespmem:$0x17000] =	vst v63  }
0x4f: {  	_ =	swait.ge [sflag:s17], $0x2000  }
0x50: {  	[sflag:s17] =	ssyncset.done $0x0  }
0x51: {  	s12 =	simm.s32 $0x280;
	[sflag:s17] =	ssyncadd.s32 $0xFFFFE000  }
0x52: {  	[tilespmem:s20], [sflag:$0x2] =	stream.indirect.gather [hbm4b:s4+s19], $0x40, s12, s19, $0xb8;
	[tilespmem:$0x17000] =	vst v63  }
0x53: {  	_ =	swait.ge [sflag:s28], $0x2000  }
0x54: {  	[sflag:s28] =	ssyncset.done $0x0  }
0x55: {  	s13 =	simm.s32 $0x2900;
	[sflag:s28] =	ssyncadd.s32 $0xFFFFE000  }
0x56: {  	[spmem:s2] =	stream.indirect.scatter.add.f32 [tilespmem:s22], [sflag:$0x5], $0x40, s13, s19, $0xb8;
	[tilespmem:$0x17000] =	vst v63  }
0x57: {  	_ =	swait.ge [sflag:s17], $0x2000  }
0x58: {  	[sflag:s17] =	ssyncset.done $0x0  }
0x59: {  	s14 =	simm.s32 $0x300;
	[sflag:s17] =	ssyncadd.s32 $0xFFFFE000  }
0x5a: {  	[tilespmem:s22], [sflag:$0x3] =	stream.indirect.gather [hbm4b:s4+s19], $0x40, s14, s19, $0xb8;
	[tilespmem:$0x17000] =	vst v63  }
0x5b: {  	_ =	swait.ge [sflag:s29], $0x2000  }
0x5c: {  	[sflag:s29] =	ssyncset.done $0x0  }
0x5d: {  	s21 =	simm.s32 $0x2980;
	[sflag:s29] =	ssyncadd.s32 $0xFFFFE000  }
0x5e: {  	[spmem:s2] =	stream.indirect.scatter.add.f32 [tilespmem:s24], [sflag:$0x5], $0x40, s21, s19, $0xb8;
	[tilespmem:$0x17000] =	vst v63  }
0x5f: {  	_ =	swait.ge [sflag:s17], $0x2000  }
0x60: {  	[sflag:s17] =	ssyncset.done $0x0  }
0x61: {  	s7 =	simm.s32 $0x800;
	s12 =	simm.s32 $0x380;
	[sflag:s17] =	ssyncadd.s32 $0xFFFFE000  }
.LBB2_4:
0x62: {  	[tilespmem:s24], [sflag:$0x4] =	stream.indirect.gather [hbm4b:s4+s19], $0x40, s12, s19, $0xb8;
	[tilespmem:$0x17000] =	vst v63  }
0x63: {  	s12 =	smov.u32 s7  }
0x64: {  	p0 =	sne.s32 s7, $0x9000;
	s7 =	sadd.s32 $0x800, s7;
	_ =	swait.ge [sflag:s25], $0x2000  }
0x65: {  	s12 =	sshra.s32 s12, $0x2;
	[sflag:s25] =	ssyncset.done $0x0  }
0x66: {  	s13 =	sadd.s32 $0x2800, s12;
	[sflag:s25] =	ssyncadd.s32 $0xFFFFE000  }
0x67: {  	[spmem:s2] =	stream.indirect.scatter.add.f32 [tilespmem:s18], [sflag:$0x5], $0x40, s13, s19, $0xb8;
	[tilespmem:$0x17000] =	vst v63  }
0x68: {  	_ =	swait.ge [sflag:s17], $0x2000  }
0x69: {  	[sflag:s17] =	ssyncset.done $0x0  }
0x6a: {  	s13 =	sadd.s32 $0x200, s12;
	[sflag:s17] =	ssyncadd.s32 $0xFFFFE000  }
0x6b: {  	[tilespmem:s18], [sflag:$0x1] =	stream.indirect.gather [hbm4b:s4+s19], $0x40, s13, s19, $0xb8;
	[tilespmem:$0x17000] =	vst v63  }
0x6c: {  	_ =	swait.ge [sflag:s26], $0x2000  }
0x6d: {  	[sflag:s26] =	ssyncset.done $0x0  }
0x6e: {  	s13 =	sadd.s32 $0x2880, s12;
	[sflag:s26] =	ssyncadd.s32 $0xFFFFE000  }
0x6f: {  	[spmem:s2] =	stream.indirect.scatter.add.f32 [tilespmem:s20], [sflag:$0x5], $0x40, s13, s19, $0xb8;
	[tilespmem:$0x17000] =	vst v63  }
0x70: {  	_ =	swait.ge [sflag:s17], $0x2000  }
0x71: {  	[sflag:s17] =	ssyncset.done $0x0  }
0x72: {  	s13 =	sadd.s32 $0x280, s12;
	[sflag:s17] =	ssyncadd.s32 $0xFFFFE000  }
0x73: {  	[tilespmem:s20], [sflag:$0x2] =	stream.indirect.gather [hbm4b:s4+s19], $0x40, s13, s19, $0xb8;
	[tilespmem:$0x17000] =	vst v63  }
0x74: {  	_ =	swait.ge [sflag:s28], $0x2000  }
0x75: {  	[sflag:s28] =	ssyncset.done $0x0  }
0x76: {  	s13 =	sadd.s32 $0x2900, s12;
	[sflag:s28] =	ssyncadd.s32 $0xFFFFE000  }
0x77: {  	[spmem:s2] =	stream.indirect.scatter.add.f32 [tilespmem:s22], [sflag:$0x5], $0x40, s13, s19, $0xb8;
	[tilespmem:$0x17000] =	vst v63  }
0x78: {  	_ =	swait.ge [sflag:s17], $0x2000  }
0x79: {  	[sflag:s17] =	ssyncset.done $0x0  }
0x7a: {  	s13 =	sadd.s32 $0x300, s12;
	[sflag:s17] =	ssyncadd.s32 $0xFFFFE000  }
0x7b: {  	[tilespmem:s22], [sflag:$0x3] =	stream.indirect.gather [hbm4b:s4+s19], $0x40, s13, s19, $0xb8;
	[tilespmem:$0x17000] =	vst v63  }
0x7c: {  	_ =	swait.ge [sflag:s29], $0x2000  }
0x7d: {  	[sflag:s29] =	ssyncset.done $0x0  }
.Ltmp1:
0x7e: {  	s13 =	sadd.s32 $0x2980, s12;
	[sflag:s29] =	ssyncadd.s32 $0xFFFFE000;
	(pc) =	sbr.rel @p0 .LBB2_4-.Ltmp1, $4  }
0x7f: {  	[spmem:s2] =	stream.indirect.scatter.add.f32 [tilespmem:s24], [sflag:$0x5], $0x40, s13, s19, $0xb8;
	[tilespmem:$0x17000] =	vst v63  }
0x80: {  	_ =	swait.ge [sflag:s17], $0x2000  }
0x81: {  	[sflag:s17] =	ssyncset.done $0x0  }
0x82: {  	s12 =	sadd.s32 $0x380, s12;
	[sflag:s17] =	ssyncadd.s32 $0xFFFFE000  }
0x83: {  	[tilespmem:s24], [sflag:$0x4] =	stream.indirect.gather [hbm4b:s4+s19], $0x40, s12, s19, $0xb8;
	[tilespmem:$0x17000] =	vst v63  }
0x84: {  	_ =	swait.ge [sflag:s25], $0x2000  }
0x85: {  	[sflag:s25] =	ssyncset.done $0x0  }
0x86: {  	[sflag:s25] =	ssyncadd.s32 $0xFFFFE000  }
0x87: {  	[spmem:s2] =	stream.indirect.scatter.add.f32 [tilespmem:s18], [sflag:$0x5], $0x40, s30, s19, $0xb8;
	[tilespmem:$0x17000] =	vst v63  }
0x88: {  	_ =	swait.ge [sflag:s17], $0x2000  }
0x89: {  	[sflag:s17] =	ssyncset.done $0x0  }
0x8a: {  	[sflag:s17] =	ssyncadd.s32 $0xFFFFE000  }
0x8b: {  	_ =	swait.ge [sflag:s26], $0x2000  }
0x8c: {  	[sflag:s26] =	ssyncset.done $0x0  }
0x8d: {  	[sflag:s26] =	ssyncadd.s32 $0xFFFFE000  }
0x8e: {  	[spmem:s2] =	stream.indirect.scatter.add.f32 [tilespmem:s20], [sflag:$0x5], $0x40, s31, s19, $0xb8;
	[tilespmem:$0x17000] =	vst v63  }
0x8f: {  	_ =	swait.ge [sflag:s17], $0x2000  }
0x90: {  	[sflag:s17] =	ssyncset.done $0x0  }
0x91: {  	[sflag:s17] =	ssyncadd.s32 $0xFFFFE000  }
0x92: {  	_ =	swait.ge [sflag:s28], $0x2000  }
0x93: {  	[sflag:s28] =	ssyncset.done $0x0  }
0x94: {  	[sflag:s28] =	ssyncadd.s32 $0xFFFFE000  }
0x95: {  	[spmem:s2] =	stream.indirect.scatter.add.f32 [tilespmem:s22], [sflag:$0x5], $0x40, s1, s19, $0xb8;
	[tilespmem:$0x17000] =	vst v63  }
0x96: {  	_ =	swait.ge [sflag:s17], $0x2000  }
0x97: {  	[sflag:s17] =	ssyncset.done $0x0  }
0x98: {  	[sflag:s17] =	ssyncadd.s32 $0xFFFFE000  }
0x99: {  	_ =	swait.ge [sflag:s29], $0x2000  }
0x9a: {  	[sflag:s29] =	ssyncset.done $0x0  }
0x9b: {  	[sflag:s29] =	ssyncadd.s32 $0xFFFFE000  }
0x9c: {  	[spmem:s2] =	stream.indirect.scatter.add.f32 [tilespmem:s24], [sflag:$0x5], $0x40, s16, s19, $0xb8;
	[tilespmem:$0x17000] =	vst v63  }
0x9d: {  	_ =	swait.ge [sflag:s17], $0x2000  }
0x9e: {  	[sflag:s17] =	ssyncset.done $0x0  }
0x9f: {  	s7 =	stileid.u32;
	[sflag:s17] =	ssyncadd.s32 $0xFFFFE000  }
0xa0: {  	s7 =	sshll.u32 s7, $0x6;
	[bflag:$0x0] =	sbarrier.arrive $0xFFFF  }
0xa1: {  	s12 =	sshrl.u32 s5, $0x3;
	s7 =	sor.u32 $0x1C05, s7;
	s13 =	rddreg [dreg:$0x5]  }
0xa2: {  	[hbm:s13@s0], [sflag:s7] =	dma.strided [spmem:s12@s3], $0x1400, s25, $0x8   }
0xa3: {  	_ =	swait.ge [sflag:s17], $0x1400  }
0xa4: {  	[sflag:s17] =	ssyncset.done $0x0  }
0xa5: {  	s21 =	simm.s32 $0x0;
	s14 =	rddreg [dreg:$0x6];
	[sflag:s17] =	ssyncadd.s32 $0xFFFFEC00  }
0xa6: {  	[tilespmem:s21], [sflag:$0x5] =	stream.linear.gather [hbm4b:s14+s21], $0x2800, $0x38;
	[tilespmem:$0x17000] =	vst v63  }
0xa7: {  	_ =	swait.ge [sflag:s17], $0x2800  }
0xa8: {  	[sflag:s17] =	ssyncset.done $0x0  }
0xa9: {  	s13 =	simm.s32 $0x0;
	s21 =	simm.s32 $0x100;
	[sflag:s17] =	ssyncadd.s32 $0xFFFFD800  }
.LBB2_6:
0xaa: {  	p0 =	sne.s32 s21, $0x7F00;
	[tilespmem:s13+$0x5030] =	vst v0;
	s14 =	smov.u32 s21;
	s21 =	sadd.s32 $0x100, s21  }
.Ltmp2:
0xab: {  	[tilespmem:s13+$0x5020] =	vst v0;
	(pc) =	sbr.rel @p0 .LBB2_6-.Ltmp2, $3  }
0xac: {  	[tilespmem:s13+$0x5000] =	vst v0  }
0xad: {  	[tilespmem:s13+$0x5010] =	vst v0;
	_ =	sdelay $0x1  }
0xae: {  	s13 =	sshra.s32 s14, $0x2  }
0xaf: {  	[tilespmem:s13+$0x5030] =	vst v0  }
0xb0: {  	[tilespmem:s13+$0x5020] =	vst v0  }
0xb1: {  	[tilespmem:s13+$0x5000] =	vst v0  }
0xb2: {  	[tilespmem:s13+$0x5010] =	vst v0  }
0xb3: {  	[spmem:s5] =	stream.linear.scatter [tilespmem:s18], [sflag:$0x5], $0x2000, $0x38;
	[tilespmem:$0x17000] =	vst v63  }
0xb4: {  	_ =	swait.ge [sflag:s17], $0x2000  }
0xb5: {  	[sflag:s17] =	ssyncset.done $0x0  }
0xb6: {  	[sflag:s17] =	ssyncadd.s32 $0xFFFFE000  }
0xb7: {  	[spmem:s8] =	stream.linear.scatter [tilespmem:s18], [sflag:$0x5], $0x2000, $0x38;
	[tilespmem:$0x17000] =	vst v63  }
0xb8: {  	_ =	swait.ge [sflag:s17], $0x2000  }
0xb9: {  	[sflag:s17] =	ssyncset.done $0x0  }
0xba: {  	[sflag:s17] =	ssyncadd.s32 $0xFFFFE000  }
0xbb: {  	[spmem:s9] =	stream.linear.scatter [tilespmem:s18], [sflag:$0x5], $0x2000, $0x38;
	[tilespmem:$0x17000] =	vst v63  }
0xbc: {  	_ =	swait.ge [sflag:s17], $0x2000  }
0xbd: {  	[sflag:s17] =	ssyncset.done $0x0  }
0xbe: {  	[sflag:s17] =	ssyncadd.s32 $0xFFFFE000  }
0xbf: {  	[spmem:s10] =	stream.linear.scatter [tilespmem:s18], [sflag:$0x5], $0x2000, $0x38;
	[tilespmem:$0x17000] =	vst v63  }
0xc0: {  	_ =	swait.ge [sflag:s17], $0x2000  }
0xc1: {  	[sflag:s17] =	ssyncset.done $0x0  }
0xc2: {  	[sflag:s17] =	ssyncadd.s32 $0xFFFFE000  }
0xc3: {  	[spmem:s11] =	stream.linear.scatter [tilespmem:s18], [sflag:$0x5], $0x2000, $0x38;
	[tilespmem:$0x17000] =	vst v63  }
0xc4: {  	_ =	swait.ge [sflag:s17], $0x2000  }
0xc5: {  	[sflag:s17] =	ssyncset.done $0x0  }
0xc6: {  	[sflag:s17] =	ssyncadd.s32 $0xFFFFE000  }
0xc7: {  	s21 =	simm.s32 $0x0;
	[bflag:$0x0] =	sbarrier.arrive $0xFFFF  }
0xc8: {  	[tilespmem:s18], [sflag:$0x1] =	stream.indirect.gather [hbm4b:s4+s19], $0x40, s21, s19, $0xb8;
	[tilespmem:$0x17000] =	vst v63  }
0xc9: {  	_ = 	snop  }
0xca: {  	[tilespmem:s20], [sflag:$0x2] =	stream.indirect.gather [hbm4b:s4+s19], $0x40, s19, s19, $0xb8;
	[tilespmem:$0x17000] =	vst v63  }
0xcb: {  	s14 =	simm.s32 $0x100  }
0xcc: {  	[tilespmem:s22], [sflag:$0x3] =	stream.indirect.gather [hbm4b:s4+s19], $0x40, s14, s19, $0xb8;
	[tilespmem:$0x17000] =	vst v63  }
0xcd: {  	_ = 	snop  }
0xce: {  	[tilespmem:s24], [sflag:$0x4] =	stream.indirect.gather [hbm4b:s4+s19], $0x40, s23, s19, $0xb8;
	[tilespmem:$0x17000] =	vst v63  }
0xcf: {  	_ =	swait.ge [sflag:s25], $0x2000  }
0xd0: {  	[sflag:s25] =	ssyncset.done $0x0  }
0xd1: {  	s21 =	simm.s32 $0x2800;
	[sflag:s25] =	ssyncadd.s32 $0xFFFFE000  }
0xd2: {  	[spmem:s2] =	stream.indirect.scatter.add.f32 [tilespmem:s18], [sflag:$0x5], $0x40, s21, s19, $0xb8;
	[tilespmem:$0x17000] =	vst v63  }
0xd3: {  	_ =	swait.ge [sflag:s17], $0x2000  }
0xd4: {  	[sflag:s17] =	ssyncset.done $0x0  }
0xd5: {  	s14 =	simm.s32 $0x200;
	[sflag:s17] =	ssyncadd.s32 $0xFFFFE000  }
0xd6: {  	[tilespmem:s18], [sflag:$0x1] =	stream.indirect.gather [hbm4b:s4+s19], $0x40, s14, s19, $0xb8;
	[tilespmem:$0x17000] =	vst v63  }
0xd7: {  	_ =	swait.ge [sflag:s26], $0x2000  }
0xd8: {  	[sflag:s26] =	ssyncset.done $0x0  }
0xd9: {  	s21 =	simm.s32 $0x2880;
	[sflag:s26] =	ssyncadd.s32 $0xFFFFE000  }
0xda: {  	[spmem:s2] =	stream.indirect.scatter.add.f32 [tilespmem:s20], [sflag:$0x5], $0x40, s21, s19, $0xb8;
	[tilespmem:$0x17000] =	vst v63  }
0xdb: {  	_ =	swait.ge [sflag:s17], $0x2000  }
0xdc: {  	[sflag:s17] =	ssyncset.done $0x0  }
0xdd: {  	s14 =	simm.s32 $0x280;
	[sflag:s17] =	ssyncadd.s32 $0xFFFFE000  }
0xde: {  	[tilespmem:s20], [sflag:$0x2] =	stream.indirect.gather [hbm4b:s4+s19], $0x40, s14, s19, $0xb8;
	[tilespmem:$0x17000] =	vst v63  }
0xdf: {  	_ =	swait.ge [sflag:s28], $0x2000  }
0xe0: {  	[sflag:s28] =	ssyncset.done $0x0  }
0xe1: {  	s21 =	simm.s32 $0x2900;
	[sflag:s28] =	ssyncadd.s32 $0xFFFFE000  }
0xe2: {  	[spmem:s2] =	stream.indirect.scatter.add.f32 [tilespmem:s22], [sflag:$0x5], $0x40, s21, s19, $0xb8;
	[tilespmem:$0x17000] =	vst v63  }
0xe3: {  	_ =	swait.ge [sflag:s17], $0x2000  }
0xe4: {  	[sflag:s17] =	ssyncset.done $0x0  }
0xe5: {  	s14 =	simm.s32 $0x300;
	[sflag:s17] =	ssyncadd.s32 $0xFFFFE000  }
0xe6: {  	[tilespmem:s22], [sflag:$0x3] =	stream.indirect.gather [hbm4b:s4+s19], $0x40, s14, s19, $0xb8;
	[tilespmem:$0x17000] =	vst v63  }
0xe7: {  	_ =	swait.ge [sflag:s29], $0x2000  }
0xe8: {  	[sflag:s29] =	ssyncset.done $0x0  }
0xe9: {  	s21 =	simm.s32 $0x2980;
	[sflag:s29] =	ssyncadd.s32 $0xFFFFE000  }
0xea: {  	[spmem:s2] =	stream.indirect.scatter.add.f32 [tilespmem:s24], [sflag:$0x5], $0x40, s21, s19, $0xb8;
	[tilespmem:$0x17000] =	vst v63  }
0xeb: {  	_ =	swait.ge [sflag:s17], $0x2000  }
0xec: {  	[sflag:s17] =	ssyncset.done $0x0  }
0xed: {  	s13 =	simm.s32 $0x800;
	s21 =	simm.s32 $0x380;
	[sflag:s17] =	ssyncadd.s32 $0xFFFFE000  }
.LBB2_8:
0xee: {  	[tilespmem:s24], [sflag:$0x4] =	stream.indirect.gather [hbm4b:s4+s19], $0x40, s21, s19, $0xb8;
	[tilespmem:$0x17000] =	vst v63  }
0xef: {  	s14 =	smov.u32 s13  }
0xf0: {  	p0 =	sne.s32 s13, $0x9000;
	s13 =	sadd.s32 $0x800, s13;
	_ =	swait.ge [sflag:s25], $0x2000  }
0xf1: {  	s21 =	sshra.s32 s14, $0x2;
	[sflag:s25] =	ssyncset.done $0x0  }
0xf2: {  	s14 =	sadd.s32 $0x2800, s21;
	[sflag:s25] =	ssyncadd.s32 $0xFFFFE000  }
0xf3: {  	[spmem:s2] =	stream.indirect.scatter.add.f32 [tilespmem:s18], [sflag:$0x5], $0x40, s14, s19, $0xb8;
	[tilespmem:$0x17000] =	vst v63  }
0xf4: {  	_ =	swait.ge [sflag:s17], $0x2000  }
0xf5: {  	[sflag:s17] =	ssyncset.done $0x0  }
0xf6: {  	s14 =	sadd.s32 $0x200, s21;
	[sflag:s17] =	ssyncadd.s32 $0xFFFFE000  }
0xf7: {  	[tilespmem:s18], [sflag:$0x1] =	stream.indirect.gather [hbm4b:s4+s19], $0x40, s14, s19, $0xb8;
	[tilespmem:$0x17000] =	vst v63  }
0xf8: {  	_ =	swait.ge [sflag:s26], $0x2000  }
0xf9: {  	[sflag:s26] =	ssyncset.done $0x0  }
0xfa: {  	s14 =	sadd.s32 $0x2880, s21;
	[sflag:s26] =	ssyncadd.s32 $0xFFFFE000  }
0xfb: {  	[spmem:s2] =	stream.indirect.scatter.add.f32 [tilespmem:s20], [sflag:$0x5], $0x40, s14, s19, $0xb8;
	[tilespmem:$0x17000] =	vst v63  }
0xfc: {  	_ =	swait.ge [sflag:s17], $0x2000  }
0xfd: {  	[sflag:s17] =	ssyncset.done $0x0  }
0xfe: {  	s14 =	sadd.s32 $0x280, s21;
	[sflag:s17] =	ssyncadd.s32 $0xFFFFE000  }
0xff: {  	[tilespmem:s20], [sflag:$0x2] =	stream.indirect.gather [hbm4b:s4+s19], $0x40, s14, s19, $0xb8;
	[tilespmem:$0x17000] =	vst v63  }
0x100: {  	_ =	swait.ge [sflag:s28], $0x2000  }
0x101: {  	[sflag:s28] =	ssyncset.done $0x0  }
0x102: {  	s14 =	sadd.s32 $0x2900, s21;
	[sflag:s28] =	ssyncadd.s32 $0xFFFFE000  }
0x103: {  	[spmem:s2] =	stream.indirect.scatter.add.f32 [tilespmem:s22], [sflag:$0x5], $0x40, s14, s19, $0xb8;
	[tilespmem:$0x17000] =	vst v63  }
0x104: {  	_ =	swait.ge [sflag:s17], $0x2000  }
0x105: {  	[sflag:s17] =	ssyncset.done $0x0  }
0x106: {  	s14 =	sadd.s32 $0x300, s21;
	[sflag:s17] =	ssyncadd.s32 $0xFFFFE000  }
0x107: {  	[tilespmem:s22], [sflag:$0x3] =	stream.indirect.gather [hbm4b:s4+s19], $0x40, s14, s19, $0xb8;
	[tilespmem:$0x17000] =	vst v63  }
0x108: {  	_ =	swait.ge [sflag:s29], $0x2000  }
0x109: {  	[sflag:s29] =	ssyncset.done $0x0  }
.Ltmp3:
0x10a: {  	s14 =	sadd.s32 $0x2980, s21;
	[sflag:s29] =	ssyncadd.s32 $0xFFFFE000;
	(pc) =	sbr.rel @p0 .LBB2_8-.Ltmp3, $4  }
0x10b: {  	[spmem:s2] =	stream.indirect.scatter.add.f32 [tilespmem:s24], [sflag:$0x5], $0x40, s14, s19, $0xb8;
	[tilespmem:$0x17000] =	vst v63  }
0x10c: {  	_ =	swait.ge [sflag:s17], $0x2000  }
0x10d: {  	[sflag:s17] =	ssyncset.done $0x0  }
0x10e: {  	s21 =	sadd.s32 $0x380, s21;
	[sflag:s17] =	ssyncadd.s32 $0xFFFFE000  }
0x10f: {  	[tilespmem:s24], [sflag:$0x4] =	stream.indirect.gather [hbm4b:s4+s19], $0x40, s21, s19, $0xb8;
	[tilespmem:$0x17000] =	vst v63  }
0x110: {  	_ =	swait.ge [sflag:s25], $0x2000  }
0x111: {  	[sflag:s25] =	ssyncset.done $0x0  }
0x112: {  	[sflag:s25] =	ssyncadd.s32 $0xFFFFE000  }
0x113: {  	[spmem:s2] =	stream.indirect.scatter.add.f32 [tilespmem:s18], [sflag:$0x5], $0x40, s30, s19, $0xb8;
	[tilespmem:$0x17000] =	vst v63  }
0x114: {  	_ =	swait.ge [sflag:s17], $0x2000  }
0x115: {  	[sflag:s17] =	ssyncset.done $0x0  }
0x116: {  	[sflag:s17] =	ssyncadd.s32 $0xFFFFE000  }
0x117: {  	_ =	swait.ge [sflag:s26], $0x2000  }
0x118: {  	[sflag:s26] =	ssyncset.done $0x0  }
0x119: {  	[sflag:s26] =	ssyncadd.s32 $0xFFFFE000  }
0x11a: {  	[spmem:s2] =	stream.indirect.scatter.add.f32 [tilespmem:s20], [sflag:$0x5], $0x40, s31, s19, $0xb8;
	[tilespmem:$0x17000] =	vst v63  }
0x11b: {  	_ =	swait.ge [sflag:s17], $0x2000  }
0x11c: {  	[sflag:s17] =	ssyncset.done $0x0  }
0x11d: {  	[sflag:s17] =	ssyncadd.s32 $0xFFFFE000  }
0x11e: {  	_ =	swait.ge [sflag:s28], $0x2000  }
0x11f: {  	[sflag:s28] =	ssyncset.done $0x0  }
0x120: {  	[sflag:s28] =	ssyncadd.s32 $0xFFFFE000  }
0x121: {  	[spmem:s2] =	stream.indirect.scatter.add.f32 [tilespmem:s22], [sflag:$0x5], $0x40, s1, s19, $0xb8;
	[tilespmem:$0x17000] =	vst v63  }
0x122: {  	_ =	swait.ge [sflag:s17], $0x2000  }
0x123: {  	[sflag:s17] =	ssyncset.done $0x0  }
0x124: {  	[sflag:s17] =	ssyncadd.s32 $0xFFFFE000  }
0x125: {  	_ =	swait.ge [sflag:s29], $0x2000  }
0x126: {  	[sflag:s29] =	ssyncset.done $0x0  }
0x127: {  	[sflag:s29] =	ssyncadd.s32 $0xFFFFE000  }
0x128: {  	[spmem:s2] =	stream.indirect.scatter.add.f32 [tilespmem:s24], [sflag:$0x5], $0x40, s16, s19, $0xb8;
	[tilespmem:$0x17000] =	vst v63  }
0x129: {  	_ =	swait.ge [sflag:s17], $0x2000  }
0x12a: {  	[sflag:s17] =	ssyncset.done $0x0  }
0x12b: {  	s6 =	sadd.s32 $0x1, s6;
	[sflag:s17] =	ssyncadd.s32 $0xFFFFE000  }
0x12c: {  	p0 =	sne.s32 s6, s15;
	[bflag:$0x0] =	sbarrier.arrive $0xFFFF  }
.Ltmp4:
0x12d: {  	s13 =	rddreg [dreg:$0x7];
	(pc) =	sbr.rel @p0 .LBB2_1-.Ltmp4, $4  }
0x12e: {  	[hbm:s13@s0], [sflag:s7] =	dma.strided [spmem:s12@s3], $0x1400, s25, $0x8   }
0x12f: {  	_ =	swait.ge [sflag:s17], $0x1400  }
0x130: {  	[sflag:s17] =	ssyncset.done $0x0  }
0x131: {  	[sflag:s17] =	ssyncadd.s32 $0xFFFFEC00  }
0x132: {  	_ =	sfence.sel $0x180000  }
0x133: {  	[bflag:$0x0] =	sbarrier.arrive $0xFFFF  }
0x134: {  	_ =	strace $0x9000004D  }
0x135: {  	s0 =	stileid.u32;
	[bflag:$0x2] =	sbarrier.arrive $0xFFFF  }
0x136: {  	p0 =	sne.s32 s0, $0x0;
	s0 =	rddreg [dreg:$0x2]  }
0x137: {  	s0 =	sadd.s32 @!p0 $0x100000, s0  }
0x138: {  	[sflag:s0] =	ssyncadd.tile.s32 @!p0 $0x1;
	_ =	shalt  }
.Lfunc_end2:
_tile_overlayer_lowered:
.L_overlay_start_2:
0x139: {  	(tag) =	ssettag $0x2  }
0x13a: {  	s0 =	rddreg [dreg:$0x0];
	s2 =	stileid.u32  }
0x13b: {  	s1 =	rddreg [dreg:$0x1];
	p0 =	sne.s32 s2, $0x0  }
0x13c: {  	s3 =	rddreg [dreg:$0x2];
	[bflag:$0x3] =	sbarrier.arrive $0xFFFF;
	s2 =	simm.s32 @!p0 $0x1C05  }
0x13d: {  	[timem:s3], [sflag:s2] =	dma.local @!p0 [hbm:s0], s1  }
0x13e: {  	s0 =	simm.s32 @!p0 $0x5  }
0x13f: {  	_ =	swait.ge @!p0 [sflag:s0], s1  }
0x140: {  	s1 =	ssub.s32 @!p0 $0x0, s1;
	[sflag:s0] =	ssyncset.done @!p0 $0x0  }
0x141: {  	[sflag:s0] =	ssyncadd.s32 @!p0 s1  }
0x142: {  	[bflag:$0x3] =	sbarrier.arrive $0xFFFF  }
0x143: {  	_ =	shalt  }

// kernel: kernel.8.cloned.1.call-start
scs
__scs_entry_jumppad:
0x0: {  	(pc) =	sbr.rel $0x88, $3  }
0x1: {  	(tag) =	ssettag $0x0;
	lr =	simm.s32 $0x1  }
0x2: {  	[smem:$0x3F99] =	sst lr;
	_ =	strace $0xD0000000  }
0x3: {  	_ = 	snop  }
0x4: {  	_ = 	snop  }
0x5: {  	_ = 	snop  }
0x6: {  	_ = 	snop  }
0x7: {  	_ = 	snop  }
__scs_overlays_trampoline_lowered:
0x8: {  	[smem:$0x3FA8] =	sst s0  }
0x9: {  	[smem:$0x3FA9] =	sst s1  }
0xa: {  	[smem:$0x3FAA] =	sst s2  }
0xb: {  	[smem:$0x3FAB] =	sst s3  }
0xc: {  	[smem:$0x3FAC] =	sst s4  }
0xd: {  	[smem:$0x3FAD] =	sst s5  }
0xe: {  	[smem:$0x3FAE] =	sst s6  }
0xf: {  	[smem:$0x3FAF] =	sst s7  }
0x10: {  	[smem:$0x3FB0] =	sst s8  }
0x11: {  	[smem:$0x3FB1] =	sst s9;
	s0 =	simm.s32 @!p0 $0x0  }
0x12: {  	s1 =	sld [smem:$0x3F97];
	s0 =	simm.s32 @p0 $0x1  }
0x13: {  	[smem:$0x3FB2] =	sst s0;
	s0 =	simm.s32 @!p1 $0x0  }
0x14: {  	s2 =	sld [smem:$0x3F96];
	s0 =	simm.s32 @p1 $0x1  }
0x15: {  	[smem:$0x3FB3] =	sst s0;
	s0 =	simm.s32 @!p2 $0x0  }
0x16: {  	s3 =	sld [smem:$0x3FDB];
	s0 =	simm.s32 @p2 $0x1  }
0x17: {  	s4 =	simm.s32 $0x1BF5;
	[smem:$0x3FB5] =	sst s0  }
0x18: {  	s0 =	sld [smem:$0x3F98];
	_ =	swait.ge [sflag:s4], $0x0  }
0x19: {  	s7 =	sld [smem:$0x3F99]  }
0x1a: {  	s8 =	sadd.s32 $0xFFFFE003, lr  }
0x1b: {  	s9 =	sadd.s32 $0xFFFFFEF7, lr;
	s5 =	simm.s32 $0xFFFFFFFF;
	p2 =	slt.u32 s8, $0xFFFFF086  }
0x1c: {  	p1 =	slt.u32 s9, $0xF7A;
	s5 =	simm.s32 @!p2 $0x0  }
0x1d: {  	s5 =	simm.s32 @p1 $0x1;
	p0 =	seq.s32 s7, s2  }
0x1e: {  	s7 =	smul.u32 @!p0 $0xF7A, s2;
	p2 =	seq.s32 @!p0 s5, $0x0  }
0x1f: {  	s9 =	smul.u32 $0xF7A, s1;
	s8 =	simm.s32 @!p0 $0x1BF5;
	p2 =	por !p2, p0  }
0x20: {  	[sflag:s8] =	ssyncset.s32 @!p0 $0xFFFFF086;
	s6 =	sadd.s32 @!p0 s3, s7;
	s7 =	simm.s32 @!p0 $0x108  }
0x21: {  	s3 =	sadd.s32 s3, s9;
	s6 =	sadd.s32 @!p0 $0x88, s6;
	s7 =	simm.s32 @p2 $0x1082  }
0x22: {  	[simem:s7], [sflag:s8] =	dma.local @!p0 [hbm:s6], $0xF7A  }
0x23: {  	s9 =	sor.u32 $0xD0000000, s2;
	s6 =	simm.s32 $0x108;
	_ =	swait.ge @!p0 [sflag:s8], $0x0  }
0x24: {  	s3 =	sadd.s32 $0x88, s3;
	s6 =	simm.s32 @!p1 $0x1082;
	[sflag:s4] =	ssyncset.s32 $0xFFFFF086  }
0x25: {  	[simem:s6], [sflag:s4] =	dma.local [hbm:s3], $0xF7A  }
0x26: {  	[smem:$0x3F99] =	sst s1;
	(tag) =	ssettag s2;
	_ =	strace s9  }
0x27: {  	s1 =	sld [smem:$0x3FA9]  }
0x28: {  	s2 =	sld [smem:$0x3FAA]  }
0x29: {  	s4 =	sld [smem:$0x3FAC]  }
0x2a: {  	p0 =	seq.s32 s5, $0x0;
	s5 =	sld [smem:$0x3FAD]  }
0x2b: {  	s6 =	sld [smem:$0x3FAE]  }
0x2c: {  	s7 =	sld [smem:$0x3FAF]  }
0x2d: {  	s3 =	simm.s32 $0x108;
	s8 =	sld [smem:$0x3FB0]  }
0x2e: {  	s3 =	simm.s32 @!p0 $0x1082;
	s9 =	sld [smem:$0x3FB1]  }
0x2f: {  	lr =	sadd.s32 s0, s3;
	s0 =	sld [smem:$0x3FA8]  }
0x30: {  	s3 =	sld [smem:$0x3FAB]  }
0x31: {  	[smem:$0x3FB4] =	sst s10  }
0x32: {  	s10 =	sld [smem:$0x3FB2];
	_ =	sdelay $0x3  }
0x33: {  	p0 =	seq.s32 s10, $0x1;
	s10 =	sld [smem:$0x3FB4];
	_ =	sdelay $0x3  }
0x34: {  	[smem:$0x3FB4] =	sst s10  }
0x35: {  	s10 =	sld [smem:$0x3FB3];
	_ =	sdelay $0x3  }
0x36: {  	p1 =	seq.s32 s10, $0x1;
	s10 =	sld [smem:$0x3FB4];
	_ =	sdelay $0x3  }
0x37: {  	[smem:$0x3FB4] =	sst s10  }
0x38: {  	s10 =	sld [smem:$0x3FB5]  }
0x39: {  	_ = 	snop;
	(pc) =	sbr.ind lr, $3  }
0x3a: {  	_ = 	snop  }
0x3b: {  	_ = 	snop  }
0x3c: {  	p2 =	seq.s32 s10, $0x1;
	s10 =	sld [smem:$0x3FB4]  }
0x3d: {  	_ =	shalt  }
0x3e: {  	_ =	shalt  }
0x3f: {  	_ =	shalt  }
0x40: {  	_ =	shalt  }
0x41: {  	_ =	shalt  }
0x42: {  	_ =	shalt  }
0x43: {  	_ =	shalt  }
0x44: {  	_ =	shalt  }
0x45: {  	_ =	shalt  }
0x46: {  	_ =	shalt  }
0x47: {  	_ =	shalt  }
0x48: {  	_ =	shalt  }
0x49: {  	_ =	shalt  }
0x4a: {  	_ =	shalt  }
0x4b: {  	_ =	shalt  }
0x4c: {  	_ =	shalt  }
0x4d: {  	_ =	shalt  }
0x4e: {  	_ =	shalt  }
0x4f: {  	_ =	shalt  }
0x50: {  	_ =	shalt  }
0x51: {  	_ =	shalt  }
0x52: {  	_ =	shalt  }
0x53: {  	_ =	shalt  }
0x54: {  	_ =	shalt  }
0x55: {  	_ =	shalt  }
0x56: {  	_ =	shalt  }
0x57: {  	_ =	shalt  }
0x58: {  	_ =	shalt  }
0x59: {  	_ =	shalt  }
0x5a: {  	_ =	shalt  }
0x5b: {  	_ =	shalt  }
0x5c: {  	_ =	shalt  }
0x5d: {  	_ =	shalt  }
0x5e: {  	_ =	shalt  }
0x5f: {  	_ =	shalt  }
0x60: {  	_ =	shalt  }
0x61: {  	_ =	shalt  }
0x62: {  	_ =	shalt  }
0x63: {  	_ =	shalt  }
0x64: {  	_ =	shalt  }
0x65: {  	_ =	shalt  }
0x66: {  	_ =	shalt  }
0x67: {  	_ =	shalt  }
0x68: {  	_ =	shalt  }
0x69: {  	_ =	shalt  }
0x6a: {  	_ =	shalt  }
0x6b: {  	_ =	shalt  }
0x6c: {  	_ =	shalt  }
0x6d: {  	_ =	shalt  }
0x6e: {  	_ =	shalt  }
0x6f: {  	_ =	shalt  }
0x70: {  	_ =	shalt  }
0x71: {  	_ =	shalt  }
0x72: {  	_ =	shalt  }
0x73: {  	_ =	shalt  }
0x74: {  	_ =	shalt  }
0x75: {  	_ =	shalt  }
0x76: {  	_ =	shalt  }
0x77: {  	_ =	shalt  }
0x78: {  	_ =	shalt  }
0x79: {  	_ =	shalt  }
0x7a: {  	_ =	shalt  }
0x7b: {  	_ =	shalt  }
0x7c: {  	_ =	shalt  }
0x7d: {  	_ =	shalt  }
0x7e: {  	_ =	shalt  }
0x7f: {  	_ =	shalt  }
0x80: {  	_ =	shalt  }
0x81: {  	_ =	shalt  }
0x82: {  	_ =	shalt  }
0x83: {  	_ =	shalt  }
0x84: {  	_ =	shalt  }
0x85: {  	_ =	shalt  }
0x86: {  	_ =	shalt  }
0x87: {  	_ =	shalt  }
.Lfunc_end0:
.L_simem_size_0:
called_computation_lowered:
.L_overlay_start_0:
0x88: {  	s2 =	sld [smem:$0x3FD9]  }
0x89: {  	s3 =	sld [smem:$0x3FFE];
	_ =	sdelay $0x1  }
0x8a: {  	s1 =	srdreg.scid  }
0x8b: {  	s0 =	sand.u32 $0x1, s1  }
0x8c: {  	s14 =	sshll.u32 s0, $0xA;
	s2 =	sadd.s32 s3, s2  }
0x8d: {  	s2 =	sadd.s32 s2, s14  }
0x8e: {  	[smem:$0x3FC0] =	sst s2  }
0x8f: {  	_ = 	snop  }
0x90: {  	s2 =	sld [smem:$0x3FD0];
	_ =	sdelay $0x2  }
0x91: {  	s15 =	simm.s32 $0xA;
	s4 =	simm.s32 $0x10  }
0x92: {  	[smem:s4], [sflag:s15] =	dma.local [hbm:s2], $0x1  }
0x93: {  	_ =	swait.eq [sflag:s15], $0x1  }
0x94: {  	[sflag:s15] =	ssyncset.done $0x0  }
0x95: {  	[sflag:s15] =	ssyncadd.s32 $0xFFFFFFFF  }
0x96: {  	s16 =	sld [smem:$0x11];
	(tm) =	ssettm $0x1  }
0x97: {  	s17 =	sld [smem:$0x3FFB];
	_ =	sdelay $0x3  }
0x98: {  	_ =	strace s17  }
0x99: {  	s3 =	sld [smem:$0x3FFC];
	_ =	sdelay $0x3  }
0x9a: {  	_ =	strace s3  }
0x9b: {  	s3 =	sld [smem:$0x3FFD];
	_ =	sdelay $0x3  }
0x9c: {  	_ =	strace s3  }
0x9d: {  	_ =	strace $0x8FFFFFFF  }
0x9e: {  	s18 =	sld [smem:$0x3FDB];
	_ =	sdelay $0x1  }
0x9f: {  	s19 =	simm.s32 $_scs_section_size  }
0xa0: {  	s5 =	simm.s32 $_size__tile_overlayer_lowered;
	s6 =	simm.s32 $_tile_overlayer_lowered  }
0xa1: {  	s22 =	simm.s32 $0x1BFF;
	s21 =	sshll.u32 s6, $0x1;
	s3 =	sadd.s32 s19, s18  }
0xa2: {  	s7 =	simm.s32 $0x0;
	s20 =	sshll.u32 s5, $0x1;
	s5 =	sadd.s32 s21, s3  }
0xa3: {  	[timem:s7], [sflag:s22] =	dma.local [hbm:s5], s20  }
0xa4: {  	_ =	swait.ge [sflag:s22], s20  }
0xa5: {  	s4 =	ssub.s32 $0x0, s20;
	[sflag:s22] =	ssyncset.done $0x0  }
0xa6: {  	[sflag:s22] =	ssyncadd.s32 s4;
	_ =	sdelay $0x1  }
0xa7: {  	s23 =	simm.s32 $0x1B8B  }
0xa8: {  	_ =	swait.ge [sflag:s23], $0x1  }
0xa9: {  	[sflag:s23] =	ssyncset.done $0x0  }
0xaa: {  	s25 =	simm.s32 $0x1B8E;
	s24 =	sld [smem:$0x3FFE];
	[sflag:s23] =	ssyncadd.s32 $0xFFFFFFFF  }
0xab: {  	s26 =	simm.s32 $execute0_lowered;
	[smem:$0x3FD2] =	sst s25  }
0xac: {  	s5 =	sshll.u32 s26, $0x1;
	_ =	strace $0x80000046;
	[dreg:$0x1] =	wrdreg $0xFFFFFFFF  }
0xad: {  	s28 =	simm.s32 $_size_execute0_lowered;
	s3 =	sadd.s32 s3, s5;
	[dreg:$0x0] =	wrdreg $0x0  }
0xae: {  	s5 =	sshll.u32 s28, $0x1;
	[dreg:$0x2] =	wrdreg s3  }
0xaf: {  	[dreg:$0x3] =	wrdreg s5  }
0xb0: {  	[dreg:$0x4] =	wrdreg $0xC0  }
0xb1: {  	_ =	task [dreg:s7], $0x5FFFF  }
0xb2: {  	[dreg:$0x1] =	wrdreg $0xFFFFFFFF  }
0xb3: {  	[dreg:$0x0] =	wrdreg $0x60  }
0xb4: {  	[dreg:$0x2] =	wrdreg s24  }
0xb5: {  	[dreg:$0x3] =	wrdreg s16  }
0xb6: {  	[dreg:$0x4] =	wrdreg $0x29000  }
0xb7: {  	[dreg:$0x5] =	wrdreg $0x9  }
0xb8: {  	_ =	task.clear_ibuf [dreg:s7], $0x6FFFF;
	_ =	strace $0x90000046  }
0xb9: {  	s29 =	simm.s32 $0x9;
	_ =	strace $0x80000048  }
0xba: {  	_ =	swait.ge [sflag:s29], $0x1  }
0xbb: {  	[sflag:s29] =	ssyncadd.s32 $0xFFFFFFFF  }
0xbc: {  	_ =	strace $0x90000048  }
0xbd: {  	_ =	sfence  }
0xbe: {  	s30 =	sld [smem:$0x0];
	_ =	sdelay $0x2  }
0xbf: {  	s31 =	sshll.u32 s1, $0xD;
	s1 =	sshrl.u32 s1, $0x2  }
0xc0: {  	s3 =	sand.u32 $0x4000, s31;
	s1 =	sadd.s32 s1, s30  }
0xc1: {  	s0 =	sor.u32 s3, s0;
	s1 =	sshll.u32 s1, $0x11  }
0xc2: {  	s0 =	sor.u32 s1, s0  }
0xc3: {  	s0 =	sadd.s32 $0x8F2B, s0  }
0xc4: {  	[sflag:s0] =	ssyncadd.remote.s32 $0x1  }
0xc5: {  	_ =	sfence.sel $0xFFFF  }
0xc6: {  	[dreg:$0x0] =	wrdreg $0xFFFFFFFF;
	(pc) =	sbr.abs _section_cstart, $3  }
0xc7: {  	[dreg:$0x1] =	wrdreg $0xFFFFFFFF  }
0xc8: {  	_ =	task.clear_ibuf [dreg:s7], $0x2FFFF;
	_ =	strace $0x9FFFFFFF  }
0xc9: {  	(tm) =	ssettm $0x7FFFFFFF  }
tec
execute0_lowered:
.L_overlay_start_1:
0x0: {  	(tag) =	ssettag $0x1  }
0x1: {  	s4 =	rddreg [dreg:$0x0]  }
0x2: {  	s10 =	rddreg [dreg:$0x1];
	s1 =	srdreg.scid  }
0x3: {  	s0 =	stileid.u32;
	s2 =	rddreg [dreg:$0x2]  }
0x4: {  	s3 =	simm.s32 $0x0;
	s13 =	simm.s32 $0x2800;
	s14 =	simm.s32 $0x80  }
0x5: {  	s15 =	simm.s32 $0x2880;
	s18 =	simm.s32 $0x0;
	s5 =	sand.u32 $0x1, s1  }
0x6: {  	s6 =	sshll.u32 s0, $0x1;
	s1 =	rddreg [dreg:$0x3];
	s7 =	smul.u32 $0x280, s0  }
0x7: {  	[smem:$0x7FF] =	sst s3;
	s9 =	smul.u32 $0xA00, s0;
	s16 =	sshll.u32 s0, $0x6  }
0x8: {  	s6 =	sor.u32 s5, s6;
	_ =	strace $0x80000047;
	s29 =	smul.u32 $0x2800, s5  }
0x9: {  	s8 =	ssub.s32 $0x2, s5;
	s16 =	sor.u32 $0x1C01, s16;
	s6 =	smul.u32 $0x2800, s6  }
0xa: {  	s11 =	sshrl.u32 s8, $0x1;
	s30 =	sshrl.u32 s9, $0x2;
	s5 =	sadd.s32 s7, s2  }
0xb: {  	s11 =	ssub.s32 s8, s11;
	s9 =	sadd.s32 s30, s2;
	s31 =	sadd.s32 s7, s29  }
0xc: {  	s17 =	sshrl.u32 s5, $0x3;
	s6 =	sshrl.u32 s6, $0x3;
	s7 =	sadd.s32 $0x100, s9  }
0xd: {  	s12 =	sshrl.u32 s31, $0x3;
	s8 =	sadd.s32 $0x180, s9;
	s11 =	smax.u32 s11, $0x1  }
0xe: {  	s4 =	sadd.s32 s4, s6;
	s6 =	sadd.s32 $0x80, s9;
	s9 =	sadd.s32 $0x200, s9  }
0xf: {  	v0 =	vimm.f32 $0.0e+00;
	v1 =	vimm.f32 $1.000000000e+00;
	s10 =	sadd.s32 s10, s12;
	s12 =	simm.s32 $0x1;
	s4 =	sadd.s32 $0x17600, s4  }
.LBB2_1:
0x10: {  	[tilespmem:s3], [sflag:$0x1] =	stream.linear.gather [hbm4b:s4+s3], $0x2800, $0x38;
	[tilespmem:$0x2B80] =	vst v63  }
0x11: {  	_ =	swait.ge [sflag:s12], $0x2800  }
0x12: {  	[sflag:s12] =	ssyncset.done $0x0  }
0x13: {  	[sflag:s12] =	ssyncadd.s32 $0xFFFFD800  }
0x14: {  	[tilespmem:$0x2800] =	vst v0  }
0x15: {  	[tilespmem:$0x2880] =	vst v1  }
0x16: {  	[tilespmem:$0x2810] =	vst v0  }
0x17: {  	[tilespmem:$0x2890] =	vst v1  }
0x18: {  	[tilespmem:$0x2820] =	vst v0  }
0x19: {  	[tilespmem:$0x28A0] =	vst v1  }
0x1a: {  	[tilespmem:$0x2830] =	vst v0  }
0x1b: {  	[tilespmem:$0x28B0] =	vst v1  }
0x1c: {  	[tilespmem:$0x2840] =	vst v0  }
0x1d: {  	[tilespmem:$0x28C0] =	vst v1  }
0x1e: {  	[tilespmem:$0x2850] =	vst v0  }
0x1f: {  	[tilespmem:$0x28D0] =	vst v1  }
0x20: {  	[tilespmem:$0x2860] =	vst v0  }
0x21: {  	[tilespmem:$0x28E0] =	vst v1  }
0x22: {  	[tilespmem:$0x2870] =	vst v0  }
0x23: {  	[tilespmem:$0x28F0] =	vst v1  }
0x24: {  	[spmem:s5] =	stream.linear.scatter [tilespmem:s13], [sflag:$0x1], $0x80, $0x38;
	[tilespmem:$0x2B80] =	vst v63  }
0x25: {  	_ =	swait.ge [sflag:s12], $0x80  }
0x26: {  	[sflag:s12] =	ssyncset.done $0x0  }
0x27: {  	[sflag:s12] =	ssyncadd.s32 $0xFFFFFF80  }
0x28: {  	[spmem:s6] =	stream.linear.scatter [tilespmem:s13], [sflag:$0x1], $0x80, $0x38;
	[tilespmem:$0x2B80] =	vst v63  }
0x29: {  	_ =	swait.ge [sflag:s12], $0x80  }
0x2a: {  	[sflag:s12] =	ssyncset.done $0x0  }
0x2b: {  	[sflag:s12] =	ssyncadd.s32 $0xFFFFFF80  }
0x2c: {  	[spmem:s7] =	stream.linear.scatter [tilespmem:s13], [sflag:$0x1], $0x80, $0x38;
	[tilespmem:$0x2B80] =	vst v63  }
0x2d: {  	_ =	swait.ge [sflag:s12], $0x80  }
0x2e: {  	[sflag:s12] =	ssyncset.done $0x0  }
0x2f: {  	[sflag:s12] =	ssyncadd.s32 $0xFFFFFF80  }
0x30: {  	[spmem:s8] =	stream.linear.scatter [tilespmem:s13], [sflag:$0x1], $0x80, $0x38;
	[tilespmem:$0x2B80] =	vst v63  }
0x31: {  	_ =	swait.ge [sflag:s12], $0x80  }
0x32: {  	[sflag:s12] =	ssyncset.done $0x0  }
0x33: {  	[sflag:s12] =	ssyncadd.s32 $0xFFFFFF80  }
0x34: {  	[spmem:s9] =	stream.linear.scatter [tilespmem:s13], [sflag:$0x1], $0x80, $0x38;
	[tilespmem:$0x2B80] =	vst v63  }
0x35: {  	_ =	swait.ge [sflag:s12], $0x80  }
0x36: {  	[sflag:s12] =	ssyncset.done $0x0  }
0x37: {  	[sflag:s12] =	ssyncadd.s32 $0xFFFFFF80  }
0x38: {  	s19 =	simm.s32 $0x0;
	[bflag:$0x0] =	sbarrier.arrive $0xFFFF  }
0x39: {  	[spmem:s2] =	stream.indirect.scatter.add.f32 [tilespmem:s15], [sflag:$0x1], $0x1, s19, s14, $0xb8;
	[tilespmem:$0x2B80] =	vst v63  }
0x3a: {  	_ =	swait.ge [sflag:s12], $0x80  }
0x3b: {  	s19 =	simm.s32 $0x200;
	[sflag:s12] =	ssyncset.done $0x0  }
.LBB2_2:
0x3c: {  	s20 =	sshra.s32 s19, $0x2;
	[sflag:s12] =	ssyncadd.s32 $0xFFFFFF80;
	p0 =	sne.s32 s19, $0x9E00  }
0x3d: {  	[spmem:s2] =	stream.indirect.scatter.add.f32 [tilespmem:s15], [sflag:$0x1], $0x1, s20, s14, $0xb8;
	[tilespmem:$0x2B80] =	vst v63  }
.Ltmp0:
0x3e: {  	_ = 	snop;
	(pc) =	sbr.rel @p0 .LBB2_2-.Ltmp0, $4  }
0x3f: {  	_ = 	snop  }
0x40: {  	s19 =	sadd.s32 $0x200, s19  }
0x41: {  	_ =	swait.ge [sflag:s12], $0x80  }
0x42: {  	[sflag:s12] =	ssyncset.done $0x0  }
0x43: {  	s18 =	sadd.s32 $0x1, s18  }
0x44: {  	[sflag:s12] =	ssyncadd.s32 $0xFFFFFF80;
	p0 =	sne.s32 s18, s11  }
.Ltmp1:
0x45: {  	[bflag:$0x0] =	sbarrier.arrive $0xFFFF;
	(pc) =	sbr.rel @p0 .LBB2_1-.Ltmp1, $4  }
0x46: {  	[hbm:s10], [sflag:s16] =	dma.local [spmem:s17], $0x50  }
0x47: {  	_ =	swait.ge [sflag:s12], $0x50  }
0x48: {  	[sflag:s12] =	ssyncset.done $0x0  }
0x49: {  	[sflag:s12] =	ssyncadd.s32 $0xFFFFFFB0  }
0x4a: {  	_ =	sfence.sel $0x180000  }
0x4b: {  	[bflag:$0x0] =	sbarrier.arrive $0xFFFF  }
0x4c: {  	p0 =	sne.s32 s0, $0x0;
	_ =	strace $0x90000047  }
0x4d: {  	s0 =	sadd.s32 @!p0 $0x100000, s1;
	[bflag:$0x2] =	sbarrier.arrive $0xFFFF  }
0x4e: {  	[sflag:s0] =	ssyncadd.tile.s32 @!p0 $0x1;
	_ =	shalt  }
.Lfunc_end2:
_tile_overlayer_lowered:
.L_overlay_start_2:
0x4f: {  	(tag) =	ssettag $0x2  }
0x50: {  	s0 =	rddreg [dreg:$0x0];
	s2 =	stileid.u32  }
0x51: {  	s1 =	rddreg [dreg:$0x1];
	p0 =	sne.s32 s2, $0x0  }
0x52: {  	s3 =	rddreg [dreg:$0x2];
	[bflag:$0x3] =	sbarrier.arrive $0xFFFF;
	s2 =	simm.s32 @!p0 $0x1C01  }
0x53: {  	[timem:s3], [sflag:s2] =	dma.local @!p0 [hbm:s0], s1  }
0x54: {  	s0 =	simm.s32 @!p0 $0x1  }
0x55: {  	_ =	swait.ge @!p0 [sflag:s0], s1  }
0x56: {  	s1 =	ssub.s32 @!p0 $0x0, s1;
	[sflag:s0] =	ssyncset.done @!p0 $0x0  }
0x57: {  	[sflag:s0] =	ssyncadd.s32 @!p0 s1  }
0x58: {  	[bflag:$0x3] =	sbarrier.arrive $0xFFFF  }
0x59: {  	_ =	shalt  }

</sc_bundles>
